<compile_context>
chip_gen: v7x
topology: tpu7x:2x2x1
jax: 0.10.2.dev20260603
libtpu: 0.0.44.dev20260713+nightly
codegen_flags: <defaults>
</compile_context>

<pallas_src>
import functools

import jax
import jax.numpy as jnp
from jax import lax
from jax.experimental import pallas as pl
from jax.experimental.pallas import tpu as pltpu
from jax.experimental.pallas import tpu_sc as plsc

N = 10000
D = 128
E = 320000

NC = 2
NS = 16
NW = NC * NS
CH = 128
CPW = (-(-E // (CH * NW)) + 7) // 8 * 8
E_PAD = CPW * CH * NW
N_CHUNK_ROWS = E_PAD // CH
R_ACC = 10240
RPT = R_ACC // NS
NBUF = 2
SLAB = 16
NSLAB = CPW // SLAB
NGRP_S = SLAB // NBUF
FLP = RPT // CH
ZROWS = 32
ROW_BLK = 2000


def _sc_step_body(with_counts, h_hbm, src_hbm, dst_hbm, p_out, cnt_out,
                  acc, cnt_acc, src_sl, dst_sl, rows, zbuf, zcnt,
                  ones_v, cflush, gsem, ssem, isem):
    c = lax.axis_index("c")
    s = lax.axis_index("s")
    w = c * NS + s

    def _zb(i, _):
        zbuf[i // 8, pl.ds((i % 8) * 16, 16)] = jnp.zeros((16,), jnp.float32)
        return 0
    lax.fori_loop(0, ZROWS * 8, _zb, 0)

    if with_counts:
        def _zc(i, _):
            zcnt[pl.ds(i * 16, 16)] = jnp.zeros((16,), jnp.float32)
            return 0
        lax.fori_loop(0, RPT // 16, _zc, 0)

        def _on(i, _):
            ones_v[pl.ds(i * 16, 16)] = jnp.ones((16,), jnp.float32)
            return 0
        lax.fori_loop(0, CH // 16, _on, 0)

    for i in range(RPT // ZROWS):
        pltpu.async_copy(zbuf, acc.at[pl.ds(s * RPT + i * ZROWS, ZROWS)],
                         ssem[i % NBUF])
    if with_counts:
        pltpu.sync_copy(zcnt, cnt_acc.at[pl.ds(s * RPT, RPT)])

    base_row = w * CPW
    pltpu.sync_copy(src_hbm.at[pl.ds(base_row, SLAB)], src_sl.at[0])
    pltpu.sync_copy(dst_hbm.at[pl.ds(base_row, SLAB)], dst_sl.at[0])

    for b in range(NBUF):
        pltpu.async_copy(h_hbm.at[src_sl.at[0].at[b]], rows[b], gsem[b])

    for i in range(RPT // ZROWS):
        pltpu.make_async_copy(
            zbuf, acc.at[pl.ds(s * RPT + i * ZROWS, ZROWS)],
            ssem[i % NBUF]).wait()

    plsc.subcore_barrier()

    def _slab(k, _):
        par = lax.rem(k, 2)
        nxt = 1 - par

        @pl.when(k < NSLAB - 1)
        def _():
            r0 = base_row + (k + 1) * SLAB
            pltpu.async_copy(src_hbm.at[pl.ds(r0, SLAB)], src_sl.at[nxt],
                             isem[0])
            pltpu.async_copy(dst_hbm.at[pl.ds(r0, SLAB)], dst_sl.at[nxt],
                             isem[1])

        def _grp(g, _):
            for b in range(NBUF):
                r = g * NBUF + b
                pltpu.make_async_copy(
                    h_hbm.at[src_sl.at[par].at[r]], rows[b], gsem[b]).wait()
                pltpu.async_copy(rows[b], acc.at[dst_sl.at[par].at[r]],
                                 ssem[b], add=True)
                if with_counts:
                    pltpu.async_copy(ones_v, cnt_acc.at[dst_sl.at[par].at[r]],
                                     ssem[b], add=True)
            for b in range(NBUF):
                r = g * NBUF + b
                pltpu.make_async_copy(
                    rows[b], acc.at[dst_sl.at[par].at[r]], ssem[b]).wait()
                if with_counts:
                    pltpu.make_async_copy(
                        ones_v, cnt_acc.at[dst_sl.at[par].at[r]],
                        ssem[b]).wait()

            @pl.when(g < NGRP_S - 1)
            def _():
                for b in range(NBUF):
                    pltpu.async_copy(
                        h_hbm.at[src_sl.at[par].at[(g + 1) * NBUF + b]],
                        rows[b], gsem[b])

            @pl.when((g == NGRP_S - 1) & (k < NSLAB - 1))
            def _():
                r0 = base_row + (k + 1) * SLAB
                pltpu.make_async_copy(src_hbm.at[pl.ds(r0, SLAB)],
                                      src_sl.at[nxt], isem[0]).wait()
                pltpu.make_async_copy(dst_hbm.at[pl.ds(r0, SLAB)],
                                      dst_sl.at[nxt], isem[1]).wait()
                for b in range(NBUF):
                    pltpu.async_copy(h_hbm.at[src_sl.at[nxt].at[b]],
                                     rows[b], gsem[b])
            return 0
        lax.fori_loop(0, NGRP_S, _grp, 0)
        return 0
    lax.fori_loop(0, NSLAB, _slab, 0)

    plsc.subcore_barrier()

    for i in range(FLP):
        b = i % NBUF
        r0 = s * RPT + i * CH
        if i >= NBUF:
            pltpu.make_async_copy(
                rows[b], p_out.at[c].at[pl.ds(s * RPT + (i - NBUF) * CH, CH)],
                gsem[b]).wait()
        pltpu.sync_copy(acc.at[pl.ds(r0, CH)], rows[b])
        pltpu.async_copy(rows[b], p_out.at[c].at[pl.ds(r0, CH)], gsem[b])
    for i in range(max(FLP - NBUF, 0), FLP):
        b = i % NBUF
        r0 = s * RPT + i * CH
        pltpu.make_async_copy(rows[b], p_out.at[c].at[pl.ds(r0, CH)],
                              gsem[b]).wait()

    if with_counts:
        pltpu.sync_copy(cnt_acc.at[pl.ds(s * RPT, RPT)], cflush)
        pltpu.sync_copy(cflush, cnt_out.at[c].at[pl.ds(s * RPT, RPT)])


def _make_sc_step(with_counts):
    return pl.kernel(
        functools.partial(_sc_step_body, with_counts),
        out_type=[jax.ShapeDtypeStruct((NC, R_ACC, D), jnp.float32),
                  jax.ShapeDtypeStruct((NC, R_ACC), jnp.float32)],
        mesh=plsc.VectorSubcoreMesh(core_axis_name="c", subcore_axis_name="s"),
        scratch_types=[
            pltpu.VMEM_SHARED((R_ACC, D), jnp.float32),
            pltpu.VMEM_SHARED((R_ACC,), jnp.float32),
            pltpu.VMEM((2, SLAB, CH), jnp.int32),
            pltpu.VMEM((2, SLAB, CH), jnp.int32),
            [pltpu.VMEM((CH, D), jnp.float32) for _ in range(NBUF)],
            pltpu.VMEM((ZROWS, D), jnp.float32),
            pltpu.VMEM((RPT,), jnp.float32),
            pltpu.VMEM((CH,), jnp.float32),
            pltpu.VMEM((RPT,), jnp.float32),
            [pltpu.SemaphoreType.DMA for _ in range(NBUF)],
            [pltpu.SemaphoreType.DMA for _ in range(NBUF)],
            [pltpu.SemaphoreType.DMA for _ in range(2)],
        ],
    )


_sc_step_counts = _make_sc_step(True)
_sc_step_nocnt = _make_sc_step(False)


def _in_layer_body(x_ref, w_ref, b_ref, o_ref):
    o_ref[...] = jnp.maximum(
        jnp.dot(x_ref[...], w_ref[...], preferred_element_type=jnp.float32)
        + b_ref[...], 0.0)


def _combine_body(h_ref, p0_ref, p1_ref, c0_ref, c1_ref, o_ref):
    inv = 0.5 / jnp.maximum(c0_ref[0] + c1_ref[0], 1.0)
    o_ref[...] = 0.5 * h_ref[...] + inv * (p0_ref[0] + p1_ref[0])


def _finalize_body(h_ref, p0_ref, p1_ref, c0_ref, c1_ref, wp_ref, bp_ref,
                   o_ref, acc_ref):
    i = pl.program_id(0)

    @pl.when(i == 0)
    def _():
        acc_ref[...] = jnp.zeros_like(acc_ref)

    inv = 0.5 / jnp.maximum(c0_ref[0] + c1_ref[0], 1.0)
    h2 = 0.5 * h_ref[...] + inv * (p0_ref[0] + p1_ref[0])
    acc_ref[...] += jnp.sum(h2, axis=0, keepdims=True)

    @pl.when(i == pl.num_programs(0) - 1)
    def _():
        o_ref[...] = (jnp.sum(acc_ref[...] * wp_ref[...], axis=1,
                              keepdims=True) / N + bp_ref[...])


def kernel(x, edge_index, W_in, b_in, W_pred, b_pred):
    src = edge_index[0]
    dst = edge_index[1]
    pad = E_PAD - E
    pad_ids = jnp.arange(pad, dtype=jnp.int32)
    src_p = jnp.concatenate(
        [src, pad_ids % N]).reshape(N_CHUNK_ROWS, CH)
    dst_p = jnp.concatenate(
        [dst, N + pad_ids % (R_ACC - N)]).reshape(N_CHUNK_ROWS, CH)

    h = pl.pallas_call(
        _in_layer_body,
        grid=(N // ROW_BLK,),
        in_specs=[pl.BlockSpec((ROW_BLK, D), lambda i: (i, 0)),
                  pl.BlockSpec((D, D), lambda i: (0, 0)),
                  pl.BlockSpec((1, D), lambda i: (0, 0))],
        out_specs=pl.BlockSpec((ROW_BLK, D), lambda i: (i, 0)),
        out_shape=jax.ShapeDtypeStruct((N, D), jnp.float32),
    )(x, W_in, b_in.reshape(1, D))

    p, cnt = _sc_step_counts(h, src_p, dst_p)
    cnt3 = cnt[:, :, None]
    h = pl.pallas_call(
        _combine_body,
        grid=(N // ROW_BLK,),
        in_specs=[pl.BlockSpec((ROW_BLK, D), lambda i: (i, 0)),
                  pl.BlockSpec((1, ROW_BLK, D), lambda i: (0, i, 0)),
                  pl.BlockSpec((1, ROW_BLK, D), lambda i: (1, i, 0)),
                  pl.BlockSpec((1, ROW_BLK, 1), lambda i: (0, i, 0)),
                  pl.BlockSpec((1, ROW_BLK, 1), lambda i: (1, i, 0))],
        out_specs=pl.BlockSpec((ROW_BLK, D), lambda i: (i, 0)),
        out_shape=jax.ShapeDtypeStruct((N, D), jnp.float32),
    )(h, p, p, cnt3, cnt3)

    p, _ = _sc_step_nocnt(h, src_p, dst_p)
    out = pl.pallas_call(
        _finalize_body,
        grid=(N // ROW_BLK,),
        in_specs=[pl.BlockSpec((ROW_BLK, D), lambda i: (i, 0)),
                  pl.BlockSpec((1, ROW_BLK, D), lambda i: (0, i, 0)),
                  pl.BlockSpec((1, ROW_BLK, D), lambda i: (1, i, 0)),
                  pl.BlockSpec((1, ROW_BLK, 1), lambda i: (0, i, 0)),
                  pl.BlockSpec((1, ROW_BLK, 1), lambda i: (1, i, 0)),
                  pl.BlockSpec((1, D), lambda i: (0, 0)),
                  pl.BlockSpec((1, 1), lambda i: (0, 0))],
        out_specs=pl.BlockSpec((1, 1), lambda i: (0, 0)),
        out_shape=jax.ShapeDtypeStruct((1, 1), jnp.float32),
        scratch_shapes=[pltpu.VMEM((1, D), jnp.float32)],
    )(h, p, p, cnt3, cnt3,
      W_pred[:D, 0].reshape(1, D), b_pred.reshape(1, 1))

    return out.reshape(1)

# --- scband reference (transcript-rebuilt; emitter-appended) ---
"""Pipeline reference for scband-model-31679678775949 (READ-ONLY COPY).

The authoritative reference and input builder live on the scoring server;
editing this copy changes nothing except your own understanding.
"""

import jax, jax.numpy as jnp
import numpy as np

N = 10000
E = 320000
D_IN = 128      # node_feature_length
D_ENC = 128     # input_encoding
D_HID = 256     # hidden_encoding
STEPS = 2       # mpnn_steps


def setup_inputs(seed: int = 0) -> dict:
    key = jax.random.key(seed)
    k1, k2, k3, k4 = jax.random.split(key, 4)
    x = jax.random.normal(k1, (N, D_IN), dtype=jnp.float32)
    # edge_index values in [0, N); int32 indexing is equivalent for jax
    edge_index = jax.random.randint(k2, (2, E), 0, N, dtype=jnp.int32)
    # Learned parameters
    W_in = jax.random.normal(k3, (D_IN, D_ENC), dtype=jnp.float32) * 0.05
    b_in = jnp.zeros((D_ENC,), dtype=jnp.float32)
    W_pred = jax.random.normal(k4, (D_HID, 1), dtype=jnp.float32) * 0.05
    b_pred = jnp.zeros((1,), dtype=jnp.float32)
    return {"x": x, "edge_index": edge_index, "W_in": W_in, "b_in": b_in,
            "W_pred": W_pred, "b_pred": b_pred}


def reference(x, edge_index, W_in, b_in, W_pred, b_pred):
    # input_layer + ReLU
    h = jnp.maximum(x @ W_in + b_in, 0.0)
    # ZeroPad2d((0, hidden - input, 0, 0)): pad feature dim on the right
    h = jnp.pad(h, ((0, 0), (0, D_HID - D_ENC)))
    src = edge_index[0]  # j (source)
    dst = edge_index[1]  # i (target)
    for _ in range(STEPS):
        # message: h_j gathered from source nodes
        msg = jnp.take(h, src, axis=0)
        # aggregate: scatter-mean into target nodes (PyG aggr='mean')
        s = jax.ops.segment_sum(msg, dst, num_segments=N)
        cnt = jax.ops.segment_sum(jnp.ones((E,), dtype=h.dtype), dst, num_segments=N)
        m = s / jnp.clip(cnt, 1.0)[:, None]
        # update_mean: (h + m) / 2
        h = (h + m) / 2.0
    # graph readout: per-feature mean over nodes (matches the torch list-comp)
    pooled = jnp.mean(h, axis=0)
    # prediction layer
    return pooled @ W_pred + b_pred

if __name__ == "__main__":
    import jax
    _d = setup_inputs()
    print(jax.jit(kernel)(*tuple(_d.values())))

</pallas_src>

<mosaic_0001>
#map = affine_map<(d0, d1) -> (0, 0)>
#map1 = affine_map<(d0, d1) -> (0, 0, 0)>
module attributes {stable_mosaic.version = 14 : i64} {
  func.func @_sc_step_body(%arg0: i32, %arg1: i32, %arg2: memref<10000x128xf32, #tpu.memory_space<hbm>>, %arg3: memref<2560x128xi32, #tpu.memory_space<hbm>>, %arg4: memref<2560x128xi32, #tpu.memory_space<hbm>>, %arg5: memref<2x10240x128xf32, #tpu.memory_space<hbm>>, %arg6: memref<2x10240xf32, #tpu.memory_space<hbm>>, %arg7: memref<10240x128xf32, #tpu.memory_space<vmem_shared>>, %arg8: memref<10240xf32, #tpu.memory_space<vmem_shared>>, %arg9: memref<2x16x128xi32, #tpu.memory_space<vmem>>, %arg10: memref<2x16x128xi32, #tpu.memory_space<vmem>>, %arg11: memref<128x128xf32, #tpu.memory_space<vmem>>, %arg12: memref<128x128xf32, #tpu.memory_space<vmem>>, %arg13: memref<32x128xf32, #tpu.memory_space<vmem>>, %arg14: memref<640xf32, #tpu.memory_space<vmem>>, %arg15: memref<128xf32, #tpu.memory_space<vmem>>, %arg16: memref<640xf32, #tpu.memory_space<vmem>>, %arg17: memref<!tpu.dma_semaphore, #tpu.memory_space<semaphore_mem>>, %arg18: memref<!tpu.dma_semaphore, #tpu.memory_space<semaphore_mem>>, %arg19: memref<!tpu.dma_semaphore, #tpu.memory_space<semaphore_mem>>, %arg20: memref<!tpu.dma_semaphore, #tpu.memory_space<semaphore_mem>>, %arg21: memref<!tpu.dma_semaphore, #tpu.memory_space<semaphore_mem>>, %arg22: memref<!tpu.dma_semaphore, #tpu.memory_space<semaphore_mem>>) attributes {dimension_semantics = [#tpu.dimension_semantics<core_parallel>, #tpu.dimension_semantics<subcore_parallel>], iteration_bounds = array<i64: 2, 16>, scalar_prefetch = 0 : i64, scratch_operands = 16 : i64, tpu.core_type = #tpu.core_type<sc_vector_subcore>, window_params = [{transform_indices = #map}, {transform_indices = #map}, {transform_indices = #map}, {transform_indices = #map1}, {transform_indices = #map}]} {
    %mul3A = arith.constant 16 : i32
    %mul3A_0 = arith.muli %arg0, %mul3A : i32
    %add3A = arith.addi %mul3A_0, %arg1 : i32
    %scan3A = arith.constant 0 : i32
    %scan3A_1 = arith.constant 0 : i32
    %scan3A_2 = arith.constant 256 : i32
    %scan3A_3 = arith.addi %scan3A_1, %scan3A_2 : i32
    %scan3A_4 = arith.constant 1 : i32
    %scan3A_5 = scf.for %scan3A_540 = %scan3A_1 to %scan3A_3 step %scan3A_4 iter_args(%scan3A_541 = %scan3A) -> (i32)  : i32 {
      %broadcast_in_dim3A = arith.constant 0.000000e+00 : f32
      %broadcast_in_dim3A_542 = vector.broadcast %broadcast_in_dim3A : f32 to vector<16xf32>
      %jit3A = arith.constant 8 : i32
      %div3A = arith.divsi %scan3A_540, %jit3A : i32
      %sign3A = arith.constant 0 : i32
      %sign3A_543 = arith.cmpi sgt, %scan3A_540, %sign3A : i32
      %sign3A_544 = arith.extui %sign3A_543 : i1 to i32
      %sign3A_545 = arith.constant 0 : i32
      %sign3A_546 = arith.cmpi slt, %scan3A_540, %sign3A_545 : i32
      %sign3A_547 = arith.extui %sign3A_546 : i1 to i32
      %sign3A_548 = arith.subi %sign3A_544, %sign3A_547 : i32
      %sign3A_549 = arith.constant 0 : i32
      %sign3A_550 = arith.cmpi sgt, %jit3A, %sign3A_549 : i32
      %sign3A_551 = arith.extui %sign3A_550 : i1 to i32
      %sign3A_552 = arith.constant 0 : i32
      %sign3A_553 = arith.cmpi slt, %jit3A, %sign3A_552 : i32
      %sign3A_554 = arith.extui %sign3A_553 : i1 to i32
      %sign3A_555 = arith.subi %sign3A_551, %sign3A_554 : i32
      %ne3A = arith.cmpi ne, %sign3A_548, %sign3A_555 : i32
      %rem3A = arith.remsi %scan3A_540, %jit3A : i32
      %ne3A_556 = arith.constant 0 : i32
      %ne3A_557 = arith.cmpi ne, %rem3A, %ne3A_556 : i32
      %and3A = arith.andi %ne3A, %ne3A_557 : i1
      %sub3A = arith.constant 1 : i32
      %sub3A_558 = arith.subi %div3A, %sub3A : i32
      %select_n3A = arith.select %and3A, %sub3A_558, %div3A : i32
      %jit3A_559 = arith.constant 8 : i32
      %eq3A = arith.constant 0 : i32
      %eq3A_560 = arith.cmpi eq, %jit3A_559, %eq3A : i32
      %jit3A_561 = arith.constant 1 : i32
      %select_n3A_562 = arith.select %eq3A_560, %jit3A_561, %jit3A_559 : i32
      %rem3A_563 = arith.remsi %scan3A_540, %select_n3A_562 : i32
      %ne3A_564 = arith.constant 0 : i32
      %ne3A_565 = arith.cmpi ne, %rem3A_563, %ne3A_564 : i32
      %lt3A = arith.constant 0 : i32
      %lt3A_566 = arith.cmpi slt, %rem3A_563, %lt3A : i32
      %lt3A_567 = arith.constant 0 : i32
      %lt3A_568 = arith.cmpi slt, %select_n3A_562, %lt3A_567 : i32
      %ne3A_569 = arith.xori %lt3A_566, %lt3A_568 : i1
      %and3A_570 = arith.andi %ne3A_569, %ne3A_565 : i1
      %add3A_571 = arith.addi %rem3A_563, %select_n3A_562 : i32
      %select_n3A_572 = arith.select %and3A_570, %add3A_571, %rem3A_563 : i32
      %mul3A_573 = arith.constant 16 : i32
      %mul3A_574 = arith.muli %select_n3A_572, %mul3A_573 : i32
      %swap3A = arith.index_cast %select_n3A : i32 to index
      %swap3A_575 = arith.index_cast %mul3A_574 : i32 to index
      %swap3A_576 = tpu.vector_load %arg13[%swap3A, %swap3A_575] {strides = array<i32>} : memref<32x128xf32, #tpu.memory_space<vmem>>, vector<1x16xf32>,
      %swap3A_577 = vector.shape_cast %swap3A_576 : vector<1x16xf32> to vector<16xf32>
      %swap3A_578 = vector.shape_cast %broadcast_in_dim3A_542 : vector<16xf32> to vector<1x16xf32>
      tpu.vector_store %arg13[%swap3A, %swap3A_575], %swap3A_578 {strides = array<i32>} : memref<32x128xf32, #tpu.memory_space<vmem>>, vector<1x16xf32>,
      %scan3A_579 = arith.constant 0 : i32
      scf.yield %scan3A_579 : i32
    }
    %scan3A_6 = arith.constant 256 : i32
    %scan3A_7 = arith.constant 0 : i32
    %scan3A_8 = arith.constant 0 : i32
    %scan3A_9 = arith.constant 40 : i32
    %scan3A_10 = arith.addi %scan3A_8, %scan3A_9 : i32
    %scan3A_11 = arith.constant 1 : i32
    %scan3A_12 = scf.for %scan3A_540 = %scan3A_8 to %scan3A_10 step %scan3A_11 iter_args(%scan3A_541 = %scan3A_7) -> (i32)  : i32 {
      %broadcast_in_dim3A = arith.constant 0.000000e+00 : f32
      %broadcast_in_dim3A_542 = vector.broadcast %broadcast_in_dim3A : f32 to vector<16xf32>
      %mul3A_543 = arith.constant 16 : i32
      %mul3A_544 = arith.muli %scan3A_540, %mul3A_543 : i32
      %swap3A = arith.index_cast %mul3A_544 : i32 to index
      %swap3A_545 = tpu.vector_load %arg14[%swap3A] {strides = array<i32>} : memref<640xf32, #tpu.memory_space<vmem>>, vector<16xf32>,
      %swap3A_546 = vector.shape_cast %swap3A_545 : vector<16xf32> to vector<16xf32>
      %swap3A_547 = vector.shape_cast %broadcast_in_dim3A_542 : vector<16xf32> to vector<16xf32>
      tpu.vector_store %arg14[%swap3A], %swap3A_547 {strides = array<i32>} : memref<640xf32, #tpu.memory_space<vmem>>, vector<16xf32>,
      %scan3A_548 = arith.constant 0 : i32
      scf.yield %scan3A_548 : i32
    }
    %scan3A_13 = arith.constant 40 : i32
    %scan3A_14 = arith.constant 0 : i32
    %scan3A_15 = arith.constant 0 : i32
    %scan3A_16 = arith.constant 8 : i32
    %scan3A_17 = arith.addi %scan3A_15, %scan3A_16 : i32
    %scan3A_18 = arith.constant 1 : i32
    %scan3A_19 = scf.for %scan3A_540 = %scan3A_15 to %scan3A_17 step %scan3A_18 iter_args(%scan3A_541 = %scan3A_14) -> (i32)  : i32 {
      %broadcast_in_dim3A = arith.constant 1.000000e+00 : f32
      %broadcast_in_dim3A_542 = vector.broadcast %broadcast_in_dim3A : f32 to vector<16xf32>
      %mul3A_543 = arith.constant 16 : i32
      %mul3A_544 = arith.muli %scan3A_540, %mul3A_543 : i32
      %swap3A = arith.index_cast %mul3A_544 : i32 to index
      %swap3A_545 = tpu.vector_load %arg15[%swap3A] {strides = array<i32>} : memref<128xf32, #tpu.memory_space<vmem>>, vector<16xf32>,
      %swap3A_546 = vector.shape_cast %swap3A_545 : vector<16xf32> to vector<16xf32>
      %swap3A_547 = vector.shape_cast %broadcast_in_dim3A_542 : vector<16xf32> to vector<16xf32>
      tpu.vector_store %arg15[%swap3A], %swap3A_547 {strides = array<i32>} : memref<128xf32, #tpu.memory_space<vmem>>, vector<16xf32>,
      %scan3A_548 = arith.constant 0 : i32
      scf.yield %scan3A_548 : i32
    }
    %scan3A_20 = arith.constant 8 : i32
    %mul3A_21 = arith.constant 640 : i32
    %mul3A_22 = arith.muli %arg1, %mul3A_21 : i32
    %add3A_23 = arith.constant 0 : i32
    %add3A_24 = arith.addi %mul3A_22, %add3A_23 : i32
    %dma_start3A = arith.constant 0 : i32
    %dma_start3A_25 = tpu.memref_slice %arg7[%add3A_24, %dma_start3A] : memref<10240x128xf32, #tpu.memory_space<vmem_shared>> -> memref<32x128xf32, #tpu.memory_space<vmem_shared>>
    %dma_start3A_26 = arith.constant 0 : i32
    %dma_start3A_27 = tpu.memref_slice %arg7[%add3A_24, %dma_start3A_26] : memref<10240x128xf32, #tpu.memory_space<vmem_shared>> -> memref<32x128xf32, #tpu.memory_space<vmem_shared>>
    tpu.enqueue_dma source(%arg13 : memref<32x128xf32, #tpu.memory_space<vmem>>) target(%dma_start3A_27 : memref<32x128xf32, #tpu.memory_space<vmem_shared>>) target_semaphore(%arg19 : memref<!tpu.dma_semaphore, #tpu.memory_space<semaphore_mem>>)
    %mul3A_28 = arith.constant 640 : i32
    %mul3A_29 = arith.muli %arg1, %mul3A_28 : i32
    %add3A_30 = arith.constant 32 : i32
    %add3A_31 = arith.addi %mul3A_29, %add3A_30 : i32
    %dma_start3A_32 = arith.constant 0 : i32
    %dma_start3A_33 = tpu.memref_slice %arg7[%add3A_31, %dma_start3A_32] : memref<10240x128xf32, #tpu.memory_space<vmem_shared>> -> memref<32x128xf32, #tpu.memory_space<vmem_shared>>
    %dma_start3A_34 = arith.constant 0 : i32
    %dma_start3A_35 = tpu.memref_slice %arg7[%add3A_31, %dma_start3A_34] : memref<10240x128xf32, #tpu.memory_space<vmem_shared>> -> memref<32x128xf32, #tpu.memory_space<vmem_shared>>
    tpu.enqueue_dma source(%arg13 : memref<32x128xf32, #tpu.memory_space<vmem>>) target(%dma_start3A_35 : memref<32x128xf32, #tpu.memory_space<vmem_shared>>) target_semaphore(%arg20 : memref<!tpu.dma_semaphore, #tpu.memory_space<semaphore_mem>>)
    %mul3A_36 = arith.constant 640 : i32
    %mul3A_37 = arith.muli %arg1, %mul3A_36 : i32
    %add3A_38 = arith.constant 64 : i32
    %add3A_39 = arith.addi %mul3A_37, %add3A_38 : i32
    %dma_start3A_40 = arith.constant 0 : i32
    %dma_start3A_41 = tpu.memref_slice %arg7[%add3A_39, %dma_start3A_40] : memref<10240x128xf32, #tpu.memory_space<vmem_shared>> -> memref<32x128xf32, #tpu.memory_space<vmem_shared>>
    %dma_start3A_42 = arith.constant 0 : i32
    %dma_start3A_43 = tpu.memref_slice %arg7[%add3A_39, %dma_start3A_42] : memref<10240x128xf32, #tpu.memory_space<vmem_shared>> -> memref<32x128xf32, #tpu.memory_space<vmem_shared>>
    tpu.enqueue_dma source(%arg13 : memref<32x128xf32, #tpu.memory_space<vmem>>) target(%dma_start3A_43 : memref<32x128xf32, #tpu.memory_space<vmem_shared>>) target_semaphore(%arg19 : memref<!tpu.dma_semaphore, #tpu.memory_space<semaphore_mem>>)
    %mul3A_44 = arith.constant 640 : i32
    %mul3A_45 = arith.muli %arg1, %mul3A_44 : i32
    %add3A_46 = arith.constant 96 : i32
    %add3A_47 = arith.addi %mul3A_45, %add3A_46 : i32
    %dma_start3A_48 = arith.constant 0 : i32
    %dma_start3A_49 = tpu.memref_slice %arg7[%add3A_47, %dma_start3A_48] : memref<10240x128xf32, #tpu.memory_space<vmem_shared>> -> memref<32x128xf32, #tpu.memory_space<vmem_shared>>
    %dma_start3A_50 = arith.constant 0 : i32
    %dma_start3A_51 = tpu.memref_slice %arg7[%add3A_47, %dma_start3A_50] : memref<10240x128xf32, #tpu.memory_space<vmem_shared>> -> memref<32x128xf32, #tpu.memory_space<vmem_shared>>
    tpu.enqueue_dma source(%arg13 : memref<32x128xf32, #tpu.memory_space<vmem>>) target(%dma_start3A_51 : memref<32x128xf32, #tpu.memory_space<vmem_shared>>) target_semaphore(%arg20 : memref<!tpu.dma_semaphore, #tpu.memory_space<semaphore_mem>>)
    %mul3A_52 = arith.constant 640 : i32
    %mul3A_53 = arith.muli %arg1, %mul3A_52 : i32
    %add3A_54 = arith.constant 128 : i32
    %add3A_55 = arith.addi %mul3A_53, %add3A_54 : i32
    %dma_start3A_56 = arith.constant 0 : i32
    %dma_start3A_57 = tpu.memref_slice %arg7[%add3A_55, %dma_start3A_56] : memref<10240x128xf32, #tpu.memory_space<vmem_shared>> -> memref<32x128xf32, #tpu.memory_space<vmem_shared>>
    %dma_start3A_58 = arith.constant 0 : i32
    %dma_start3A_59 = tpu.memref_slice %arg7[%add3A_55, %dma_start3A_58] : memref<10240x128xf32, #tpu.memory_space<vmem_shared>> -> memref<32x128xf32, #tpu.memory_space<vmem_shared>>
    tpu.enqueue_dma source(%arg13 : memref<32x128xf32, #tpu.memory_space<vmem>>) target(%dma_start3A_59 : memref<32x128xf32, #tpu.memory_space<vmem_shared>>) target_semaphore(%arg19 : memref<!tpu.dma_semaphore, #tpu.memory_space<semaphore_mem>>)
    %mul3A_60 = arith.constant 640 : i32
    %mul3A_61 = arith.muli %arg1, %mul3A_60 : i32
    %add3A_62 = arith.constant 160 : i32
    %add3A_63 = arith.addi %mul3A_61, %add3A_62 : i32
    %dma_start3A_64 = arith.constant 0 : i32
    %dma_start3A_65 = tpu.memref_slice %arg7[%add3A_63, %dma_start3A_64] : memref<10240x128xf32, #tpu.memory_space<vmem_shared>> -> memref<32x128xf32, #tpu.memory_space<vmem_shared>>
    %dma_start3A_66 = arith.constant 0 : i32
    %dma_start3A_67 = tpu.memref_slice %arg7[%add3A_63, %dma_start3A_66] : memref<10240x128xf32, #tpu.memory_space<vmem_shared>> -> memref<32x128xf32, #tpu.memory_space<vmem_shared>>
    tpu.enqueue_dma source(%arg13 : memref<32x128xf32, #tpu.memory_space<vmem>>) target(%dma_start3A_67 : memref<32x128xf32, #tpu.memory_space<vmem_shared>>) target_semaphore(%arg20 : memref<!tpu.dma_semaphore, #tpu.memory_space<semaphore_mem>>)
    %mul3A_68 = arith.constant 640 : i32
    %mul3A_69 = arith.muli %arg1, %mul3A_68 : i32
    %add3A_70 = arith.constant 192 : i32
    %add3A_71 = arith.addi %mul3A_69, %add3A_70 : i32
    %dma_start3A_72 = arith.constant 0 : i32
    %dma_start3A_73 = tpu.memref_slice %arg7[%add3A_71, %dma_start3A_72] : memref<10240x128xf32, #tpu.memory_space<vmem_shared>> -> memref<32x128xf32, #tpu.memory_space<vmem_shared>>
    %dma_start3A_74 = arith.constant 0 : i32
    %dma_start3A_75 = tpu.memref_slice %arg7[%add3A_71, %dma_start3A_74] : memref<10240x128xf32, #tpu.memory_space<vmem_shared>> -> memref<32x128xf32, #tpu.memory_space<vmem_shared>>
    tpu.enqueue_dma source(%arg13 : memref<32x128xf32, #tpu.memory_space<vmem>>) target(%dma_start3A_75 : memref<32x128xf32, #tpu.memory_space<vmem_shared>>) target_semaphore(%arg19 : memref<!tpu.dma_semaphore, #tpu.memory_space<semaphore_mem>>)
    %mul3A_76 = arith.constant 640 : i32
    %mul3A_77 = arith.muli %arg1, %mul3A_76 : i32
    %add3A_78 = arith.constant 224 : i32
    %add3A_79 = arith.addi %mul3A_77, %add3A_78 : i32
    %dma_start3A_80 = arith.constant 0 : i32
    %dma_start3A_81 = tpu.memref_slice %arg7[%add3A_79, %dma_start3A_80] : memref<10240x128xf32, #tpu.memory_space<vmem_shared>> -> memref<32x128xf32, #tpu.memory_space<vmem_shared>>
    %dma_start3A_82 = arith.constant 0 : i32
    %dma_start3A_83 = tpu.memref_slice %arg7[%add3A_79, %dma_start3A_82] : memref<10240x128xf32, #tpu.memory_space<vmem_shared>> -> memref<32x128xf32, #tpu.memory_space<vmem_shared>>
    tpu.enqueue_dma source(%arg13 : memref<32x128xf32, #tpu.memory_space<vmem>>) target(%dma_start3A_83 : memref<32x128xf32, #tpu.memory_space<vmem_shared>>) target_semaphore(%arg20 : memref<!tpu.dma_semaphore, #tpu.memory_space<semaphore_mem>>)
    %mul3A_84 = arith.constant 640 : i32
    %mul3A_85 = arith.muli %arg1, %mul3A_84 : i32
    %add3A_86 = arith.constant 256 : i32
    %add3A_87 = arith.addi %mul3A_85, %add3A_86 : i32
    %dma_start3A_88 = arith.constant 0 : i32
    %dma_start3A_89 = tpu.memref_slice %arg7[%add3A_87, %dma_start3A_88] : memref<10240x128xf32, #tpu.memory_space<vmem_shared>> -> memref<32x128xf32, #tpu.memory_space<vmem_shared>>
    %dma_start3A_90 = arith.constant 0 : i32
    %dma_start3A_91 = tpu.memref_slice %arg7[%add3A_87, %dma_start3A_90] : memref<10240x128xf32, #tpu.memory_space<vmem_shared>> -> memref<32x128xf32, #tpu.memory_space<vmem_shared>>
    tpu.enqueue_dma source(%arg13 : memref<32x128xf32, #tpu.memory_space<vmem>>) target(%dma_start3A_91 : memref<32x128xf32, #tpu.memory_space<vmem_shared>>) target_semaphore(%arg19 : memref<!tpu.dma_semaphore, #tpu.memory_space<semaphore_mem>>)
    %mul3A_92 = arith.constant 640 : i32
    %mul3A_93 = arith.muli %arg1, %mul3A_92 : i32
    %add3A_94 = arith.constant 288 : i32
    %add3A_95 = arith.addi %mul3A_93, %add3A_94 : i32
    %dma_start3A_96 = arith.constant 0 : i32
    %dma_start3A_97 = tpu.memref_slice %arg7[%add3A_95, %dma_start3A_96] : memref<10240x128xf32, #tpu.memory_space<vmem_shared>> -> memref<32x128xf32, #tpu.memory_space<vmem_shared>>
    %dma_start3A_98 = arith.constant 0 : i32
    %dma_start3A_99 = tpu.memref_slice %arg7[%add3A_95, %dma_start3A_98] : memref<10240x128xf32, #tpu.memory_space<vmem_shared>> -> memref<32x128xf32, #tpu.memory_space<vmem_shared>>
    tpu.enqueue_dma source(%arg13 : memref<32x128xf32, #tpu.memory_space<vmem>>) target(%dma_start3A_99 : memref<32x128xf32, #tpu.memory_space<vmem_shared>>) target_semaphore(%arg20 : memref<!tpu.dma_semaphore, #tpu.memory_space<semaphore_mem>>)
    %mul3A_100 = arith.constant 640 : i32
    %mul3A_101 = arith.muli %arg1, %mul3A_100 : i32
    %add3A_102 = arith.constant 320 : i32
    %add3A_103 = arith.addi %mul3A_101, %add3A_102 : i32
    %dma_start3A_104 = arith.constant 0 : i32
    %dma_start3A_105 = tpu.memref_slice %arg7[%add3A_103, %dma_start3A_104] : memref<10240x128xf32, #tpu.memory_space<vmem_shared>> -> memref<32x128xf32, #tpu.memory_space<vmem_shared>>
    %dma_start3A_106 = arith.constant 0 : i32
    %dma_start3A_107 = tpu.memref_slice %arg7[%add3A_103, %dma_start3A_106] : memref<10240x128xf32, #tpu.memory_space<vmem_shared>> -> memref<32x128xf32, #tpu.memory_space<vmem_shared>>
    tpu.enqueue_dma source(%arg13 : memref<32x128xf32, #tpu.memory_space<vmem>>) target(%dma_start3A_107 : memref<32x128xf32, #tpu.memory_space<vmem_shared>>) target_semaphore(%arg19 : memref<!tpu.dma_semaphore, #tpu.memory_space<semaphore_mem>>)
    %mul3A_108 = arith.constant 640 : i32
    %mul3A_109 = arith.muli %arg1, %mul3A_108 : i32
    %add3A_110 = arith.constant 352 : i32
    %add3A_111 = arith.addi %mul3A_109, %add3A_110 : i32
    %dma_start3A_112 = arith.constant 0 : i32
    %dma_start3A_113 = tpu.memref_slice %arg7[%add3A_111, %dma_start3A_112] : memref<10240x128xf32, #tpu.memory_space<vmem_shared>> -> memref<32x128xf32, #tpu.memory_space<vmem_shared>>
    %dma_start3A_114 = arith.constant 0 : i32
    %dma_start3A_115 = tpu.memref_slice %arg7[%add3A_111, %dma_start3A_114] : memref<10240x128xf32, #tpu.memory_space<vmem_shared>> -> memref<32x128xf32, #tpu.memory_space<vmem_shared>>
    tpu.enqueue_dma source(%arg13 : memref<32x128xf32, #tpu.memory_space<vmem>>) target(%dma_start3A_115 : memref<32x128xf32, #tpu.memory_space<vmem_shared>>) target_semaphore(%arg20 : memref<!tpu.dma_semaphore, #tpu.memory_space<semaphore_mem>>)
    %mul3A_116 = arith.constant 640 : i32
    %mul3A_117 = arith.muli %arg1, %mul3A_116 : i32
    %add3A_118 = arith.constant 384 : i32
    %add3A_119 = arith.addi %mul3A_117, %add3A_118 : i32
    %dma_start3A_120 = arith.constant 0 : i32
    %dma_start3A_121 = tpu.memref_slice %arg7[%add3A_119, %dma_start3A_120] : memref<10240x128xf32, #tpu.memory_space<vmem_shared>> -> memref<32x128xf32, #tpu.memory_space<vmem_shared>>
    %dma_start3A_122 = arith.constant 0 : i32
    %dma_start3A_123 = tpu.memref_slice %arg7[%add3A_119, %dma_start3A_122] : memref<10240x128xf32, #tpu.memory_space<vmem_shared>> -> memref<32x128xf32, #tpu.memory_space<vmem_shared>>
    tpu.enqueue_dma source(%arg13 : memref<32x128xf32, #tpu.memory_space<vmem>>) target(%dma_start3A_123 : memref<32x128xf32, #tpu.memory_space<vmem_shared>>) target_semaphore(%arg19 : memref<!tpu.dma_semaphore, #tpu.memory_space<semaphore_mem>>)
    %mul3A_124 = arith.constant 640 : i32
    %mul3A_125 = arith.muli %arg1, %mul3A_124 : i32
    %add3A_126 = arith.constant 416 : i32
    %add3A_127 = arith.addi %mul3A_125, %add3A_126 : i32
    %dma_start3A_128 = arith.constant 0 : i32
    %dma_start3A_129 = tpu.memref_slice %arg7[%add3A_127, %dma_start3A_128] : memref<10240x128xf32, #tpu.memory_space<vmem_shared>> -> memref<32x128xf32, #tpu.memory_space<vmem_shared>>
    %dma_start3A_130 = arith.constant 0 : i32
    %dma_start3A_131 = tpu.memref_slice %arg7[%add3A_127, %dma_start3A_130] : memref<10240x128xf32, #tpu.memory_space<vmem_shared>> -> memref<32x128xf32, #tpu.memory_space<vmem_shared>>
    tpu.enqueue_dma source(%arg13 : memref<32x128xf32, #tpu.memory_space<vmem>>) target(%dma_start3A_131 : memref<32x128xf32, #tpu.memory_space<vmem_shared>>) target_semaphore(%arg20 : memref<!tpu.dma_semaphore, #tpu.memory_space<semaphore_mem>>)
    %mul3A_132 = arith.constant 640 : i32
    %mul3A_133 = arith.muli %arg1, %mul3A_132 : i32
    %add3A_134 = arith.constant 448 : i32
    %add3A_135 = arith.addi %mul3A_133, %add3A_134 : i32
    %dma_start3A_136 = arith.constant 0 : i32
    %dma_start3A_137 = tpu.memref_slice %arg7[%add3A_135, %dma_start3A_136] : memref<10240x128xf32, #tpu.memory_space<vmem_shared>> -> memref<32x128xf32, #tpu.memory_space<vmem_shared>>
    %dma_start3A_138 = arith.constant 0 : i32
    %dma_start3A_139 = tpu.memref_slice %arg7[%add3A_135, %dma_start3A_138] : memref<10240x128xf32, #tpu.memory_space<vmem_shared>> -> memref<32x128xf32, #tpu.memory_space<vmem_shared>>
    tpu.enqueue_dma source(%arg13 : memref<32x128xf32, #tpu.memory_space<vmem>>) target(%dma_start3A_139 : memref<32x128xf32, #tpu.memory_space<vmem_shared>>) target_semaphore(%arg19 : memref<!tpu.dma_semaphore, #tpu.memory_space<semaphore_mem>>)
    %mul3A_140 = arith.constant 640 : i32
    %mul3A_141 = arith.muli %arg1, %mul3A_140 : i32
    %add3A_142 = arith.constant 480 : i32
    %add3A_143 = arith.addi %mul3A_141, %add3A_142 : i32
    %dma_start3A_144 = arith.constant 0 : i32
    %dma_start3A_145 = tpu.memref_slice %arg7[%add3A_143, %dma_start3A_144] : memref<10240x128xf32, #tpu.memory_space<vmem_shared>> -> memref<32x128xf32, #tpu.memory_space<vmem_shared>>
    %dma_start3A_146 = arith.constant 0 : i32
    %dma_start3A_147 = tpu.memref_slice %arg7[%add3A_143, %dma_start3A_146] : memref<10240x128xf32, #tpu.memory_space<vmem_shared>> -> memref<32x128xf32, #tpu.memory_space<vmem_shared>>
    tpu.enqueue_dma source(%arg13 : memref<32x128xf32, #tpu.memory_space<vmem>>) target(%dma_start3A_147 : memref<32x128xf32, #tpu.memory_space<vmem_shared>>) target_semaphore(%arg20 : memref<!tpu.dma_semaphore, #tpu.memory_space<semaphore_mem>>)
    %mul3A_148 = arith.constant 640 : i32
    %mul3A_149 = arith.muli %arg1, %mul3A_148 : i32
    %add3A_150 = arith.constant 512 : i32
    %add3A_151 = arith.addi %mul3A_149, %add3A_150 : i32
    %dma_start3A_152 = arith.constant 0 : i32
    %dma_start3A_153 = tpu.memref_slice %arg7[%add3A_151, %dma_start3A_152] : memref<10240x128xf32, #tpu.memory_space<vmem_shared>> -> memref<32x128xf32, #tpu.memory_space<vmem_shared>>
    %dma_start3A_154 = arith.constant 0 : i32
    %dma_start3A_155 = tpu.memref_slice %arg7[%add3A_151, %dma_start3A_154] : memref<10240x128xf32, #tpu.memory_space<vmem_shared>> -> memref<32x128xf32, #tpu.memory_space<vmem_shared>>
    tpu.enqueue_dma source(%arg13 : memref<32x128xf32, #tpu.memory_space<vmem>>) target(%dma_start3A_155 : memref<32x128xf32, #tpu.memory_space<vmem_shared>>) target_semaphore(%arg19 : memref<!tpu.dma_semaphore, #tpu.memory_space<semaphore_mem>>)
    %mul3A_156 = arith.constant 640 : i32
    %mul3A_157 = arith.muli %arg1, %mul3A_156 : i32
    %add3A_158 = arith.constant 544 : i32
    %add3A_159 = arith.addi %mul3A_157, %add3A_158 : i32
    %dma_start3A_160 = arith.constant 0 : i32
    %dma_start3A_161 = tpu.memref_slice %arg7[%add3A_159, %dma_start3A_160] : memref<10240x128xf32, #tpu.memory_space<vmem_shared>> -> memref<32x128xf32, #tpu.memory_space<vmem_shared>>
    %dma_start3A_162 = arith.constant 0 : i32
    %dma_start3A_163 = tpu.memref_slice %arg7[%add3A_159, %dma_start3A_162] : memref<10240x128xf32, #tpu.memory_space<vmem_shared>> -> memref<32x128xf32, #tpu.memory_space<vmem_shared>>
    tpu.enqueue_dma source(%arg13 : memref<32x128xf32, #tpu.memory_space<vmem>>) target(%dma_start3A_163 : memref<32x128xf32, #tpu.memory_space<vmem_shared>>) target_semaphore(%arg20 : memref<!tpu.dma_semaphore, #tpu.memory_space<semaphore_mem>>)
    %mul3A_164 = arith.constant 640 : i32
    %mul3A_165 = arith.muli %arg1, %mul3A_164 : i32
    %add3A_166 = arith.constant 576 : i32
    %add3A_167 = arith.addi %mul3A_165, %add3A_166 : i32
    %dma_start3A_168 = arith.constant 0 : i32
    %dma_start3A_169 = tpu.memref_slice %arg7[%add3A_167, %dma_start3A_168] : memref<10240x128xf32, #tpu.memory_space<vmem_shared>> -> memref<32x128xf32, #tpu.memory_space<vmem_shared>>
    %dma_start3A_170 = arith.constant 0 : i32
    %dma_start3A_171 = tpu.memref_slice %arg7[%add3A_167, %dma_start3A_170] : memref<10240x128xf32, #tpu.memory_space<vmem_shared>> -> memref<32x128xf32, #tpu.memory_space<vmem_shared>>
    tpu.enqueue_dma source(%arg13 : memref<32x128xf32, #tpu.memory_space<vmem>>) target(%dma_start3A_171 : memref<32x128xf32, #tpu.memory_space<vmem_shared>>) target_semaphore(%arg19 : memref<!tpu.dma_semaphore, #tpu.memory_space<semaphore_mem>>)
    %mul3A_172 = arith.constant 640 : i32
    %mul3A_173 = arith.muli %arg1, %mul3A_172 : i32
    %add3A_174 = arith.constant 608 : i32
    %add3A_175 = arith.addi %mul3A_173, %add3A_174 : i32
    %dma_start3A_176 = arith.constant 0 : i32
    %dma_start3A_177 = tpu.memref_slice %arg7[%add3A_175, %dma_start3A_176] : memref<10240x128xf32, #tpu.memory_space<vmem_shared>> -> memref<32x128xf32, #tpu.memory_space<vmem_shared>>
    %dma_start3A_178 = arith.constant 0 : i32
    %dma_start3A_179 = tpu.memref_slice %arg7[%add3A_175, %dma_start3A_178] : memref<10240x128xf32, #tpu.memory_space<vmem_shared>> -> memref<32x128xf32, #tpu.memory_space<vmem_shared>>
    tpu.enqueue_dma source(%arg13 : memref<32x128xf32, #tpu.memory_space<vmem>>) target(%dma_start3A_179 : memref<32x128xf32, #tpu.memory_space<vmem_shared>>) target_semaphore(%arg20 : memref<!tpu.dma_semaphore, #tpu.memory_space<semaphore_mem>>)
    %mul3A_180 = arith.constant 640 : i32
    %mul3A_181 = arith.muli %arg1, %mul3A_180 : i32
    "tpu.region"() ({
      %run_scoped3A_540 = tpu.sem_alloc : memref<!tpu.dma_semaphore, #tpu.memory_space<semaphore_mem>>
      %dma_start3A_541 = tpu.memref_slice %arg8[%mul3A_181] : memref<10240xf32, #tpu.memory_space<vmem_shared>> -> memref<640xf32, #tpu.memory_space<vmem_shared>>
      %dma_start3A_542 = tpu.memref_slice %arg8[%mul3A_181] : memref<10240xf32, #tpu.memory_space<vmem_shared>> -> memref<640xf32, #tpu.memory_space<vmem_shared>>
      tpu.enqueue_dma source(%arg14 : memref<640xf32, #tpu.memory_space<vmem>>) target(%dma_start3A_542 : memref<640xf32, #tpu.memory_space<vmem_shared>>) target_semaphore(%run_scoped3A_540 : memref<!tpu.dma_semaphore, #tpu.memory_space<semaphore_mem>>)
      %dma_wait3A_543 = tpu.memref_slice %arg8[%mul3A_181] : memref<10240xf32, #tpu.memory_space<vmem_shared>> -> memref<640xf32, #tpu.memory_space<vmem_shared>>
      %dma_wait3A_544 = tpu.memref_slice %arg8[%mul3A_181] : memref<10240xf32, #tpu.memory_space<vmem_shared>> -> memref<640xf32, #tpu.memory_space<vmem_shared>>
      tpu.wait_dma2 semaphore(%run_scoped3A_540 : memref<!tpu.dma_semaphore, #tpu.memory_space<semaphore_mem>>) src(%arg14 : memref<640xf32, #tpu.memory_space<vmem>>) dst(%dma_wait3A_544 : memref<640xf32, #tpu.memory_space<vmem_shared>>)
      tpu.yield
    }) : () -> ()
    %mul3A_182 = arith.constant 80 : i32
    %mul3A_183 = arith.muli %add3A, %mul3A_182 : i32
    %run_scoped3A = arith.constant 0 : i32
    "tpu.region"() ({
      %run_scoped3A_540 = tpu.sem_alloc : memref<!tpu.dma_semaphore, #tpu.memory_space<semaphore_mem>>
      %dma_start3A_541 = arith.constant 0 : i32
      %dma_start3A_542 = arith.constant 0 : i32
      %dma_start3A_543 = tpu.memref_slice %arg9[%run_scoped3A, %dma_start3A_541, %dma_start3A_542] : memref<2x16x128xi32, #tpu.memory_space<vmem>> -> memref<1x16x128xi32, #tpu.memory_space<vmem>>
      %dma_start3A_544 = tpu.memref_squeeze %dma_start3A_543 : memref<1x16x128xi32, #tpu.memory_space<vmem>> -> memref<16x128xi32, #tpu.memory_space<vmem>>
      %dma_start3A_545 = arith.constant 0 : i32
      %dma_start3A_546 = tpu.memref_slice %arg3[%mul3A_183, %dma_start3A_545] : memref<2560x128xi32, #tpu.memory_space<hbm>> -> memref<16x128xi32, #tpu.memory_space<hbm>>
      %dma_start3A_547 = arith.constant 0 : i32
      %dma_start3A_548 = arith.constant 0 : i32
      %dma_start3A_549 = tpu.memref_slice %arg9[%run_scoped3A, %dma_start3A_547, %dma_start3A_548] : memref<2x16x128xi32, #tpu.memory_space<vmem>> -> memref<1x16x128xi32, #tpu.memory_space<vmem>>
      %dma_start3A_550 = tpu.memref_squeeze %dma_start3A_549 : memref<1x16x128xi32, #tpu.memory_space<vmem>> -> memref<16x128xi32, #tpu.memory_space<vmem>>
      %dma_start3A_551 = arith.constant 0 : i32
      %dma_start3A_552 = tpu.memref_slice %arg3[%mul3A_183, %dma_start3A_551] : memref<2560x128xi32, #tpu.memory_space<hbm>> -> memref<16x128xi32, #tpu.memory_space<hbm>>
      tpu.enqueue_dma source(%dma_start3A_552 : memref<16x128xi32, #tpu.memory_space<hbm>>) target(%dma_start3A_550 : memref<16x128xi32, #tpu.memory_space<vmem>>) target_semaphore(%run_scoped3A_540 : memref<!tpu.dma_semaphore, #tpu.memory_space<semaphore_mem>>)
      %dma_wait3A_553 = arith.constant 0 : i32
      %dma_wait3A_554 = arith.constant 0 : i32
      %dma_wait3A_555 = tpu.memref_slice %arg9[%run_scoped3A, %dma_wait3A_553, %dma_wait3A_554] : memref<2x16x128xi32, #tpu.memory_space<vmem>> -> memref<1x16x128xi32, #tpu.memory_space<vmem>>
      %dma_wait3A_556 = tpu.memref_squeeze %dma_wait3A_555 : memref<1x16x128xi32, #tpu.memory_space<vmem>> -> memref<16x128xi32, #tpu.memory_space<vmem>>
      %dma_wait3A_557 = arith.constant 0 : i32
      %dma_wait3A_558 = tpu.memref_slice %arg3[%mul3A_183, %dma_wait3A_557] : memref<2560x128xi32, #tpu.memory_space<hbm>> -> memref<16x128xi32, #tpu.memory_space<hbm>>
      %dma_wait3A_559 = arith.constant 0 : i32
      %dma_wait3A_560 = arith.constant 0 : i32
      %dma_wait3A_561 = tpu.memref_slice %arg9[%run_scoped3A, %dma_wait3A_559, %dma_wait3A_560] : memref<2x16x128xi32, #tpu.memory_space<vmem>> -> memref<1x16x128xi32, #tpu.memory_space<vmem>>
      %dma_wait3A_562 = tpu.memref_squeeze %dma_wait3A_561 : memref<1x16x128xi32, #tpu.memory_space<vmem>> -> memref<16x128xi32, #tpu.memory_space<vmem>>
      %dma_wait3A_563 = arith.constant 0 : i32
      %dma_wait3A_564 = tpu.memref_slice %arg3[%mul3A_183, %dma_wait3A_563] : memref<2560x128xi32, #tpu.memory_space<hbm>> -> memref<16x128xi32, #tpu.memory_space<hbm>>
      tpu.wait_dma2 semaphore(%run_scoped3A_540 : memref<!tpu.dma_semaphore, #tpu.memory_space<semaphore_mem>>) src(%dma_wait3A_564 : memref<16x128xi32, #tpu.memory_space<hbm>>) dst(%dma_wait3A_562 : memref<16x128xi32, #tpu.memory_space<vmem>>)
      tpu.yield
    }) : () -> ()
    %run_scoped3A_184 = arith.constant 0 : i32
    "tpu.region"() ({
      %run_scoped3A_540 = tpu.sem_alloc : memref<!tpu.dma_semaphore, #tpu.memory_space<semaphore_mem>>
      %dma_start3A_541 = arith.constant 0 : i32
      %dma_start3A_542 = arith.constant 0 : i32
      %dma_start3A_543 = tpu.memref_slice %arg10[%run_scoped3A_184, %dma_start3A_541, %dma_start3A_542] : memref<2x16x128xi32, #tpu.memory_space<vmem>> -> memref<1x16x128xi32, #tpu.memory_space<vmem>>
      %dma_start3A_544 = tpu.memref_squeeze %dma_start3A_543 : memref<1x16x128xi32, #tpu.memory_space<vmem>> -> memref<16x128xi32, #tpu.memory_space<vmem>>
      %dma_start3A_545 = arith.constant 0 : i32
      %dma_start3A_546 = tpu.memref_slice %arg4[%mul3A_183, %dma_start3A_545] : memref<2560x128xi32, #tpu.memory_space<hbm>> -> memref<16x128xi32, #tpu.memory_space<hbm>>
      %dma_start3A_547 = arith.constant 0 : i32
      %dma_start3A_548 = arith.constant 0 : i32
      %dma_start3A_549 = tpu.memref_slice %arg10[%run_scoped3A_184, %dma_start3A_547, %dma_start3A_548] : memref<2x16x128xi32, #tpu.memory_space<vmem>> -> memref<1x16x128xi32, #tpu.memory_space<vmem>>
      %dma_start3A_550 = tpu.memref_squeeze %dma_start3A_549 : memref<1x16x128xi32, #tpu.memory_space<vmem>> -> memref<16x128xi32, #tpu.memory_space<vmem>>
      %dma_start3A_551 = arith.constant 0 : i32
      %dma_start3A_552 = tpu.memref_slice %arg4[%mul3A_183, %dma_start3A_551] : memref<2560x128xi32, #tpu.memory_space<hbm>> -> memref<16x128xi32, #tpu.memory_space<hbm>>
      tpu.enqueue_dma source(%dma_start3A_552 : memref<16x128xi32, #tpu.memory_space<hbm>>) target(%dma_start3A_550 : memref<16x128xi32, #tpu.memory_space<vmem>>) target_semaphore(%run_scoped3A_540 : memref<!tpu.dma_semaphore, #tpu.memory_space<semaphore_mem>>)
      %dma_wait3A_553 = arith.constant 0 : i32
      %dma_wait3A_554 = arith.constant 0 : i32
      %dma_wait3A_555 = tpu.memref_slice %arg10[%run_scoped3A_184, %dma_wait3A_553, %dma_wait3A_554] : memref<2x16x128xi32, #tpu.memory_space<vmem>> -> memref<1x16x128xi32, #tpu.memory_space<vmem>>
      %dma_wait3A_556 = tpu.memref_squeeze %dma_wait3A_555 : memref<1x16x128xi32, #tpu.memory_space<vmem>> -> memref<16x128xi32, #tpu.memory_space<vmem>>
      %dma_wait3A_557 = arith.constant 0 : i32
      %dma_wait3A_558 = tpu.memref_slice %arg4[%mul3A_183, %dma_wait3A_557] : memref<2560x128xi32, #tpu.memory_space<hbm>> -> memref<16x128xi32, #tpu.memory_space<hbm>>
      %dma_wait3A_559 = arith.constant 0 : i32
      %dma_wait3A_560 = arith.constant 0 : i32
      %dma_wait3A_561 = tpu.memref_slice %arg10[%run_scoped3A_184, %dma_wait3A_559, %dma_wait3A_560] : memref<2x16x128xi32, #tpu.memory_space<vmem>> -> memref<1x16x128xi32, #tpu.memory_space<vmem>>
      %dma_wait3A_562 = tpu.memref_squeeze %dma_wait3A_561 : memref<1x16x128xi32, #tpu.memory_space<vmem>> -> memref<16x128xi32, #tpu.memory_space<vmem>>
      %dma_wait3A_563 = arith.constant 0 : i32
      %dma_wait3A_564 = tpu.memref_slice %arg4[%mul3A_183, %dma_wait3A_563] : memref<2560x128xi32, #tpu.memory_space<hbm>> -> memref<16x128xi32, #tpu.memory_space<hbm>>
      tpu.wait_dma2 semaphore(%run_scoped3A_540 : memref<!tpu.dma_semaphore, #tpu.memory_space<semaphore_mem>>) src(%dma_wait3A_564 : memref<16x128xi32, #tpu.memory_space<hbm>>) dst(%dma_wait3A_562 : memref<16x128xi32, #tpu.memory_space<vmem>>)
      tpu.yield
    }) : () -> ()
    %dma_start3A_185 = arith.constant 0 : i32
    %dma_start3A_186 = arith.constant 0 : i32
    %dma_start3A_187 = arith.constant 0 : i32
    %dma_start3A_188 = arith.constant 0 : i32
    %dma_start3A_189 = tpu.memref_slice %arg9[%dma_start3A_185, %dma_start3A_187, %dma_start3A_188] : memref<2x16x128xi32, #tpu.memory_space<vmem>> -> memref<1x16x128xi32, #tpu.memory_space<vmem>>
    %dma_start3A_190 = tpu.memref_squeeze %dma_start3A_189 : memref<1x16x128xi32, #tpu.memory_space<vmem>> -> memref<16x128xi32, #tpu.memory_space<vmem>>
    %dma_start3A_191 = arith.constant 0 : i32
    %dma_start3A_192 = tpu.memref_slice %dma_start3A_190[%dma_start3A_186, %dma_start3A_191] : memref<16x128xi32, #tpu.memory_space<vmem>> -> memref<1x128xi32, #tpu.memory_space<vmem>>
    %dma_start3A_193 = tpu.memref_squeeze %dma_start3A_192 : memref<1x128xi32, #tpu.memory_space<vmem>> -> memref<128xi32, #tpu.memory_space<vmem>>
    %dma_start3A_194 = arith.constant 0 : i32
    %dma_start3A_195 = arith.constant 0 : i32
    %dma_start3A_196 = tpu.memref_slice %arg2[%dma_start3A_194, %dma_start3A_195] : memref<10000x128xf32, #tpu.memory_space<hbm>> -> memref<10000x128xf32, #tpu.memory_space<hbm>>
    tpu.enqueue_indirect_dma source(%dma_start3A_196 : memref<10000x128xf32, #tpu.memory_space<hbm>>) target(%arg11 : memref<128x128xf32, #tpu.memory_space<vmem>>) offsets(%dma_start3A_193 : memref<128xi32, #tpu.memory_space<vmem>>) semaphore(%arg17 : memref<!tpu.dma_semaphore, #tpu.memory_space<semaphore_mem>>)
    %dma_start3A_197 = arith.constant 0 : i32
    %dma_start3A_198 = arith.constant 1 : i32
    %dma_start3A_199 = arith.constant 0 : i32
    %dma_start3A_200 = arith.constant 0 : i32
    %dma_start3A_201 = tpu.memref_slice %arg9[%dma_start3A_197, %dma_start3A_199, %dma_start3A_200] : memref<2x16x128xi32, #tpu.memory_space<vmem>> -> memref<1x16x128xi32, #tpu.memory_space<vmem>>
    %dma_start3A_202 = tpu.memref_squeeze %dma_start3A_201 : memref<1x16x128xi32, #tpu.memory_space<vmem>> -> memref<16x128xi32, #tpu.memory_space<vmem>>
    %dma_start3A_203 = arith.constant 0 : i32
    %dma_start3A_204 = tpu.memref_slice %dma_start3A_202[%dma_start3A_198, %dma_start3A_203] : memref<16x128xi32, #tpu.memory_space<vmem>> -> memref<1x128xi32, #tpu.memory_space<vmem>>
    %dma_start3A_205 = tpu.memref_squeeze %dma_start3A_204 : memref<1x128xi32, #tpu.memory_space<vmem>> -> memref<128xi32, #tpu.memory_space<vmem>>
    %dma_start3A_206 = arith.constant 0 : i32
    %dma_start3A_207 = arith.constant 0 : i32
    %dma_start3A_208 = tpu.memref_slice %arg2[%dma_start3A_206, %dma_start3A_207] : memref<10000x128xf32, #tpu.memory_space<hbm>> -> memref<10000x128xf32, #tpu.memory_space<hbm>>
    tpu.enqueue_indirect_dma source(%dma_start3A_208 : memref<10000x128xf32, #tpu.memory_space<hbm>>) target(%arg12 : memref<128x128xf32, #tpu.memory_space<vmem>>) offsets(%dma_start3A_205 : memref<128xi32, #tpu.memory_space<vmem>>) semaphore(%arg18 : memref<!tpu.dma_semaphore, #tpu.memory_space<semaphore_mem>>)
    %mul3A_209 = arith.constant 640 : i32
    %mul3A_210 = arith.muli %arg1, %mul3A_209 : i32
    %add3A_211 = arith.constant 0 : i32
    %add3A_212 = arith.addi %mul3A_210, %add3A_211 : i32
    %dma_wait3A = arith.constant 0 : i32
    %dma_wait3A_213 = tpu.memref_slice %arg7[%add3A_212, %dma_wait3A] : memref<10240x128xf32, #tpu.memory_space<vmem_shared>> -> memref<32x128xf32, #tpu.memory_space<vmem_shared>>
    %dma_wait3A_214 = arith.constant 0 : i32
    %dma_wait3A_215 = tpu.memref_slice %arg7[%add3A_212, %dma_wait3A_214] : memref<10240x128xf32, #tpu.memory_space<vmem_shared>> -> memref<32x128xf32, #tpu.memory_space<vmem_shared>>
    tpu.wait_dma2 semaphore(%arg19 : memref<!tpu.dma_semaphore, #tpu.memory_space<semaphore_mem>>) src(%arg13 : memref<32x128xf32, #tpu.memory_space<vmem>>) dst(%dma_wait3A_215 : memref<32x128xf32, #tpu.memory_space<vmem_shared>>)
    %mul3A_216 = arith.constant 640 : i32
    %mul3A_217 = arith.muli %arg1, %mul3A_216 : i32
    %add3A_218 = arith.constant 32 : i32
    %add3A_219 = arith.addi %mul3A_217, %add3A_218 : i32
    %dma_wait3A_220 = arith.constant 0 : i32
    %dma_wait3A_221 = tpu.memref_slice %arg7[%add3A_219, %dma_wait3A_220] : memref<10240x128xf32, #tpu.memory_space<vmem_shared>> -> memref<32x128xf32, #tpu.memory_space<vmem_shared>>
    %dma_wait3A_222 = arith.constant 0 : i32
    %dma_wait3A_223 = tpu.memref_slice %arg7[%add3A_219, %dma_wait3A_222] : memref<10240x128xf32, #tpu.memory_space<vmem_shared>> -> memref<32x128xf32, #tpu.memory_space<vmem_shared>>
    tpu.wait_dma2 semaphore(%arg20 : memref<!tpu.dma_semaphore, #tpu.memory_space<semaphore_mem>>) src(%arg13 : memref<32x128xf32, #tpu.memory_space<vmem>>) dst(%dma_wait3A_223 : memref<32x128xf32, #tpu.memory_space<vmem_shared>>)
    %mul3A_224 = arith.constant 640 : i32
    %mul3A_225 = arith.muli %arg1, %mul3A_224 : i32
    %add3A_226 = arith.constant 64 : i32
    %add3A_227 = arith.addi %mul3A_225, %add3A_226 : i32
    %dma_wait3A_228 = arith.constant 0 : i32
    %dma_wait3A_229 = tpu.memref_slice %arg7[%add3A_227, %dma_wait3A_228] : memref<10240x128xf32, #tpu.memory_space<vmem_shared>> -> memref<32x128xf32, #tpu.memory_space<vmem_shared>>
    %dma_wait3A_230 = arith.constant 0 : i32
    %dma_wait3A_231 = tpu.memref_slice %arg7[%add3A_227, %dma_wait3A_230] : memref<10240x128xf32, #tpu.memory_space<vmem_shared>> -> memref<32x128xf32, #tpu.memory_space<vmem_shared>>
    tpu.wait_dma2 semaphore(%arg19 : memref<!tpu.dma_semaphore, #tpu.memory_space<semaphore_mem>>) src(%arg13 : memref<32x128xf32, #tpu.memory_space<vmem>>) dst(%dma_wait3A_231 : memref<32x128xf32, #tpu.memory_space<vmem_shared>>)
    %mul3A_232 = arith.constant 640 : i32
    %mul3A_233 = arith.muli %arg1, %mul3A_232 : i32
    %add3A_234 = arith.constant 96 : i32
    %add3A_235 = arith.addi %mul3A_233, %add3A_234 : i32
    %dma_wait3A_236 = arith.constant 0 : i32
    %dma_wait3A_237 = tpu.memref_slice %arg7[%add3A_235, %dma_wait3A_236] : memref<10240x128xf32, #tpu.memory_space<vmem_shared>> -> memref<32x128xf32, #tpu.memory_space<vmem_shared>>
    %dma_wait3A_238 = arith.constant 0 : i32
    %dma_wait3A_239 = tpu.memref_slice %arg7[%add3A_235, %dma_wait3A_238] : memref<10240x128xf32, #tpu.memory_space<vmem_shared>> -> memref<32x128xf32, #tpu.memory_space<vmem_shared>>
    tpu.wait_dma2 semaphore(%arg20 : memref<!tpu.dma_semaphore, #tpu.memory_space<semaphore_mem>>) src(%arg13 : memref<32x128xf32, #tpu.memory_space<vmem>>) dst(%dma_wait3A_239 : memref<32x128xf32, #tpu.memory_space<vmem_shared>>)
    %mul3A_240 = arith.constant 640 : i32
    %mul3A_241 = arith.muli %arg1, %mul3A_240 : i32
    %add3A_242 = arith.constant 128 : i32
    %add3A_243 = arith.addi %mul3A_241, %add3A_242 : i32
    %dma_wait3A_244 = arith.constant 0 : i32
    %dma_wait3A_245 = tpu.memref_slice %arg7[%add3A_243, %dma_wait3A_244] : memref<10240x128xf32, #tpu.memory_space<vmem_shared>> -> memref<32x128xf32, #tpu.memory_space<vmem_shared>>
    %dma_wait3A_246 = arith.constant 0 : i32
    %dma_wait3A_247 = tpu.memref_slice %arg7[%add3A_243, %dma_wait3A_246] : memref<10240x128xf32, #tpu.memory_space<vmem_shared>> -> memref<32x128xf32, #tpu.memory_space<vmem_shared>>
    tpu.wait_dma2 semaphore(%arg19 : memref<!tpu.dma_semaphore, #tpu.memory_space<semaphore_mem>>) src(%arg13 : memref<32x128xf32, #tpu.memory_space<vmem>>) dst(%dma_wait3A_247 : memref<32x128xf32, #tpu.memory_space<vmem_shared>>)
    %mul3A_248 = arith.constant 640 : i32
    %mul3A_249 = arith.muli %arg1, %mul3A_248 : i32
    %add3A_250 = arith.constant 160 : i32
    %add3A_251 = arith.addi %mul3A_249, %add3A_250 : i32
    %dma_wait3A_252 = arith.constant 0 : i32
    %dma_wait3A_253 = tpu.memref_slice %arg7[%add3A_251, %dma_wait3A_252] : memref<10240x128xf32, #tpu.memory_space<vmem_shared>> -> memref<32x128xf32, #tpu.memory_space<vmem_shared>>
    %dma_wait3A_254 = arith.constant 0 : i32
    %dma_wait3A_255 = tpu.memref_slice %arg7[%add3A_251, %dma_wait3A_254] : memref<10240x128xf32, #tpu.memory_space<vmem_shared>> -> memref<32x128xf32, #tpu.memory_space<vmem_shared>>
    tpu.wait_dma2 semaphore(%arg20 : memref<!tpu.dma_semaphore, #tpu.memory_space<semaphore_mem>>) src(%arg13 : memref<32x128xf32, #tpu.memory_space<vmem>>) dst(%dma_wait3A_255 : memref<32x128xf32, #tpu.memory_space<vmem_shared>>)
    %mul3A_256 = arith.constant 640 : i32
    %mul3A_257 = arith.muli %arg1, %mul3A_256 : i32
    %add3A_258 = arith.constant 192 : i32
    %add3A_259 = arith.addi %mul3A_257, %add3A_258 : i32
    %dma_wait3A_260 = arith.constant 0 : i32
    %dma_wait3A_261 = tpu.memref_slice %arg7[%add3A_259, %dma_wait3A_260] : memref<10240x128xf32, #tpu.memory_space<vmem_shared>> -> memref<32x128xf32, #tpu.memory_space<vmem_shared>>
    %dma_wait3A_262 = arith.constant 0 : i32
    %dma_wait3A_263 = tpu.memref_slice %arg7[%add3A_259, %dma_wait3A_262] : memref<10240x128xf32, #tpu.memory_space<vmem_shared>> -> memref<32x128xf32, #tpu.memory_space<vmem_shared>>
    tpu.wait_dma2 semaphore(%arg19 : memref<!tpu.dma_semaphore, #tpu.memory_space<semaphore_mem>>) src(%arg13 : memref<32x128xf32, #tpu.memory_space<vmem>>) dst(%dma_wait3A_263 : memref<32x128xf32, #tpu.memory_space<vmem_shared>>)
    %mul3A_264 = arith.constant 640 : i32
    %mul3A_265 = arith.muli %arg1, %mul3A_264 : i32
    %add3A_266 = arith.constant 224 : i32
    %add3A_267 = arith.addi %mul3A_265, %add3A_266 : i32
    %dma_wait3A_268 = arith.constant 0 : i32
    %dma_wait3A_269 = tpu.memref_slice %arg7[%add3A_267, %dma_wait3A_268] : memref<10240x128xf32, #tpu.memory_space<vmem_shared>> -> memref<32x128xf32, #tpu.memory_space<vmem_shared>>
    %dma_wait3A_270 = arith.constant 0 : i32
    %dma_wait3A_271 = tpu.memref_slice %arg7[%add3A_267, %dma_wait3A_270] : memref<10240x128xf32, #tpu.memory_space<vmem_shared>> -> memref<32x128xf32, #tpu.memory_space<vmem_shared>>
    tpu.wait_dma2 semaphore(%arg20 : memref<!tpu.dma_semaphore, #tpu.memory_space<semaphore_mem>>) src(%arg13 : memref<32x128xf32, #tpu.memory_space<vmem>>) dst(%dma_wait3A_271 : memref<32x128xf32, #tpu.memory_space<vmem_shared>>)
    %mul3A_272 = arith.constant 640 : i32
    %mul3A_273 = arith.muli %arg1, %mul3A_272 : i32
    %add3A_274 = arith.constant 256 : i32
    %add3A_275 = arith.addi %mul3A_273, %add3A_274 : i32
    %dma_wait3A_276 = arith.constant 0 : i32
    %dma_wait3A_277 = tpu.memref_slice %arg7[%add3A_275, %dma_wait3A_276] : memref<10240x128xf32, #tpu.memory_space<vmem_shared>> -> memref<32x128xf32, #tpu.memory_space<vmem_shared>>
    %dma_wait3A_278 = arith.constant 0 : i32
    %dma_wait3A_279 = tpu.memref_slice %arg7[%add3A_275, %dma_wait3A_278] : memref<10240x128xf32, #tpu.memory_space<vmem_shared>> -> memref<32x128xf32, #tpu.memory_space<vmem_shared>>
    tpu.wait_dma2 semaphore(%arg19 : memref<!tpu.dma_semaphore, #tpu.memory_space<semaphore_mem>>) src(%arg13 : memref<32x128xf32, #tpu.memory_space<vmem>>) dst(%dma_wait3A_279 : memref<32x128xf32, #tpu.memory_space<vmem_shared>>)
    %mul3A_280 = arith.constant 640 : i32
    %mul3A_281 = arith.muli %arg1, %mul3A_280 : i32
    %add3A_282 = arith.constant 288 : i32
    %add3A_283 = arith.addi %mul3A_281, %add3A_282 : i32
    %dma_wait3A_284 = arith.constant 0 : i32
    %dma_wait3A_285 = tpu.memref_slice %arg7[%add3A_283, %dma_wait3A_284] : memref<10240x128xf32, #tpu.memory_space<vmem_shared>> -> memref<32x128xf32, #tpu.memory_space<vmem_shared>>
    %dma_wait3A_286 = arith.constant 0 : i32
    %dma_wait3A_287 = tpu.memref_slice %arg7[%add3A_283, %dma_wait3A_286] : memref<10240x128xf32, #tpu.memory_space<vmem_shared>> -> memref<32x128xf32, #tpu.memory_space<vmem_shared>>
    tpu.wait_dma2 semaphore(%arg20 : memref<!tpu.dma_semaphore, #tpu.memory_space<semaphore_mem>>) src(%arg13 : memref<32x128xf32, #tpu.memory_space<vmem>>) dst(%dma_wait3A_287 : memref<32x128xf32, #tpu.memory_space<vmem_shared>>)
    %mul3A_288 = arith.constant 640 : i32
    %mul3A_289 = arith.muli %arg1, %mul3A_288 : i32
    %add3A_290 = arith.constant 320 : i32
    %add3A_291 = arith.addi %mul3A_289, %add3A_290 : i32
    %dma_wait3A_292 = arith.constant 0 : i32
    %dma_wait3A_293 = tpu.memref_slice %arg7[%add3A_291, %dma_wait3A_292] : memref<10240x128xf32, #tpu.memory_space<vmem_shared>> -> memref<32x128xf32, #tpu.memory_space<vmem_shared>>
    %dma_wait3A_294 = arith.constant 0 : i32
    %dma_wait3A_295 = tpu.memref_slice %arg7[%add3A_291, %dma_wait3A_294] : memref<10240x128xf32, #tpu.memory_space<vmem_shared>> -> memref<32x128xf32, #tpu.memory_space<vmem_shared>>
    tpu.wait_dma2 semaphore(%arg19 : memref<!tpu.dma_semaphore, #tpu.memory_space<semaphore_mem>>) src(%arg13 : memref<32x128xf32, #tpu.memory_space<vmem>>) dst(%dma_wait3A_295 : memref<32x128xf32, #tpu.memory_space<vmem_shared>>)
    %mul3A_296 = arith.constant 640 : i32
    %mul3A_297 = arith.muli %arg1, %mul3A_296 : i32
    %add3A_298 = arith.constant 352 : i32
    %add3A_299 = arith.addi %mul3A_297, %add3A_298 : i32
    %dma_wait3A_300 = arith.constant 0 : i32
    %dma_wait3A_301 = tpu.memref_slice %arg7[%add3A_299, %dma_wait3A_300] : memref<10240x128xf32, #tpu.memory_space<vmem_shared>> -> memref<32x128xf32, #tpu.memory_space<vmem_shared>>
    %dma_wait3A_302 = arith.constant 0 : i32
    %dma_wait3A_303 = tpu.memref_slice %arg7[%add3A_299, %dma_wait3A_302] : memref<10240x128xf32, #tpu.memory_space<vmem_shared>> -> memref<32x128xf32, #tpu.memory_space<vmem_shared>>
    tpu.wait_dma2 semaphore(%arg20 : memref<!tpu.dma_semaphore, #tpu.memory_space<semaphore_mem>>) src(%arg13 : memref<32x128xf32, #tpu.memory_space<vmem>>) dst(%dma_wait3A_303 : memref<32x128xf32, #tpu.memory_space<vmem_shared>>)
    %mul3A_304 = arith.constant 640 : i32
    %mul3A_305 = arith.muli %arg1, %mul3A_304 : i32
    %add3A_306 = arith.constant 384 : i32
    %add3A_307 = arith.addi %mul3A_305, %add3A_306 : i32
    %dma_wait3A_308 = arith.constant 0 : i32
    %dma_wait3A_309 = tpu.memref_slice %arg7[%add3A_307, %dma_wait3A_308] : memref<10240x128xf32, #tpu.memory_space<vmem_shared>> -> memref<32x128xf32, #tpu.memory_space<vmem_shared>>
    %dma_wait3A_310 = arith.constant 0 : i32
    %dma_wait3A_311 = tpu.memref_slice %arg7[%add3A_307, %dma_wait3A_310] : memref<10240x128xf32, #tpu.memory_space<vmem_shared>> -> memref<32x128xf32, #tpu.memory_space<vmem_shared>>
    tpu.wait_dma2 semaphore(%arg19 : memref<!tpu.dma_semaphore, #tpu.memory_space<semaphore_mem>>) src(%arg13 : memref<32x128xf32, #tpu.memory_space<vmem>>) dst(%dma_wait3A_311 : memref<32x128xf32, #tpu.memory_space<vmem_shared>>)
    %mul3A_312 = arith.constant 640 : i32
    %mul3A_313 = arith.muli %arg1, %mul3A_312 : i32
    %add3A_314 = arith.constant 416 : i32
    %add3A_315 = arith.addi %mul3A_313, %add3A_314 : i32
    %dma_wait3A_316 = arith.constant 0 : i32
    %dma_wait3A_317 = tpu.memref_slice %arg7[%add3A_315, %dma_wait3A_316] : memref<10240x128xf32, #tpu.memory_space<vmem_shared>> -> memref<32x128xf32, #tpu.memory_space<vmem_shared>>
    %dma_wait3A_318 = arith.constant 0 : i32
    %dma_wait3A_319 = tpu.memref_slice %arg7[%add3A_315, %dma_wait3A_318] : memref<10240x128xf32, #tpu.memory_space<vmem_shared>> -> memref<32x128xf32, #tpu.memory_space<vmem_shared>>
    tpu.wait_dma2 semaphore(%arg20 : memref<!tpu.dma_semaphore, #tpu.memory_space<semaphore_mem>>) src(%arg13 : memref<32x128xf32, #tpu.memory_space<vmem>>) dst(%dma_wait3A_319 : memref<32x128xf32, #tpu.memory_space<vmem_shared>>)
    %mul3A_320 = arith.constant 640 : i32
    %mul3A_321 = arith.muli %arg1, %mul3A_320 : i32
    %add3A_322 = arith.constant 448 : i32
    %add3A_323 = arith.addi %mul3A_321, %add3A_322 : i32
    %dma_wait3A_324 = arith.constant 0 : i32
    %dma_wait3A_325 = tpu.memref_slice %arg7[%add3A_323, %dma_wait3A_324] : memref<10240x128xf32, #tpu.memory_space<vmem_shared>> -> memref<32x128xf32, #tpu.memory_space<vmem_shared>>
    %dma_wait3A_326 = arith.constant 0 : i32
    %dma_wait3A_327 = tpu.memref_slice %arg7[%add3A_323, %dma_wait3A_326] : memref<10240x128xf32, #tpu.memory_space<vmem_shared>> -> memref<32x128xf32, #tpu.memory_space<vmem_shared>>
    tpu.wait_dma2 semaphore(%arg19 : memref<!tpu.dma_semaphore, #tpu.memory_space<semaphore_mem>>) src(%arg13 : memref<32x128xf32, #tpu.memory_space<vmem>>) dst(%dma_wait3A_327 : memref<32x128xf32, #tpu.memory_space<vmem_shared>>)
    %mul3A_328 = arith.constant 640 : i32
    %mul3A_329 = arith.muli %arg1, %mul3A_328 : i32
    %add3A_330 = arith.constant 480 : i32
    %add3A_331 = arith.addi %mul3A_329, %add3A_330 : i32
    %dma_wait3A_332 = arith.constant 0 : i32
    %dma_wait3A_333 = tpu.memref_slice %arg7[%add3A_331, %dma_wait3A_332] : memref<10240x128xf32, #tpu.memory_space<vmem_shared>> -> memref<32x128xf32, #tpu.memory_space<vmem_shared>>
    %dma_wait3A_334 = arith.constant 0 : i32
    %dma_wait3A_335 = tpu.memref_slice %arg7[%add3A_331, %dma_wait3A_334] : memref<10240x128xf32, #tpu.memory_space<vmem_shared>> -> memref<32x128xf32, #tpu.memory_space<vmem_shared>>
    tpu.wait_dma2 semaphore(%arg20 : memref<!tpu.dma_semaphore, #tpu.memory_space<semaphore_mem>>) src(%arg13 : memref<32x128xf32, #tpu.memory_space<vmem>>) dst(%dma_wait3A_335 : memref<32x128xf32, #tpu.memory_space<vmem_shared>>)
    %mul3A_336 = arith.constant 640 : i32
    %mul3A_337 = arith.muli %arg1, %mul3A_336 : i32
    %add3A_338 = arith.constant 512 : i32
    %add3A_339 = arith.addi %mul3A_337, %add3A_338 : i32
    %dma_wait3A_340 = arith.constant 0 : i32
    %dma_wait3A_341 = tpu.memref_slice %arg7[%add3A_339, %dma_wait3A_340] : memref<10240x128xf32, #tpu.memory_space<vmem_shared>> -> memref<32x128xf32, #tpu.memory_space<vmem_shared>>
    %dma_wait3A_342 = arith.constant 0 : i32
    %dma_wait3A_343 = tpu.memref_slice %arg7[%add3A_339, %dma_wait3A_342] : memref<10240x128xf32, #tpu.memory_space<vmem_shared>> -> memref<32x128xf32, #tpu.memory_space<vmem_shared>>
    tpu.wait_dma2 semaphore(%arg19 : memref<!tpu.dma_semaphore, #tpu.memory_space<semaphore_mem>>) src(%arg13 : memref<32x128xf32, #tpu.memory_space<vmem>>) dst(%dma_wait3A_343 : memref<32x128xf32, #tpu.memory_space<vmem_shared>>)
    %mul3A_344 = arith.constant 640 : i32
    %mul3A_345 = arith.muli %arg1, %mul3A_344 : i32
    %add3A_346 = arith.constant 544 : i32
    %add3A_347 = arith.addi %mul3A_345, %add3A_346 : i32
    %dma_wait3A_348 = arith.constant 0 : i32
    %dma_wait3A_349 = tpu.memref_slice %arg7[%add3A_347, %dma_wait3A_348] : memref<10240x128xf32, #tpu.memory_space<vmem_shared>> -> memref<32x128xf32, #tpu.memory_space<vmem_shared>>
    %dma_wait3A_350 = arith.constant 0 : i32
    %dma_wait3A_351 = tpu.memref_slice %arg7[%add3A_347, %dma_wait3A_350] : memref<10240x128xf32, #tpu.memory_space<vmem_shared>> -> memref<32x128xf32, #tpu.memory_space<vmem_shared>>
    tpu.wait_dma2 semaphore(%arg20 : memref<!tpu.dma_semaphore, #tpu.memory_space<semaphore_mem>>) src(%arg13 : memref<32x128xf32, #tpu.memory_space<vmem>>) dst(%dma_wait3A_351 : memref<32x128xf32, #tpu.memory_space<vmem_shared>>)
    %mul3A_352 = arith.constant 640 : i32
    %mul3A_353 = arith.muli %arg1, %mul3A_352 : i32
    %add3A_354 = arith.constant 576 : i32
    %add3A_355 = arith.addi %mul3A_353, %add3A_354 : i32
    %dma_wait3A_356 = arith.constant 0 : i32
    %dma_wait3A_357 = tpu.memref_slice %arg7[%add3A_355, %dma_wait3A_356] : memref<10240x128xf32, #tpu.memory_space<vmem_shared>> -> memref<32x128xf32, #tpu.memory_space<vmem_shared>>
    %dma_wait3A_358 = arith.constant 0 : i32
    %dma_wait3A_359 = tpu.memref_slice %arg7[%add3A_355, %dma_wait3A_358] : memref<10240x128xf32, #tpu.memory_space<vmem_shared>> -> memref<32x128xf32, #tpu.memory_space<vmem_shared>>
    tpu.wait_dma2 semaphore(%arg19 : memref<!tpu.dma_semaphore, #tpu.memory_space<semaphore_mem>>) src(%arg13 : memref<32x128xf32, #tpu.memory_space<vmem>>) dst(%dma_wait3A_359 : memref<32x128xf32, #tpu.memory_space<vmem_shared>>)
    %mul3A_360 = arith.constant 640 : i32
    %mul3A_361 = arith.muli %arg1, %mul3A_360 : i32
    %add3A_362 = arith.constant 608 : i32
    %add3A_363 = arith.addi %mul3A_361, %add3A_362 : i32
    %dma_wait3A_364 = arith.constant 0 : i32
    %dma_wait3A_365 = tpu.memref_slice %arg7[%add3A_363, %dma_wait3A_364] : memref<10240x128xf32, #tpu.memory_space<vmem_shared>> -> memref<32x128xf32, #tpu.memory_space<vmem_shared>>
    %dma_wait3A_366 = arith.constant 0 : i32
    %dma_wait3A_367 = tpu.memref_slice %arg7[%add3A_363, %dma_wait3A_366] : memref<10240x128xf32, #tpu.memory_space<vmem_shared>> -> memref<32x128xf32, #tpu.memory_space<vmem_shared>>
    tpu.wait_dma2 semaphore(%arg20 : memref<!tpu.dma_semaphore, #tpu.memory_space<semaphore_mem>>) src(%arg13 : memref<32x128xf32, #tpu.memory_space<vmem>>) dst(%dma_wait3A_367 : memref<32x128xf32, #tpu.memory_space<vmem_shared>>)
    %barrier3A = arith.constant 0 : index
    tpu.barrier barrier_id(%barrier3A)
    %scan3A_368 = arith.constant 0 : i32
    %scan3A_369 = arith.constant 0 : i32
    %scan3A_370 = arith.constant 5 : i32
    %scan3A_371 = arith.addi %scan3A_369, %scan3A_370 : i32
    %scan3A_372 = arith.constant 1 : i32
    %scan3A_373 = scf.for %scan3A_540 = %scan3A_369 to %scan3A_371 step %scan3A_372 iter_args(%scan3A_541 = %scan3A_368) -> (i32)  : i32 {
      %rem3A = arith.constant 2 : i32
      %rem3A_542 = arith.remsi %scan3A_540, %rem3A : i32
      %sub3A = arith.constant 1 : i32
      %sub3A_543 = arith.subi %sub3A, %rem3A_542 : i32
      %lt3A = arith.constant 4 : i32
      %lt3A_544 = arith.cmpi slt, %scan3A_540, %lt3A : i32
      %convert_element_type3A = arith.extui %lt3A_544 : i1 to i32
      %cond3A = arith.constant 0 : i32
      %cond3A_545 = arith.cmpi ne, %convert_element_type3A, %cond3A : i32
      scf.if %cond3A_545 {
        %add3A_554 = arith.constant 1 : i32
        %add3A_555 = arith.addi %scan3A_540, %add3A_554 : i32
        %mul3A_556 = arith.constant 16 : i32
        %mul3A_557 = arith.muli %add3A_555, %mul3A_556 : i32
        %add3A_558 = arith.addi %mul3A_183, %mul3A_557 : i32
        %dma_start3A_559 = arith.constant 0 : i32
        %dma_start3A_560 = arith.constant 0 : i32
        %dma_start3A_561 = tpu.memref_slice %arg9[%sub3A_543, %dma_start3A_559, %dma_start3A_560] : memref<2x16x128xi32, #tpu.memory_space<vmem>> -> memref<1x16x128xi32, #tpu.memory_space<vmem>>
        %dma_start3A_562 = tpu.memref_squeeze %dma_start3A_561 : memref<1x16x128xi32, #tpu.memory_space<vmem>> -> memref<16x128xi32, #tpu.memory_space<vmem>>
        %dma_start3A_563 = arith.constant 0 : i32
        %dma_start3A_564 = tpu.memref_slice %arg3[%add3A_558, %dma_start3A_563] : memref<2560x128xi32, #tpu.memory_space<hbm>> -> memref<16x128xi32, #tpu.memory_space<hbm>>
        %dma_start3A_565 = arith.constant 0 : i32
        %dma_start3A_566 = arith.constant 0 : i32
        %dma_start3A_567 = tpu.memref_slice %arg9[%sub3A_543, %dma_start3A_565, %dma_start3A_566] : memref<2x16x128xi32, #tpu.memory_space<vmem>> -> memref<1x16x128xi32, #tpu.memory_space<vmem>>
        %dma_start3A_568 = tpu.memref_squeeze %dma_start3A_567 : memref<1x16x128xi32, #tpu.memory_space<vmem>> -> memref<16x128xi32, #tpu.memory_space<vmem>>
        %dma_start3A_569 = arith.constant 0 : i32
        %dma_start3A_570 = tpu.memref_slice %arg3[%add3A_558, %dma_start3A_569] : memref<2560x128xi32, #tpu.memory_space<hbm>> -> memref<16x128xi32, #tpu.memory_space<hbm>>
        tpu.enqueue_dma source(%dma_start3A_570 : memref<16x128xi32, #tpu.memory_space<hbm>>) target(%dma_start3A_568 : memref<16x128xi32, #tpu.memory_space<vmem>>) target_semaphore(%arg21 : memref<!tpu.dma_semaphore, #tpu.memory_space<semaphore_mem>>)
        %dma_start3A_571 = arith.constant 0 : i32
        %dma_start3A_572 = arith.constant 0 : i32
        %dma_start3A_573 = tpu.memref_slice %arg10[%sub3A_543, %dma_start3A_571, %dma_start3A_572] : memref<2x16x128xi32, #tpu.memory_space<vmem>> -> memref<1x16x128xi32, #tpu.memory_space<vmem>>
        %dma_start3A_574 = tpu.memref_squeeze %dma_start3A_573 : memref<1x16x128xi32, #tpu.memory_space<vmem>> -> memref<16x128xi32, #tpu.memory_space<vmem>>
        %dma_start3A_575 = arith.constant 0 : i32
        %dma_start3A_576 = tpu.memref_slice %arg4[%add3A_558, %dma_start3A_575] : memref<2560x128xi32, #tpu.memory_space<hbm>> -> memref<16x128xi32, #tpu.memory_space<hbm>>
        %dma_start3A_577 = arith.constant 0 : i32
        %dma_start3A_578 = arith.constant 0 : i32
        %dma_start3A_579 = tpu.memref_slice %arg10[%sub3A_543, %dma_start3A_577, %dma_start3A_578] : memref<2x16x128xi32, #tpu.memory_space<vmem>> -> memref<1x16x128xi32, #tpu.memory_space<vmem>>
        %dma_start3A_580 = tpu.memref_squeeze %dma_start3A_579 : memref<1x16x128xi32, #tpu.memory_space<vmem>> -> memref<16x128xi32, #tpu.memory_space<vmem>>
        %dma_start3A_581 = arith.constant 0 : i32
        %dma_start3A_582 = tpu.memref_slice %arg4[%add3A_558, %dma_start3A_581] : memref<2560x128xi32, #tpu.memory_space<hbm>> -> memref<16x128xi32, #tpu.memory_space<hbm>>
        tpu.enqueue_dma source(%dma_start3A_582 : memref<16x128xi32, #tpu.memory_space<hbm>>) target(%dma_start3A_580 : memref<16x128xi32, #tpu.memory_space<vmem>>) target_semaphore(%arg22 : memref<!tpu.dma_semaphore, #tpu.memory_space<semaphore_mem>>)
      } else {
      }
      %scan3A_546 = arith.constant 0 : i32
      %scan3A_547 = arith.constant 0 : i32
      %scan3A_548 = arith.constant 8 : i32
      %scan3A_549 = arith.addi %scan3A_547, %scan3A_548 : i32
      %scan3A_550 = arith.constant 1 : i32
      %scan3A_551 = scf.for %scan3A_554 = %scan3A_547 to %scan3A_549 step %scan3A_550 iter_args(%scan3A_555 = %scan3A_546) -> (i32)  : i32 {
        %mul3A_556 = arith.constant 2 : i32
        %mul3A_557 = arith.muli %scan3A_554, %mul3A_556 : i32
        %add3A_558 = arith.constant 0 : i32
        %add3A_559 = arith.addi %mul3A_557, %add3A_558 : i32
        %dma_wait3A_560 = arith.constant 0 : i32
        %dma_wait3A_561 = arith.constant 0 : i32
        %dma_wait3A_562 = tpu.memref_slice %arg9[%rem3A_542, %dma_wait3A_560, %dma_wait3A_561] : memref<2x16x128xi32, #tpu.memory_space<vmem>> -> memref<1x16x128xi32, #tpu.memory_space<vmem>>
        %dma_wait3A_563 = tpu.memref_squeeze %dma_wait3A_562 : memref<1x16x128xi32, #tpu.memory_space<vmem>> -> memref<16x128xi32, #tpu.memory_space<vmem>>
        %dma_wait3A_564 = arith.constant 0 : i32
        %dma_wait3A_565 = tpu.memref_slice %dma_wait3A_563[%add3A_559, %dma_wait3A_564] : memref<16x128xi32, #tpu.memory_space<vmem>> -> memref<1x128xi32, #tpu.memory_space<vmem>>
        %dma_wait3A_566 = tpu.memref_squeeze %dma_wait3A_565 : memref<1x128xi32, #tpu.memory_space<vmem>> -> memref<128xi32, #tpu.memory_space<vmem>>
        %dma_wait3A_567 = arith.constant 0 : i32
        %dma_wait3A_568 = arith.constant 0 : i32
        %dma_wait3A_569 = tpu.memref_slice %arg2[%dma_wait3A_567, %dma_wait3A_568] : memref<10000x128xf32, #tpu.memory_space<hbm>> -> memref<10000x128xf32, #tpu.memory_space<hbm>>
        tpu.wait_indirect_dma semaphore(%arg17 : memref<!tpu.dma_semaphore, #tpu.memory_space<semaphore_mem>>) src(%dma_wait3A_569 : memref<10000x128xf32, #tpu.memory_space<hbm>>) dst(%arg11 : memref<128x128xf32, #tpu.memory_space<vmem>>)
        %dma_start3A_570 = arith.constant 0 : i32
        %dma_start3A_571 = arith.constant 0 : i32
        %dma_start3A_572 = tpu.memref_slice %arg10[%rem3A_542, %dma_start3A_570, %dma_start3A_571] : memref<2x16x128xi32, #tpu.memory_space<vmem>> -> memref<1x16x128xi32, #tpu.memory_space<vmem>>
        %dma_start3A_573 = tpu.memref_squeeze %dma_start3A_572 : memref<1x16x128xi32, #tpu.memory_space<vmem>> -> memref<16x128xi32, #tpu.memory_space<vmem>>
        %dma_start3A_574 = arith.constant 0 : i32
        %dma_start3A_575 = tpu.memref_slice %dma_start3A_573[%add3A_559, %dma_start3A_574] : memref<16x128xi32, #tpu.memory_space<vmem>> -> memref<1x128xi32, #tpu.memory_space<vmem>>
        %dma_start3A_576 = tpu.memref_squeeze %dma_start3A_575 : memref<1x128xi32, #tpu.memory_space<vmem>> -> memref<128xi32, #tpu.memory_space<vmem>>
        %dma_start3A_577 = arith.constant 0 : i32
        %dma_start3A_578 = arith.constant 0 : i32
        %dma_start3A_579 = tpu.memref_slice %arg7[%dma_start3A_577, %dma_start3A_578] : memref<10240x128xf32, #tpu.memory_space<vmem_shared>> -> memref<10240x128xf32, #tpu.memory_space<vmem_shared>>
        tpu.enqueue_indirect_dma source(%arg11 : memref<128x128xf32, #tpu.memory_space<vmem>>) target(%dma_start3A_579 : memref<10240x128xf32, #tpu.memory_space<vmem_shared>>) offsets(%dma_start3A_576 : memref<128xi32, #tpu.memory_space<vmem>>) semaphore(%arg19 : memref<!tpu.dma_semaphore, #tpu.memory_space<semaphore_mem>>) {add = true}
        %dma_start3A_580 = arith.constant 0 : i32
        %dma_start3A_581 = arith.constant 0 : i32
        %dma_start3A_582 = tpu.memref_slice %arg10[%rem3A_542, %dma_start3A_580, %dma_start3A_581] : memref<2x16x128xi32, #tpu.memory_space<vmem>> -> memref<1x16x128xi32, #tpu.memory_space<vmem>>
        %dma_start3A_583 = tpu.memref_squeeze %dma_start3A_582 : memref<1x16x128xi32, #tpu.memory_space<vmem>> -> memref<16x128xi32, #tpu.memory_space<vmem>>
        %dma_start3A_584 = arith.constant 0 : i32
        %dma_start3A_585 = tpu.memref_slice %dma_start3A_583[%add3A_559, %dma_start3A_584] : memref<16x128xi32, #tpu.memory_space<vmem>> -> memref<1x128xi32, #tpu.memory_space<vmem>>
        %dma_start3A_586 = tpu.memref_squeeze %dma_start3A_585 : memref<1x128xi32, #tpu.memory_space<vmem>> -> memref<128xi32, #tpu.memory_space<vmem>>
        %dma_start3A_587 = arith.constant 0 : i32
        %dma_start3A_588 = tpu.memref_slice %arg8[%dma_start3A_587] : memref<10240xf32, #tpu.memory_space<vmem_shared>> -> memref<10240xf32, #tpu.memory_space<vmem_shared>>
        tpu.enqueue_indirect_dma source(%arg15 : memref<128xf32, #tpu.memory_space<vmem>>) target(%dma_start3A_588 : memref<10240xf32, #tpu.memory_space<vmem_shared>>) offsets(%dma_start3A_586 : memref<128xi32, #tpu.memory_space<vmem>>) semaphore(%arg19 : memref<!tpu.dma_semaphore, #tpu.memory_space<semaphore_mem>>) {add = true}
        %mul3A_589 = arith.constant 2 : i32
        %mul3A_590 = arith.muli %scan3A_554, %mul3A_589 : i32
        %add3A_591 = arith.constant 1 : i32
        %add3A_592 = arith.addi %mul3A_590, %add3A_591 : i32
        %dma_wait3A_593 = arith.constant 0 : i32
        %dma_wait3A_594 = arith.constant 0 : i32
        %dma_wait3A_595 = tpu.memref_slice %arg9[%rem3A_542, %dma_wait3A_593, %dma_wait3A_594] : memref<2x16x128xi32, #tpu.memory_space<vmem>> -> memref<1x16x128xi32, #tpu.memory_space<vmem>>
        %dma_wait3A_596 = tpu.memref_squeeze %dma_wait3A_595 : memref<1x16x128xi32, #tpu.memory_space<vmem>> -> memref<16x128xi32, #tpu.memory_space<vmem>>
        %dma_wait3A_597 = arith.constant 0 : i32
        %dma_wait3A_598 = tpu.memref_slice %dma_wait3A_596[%add3A_592, %dma_wait3A_597] : memref<16x128xi32, #tpu.memory_space<vmem>> -> memref<1x128xi32, #tpu.memory_space<vmem>>
        %dma_wait3A_599 = tpu.memref_squeeze %dma_wait3A_598 : memref<1x128xi32, #tpu.memory_space<vmem>> -> memref<128xi32, #tpu.memory_space<vmem>>
        %dma_wait3A_600 = arith.constant 0 : i32
        %dma_wait3A_601 = arith.constant 0 : i32
        %dma_wait3A_602 = tpu.memref_slice %arg2[%dma_wait3A_600, %dma_wait3A_601] : memref<10000x128xf32, #tpu.memory_space<hbm>> -> memref<10000x128xf32, #tpu.memory_space<hbm>>
        tpu.wait_indirect_dma semaphore(%arg18 : memref<!tpu.dma_semaphore, #tpu.memory_space<semaphore_mem>>) src(%dma_wait3A_602 : memref<10000x128xf32, #tpu.memory_space<hbm>>) dst(%arg12 : memref<128x128xf32, #tpu.memory_space<vmem>>)
        %dma_start3A_603 = arith.constant 0 : i32
        %dma_start3A_604 = arith.constant 0 : i32
        %dma_start3A_605 = tpu.memref_slice %arg10[%rem3A_542, %dma_start3A_603, %dma_start3A_604] : memref<2x16x128xi32, #tpu.memory_space<vmem>> -> memref<1x16x128xi32, #tpu.memory_space<vmem>>
        %dma_start3A_606 = tpu.memref_squeeze %dma_start3A_605 : memref<1x16x128xi32, #tpu.memory_space<vmem>> -> memref<16x128xi32, #tpu.memory_space<vmem>>
        %dma_start3A_607 = arith.constant 0 : i32
        %dma_start3A_608 = tpu.memref_slice %dma_start3A_606[%add3A_592, %dma_start3A_607] : memref<16x128xi32, #tpu.memory_space<vmem>> -> memref<1x128xi32, #tpu.memory_space<vmem>>
        %dma_start3A_609 = tpu.memref_squeeze %dma_start3A_608 : memref<1x128xi32, #tpu.memory_space<vmem>> -> memref<128xi32, #tpu.memory_space<vmem>>
        %dma_start3A_610 = arith.constant 0 : i32
        %dma_start3A_611 = arith.constant 0 : i32
        %dma_start3A_612 = tpu.memref_slice %arg7[%dma_start3A_610, %dma_start3A_611] : memref<10240x128xf32, #tpu.memory_space<vmem_shared>> -> memref<10240x128xf32, #tpu.memory_space<vmem_shared>>
        tpu.enqueue_indirect_dma source(%arg12 : memref<128x128xf32, #tpu.memory_space<vmem>>) target(%dma_start3A_612 : memref<10240x128xf32, #tpu.memory_space<vmem_shared>>) offsets(%dma_start3A_609 : memref<128xi32, #tpu.memory_space<vmem>>) semaphore(%arg20 : memref<!tpu.dma_semaphore, #tpu.memory_space<semaphore_mem>>) {add = true}
        %dma_start3A_613 = arith.constant 0 : i32
        %dma_start3A_614 = arith.constant 0 : i32
        %dma_start3A_615 = tpu.memref_slice %arg10[%rem3A_542, %dma_start3A_613, %dma_start3A_614] : memref<2x16x128xi32, #tpu.memory_space<vmem>> -> memref<1x16x128xi32, #tpu.memory_space<vmem>>
        %dma_start3A_616 = tpu.memref_squeeze %dma_start3A_615 : memref<1x16x128xi32, #tpu.memory_space<vmem>> -> memref<16x128xi32, #tpu.memory_space<vmem>>
        %dma_start3A_617 = arith.constant 0 : i32
        %dma_start3A_618 = tpu.memref_slice %dma_start3A_616[%add3A_592, %dma_start3A_617] : memref<16x128xi32, #tpu.memory_space<vmem>> -> memref<1x128xi32, #tpu.memory_space<vmem>>
        %dma_start3A_619 = tpu.memref_squeeze %dma_start3A_618 : memref<1x128xi32, #tpu.memory_space<vmem>> -> memref<128xi32, #tpu.memory_space<vmem>>
        %dma_start3A_620 = arith.constant 0 : i32
        %dma_start3A_621 = tpu.memref_slice %arg8[%dma_start3A_620] : memref<10240xf32, #tpu.memory_space<vmem_shared>> -> memref<10240xf32, #tpu.memory_space<vmem_shared>>
        tpu.enqueue_indirect_dma source(%arg15 : memref<128xf32, #tpu.memory_space<vmem>>) target(%dma_start3A_621 : memref<10240xf32, #tpu.memory_space<vmem_shared>>) offsets(%dma_start3A_619 : memref<128xi32, #tpu.memory_space<vmem>>) semaphore(%arg20 : memref<!tpu.dma_semaphore, #tpu.memory_space<semaphore_mem>>) {add = true}
        %mul3A_622 = arith.constant 2 : i32
        %mul3A_623 = arith.muli %scan3A_554, %mul3A_622 : i32
        %add3A_624 = arith.constant 0 : i32
        %add3A_625 = arith.addi %mul3A_623, %add3A_624 : i32
        %dma_wait3A_626 = arith.constant 0 : i32
        %dma_wait3A_627 = arith.constant 0 : i32
        %dma_wait3A_628 = tpu.memref_slice %arg10[%rem3A_542, %dma_wait3A_626, %dma_wait3A_627] : memref<2x16x128xi32, #tpu.memory_space<vmem>> -> memref<1x16x128xi32, #tpu.memory_space<vmem>>
        %dma_wait3A_629 = tpu.memref_squeeze %dma_wait3A_628 : memref<1x16x128xi32, #tpu.memory_space<vmem>> -> memref<16x128xi32, #tpu.memory_space<vmem>>
        %dma_wait3A_630 = arith.constant 0 : i32
        %dma_wait3A_631 = tpu.memref_slice %dma_wait3A_629[%add3A_625, %dma_wait3A_630] : memref<16x128xi32, #tpu.memory_space<vmem>> -> memref<1x128xi32, #tpu.memory_space<vmem>>
        %dma_wait3A_632 = tpu.memref_squeeze %dma_wait3A_631 : memref<1x128xi32, #tpu.memory_space<vmem>> -> memref<128xi32, #tpu.memory_space<vmem>>
        %dma_wait3A_633 = arith.constant 0 : i32
        %dma_wait3A_634 = arith.constant 0 : i32
        %dma_wait3A_635 = tpu.memref_slice %arg7[%dma_wait3A_633, %dma_wait3A_634] : memref<10240x128xf32, #tpu.memory_space<vmem_shared>> -> memref<10240x128xf32, #tpu.memory_space<vmem_shared>>
        tpu.wait_indirect_dma semaphore(%arg19 : memref<!tpu.dma_semaphore, #tpu.memory_space<semaphore_mem>>) src(%arg11 : memref<128x128xf32, #tpu.memory_space<vmem>>) dst(%dma_wait3A_635 : memref<10240x128xf32, #tpu.memory_space<vmem_shared>>)
        %dma_wait3A_636 = arith.constant 0 : i32
        %dma_wait3A_637 = arith.constant 0 : i32
        %dma_wait3A_638 = tpu.memref_slice %arg10[%rem3A_542, %dma_wait3A_636, %dma_wait3A_637] : memref<2x16x128xi32, #tpu.memory_space<vmem>> -> memref<1x16x128xi32, #tpu.memory_space<vmem>>
        %dma_wait3A_639 = tpu.memref_squeeze %dma_wait3A_638 : memref<1x16x128xi32, #tpu.memory_space<vmem>> -> memref<16x128xi32, #tpu.memory_space<vmem>>
        %dma_wait3A_640 = arith.constant 0 : i32
        %dma_wait3A_641 = tpu.memref_slice %dma_wait3A_639[%add3A_625, %dma_wait3A_640] : memref<16x128xi32, #tpu.memory_space<vmem>> -> memref<1x128xi32, #tpu.memory_space<vmem>>
        %dma_wait3A_642 = tpu.memref_squeeze %dma_wait3A_641 : memref<1x128xi32, #tpu.memory_space<vmem>> -> memref<128xi32, #tpu.memory_space<vmem>>
        %dma_wait3A_643 = arith.constant 0 : i32
        %dma_wait3A_644 = tpu.memref_slice %arg8[%dma_wait3A_643] : memref<10240xf32, #tpu.memory_space<vmem_shared>> -> memref<10240xf32, #tpu.memory_space<vmem_shared>>
        tpu.wait_indirect_dma semaphore(%arg19 : memref<!tpu.dma_semaphore, #tpu.memory_space<semaphore_mem>>) src(%arg15 : memref<128xf32, #tpu.memory_space<vmem>>) dst(%dma_wait3A_644 : memref<10240xf32, #tpu.memory_space<vmem_shared>>)
        %mul3A_645 = arith.constant 2 : i32
        %mul3A_646 = arith.muli %scan3A_554, %mul3A_645 : i32
        %add3A_647 = arith.constant 1 : i32
        %add3A_648 = arith.addi %mul3A_646, %add3A_647 : i32
        %dma_wait3A_649 = arith.constant 0 : i32
        %dma_wait3A_650 = arith.constant 0 : i32
        %dma_wait3A_651 = tpu.memref_slice %arg10[%rem3A_542, %dma_wait3A_649, %dma_wait3A_650] : memref<2x16x128xi32, #tpu.memory_space<vmem>> -> memref<1x16x128xi32, #tpu.memory_space<vmem>>
        %dma_wait3A_652 = tpu.memref_squeeze %dma_wait3A_651 : memref<1x16x128xi32, #tpu.memory_space<vmem>> -> memref<16x128xi32, #tpu.memory_space<vmem>>
        %dma_wait3A_653 = arith.constant 0 : i32
        %dma_wait3A_654 = tpu.memref_slice %dma_wait3A_652[%add3A_648, %dma_wait3A_653] : memref<16x128xi32, #tpu.memory_space<vmem>> -> memref<1x128xi32, #tpu.memory_space<vmem>>
        %dma_wait3A_655 = tpu.memref_squeeze %dma_wait3A_654 : memref<1x128xi32, #tpu.memory_space<vmem>> -> memref<128xi32, #tpu.memory_space<vmem>>
        %dma_wait3A_656 = arith.constant 0 : i32
        %dma_wait3A_657 = arith.constant 0 : i32
        %dma_wait3A_658 = tpu.memref_slice %arg7[%dma_wait3A_656, %dma_wait3A_657] : memref<10240x128xf32, #tpu.memory_space<vmem_shared>> -> memref<10240x128xf32, #tpu.memory_space<vmem_shared>>
        tpu.wait_indirect_dma semaphore(%arg20 : memref<!tpu.dma_semaphore, #tpu.memory_space<semaphore_mem>>) src(%arg12 : memref<128x128xf32, #tpu.memory_space<vmem>>) dst(%dma_wait3A_658 : memref<10240x128xf32, #tpu.memory_space<vmem_shared>>)
        %dma_wait3A_659 = arith.constant 0 : i32
        %dma_wait3A_660 = arith.constant 0 : i32
        %dma_wait3A_661 = tpu.memref_slice %arg10[%rem3A_542, %dma_wait3A_659, %dma_wait3A_660] : memref<2x16x128xi32, #tpu.memory_space<vmem>> -> memref<1x16x128xi32, #tpu.memory_space<vmem>>
        %dma_wait3A_662 = tpu.memref_squeeze %dma_wait3A_661 : memref<1x16x128xi32, #tpu.memory_space<vmem>> -> memref<16x128xi32, #tpu.memory_space<vmem>>
        %dma_wait3A_663 = arith.constant 0 : i32
        %dma_wait3A_664 = tpu.memref_slice %dma_wait3A_662[%add3A_648, %dma_wait3A_663] : memref<16x128xi32, #tpu.memory_space<vmem>> -> memref<1x128xi32, #tpu.memory_space<vmem>>
        %dma_wait3A_665 = tpu.memref_squeeze %dma_wait3A_664 : memref<1x128xi32, #tpu.memory_space<vmem>> -> memref<128xi32, #tpu.memory_space<vmem>>
        %dma_wait3A_666 = arith.constant 0 : i32
        %dma_wait3A_667 = tpu.memref_slice %arg8[%dma_wait3A_666] : memref<10240xf32, #tpu.memory_space<vmem_shared>> -> memref<10240xf32, #tpu.memory_space<vmem_shared>>
        tpu.wait_indirect_dma semaphore(%arg20 : memref<!tpu.dma_semaphore, #tpu.memory_space<semaphore_mem>>) src(%arg15 : memref<128xf32, #tpu.memory_space<vmem>>) dst(%dma_wait3A_667 : memref<10240xf32, #tpu.memory_space<vmem_shared>>)
        %lt3A_668 = arith.constant 7 : i32
        %lt3A_669 = arith.cmpi slt, %scan3A_554, %lt3A_668 : i32
        %convert_element_type3A_670 = arith.extui %lt3A_669 : i1 to i32
        %cond3A_671 = arith.constant 0 : i32
        %cond3A_672 = arith.cmpi ne, %convert_element_type3A_670, %cond3A_671 : i32
        scf.if %cond3A_672 {
          %add3A_680 = arith.constant 1 : i32
          %add3A_681 = arith.addi %scan3A_554, %add3A_680 : i32
          %mul3A_682 = arith.constant 2 : i32
          %mul3A_683 = arith.muli %add3A_681, %mul3A_682 : i32
          %add3A_684 = arith.constant 0 : i32
          %add3A_685 = arith.addi %mul3A_683, %add3A_684 : i32
          %dma_start3A_686 = arith.constant 0 : i32
          %dma_start3A_687 = arith.constant 0 : i32
          %dma_start3A_688 = tpu.memref_slice %arg9[%rem3A_542, %dma_start3A_686, %dma_start3A_687] : memref<2x16x128xi32, #tpu.memory_space<vmem>> -> memref<1x16x128xi32, #tpu.memory_space<vmem>>
          %dma_start3A_689 = tpu.memref_squeeze %dma_start3A_688 : memref<1x16x128xi32, #tpu.memory_space<vmem>> -> memref<16x128xi32, #tpu.memory_space<vmem>>
          %dma_start3A_690 = arith.constant 0 : i32
          %dma_start3A_691 = tpu.memref_slice %dma_start3A_689[%add3A_685, %dma_start3A_690] : memref<16x128xi32, #tpu.memory_space<vmem>> -> memref<1x128xi32, #tpu.memory_space<vmem>>
          %dma_start3A_692 = tpu.memref_squeeze %dma_start3A_691 : memref<1x128xi32, #tpu.memory_space<vmem>> -> memref<128xi32, #tpu.memory_space<vmem>>
          %dma_start3A_693 = arith.constant 0 : i32
          %dma_start3A_694 = arith.constant 0 : i32
          %dma_start3A_695 = tpu.memref_slice %arg2[%dma_start3A_693, %dma_start3A_694] : memref<10000x128xf32, #tpu.memory_space<hbm>> -> memref<10000x128xf32, #tpu.memory_space<hbm>>
          tpu.enqueue_indirect_dma source(%dma_start3A_695 : memref<10000x128xf32, #tpu.memory_space<hbm>>) target(%arg11 : memref<128x128xf32, #tpu.memory_space<vmem>>) offsets(%dma_start3A_692 : memref<128xi32, #tpu.memory_space<vmem>>) semaphore(%arg17 : memref<!tpu.dma_semaphore, #tpu.memory_space<semaphore_mem>>)
          %add3A_696 = arith.constant 1 : i32
          %add3A_697 = arith.addi %scan3A_554, %add3A_696 : i32
          %mul3A_698 = arith.constant 2 : i32
          %mul3A_699 = arith.muli %add3A_697, %mul3A_698 : i32
          %add3A_700 = arith.constant 1 : i32
          %add3A_701 = arith.addi %mul3A_699, %add3A_700 : i32
          %dma_start3A_702 = arith.constant 0 : i32
          %dma_start3A_703 = arith.constant 0 : i32
          %dma_start3A_704 = tpu.memref_slice %arg9[%rem3A_542, %dma_start3A_702, %dma_start3A_703] : memref<2x16x128xi32, #tpu.memory_space<vmem>> -> memref<1x16x128xi32, #tpu.memory_space<vmem>>
          %dma_start3A_705 = tpu.memref_squeeze %dma_start3A_704 : memref<1x16x128xi32, #tpu.memory_space<vmem>> -> memref<16x128xi32, #tpu.memory_space<vmem>>
          %dma_start3A_706 = arith.constant 0 : i32
          %dma_start3A_707 = tpu.memref_slice %dma_start3A_705[%add3A_701, %dma_start3A_706] : memref<16x128xi32, #tpu.memory_space<vmem>> -> memref<1x128xi32, #tpu.memory_space<vmem>>
          %dma_start3A_708 = tpu.memref_squeeze %dma_start3A_707 : memref<1x128xi32, #tpu.memory_space<vmem>> -> memref<128xi32, #tpu.memory_space<vmem>>
          %dma_start3A_709 = arith.constant 0 : i32
          %dma_start3A_710 = arith.constant 0 : i32
          %dma_start3A_711 = tpu.memref_slice %arg2[%dma_start3A_709, %dma_start3A_710] : memref<10000x128xf32, #tpu.memory_space<hbm>> -> memref<10000x128xf32, #tpu.memory_space<hbm>>
          tpu.enqueue_indirect_dma source(%dma_start3A_711 : memref<10000x128xf32, #tpu.memory_space<hbm>>) target(%arg12 : memref<128x128xf32, #tpu.memory_space<vmem>>) offsets(%dma_start3A_708 : memref<128xi32, #tpu.memory_space<vmem>>) semaphore(%arg18 : memref<!tpu.dma_semaphore, #tpu.memory_space<semaphore_mem>>)
        } else {
        }
        %eq3A = arith.constant 7 : i32
        %eq3A_673 = arith.cmpi eq, %scan3A_554, %eq3A : i32
        %lt3A_674 = arith.constant 4 : i32
        %lt3A_675 = arith.cmpi slt, %scan3A_540, %lt3A_674 : i32
        %and3A = arith.andi %eq3A_673, %lt3A_675 : i1
        %convert_element_type3A_676 = arith.extui %and3A : i1 to i32
        %cond3A_677 = arith.constant 0 : i32
        %cond3A_678 = arith.cmpi ne, %convert_element_type3A_676, %cond3A_677 : i32
        scf.if %cond3A_678 {
          %add3A_680 = arith.constant 1 : i32
          %add3A_681 = arith.addi %scan3A_540, %add3A_680 : i32
          %mul3A_682 = arith.constant 16 : i32
          %mul3A_683 = arith.muli %add3A_681, %mul3A_682 : i32
          %add3A_684 = arith.addi %mul3A_183, %mul3A_683 : i32
          %dma_wait3A_685 = arith.constant 0 : i32
          %dma_wait3A_686 = arith.constant 0 : i32
          %dma_wait3A_687 = tpu.memref_slice %arg9[%sub3A_543, %dma_wait3A_685, %dma_wait3A_686] : memref<2x16x128xi32, #tpu.memory_space<vmem>> -> memref<1x16x128xi32, #tpu.memory_space<vmem>>
          %dma_wait3A_688 = tpu.memref_squeeze %dma_wait3A_687 : memref<1x16x128xi32, #tpu.memory_space<vmem>> -> memref<16x128xi32, #tpu.memory_space<vmem>>
          %dma_wait3A_689 = arith.constant 0 : i32
          %dma_wait3A_690 = tpu.memref_slice %arg3[%add3A_684, %dma_wait3A_689] : memref<2560x128xi32, #tpu.memory_space<hbm>> -> memref<16x128xi32, #tpu.memory_space<hbm>>
          %dma_wait3A_691 = arith.constant 0 : i32
          %dma_wait3A_692 = arith.constant 0 : i32
          %dma_wait3A_693 = tpu.memref_slice %arg9[%sub3A_543, %dma_wait3A_691, %dma_wait3A_692] : memref<2x16x128xi32, #tpu.memory_space<vmem>> -> memref<1x16x128xi32, #tpu.memory_space<vmem>>
          %dma_wait3A_694 = tpu.memref_squeeze %dma_wait3A_693 : memref<1x16x128xi32, #tpu.memory_space<vmem>> -> memref<16x128xi32, #tpu.memory_space<vmem>>
          %dma_wait3A_695 = arith.constant 0 : i32
          %dma_wait3A_696 = tpu.memref_slice %arg3[%add3A_684, %dma_wait3A_695] : memref<2560x128xi32, #tpu.memory_space<hbm>> -> memref<16x128xi32, #tpu.memory_space<hbm>>
          tpu.wait_dma2 semaphore(%arg21 : memref<!tpu.dma_semaphore, #tpu.memory_space<semaphore_mem>>) src(%dma_wait3A_696 : memref<16x128xi32, #tpu.memory_space<hbm>>) dst(%dma_wait3A_694 : memref<16x128xi32, #tpu.memory_space<vmem>>)
          %dma_wait3A_697 = arith.constant 0 : i32
          %dma_wait3A_698 = arith.constant 0 : i32
          %dma_wait3A_699 = tpu.memref_slice %arg10[%sub3A_543, %dma_wait3A_697, %dma_wait3A_698] : memref<2x16x128xi32, #tpu.memory_space<vmem>> -> memref<1x16x128xi32, #tpu.memory_space<vmem>>
          %dma_wait3A_700 = tpu.memref_squeeze %dma_wait3A_699 : memref<1x16x128xi32, #tpu.memory_space<vmem>> -> memref<16x128xi32, #tpu.memory_space<vmem>>
          %dma_wait3A_701 = arith.constant 0 : i32
          %dma_wait3A_702 = tpu.memref_slice %arg4[%add3A_684, %dma_wait3A_701] : memref<2560x128xi32, #tpu.memory_space<hbm>> -> memref<16x128xi32, #tpu.memory_space<hbm>>
          %dma_wait3A_703 = arith.constant 0 : i32
          %dma_wait3A_704 = arith.constant 0 : i32
          %dma_wait3A_705 = tpu.memref_slice %arg10[%sub3A_543, %dma_wait3A_703, %dma_wait3A_704] : memref<2x16x128xi32, #tpu.memory_space<vmem>> -> memref<1x16x128xi32, #tpu.memory_space<vmem>>
          %dma_wait3A_706 = tpu.memref_squeeze %dma_wait3A_705 : memref<1x16x128xi32, #tpu.memory_space<vmem>> -> memref<16x128xi32, #tpu.memory_space<vmem>>
          %dma_wait3A_707 = arith.constant 0 : i32
          %dma_wait3A_708 = tpu.memref_slice %arg4[%add3A_684, %dma_wait3A_707] : memref<2560x128xi32, #tpu.memory_space<hbm>> -> memref<16x128xi32, #tpu.memory_space<hbm>>
          tpu.wait_dma2 semaphore(%arg22 : memref<!tpu.dma_semaphore, #tpu.memory_space<semaphore_mem>>) src(%dma_wait3A_708 : memref<16x128xi32, #tpu.memory_space<hbm>>) dst(%dma_wait3A_706 : memref<16x128xi32, #tpu.memory_space<vmem>>)
          %dma_start3A_709 = arith.constant 0 : i32
          %dma_start3A_710 = arith.constant 0 : i32
          %dma_start3A_711 = arith.constant 0 : i32
          %dma_start3A_712 = tpu.memref_slice %arg9[%sub3A_543, %dma_start3A_710, %dma_start3A_711] : memref<2x16x128xi32, #tpu.memory_space<vmem>> -> memref<1x16x128xi32, #tpu.memory_space<vmem>>
          %dma_start3A_713 = tpu.memref_squeeze %dma_start3A_712 : memref<1x16x128xi32, #tpu.memory_space<vmem>> -> memref<16x128xi32, #tpu.memory_space<vmem>>
          %dma_start3A_714 = arith.constant 0 : i32
          %dma_start3A_715 = tpu.memref_slice %dma_start3A_713[%dma_start3A_709, %dma_start3A_714] : memref<16x128xi32, #tpu.memory_space<vmem>> -> memref<1x128xi32, #tpu.memory_space<vmem>>
          %dma_start3A_716 = tpu.memref_squeeze %dma_start3A_715 : memref<1x128xi32, #tpu.memory_space<vmem>> -> memref<128xi32, #tpu.memory_space<vmem>>
          %dma_start3A_717 = arith.constant 0 : i32
          %dma_start3A_718 = arith.constant 0 : i32
          %dma_start3A_719 = tpu.memref_slice %arg2[%dma_start3A_717, %dma_start3A_718] : memref<10000x128xf32, #tpu.memory_space<hbm>> -> memref<10000x128xf32, #tpu.memory_space<hbm>>
          tpu.enqueue_indirect_dma source(%dma_start3A_719 : memref<10000x128xf32, #tpu.memory_space<hbm>>) target(%arg11 : memref<128x128xf32, #tpu.memory_space<vmem>>) offsets(%dma_start3A_716 : memref<128xi32, #tpu.memory_space<vmem>>) semaphore(%arg17 : memref<!tpu.dma_semaphore, #tpu.memory_space<semaphore_mem>>)
          %dma_start3A_720 = arith.constant 1 : i32
          %dma_start3A_721 = arith.constant 0 : i32
          %dma_start3A_722 = arith.constant 0 : i32
          %dma_start3A_723 = tpu.memref_slice %arg9[%sub3A_543, %dma_start3A_721, %dma_start3A_722] : memref<2x16x128xi32, #tpu.memory_space<vmem>> -> memref<1x16x128xi32, #tpu.memory_space<vmem>>
          %dma_start3A_724 = tpu.memref_squeeze %dma_start3A_723 : memref<1x16x128xi32, #tpu.memory_space<vmem>> -> memref<16x128xi32, #tpu.memory_space<vmem>>
          %dma_start3A_725 = arith.constant 0 : i32
          %dma_start3A_726 = tpu.memref_slice %dma_start3A_724[%dma_start3A_720, %dma_start3A_725] : memref<16x128xi32, #tpu.memory_space<vmem>> -> memref<1x128xi32, #tpu.memory_space<vmem>>
          %dma_start3A_727 = tpu.memref_squeeze %dma_start3A_726 : memref<1x128xi32, #tpu.memory_space<vmem>> -> memref<128xi32, #tpu.memory_space<vmem>>
          %dma_start3A_728 = arith.constant 0 : i32
          %dma_start3A_729 = arith.constant 0 : i32
          %dma_start3A_730 = tpu.memref_slice %arg2[%dma_start3A_728, %dma_start3A_729] : memref<10000x128xf32, #tpu.memory_space<hbm>> -> memref<10000x128xf32, #tpu.memory_space<hbm>>
          tpu.enqueue_indirect_dma source(%dma_start3A_730 : memref<10000x128xf32, #tpu.memory_space<hbm>>) target(%arg12 : memref<128x128xf32, #tpu.memory_space<vmem>>) offsets(%dma_start3A_727 : memref<128xi32, #tpu.memory_space<vmem>>) semaphore(%arg18 : memref<!tpu.dma_semaphore, #tpu.memory_space<semaphore_mem>>)
        } else {
        }
        %scan3A_679 = arith.constant 0 : i32
        scf.yield %scan3A_679 : i32
      }
      %scan3A_552 = arith.constant 8 : i32
      %scan3A_553 = arith.constant 0 : i32
      scf.yield %scan3A_553 : i32
    }
    %scan3A_374 = arith.constant 5 : i32
    %barrier3A_375 = arith.constant 0 : index
    tpu.barrier barrier_id(%barrier3A_375)
    %mul3A_376 = arith.constant 640 : i32
    %mul3A_377 = arith.muli %arg1, %mul3A_376 : i32
    %add3A_378 = arith.constant 0 : i32
    %add3A_379 = arith.addi %mul3A_377, %add3A_378 : i32
    "tpu.region"() ({
      %run_scoped3A_540 = tpu.sem_alloc : memref<!tpu.dma_semaphore, #tpu.memory_space<semaphore_mem>>
      %dma_start3A_541 = arith.constant 0 : i32
      %dma_start3A_542 = tpu.memref_slice %arg7[%add3A_379, %dma_start3A_541] : memref<10240x128xf32, #tpu.memory_space<vmem_shared>> -> memref<128x128xf32, #tpu.memory_space<vmem_shared>>
      %dma_start3A_543 = arith.constant 0 : i32
      %dma_start3A_544 = tpu.memref_slice %arg7[%add3A_379, %dma_start3A_543] : memref<10240x128xf32, #tpu.memory_space<vmem_shared>> -> memref<128x128xf32, #tpu.memory_space<vmem_shared>>
      tpu.enqueue_dma source(%dma_start3A_544 : memref<128x128xf32, #tpu.memory_space<vmem_shared>>) target(%arg11 : memref<128x128xf32, #tpu.memory_space<vmem>>) target_semaphore(%run_scoped3A_540 : memref<!tpu.dma_semaphore, #tpu.memory_space<semaphore_mem>>)
      %dma_wait3A_545 = arith.constant 0 : i32
      %dma_wait3A_546 = tpu.memref_slice %arg7[%add3A_379, %dma_wait3A_545] : memref<10240x128xf32, #tpu.memory_space<vmem_shared>> -> memref<128x128xf32, #tpu.memory_space<vmem_shared>>
      %dma_wait3A_547 = arith.constant 0 : i32
      %dma_wait3A_548 = tpu.memref_slice %arg7[%add3A_379, %dma_wait3A_547] : memref<10240x128xf32, #tpu.memory_space<vmem_shared>> -> memref<128x128xf32, #tpu.memory_space<vmem_shared>>
      tpu.wait_dma2 semaphore(%run_scoped3A_540 : memref<!tpu.dma_semaphore, #tpu.memory_space<semaphore_mem>>) src(%dma_wait3A_548 : memref<128x128xf32, #tpu.memory_space<vmem_shared>>) dst(%arg11 : memref<128x128xf32, #tpu.memory_space<vmem>>)
      tpu.yield
    }) : () -> ()
    %dma_start3A_380 = arith.constant 0 : i32
    %dma_start3A_381 = arith.constant 0 : i32
    %dma_start3A_382 = tpu.memref_slice %arg5[%arg0, %dma_start3A_380, %dma_start3A_381] : memref<2x10240x128xf32, #tpu.memory_space<hbm>> -> memref<1x10240x128xf32, #tpu.memory_space<hbm>>
    %dma_start3A_383 = tpu.memref_squeeze %dma_start3A_382 : memref<1x10240x128xf32, #tpu.memory_space<hbm>> -> memref<10240x128xf32, #tpu.memory_space<hbm>>
    %dma_start3A_384 = arith.constant 0 : i32
    %dma_start3A_385 = tpu.memref_slice %dma_start3A_383[%add3A_379, %dma_start3A_384] : memref<10240x128xf32, #tpu.memory_space<hbm>> -> memref<128x128xf32, #tpu.memory_space<hbm>>
    %dma_start3A_386 = arith.constant 0 : i32
    %dma_start3A_387 = arith.constant 0 : i32
    %dma_start3A_388 = tpu.memref_slice %arg5[%arg0, %dma_start3A_386, %dma_start3A_387] : memref<2x10240x128xf32, #tpu.memory_space<hbm>> -> memref<1x10240x128xf32, #tpu.memory_space<hbm>>
    %dma_start3A_389 = tpu.memref_squeeze %dma_start3A_388 : memref<1x10240x128xf32, #tpu.memory_space<hbm>> -> memref<10240x128xf32, #tpu.memory_space<hbm>>
    %dma_start3A_390 = arith.constant 0 : i32
    %dma_start3A_391 = tpu.memref_slice %dma_start3A_389[%add3A_379, %dma_start3A_390] : memref<10240x128xf32, #tpu.memory_space<hbm>> -> memref<128x128xf32, #tpu.memory_space<hbm>>
    tpu.enqueue_dma source(%arg11 : memref<128x128xf32, #tpu.memory_space<vmem>>) target(%dma_start3A_391 : memref<128x128xf32, #tpu.memory_space<hbm>>) target_semaphore(%arg17 : memref<!tpu.dma_semaphore, #tpu.memory_space<semaphore_mem>>)
    %mul3A_392 = arith.constant 640 : i32
    %mul3A_393 = arith.muli %arg1, %mul3A_392 : i32
    %add3A_394 = arith.constant 128 : i32
    %add3A_395 = arith.addi %mul3A_393, %add3A_394 : i32
    "tpu.region"() ({
      %run_scoped3A_540 = tpu.sem_alloc : memref<!tpu.dma_semaphore, #tpu.memory_space<semaphore_mem>>
      %dma_start3A_541 = arith.constant 0 : i32
      %dma_start3A_542 = tpu.memref_slice %arg7[%add3A_395, %dma_start3A_541] : memref<10240x128xf32, #tpu.memory_space<vmem_shared>> -> memref<128x128xf32, #tpu.memory_space<vmem_shared>>
      %dma_start3A_543 = arith.constant 0 : i32
      %dma_start3A_544 = tpu.memref_slice %arg7[%add3A_395, %dma_start3A_543] : memref<10240x128xf32, #tpu.memory_space<vmem_shared>> -> memref<128x128xf32, #tpu.memory_space<vmem_shared>>
      tpu.enqueue_dma source(%dma_start3A_544 : memref<128x128xf32, #tpu.memory_space<vmem_shared>>) target(%arg12 : memref<128x128xf32, #tpu.memory_space<vmem>>) target_semaphore(%run_scoped3A_540 : memref<!tpu.dma_semaphore, #tpu.memory_space<semaphore_mem>>)
      %dma_wait3A_545 = arith.constant 0 : i32
      %dma_wait3A_546 = tpu.memref_slice %arg7[%add3A_395, %dma_wait3A_545] : memref<10240x128xf32, #tpu.memory_space<vmem_shared>> -> memref<128x128xf32, #tpu.memory_space<vmem_shared>>
      %dma_wait3A_547 = arith.constant 0 : i32
      %dma_wait3A_548 = tpu.memref_slice %arg7[%add3A_395, %dma_wait3A_547] : memref<10240x128xf32, #tpu.memory_space<vmem_shared>> -> memref<128x128xf32, #tpu.memory_space<vmem_shared>>
      tpu.wait_dma2 semaphore(%run_scoped3A_540 : memref<!tpu.dma_semaphore, #tpu.memory_space<semaphore_mem>>) src(%dma_wait3A_548 : memref<128x128xf32, #tpu.memory_space<vmem_shared>>) dst(%arg12 : memref<128x128xf32, #tpu.memory_space<vmem>>)
      tpu.yield
    }) : () -> ()
    %dma_start3A_396 = arith.constant 0 : i32
    %dma_start3A_397 = arith.constant 0 : i32
    %dma_start3A_398 = tpu.memref_slice %arg5[%arg0, %dma_start3A_396, %dma_start3A_397] : memref<2x10240x128xf32, #tpu.memory_space<hbm>> -> memref<1x10240x128xf32, #tpu.memory_space<hbm>>
    %dma_start3A_399 = tpu.memref_squeeze %dma_start3A_398 : memref<1x10240x128xf32, #tpu.memory_space<hbm>> -> memref<10240x128xf32, #tpu.memory_space<hbm>>
    %dma_start3A_400 = arith.constant 0 : i32
    %dma_start3A_401 = tpu.memref_slice %dma_start3A_399[%add3A_395, %dma_start3A_400] : memref<10240x128xf32, #tpu.memory_space<hbm>> -> memref<128x128xf32, #tpu.memory_space<hbm>>
    %dma_start3A_402 = arith.constant 0 : i32
    %dma_start3A_403 = arith.constant 0 : i32
    %dma_start3A_404 = tpu.memref_slice %arg5[%arg0, %dma_start3A_402, %dma_start3A_403] : memref<2x10240x128xf32, #tpu.memory_space<hbm>> -> memref<1x10240x128xf32, #tpu.memory_space<hbm>>
    %dma_start3A_405 = tpu.memref_squeeze %dma_start3A_404 : memref<1x10240x128xf32, #tpu.memory_space<hbm>> -> memref<10240x128xf32, #tpu.memory_space<hbm>>
    %dma_start3A_406 = arith.constant 0 : i32
    %dma_start3A_407 = tpu.memref_slice %dma_start3A_405[%add3A_395, %dma_start3A_406] : memref<10240x128xf32, #tpu.memory_space<hbm>> -> memref<128x128xf32, #tpu.memory_space<hbm>>
    tpu.enqueue_dma source(%arg12 : memref<128x128xf32, #tpu.memory_space<vmem>>) target(%dma_start3A_407 : memref<128x128xf32, #tpu.memory_space<hbm>>) target_semaphore(%arg18 : memref<!tpu.dma_semaphore, #tpu.memory_space<semaphore_mem>>)
    %mul3A_408 = arith.constant 640 : i32
    %mul3A_409 = arith.muli %arg1, %mul3A_408 : i32
    %add3A_410 = arith.constant 256 : i32
    %add3A_411 = arith.addi %mul3A_409, %add3A_410 : i32
    %mul3A_412 = arith.constant 640 : i32
    %mul3A_413 = arith.muli %arg1, %mul3A_412 : i32
    %add3A_414 = arith.constant 0 : i32
    %add3A_415 = arith.addi %mul3A_413, %add3A_414 : i32
    %dma_wait3A_416 = arith.constant 0 : i32
    %dma_wait3A_417 = arith.constant 0 : i32
    %dma_wait3A_418 = tpu.memref_slice %arg5[%arg0, %dma_wait3A_416, %dma_wait3A_417] : memref<2x10240x128xf32, #tpu.memory_space<hbm>> -> memref<1x10240x128xf32, #tpu.memory_space<hbm>>
    %dma_wait3A_419 = tpu.memref_squeeze %dma_wait3A_418 : memref<1x10240x128xf32, #tpu.memory_space<hbm>> -> memref<10240x128xf32, #tpu.memory_space<hbm>>
    %dma_wait3A_420 = arith.constant 0 : i32
    %dma_wait3A_421 = tpu.memref_slice %dma_wait3A_419[%add3A_415, %dma_wait3A_420] : memref<10240x128xf32, #tpu.memory_space<hbm>> -> memref<128x128xf32, #tpu.memory_space<hbm>>
    %dma_wait3A_422 = arith.constant 0 : i32
    %dma_wait3A_423 = arith.constant 0 : i32
    %dma_wait3A_424 = tpu.memref_slice %arg5[%arg0, %dma_wait3A_422, %dma_wait3A_423] : memref<2x10240x128xf32, #tpu.memory_space<hbm>> -> memref<1x10240x128xf32, #tpu.memory_space<hbm>>
    %dma_wait3A_425 = tpu.memref_squeeze %dma_wait3A_424 : memref<1x10240x128xf32, #tpu.memory_space<hbm>> -> memref<10240x128xf32, #tpu.memory_space<hbm>>
    %dma_wait3A_426 = arith.constant 0 : i32
    %dma_wait3A_427 = tpu.memref_slice %dma_wait3A_425[%add3A_415, %dma_wait3A_426] : memref<10240x128xf32, #tpu.memory_space<hbm>> -> memref<128x128xf32, #tpu.memory_space<hbm>>
    tpu.wait_dma2 semaphore(%arg17 : memref<!tpu.dma_semaphore, #tpu.memory_space<semaphore_mem>>) src(%arg11 : memref<128x128xf32, #tpu.memory_space<vmem>>) dst(%dma_wait3A_427 : memref<128x128xf32, #tpu.memory_space<hbm>>)
    "tpu.region"() ({
      %run_scoped3A_540 = tpu.sem_alloc : memref<!tpu.dma_semaphore, #tpu.memory_space<semaphore_mem>>
      %dma_start3A_541 = arith.constant 0 : i32
      %dma_start3A_542 = tpu.memref_slice %arg7[%add3A_411, %dma_start3A_541] : memref<10240x128xf32, #tpu.memory_space<vmem_shared>> -> memref<128x128xf32, #tpu.memory_space<vmem_shared>>
      %dma_start3A_543 = arith.constant 0 : i32
      %dma_start3A_544 = tpu.memref_slice %arg7[%add3A_411, %dma_start3A_543] : memref<10240x128xf32, #tpu.memory_space<vmem_shared>> -> memref<128x128xf32, #tpu.memory_space<vmem_shared>>
      tpu.enqueue_dma source(%dma_start3A_544 : memref<128x128xf32, #tpu.memory_space<vmem_shared>>) target(%arg11 : memref<128x128xf32, #tpu.memory_space<vmem>>) target_semaphore(%run_scoped3A_540 : memref<!tpu.dma_semaphore, #tpu.memory_space<semaphore_mem>>)
      %dma_wait3A_545 = arith.constant 0 : i32
      %dma_wait3A_546 = tpu.memref_slice %arg7[%add3A_411, %dma_wait3A_545] : memref<10240x128xf32, #tpu.memory_space<vmem_shared>> -> memref<128x128xf32, #tpu.memory_space<vmem_shared>>
      %dma_wait3A_547 = arith.constant 0 : i32
      %dma_wait3A_548 = tpu.memref_slice %arg7[%add3A_411, %dma_wait3A_547] : memref<10240x128xf32, #tpu.memory_space<vmem_shared>> -> memref<128x128xf32, #tpu.memory_space<vmem_shared>>
      tpu.wait_dma2 semaphore(%run_scoped3A_540 : memref<!tpu.dma_semaphore, #tpu.memory_space<semaphore_mem>>) src(%dma_wait3A_548 : memref<128x128xf32, #tpu.memory_space<vmem_shared>>) dst(%arg11 : memref<128x128xf32, #tpu.memory_space<vmem>>)
      tpu.yield
    }) : () -> ()
    %dma_start3A_428 = arith.constant 0 : i32
    %dma_start3A_429 = arith.constant 0 : i32
    %dma_start3A_430 = tpu.memref_slice %arg5[%arg0, %dma_start3A_428, %dma_start3A_429] : memref<2x10240x128xf32, #tpu.memory_space<hbm>> -> memref<1x10240x128xf32, #tpu.memory_space<hbm>>
    %dma_start3A_431 = tpu.memref_squeeze %dma_start3A_430 : memref<1x10240x128xf32, #tpu.memory_space<hbm>> -> memref<10240x128xf32, #tpu.memory_space<hbm>>
    %dma_start3A_432 = arith.constant 0 : i32
    %dma_start3A_433 = tpu.memref_slice %dma_start3A_431[%add3A_411, %dma_start3A_432] : memref<10240x128xf32, #tpu.memory_space<hbm>> -> memref<128x128xf32, #tpu.memory_space<hbm>>
    %dma_start3A_434 = arith.constant 0 : i32
    %dma_start3A_435 = arith.constant 0 : i32
    %dma_start3A_436 = tpu.memref_slice %arg5[%arg0, %dma_start3A_434, %dma_start3A_435] : memref<2x10240x128xf32, #tpu.memory_space<hbm>> -> memref<1x10240x128xf32, #tpu.memory_space<hbm>>
    %dma_start3A_437 = tpu.memref_squeeze %dma_start3A_436 : memref<1x10240x128xf32, #tpu.memory_space<hbm>> -> memref<10240x128xf32, #tpu.memory_space<hbm>>
    %dma_start3A_438 = arith.constant 0 : i32
    %dma_start3A_439 = tpu.memref_slice %dma_start3A_437[%add3A_411, %dma_start3A_438] : memref<10240x128xf32, #tpu.memory_space<hbm>> -> memref<128x128xf32, #tpu.memory_space<hbm>>
    tpu.enqueue_dma source(%arg11 : memref<128x128xf32, #tpu.memory_space<vmem>>) target(%dma_start3A_439 : memref<128x128xf32, #tpu.memory_space<hbm>>) target_semaphore(%arg17 : memref<!tpu.dma_semaphore, #tpu.memory_space<semaphore_mem>>)
    %mul3A_440 = arith.constant 640 : i32
    %mul3A_441 = arith.muli %arg1, %mul3A_440 : i32
    %add3A_442 = arith.constant 384 : i32
    %add3A_443 = arith.addi %mul3A_441, %add3A_442 : i32
    %mul3A_444 = arith.constant 640 : i32
    %mul3A_445 = arith.muli %arg1, %mul3A_444 : i32
    %add3A_446 = arith.constant 128 : i32
    %add3A_447 = arith.addi %mul3A_445, %add3A_446 : i32
    %dma_wait3A_448 = arith.constant 0 : i32
    %dma_wait3A_449 = arith.constant 0 : i32
    %dma_wait3A_450 = tpu.memref_slice %arg5[%arg0, %dma_wait3A_448, %dma_wait3A_449] : memref<2x10240x128xf32, #tpu.memory_space<hbm>> -> memref<1x10240x128xf32, #tpu.memory_space<hbm>>
    %dma_wait3A_451 = tpu.memref_squeeze %dma_wait3A_450 : memref<1x10240x128xf32, #tpu.memory_space<hbm>> -> memref<10240x128xf32, #tpu.memory_space<hbm>>
    %dma_wait3A_452 = arith.constant 0 : i32
    %dma_wait3A_453 = tpu.memref_slice %dma_wait3A_451[%add3A_447, %dma_wait3A_452] : memref<10240x128xf32, #tpu.memory_space<hbm>> -> memref<128x128xf32, #tpu.memory_space<hbm>>
    %dma_wait3A_454 = arith.constant 0 : i32
    %dma_wait3A_455 = arith.constant 0 : i32
    %dma_wait3A_456 = tpu.memref_slice %arg5[%arg0, %dma_wait3A_454, %dma_wait3A_455] : memref<2x10240x128xf32, #tpu.memory_space<hbm>> -> memref<1x10240x128xf32, #tpu.memory_space<hbm>>
    %dma_wait3A_457 = tpu.memref_squeeze %dma_wait3A_456 : memref<1x10240x128xf32, #tpu.memory_space<hbm>> -> memref<10240x128xf32, #tpu.memory_space<hbm>>
    %dma_wait3A_458 = arith.constant 0 : i32
    %dma_wait3A_459 = tpu.memref_slice %dma_wait3A_457[%add3A_447, %dma_wait3A_458] : memref<10240x128xf32, #tpu.memory_space<hbm>> -> memref<128x128xf32, #tpu.memory_space<hbm>>
    tpu.wait_dma2 semaphore(%arg18 : memref<!tpu.dma_semaphore, #tpu.memory_space<semaphore_mem>>) src(%arg12 : memref<128x128xf32, #tpu.memory_space<vmem>>) dst(%dma_wait3A_459 : memref<128x128xf32, #tpu.memory_space<hbm>>)
    "tpu.region"() ({
      %run_scoped3A_540 = tpu.sem_alloc : memref<!tpu.dma_semaphore, #tpu.memory_space<semaphore_mem>>
      %dma_start3A_541 = arith.constant 0 : i32
      %dma_start3A_542 = tpu.memref_slice %arg7[%add3A_443, %dma_start3A_541] : memref<10240x128xf32, #tpu.memory_space<vmem_shared>> -> memref<128x128xf32, #tpu.memory_space<vmem_shared>>
      %dma_start3A_543 = arith.constant 0 : i32
      %dma_start3A_544 = tpu.memref_slice %arg7[%add3A_443, %dma_start3A_543] : memref<10240x128xf32, #tpu.memory_space<vmem_shared>> -> memref<128x128xf32, #tpu.memory_space<vmem_shared>>
      tpu.enqueue_dma source(%dma_start3A_544 : memref<128x128xf32, #tpu.memory_space<vmem_shared>>) target(%arg12 : memref<128x128xf32, #tpu.memory_space<vmem>>) target_semaphore(%run_scoped3A_540 : memref<!tpu.dma_semaphore, #tpu.memory_space<semaphore_mem>>)
      %dma_wait3A_545 = arith.constant 0 : i32
      %dma_wait3A_546 = tpu.memref_slice %arg7[%add3A_443, %dma_wait3A_545] : memref<10240x128xf32, #tpu.memory_space<vmem_shared>> -> memref<128x128xf32, #tpu.memory_space<vmem_shared>>
      %dma_wait3A_547 = arith.constant 0 : i32
      %dma_wait3A_548 = tpu.memref_slice %arg7[%add3A_443, %dma_wait3A_547] : memref<10240x128xf32, #tpu.memory_space<vmem_shared>> -> memref<128x128xf32, #tpu.memory_space<vmem_shared>>
      tpu.wait_dma2 semaphore(%run_scoped3A_540 : memref<!tpu.dma_semaphore, #tpu.memory_space<semaphore_mem>>) src(%dma_wait3A_548 : memref<128x128xf32, #tpu.memory_space<vmem_shared>>) dst(%arg12 : memref<128x128xf32, #tpu.memory_space<vmem>>)
      tpu.yield
    }) : () -> ()
    %dma_start3A_460 = arith.constant 0 : i32
    %dma_start3A_461 = arith.constant 0 : i32
    %dma_start3A_462 = tpu.memref_slice %arg5[%arg0, %dma_start3A_460, %dma_start3A_461] : memref<2x10240x128xf32, #tpu.memory_space<hbm>> -> memref<1x10240x128xf32, #tpu.memory_space<hbm>>
    %dma_start3A_463 = tpu.memref_squeeze %dma_start3A_462 : memref<1x10240x128xf32, #tpu.memory_space<hbm>> -> memref<10240x128xf32, #tpu.memory_space<hbm>>
    %dma_start3A_464 = arith.constant 0 : i32
    %dma_start3A_465 = tpu.memref_slice %dma_start3A_463[%add3A_443, %dma_start3A_464] : memref<10240x128xf32, #tpu.memory_space<hbm>> -> memref<128x128xf32, #tpu.memory_space<hbm>>
    %dma_start3A_466 = arith.constant 0 : i32
    %dma_start3A_467 = arith.constant 0 : i32
    %dma_start3A_468 = tpu.memref_slice %arg5[%arg0, %dma_start3A_466, %dma_start3A_467] : memref<2x10240x128xf32, #tpu.memory_space<hbm>> -> memref<1x10240x128xf32, #tpu.memory_space<hbm>>
    %dma_start3A_469 = tpu.memref_squeeze %dma_start3A_468 : memref<1x10240x128xf32, #tpu.memory_space<hbm>> -> memref<10240x128xf32, #tpu.memory_space<hbm>>
    %dma_start3A_470 = arith.constant 0 : i32
    %dma_start3A_471 = tpu.memref_slice %dma_start3A_469[%add3A_443, %dma_start3A_470] : memref<10240x128xf32, #tpu.memory_space<hbm>> -> memref<128x128xf32, #tpu.memory_space<hbm>>
    tpu.enqueue_dma source(%arg12 : memref<128x128xf32, #tpu.memory_space<vmem>>) target(%dma_start3A_471 : memref<128x128xf32, #tpu.memory_space<hbm>>) target_semaphore(%arg18 : memref<!tpu.dma_semaphore, #tpu.memory_space<semaphore_mem>>)
    %mul3A_472 = arith.constant 640 : i32
    %mul3A_473 = arith.muli %arg1, %mul3A_472 : i32
    %add3A_474 = arith.constant 512 : i32
    %add3A_475 = arith.addi %mul3A_473, %add3A_474 : i32
    %mul3A_476 = arith.constant 640 : i32
    %mul3A_477 = arith.muli %arg1, %mul3A_476 : i32
    %add3A_478 = arith.constant 256 : i32
    %add3A_479 = arith.addi %mul3A_477, %add3A_478 : i32
    %dma_wait3A_480 = arith.constant 0 : i32
    %dma_wait3A_481 = arith.constant 0 : i32
    %dma_wait3A_482 = tpu.memref_slice %arg5[%arg0, %dma_wait3A_480, %dma_wait3A_481] : memref<2x10240x128xf32, #tpu.memory_space<hbm>> -> memref<1x10240x128xf32, #tpu.memory_space<hbm>>
    %dma_wait3A_483 = tpu.memref_squeeze %dma_wait3A_482 : memref<1x10240x128xf32, #tpu.memory_space<hbm>> -> memref<10240x128xf32, #tpu.memory_space<hbm>>
    %dma_wait3A_484 = arith.constant 0 : i32
    %dma_wait3A_485 = tpu.memref_slice %dma_wait3A_483[%add3A_479, %dma_wait3A_484] : memref<10240x128xf32, #tpu.memory_space<hbm>> -> memref<128x128xf32, #tpu.memory_space<hbm>>
    %dma_wait3A_486 = arith.constant 0 : i32
    %dma_wait3A_487 = arith.constant 0 : i32
    %dma_wait3A_488 = tpu.memref_slice %arg5[%arg0, %dma_wait3A_486, %dma_wait3A_487] : memref<2x10240x128xf32, #tpu.memory_space<hbm>> -> memref<1x10240x128xf32, #tpu.memory_space<hbm>>
    %dma_wait3A_489 = tpu.memref_squeeze %dma_wait3A_488 : memref<1x10240x128xf32, #tpu.memory_space<hbm>> -> memref<10240x128xf32, #tpu.memory_space<hbm>>
    %dma_wait3A_490 = arith.constant 0 : i32
    %dma_wait3A_491 = tpu.memref_slice %dma_wait3A_489[%add3A_479, %dma_wait3A_490] : memref<10240x128xf32, #tpu.memory_space<hbm>> -> memref<128x128xf32, #tpu.memory_space<hbm>>
    tpu.wait_dma2 semaphore(%arg17 : memref<!tpu.dma_semaphore, #tpu.memory_space<semaphore_mem>>) src(%arg11 : memref<128x128xf32, #tpu.memory_space<vmem>>) dst(%dma_wait3A_491 : memref<128x128xf32, #tpu.memory_space<hbm>>)
    "tpu.region"() ({
      %run_scoped3A_540 = tpu.sem_alloc : memref<!tpu.dma_semaphore, #tpu.memory_space<semaphore_mem>>
      %dma_start3A_541 = arith.constant 0 : i32
      %dma_start3A_542 = tpu.memref_slice %arg7[%add3A_475, %dma_start3A_541] : memref<10240x128xf32, #tpu.memory_space<vmem_shared>> -> memref<128x128xf32, #tpu.memory_space<vmem_shared>>
      %dma_start3A_543 = arith.constant 0 : i32
      %dma_start3A_544 = tpu.memref_slice %arg7[%add3A_475, %dma_start3A_543] : memref<10240x128xf32, #tpu.memory_space<vmem_shared>> -> memref<128x128xf32, #tpu.memory_space<vmem_shared>>
      tpu.enqueue_dma source(%dma_start3A_544 : memref<128x128xf32, #tpu.memory_space<vmem_shared>>) target(%arg11 : memref<128x128xf32, #tpu.memory_space<vmem>>) target_semaphore(%run_scoped3A_540 : memref<!tpu.dma_semaphore, #tpu.memory_space<semaphore_mem>>)
      %dma_wait3A_545 = arith.constant 0 : i32
      %dma_wait3A_546 = tpu.memref_slice %arg7[%add3A_475, %dma_wait3A_545] : memref<10240x128xf32, #tpu.memory_space<vmem_shared>> -> memref<128x128xf32, #tpu.memory_space<vmem_shared>>
      %dma_wait3A_547 = arith.constant 0 : i32
      %dma_wait3A_548 = tpu.memref_slice %arg7[%add3A_475, %dma_wait3A_547] : memref<10240x128xf32, #tpu.memory_space<vmem_shared>> -> memref<128x128xf32, #tpu.memory_space<vmem_shared>>
      tpu.wait_dma2 semaphore(%run_scoped3A_540 : memref<!tpu.dma_semaphore, #tpu.memory_space<semaphore_mem>>) src(%dma_wait3A_548 : memref<128x128xf32, #tpu.memory_space<vmem_shared>>) dst(%arg11 : memref<128x128xf32, #tpu.memory_space<vmem>>)
      tpu.yield
    }) : () -> ()
    %dma_start3A_492 = arith.constant 0 : i32
    %dma_start3A_493 = arith.constant 0 : i32
    %dma_start3A_494 = tpu.memref_slice %arg5[%arg0, %dma_start3A_492, %dma_start3A_493] : memref<2x10240x128xf32, #tpu.memory_space<hbm>> -> memref<1x10240x128xf32, #tpu.memory_space<hbm>>
    %dma_start3A_495 = tpu.memref_squeeze %dma_start3A_494 : memref<1x10240x128xf32, #tpu.memory_space<hbm>> -> memref<10240x128xf32, #tpu.memory_space<hbm>>
    %dma_start3A_496 = arith.constant 0 : i32
    %dma_start3A_497 = tpu.memref_slice %dma_start3A_495[%add3A_475, %dma_start3A_496] : memref<10240x128xf32, #tpu.memory_space<hbm>> -> memref<128x128xf32, #tpu.memory_space<hbm>>
    %dma_start3A_498 = arith.constant 0 : i32
    %dma_start3A_499 = arith.constant 0 : i32
    %dma_start3A_500 = tpu.memref_slice %arg5[%arg0, %dma_start3A_498, %dma_start3A_499] : memref<2x10240x128xf32, #tpu.memory_space<hbm>> -> memref<1x10240x128xf32, #tpu.memory_space<hbm>>
    %dma_start3A_501 = tpu.memref_squeeze %dma_start3A_500 : memref<1x10240x128xf32, #tpu.memory_space<hbm>> -> memref<10240x128xf32, #tpu.memory_space<hbm>>
    %dma_start3A_502 = arith.constant 0 : i32
    %dma_start3A_503 = tpu.memref_slice %dma_start3A_501[%add3A_475, %dma_start3A_502] : memref<10240x128xf32, #tpu.memory_space<hbm>> -> memref<128x128xf32, #tpu.memory_space<hbm>>
    tpu.enqueue_dma source(%arg11 : memref<128x128xf32, #tpu.memory_space<vmem>>) target(%dma_start3A_503 : memref<128x128xf32, #tpu.memory_space<hbm>>) target_semaphore(%arg17 : memref<!tpu.dma_semaphore, #tpu.memory_space<semaphore_mem>>)
    %mul3A_504 = arith.constant 640 : i32
    %mul3A_505 = arith.muli %arg1, %mul3A_504 : i32
    %add3A_506 = arith.constant 384 : i32
    %add3A_507 = arith.addi %mul3A_505, %add3A_506 : i32
    %dma_wait3A_508 = arith.constant 0 : i32
    %dma_wait3A_509 = arith.constant 0 : i32
    %dma_wait3A_510 = tpu.memref_slice %arg5[%arg0, %dma_wait3A_508, %dma_wait3A_509] : memref<2x10240x128xf32, #tpu.memory_space<hbm>> -> memref<1x10240x128xf32, #tpu.memory_space<hbm>>
    %dma_wait3A_511 = tpu.memref_squeeze %dma_wait3A_510 : memref<1x10240x128xf32, #tpu.memory_space<hbm>> -> memref<10240x128xf32, #tpu.memory_space<hbm>>
    %dma_wait3A_512 = arith.constant 0 : i32
    %dma_wait3A_513 = tpu.memref_slice %dma_wait3A_511[%add3A_507, %dma_wait3A_512] : memref<10240x128xf32, #tpu.memory_space<hbm>> -> memref<128x128xf32, #tpu.memory_space<hbm>>
    %dma_wait3A_514 = arith.constant 0 : i32
    %dma_wait3A_515 = arith.constant 0 : i32
    %dma_wait3A_516 = tpu.memref_slice %arg5[%arg0, %dma_wait3A_514, %dma_wait3A_515] : memref<2x10240x128xf32, #tpu.memory_space<hbm>> -> memref<1x10240x128xf32, #tpu.memory_space<hbm>>
    %dma_wait3A_517 = tpu.memref_squeeze %dma_wait3A_516 : memref<1x10240x128xf32, #tpu.memory_space<hbm>> -> memref<10240x128xf32, #tpu.memory_space<hbm>>
    %dma_wait3A_518 = arith.constant 0 : i32
    %dma_wait3A_519 = tpu.memref_slice %dma_wait3A_517[%add3A_507, %dma_wait3A_518] : memref<10240x128xf32, #tpu.memory_space<hbm>> -> memref<128x128xf32, #tpu.memory_space<hbm>>
    tpu.wait_dma2 semaphore(%arg18 : memref<!tpu.dma_semaphore, #tpu.memory_space<semaphore_mem>>) src(%arg12 : memref<128x128xf32, #tpu.memory_space<vmem>>) dst(%dma_wait3A_519 : memref<128x128xf32, #tpu.memory_space<hbm>>)
    %mul3A_520 = arith.constant 640 : i32
    %mul3A_521 = arith.muli %arg1, %mul3A_520 : i32
    %add3A_522 = arith.constant 512 : i32
    %add3A_523 = arith.addi %mul3A_521, %add3A_522 : i32
    %dma_wait3A_524 = arith.constant 0 : i32
    %dma_wait3A_525 = arith.constant 0 : i32
    %dma_wait3A_526 = tpu.memref_slice %arg5[%arg0, %dma_wait3A_524, %dma_wait3A_525] : memref<2x10240x128xf32, #tpu.memory_space<hbm>> -> memref<1x10240x128xf32, #tpu.memory_space<hbm>>
    %dma_wait3A_527 = tpu.memref_squeeze %dma_wait3A_526 : memref<1x10240x128xf32, #tpu.memory_space<hbm>> -> memref<10240x128xf32, #tpu.memory_space<hbm>>
    %dma_wait3A_528 = arith.constant 0 : i32
    %dma_wait3A_529 = tpu.memref_slice %dma_wait3A_527[%add3A_523, %dma_wait3A_528] : memref<10240x128xf32, #tpu.memory_space<hbm>> -> memref<128x128xf32, #tpu.memory_space<hbm>>
    %dma_wait3A_530 = arith.constant 0 : i32
    %dma_wait3A_531 = arith.constant 0 : i32
    %dma_wait3A_532 = tpu.memref_slice %arg5[%arg0, %dma_wait3A_530, %dma_wait3A_531] : memref<2x10240x128xf32, #tpu.memory_space<hbm>> -> memref<1x10240x128xf32, #tpu.memory_space<hbm>>
    %dma_wait3A_533 = tpu.memref_squeeze %dma_wait3A_532 : memref<1x10240x128xf32, #tpu.memory_space<hbm>> -> memref<10240x128xf32, #tpu.memory_space<hbm>>
    %dma_wait3A_534 = arith.constant 0 : i32
    %dma_wait3A_535 = tpu.memref_slice %dma_wait3A_533[%add3A_523, %dma_wait3A_534] : memref<10240x128xf32, #tpu.memory_space<hbm>> -> memref<128x128xf32, #tpu.memory_space<hbm>>
    tpu.wait_dma2 semaphore(%arg17 : memref<!tpu.dma_semaphore, #tpu.memory_space<semaphore_mem>>) src(%arg11 : memref<128x128xf32, #tpu.memory_space<vmem>>) dst(%dma_wait3A_535 : memref<128x128xf32, #tpu.memory_space<hbm>>)
    %mul3A_536 = arith.constant 640 : i32
    %mul3A_537 = arith.muli %arg1, %mul3A_536 : i32
    "tpu.region"() ({
      %run_scoped3A_540 = tpu.sem_alloc : memref<!tpu.dma_semaphore, #tpu.memory_space<semaphore_mem>>
      %dma_start3A_541 = tpu.memref_slice %arg8[%mul3A_537] : memref<10240xf32, #tpu.memory_space<vmem_shared>> -> memref<640xf32, #tpu.memory_space<vmem_shared>>
      %dma_start3A_542 = tpu.memref_slice %arg8[%mul3A_537] : memref<10240xf32, #tpu.memory_space<vmem_shared>> -> memref<640xf32, #tpu.memory_space<vmem_shared>>
      tpu.enqueue_dma source(%dma_start3A_542 : memref<640xf32, #tpu.memory_space<vmem_shared>>) target(%arg16 : memref<640xf32, #tpu.memory_space<vmem>>) target_semaphore(%run_scoped3A_540 : memref<!tpu.dma_semaphore, #tpu.memory_space<semaphore_mem>>)
      %dma_wait3A_543 = tpu.memref_slice %arg8[%mul3A_537] : memref<10240xf32, #tpu.memory_space<vmem_shared>> -> memref<640xf32, #tpu.memory_space<vmem_shared>>
      %dma_wait3A_544 = tpu.memref_slice %arg8[%mul3A_537] : memref<10240xf32, #tpu.memory_space<vmem_shared>> -> memref<640xf32, #tpu.memory_space<vmem_shared>>
      tpu.wait_dma2 semaphore(%run_scoped3A_540 : memref<!tpu.dma_semaphore, #tpu.memory_space<semaphore_mem>>) src(%dma_wait3A_544 : memref<640xf32, #tpu.memory_space<vmem_shared>>) dst(%arg16 : memref<640xf32, #tpu.memory_space<vmem>>)
      tpu.yield
    }) : () -> ()
    %mul3A_538 = arith.constant 640 : i32
    %mul3A_539 = arith.muli %arg1, %mul3A_538 : i32
    "tpu.region"() ({
      %run_scoped3A_540 = tpu.sem_alloc : memref<!tpu.dma_semaphore, #tpu.memory_space<semaphore_mem>>
      %dma_start3A_541 = arith.constant 0 : i32
      %dma_start3A_542 = tpu.memref_slice %arg6[%arg0, %dma_start3A_541] : memref<2x10240xf32, #tpu.memory_space<hbm>> -> memref<1x10240xf32, #tpu.memory_space<hbm>>
      %dma_start3A_543 = tpu.memref_squeeze %dma_start3A_542 : memref<1x10240xf32, #tpu.memory_space<hbm>> -> memref<10240xf32, #tpu.memory_space<hbm>>
      %dma_start3A_544 = tpu.memref_slice %dma_start3A_543[%mul3A_539] : memref<10240xf32, #tpu.memory_space<hbm>> -> memref<640xf32, #tpu.memory_space<hbm>>
      %dma_start3A_545 = arith.constant 0 : i32
      %dma_start3A_546 = tpu.memref_slice %arg6[%arg0, %dma_start3A_545] : memref<2x10240xf32, #tpu.memory_space<hbm>> -> memref<1x10240xf32, #tpu.memory_space<hbm>>
      %dma_start3A_547 = tpu.memref_squeeze %dma_start3A_546 : memref<1x10240xf32, #tpu.memory_space<hbm>> -> memref<10240xf32, #tpu.memory_space<hbm>>
      %dma_start3A_548 = tpu.memref_slice %dma_start3A_547[%mul3A_539] : memref<10240xf32, #tpu.memory_space<hbm>> -> memref<640xf32, #tpu.memory_space<hbm>>
      tpu.enqueue_dma source(%arg16 : memref<640xf32, #tpu.memory_space<vmem>>) target(%dma_start3A_548 : memref<640xf32, #tpu.memory_space<hbm>>) target_semaphore(%run_scoped3A_540 : memref<!tpu.dma_semaphore, #tpu.memory_space<semaphore_mem>>)
      %dma_wait3A_549 = arith.constant 0 : i32
      %dma_wait3A_550 = tpu.memref_slice %arg6[%arg0, %dma_wait3A_549] : memref<2x10240xf32, #tpu.memory_space<hbm>> -> memref<1x10240xf32, #tpu.memory_space<hbm>>
      %dma_wait3A_551 = tpu.memref_squeeze %dma_wait3A_550 : memref<1x10240xf32, #tpu.memory_space<hbm>> -> memref<10240xf32, #tpu.memory_space<hbm>>
      %dma_wait3A_552 = tpu.memref_slice %dma_wait3A_551[%mul3A_539] : memref<10240xf32, #tpu.memory_space<hbm>> -> memref<640xf32, #tpu.memory_space<hbm>>
      %dma_wait3A_553 = arith.constant 0 : i32
      %dma_wait3A_554 = tpu.memref_slice %arg6[%arg0, %dma_wait3A_553] : memref<2x10240xf32, #tpu.memory_space<hbm>> -> memref<1x10240xf32, #tpu.memory_space<hbm>>
      %dma_wait3A_555 = tpu.memref_squeeze %dma_wait3A_554 : memref<1x10240xf32, #tpu.memory_space<hbm>> -> memref<10240xf32, #tpu.memory_space<hbm>>
      %dma_wait3A_556 = tpu.memref_slice %dma_wait3A_555[%mul3A_539] : memref<10240xf32, #tpu.memory_space<hbm>> -> memref<640xf32, #tpu.memory_space<hbm>>
      tpu.wait_dma2 semaphore(%run_scoped3A_540 : memref<!tpu.dma_semaphore, #tpu.memory_space<semaphore_mem>>) src(%arg16 : memref<640xf32, #tpu.memory_space<vmem>>) dst(%dma_wait3A_556 : memref<640xf32, #tpu.memory_space<hbm>>)
      tpu.yield
    }) : () -> ()
    return
  }
}

#map = affine_map<(d0, d1) -> (0, 0)>
#map1 = affine_map<(d0, d1) -> (0, 0, 0)>
module attributes {stable_mosaic.version = 14 : i64} {
  func.func @_sc_step_body(%arg0: i32, %arg1: i32, %arg2: memref<10000x128xf32, #tpu.memory_space<hbm>>, %arg3: memref<2560x128xi32, #tpu.memory_space<hbm>>, %arg4: memref<2560x128xi32, #tpu.memory_space<hbm>>, %arg5: memref<2x10240x128xf32, #tpu.memory_space<hbm>>, %arg6: memref<2x10240xf32, #tpu.memory_space<hbm>>, %arg7: memref<10240x128xf32, #tpu.memory_space<vmem_shared>>, %arg8: memref<10240xf32, #tpu.memory_space<vmem_shared>>, %arg9: memref<2x16x128xi32, #tpu.memory_space<vmem>>, %arg10: memref<2x16x128xi32, #tpu.memory_space<vmem>>, %arg11: memref<128x128xf32, #tpu.memory_space<vmem>>, %arg12: memref<128x128xf32, #tpu.memory_space<vmem>>, %arg13: memref<32x128xf32, #tpu.memory_space<vmem>>, %arg14: memref<640xf32, #tpu.memory_space<vmem>>, %arg15: memref<128xf32, #tpu.memory_space<vmem>>, %arg16: memref<640xf32, #tpu.memory_space<vmem>>, %arg17: memref<!tpu.dma_semaphore, #tpu.memory_space<semaphore_mem>>, %arg18: memref<!tpu.dma_semaphore, #tpu.memory_space<semaphore_mem>>, %arg19: memref<!tpu.dma_semaphore, #tpu.memory_space<semaphore_mem>>, %arg20: memref<!tpu.dma_semaphore, #tpu.memory_space<semaphore_mem>>, %arg21: memref<!tpu.dma_semaphore, #tpu.memory_space<semaphore_mem>>, %arg22: memref<!tpu.dma_semaphore, #tpu.memory_space<semaphore_mem>>) attributes {dimension_semantics = [#tpu.dimension_semantics<core_parallel>, #tpu.dimension_semantics<subcore_parallel>], iteration_bounds = array<i64: 2, 16>, scalar_prefetch = 0 : i64, scratch_operands = 16 : i64, tpu.core_type = #tpu.core_type<sc_vector_subcore>, window_params = [{transform_indices = #map}, {transform_indices = #map}, {transform_indices = #map}, {transform_indices = #map1}, {transform_indices = #map}]} {
    %mul3A = arith.constant 16 : i32
    %mul3A_0 = arith.muli %arg0, %mul3A : i32
    %add3A = arith.addi %mul3A_0, %arg1 : i32
    %scan3A = arith.constant 0 : i32
    %scan3A_1 = arith.constant 0 : i32
    %scan3A_2 = arith.constant 256 : i32
    %scan3A_3 = arith.addi %scan3A_1, %scan3A_2 : i32
    %scan3A_4 = arith.constant 1 : i32
    %scan3A_5 = scf.for %scan3A_520 = %scan3A_1 to %scan3A_3 step %scan3A_4 iter_args(%scan3A_521 = %scan3A) -> (i32)  : i32 {
      %broadcast_in_dim3A = arith.constant 0.000000e+00 : f32
      %broadcast_in_dim3A_522 = vector.broadcast %broadcast_in_dim3A : f32 to vector<16xf32>
      %jit3A = arith.constant 8 : i32
      %div3A = arith.divsi %scan3A_520, %jit3A : i32
      %sign3A = arith.constant 0 : i32
      %sign3A_523 = arith.cmpi sgt, %scan3A_520, %sign3A : i32
      %sign3A_524 = arith.extui %sign3A_523 : i1 to i32
      %sign3A_525 = arith.constant 0 : i32
      %sign3A_526 = arith.cmpi slt, %scan3A_520, %sign3A_525 : i32
      %sign3A_527 = arith.extui %sign3A_526 : i1 to i32
      %sign3A_528 = arith.subi %sign3A_524, %sign3A_527 : i32
      %sign3A_529 = arith.constant 0 : i32
      %sign3A_530 = arith.cmpi sgt, %jit3A, %sign3A_529 : i32
      %sign3A_531 = arith.extui %sign3A_530 : i1 to i32
      %sign3A_532 = arith.constant 0 : i32
      %sign3A_533 = arith.cmpi slt, %jit3A, %sign3A_532 : i32
      %sign3A_534 = arith.extui %sign3A_533 : i1 to i32
      %sign3A_535 = arith.subi %sign3A_531, %sign3A_534 : i32
      %ne3A = arith.cmpi ne, %sign3A_528, %sign3A_535 : i32
      %rem3A = arith.remsi %scan3A_520, %jit3A : i32
      %ne3A_536 = arith.constant 0 : i32
      %ne3A_537 = arith.cmpi ne, %rem3A, %ne3A_536 : i32
      %and3A = arith.andi %ne3A, %ne3A_537 : i1
      %sub3A = arith.constant 1 : i32
      %sub3A_538 = arith.subi %div3A, %sub3A : i32
      %select_n3A = arith.select %and3A, %sub3A_538, %div3A : i32
      %jit3A_539 = arith.constant 8 : i32
      %eq3A = arith.constant 0 : i32
      %eq3A_540 = arith.cmpi eq, %jit3A_539, %eq3A : i32
      %jit3A_541 = arith.constant 1 : i32
      %select_n3A_542 = arith.select %eq3A_540, %jit3A_541, %jit3A_539 : i32
      %rem3A_543 = arith.remsi %scan3A_520, %select_n3A_542 : i32
      %ne3A_544 = arith.constant 0 : i32
      %ne3A_545 = arith.cmpi ne, %rem3A_543, %ne3A_544 : i32
      %lt3A = arith.constant 0 : i32
      %lt3A_546 = arith.cmpi slt, %rem3A_543, %lt3A : i32
      %lt3A_547 = arith.constant 0 : i32
      %lt3A_548 = arith.cmpi slt, %select_n3A_542, %lt3A_547 : i32
      %ne3A_549 = arith.xori %lt3A_546, %lt3A_548 : i1
      %and3A_550 = arith.andi %ne3A_549, %ne3A_545 : i1
      %add3A_551 = arith.addi %rem3A_543, %select_n3A_542 : i32
      %select_n3A_552 = arith.select %and3A_550, %add3A_551, %rem3A_543 : i32
      %mul3A_553 = arith.constant 16 : i32
      %mul3A_554 = arith.muli %select_n3A_552, %mul3A_553 : i32
      %swap3A = arith.index_cast %select_n3A : i32 to index
      %swap3A_555 = arith.index_cast %mul3A_554 : i32 to index
      %swap3A_556 = tpu.vector_load %arg13[%swap3A, %swap3A_555] {strides = array<i32>} : memref<32x128xf32, #tpu.memory_space<vmem>>, vector<1x16xf32>,
      %swap3A_557 = vector.shape_cast %swap3A_556 : vector<1x16xf32> to vector<16xf32>
      %swap3A_558 = vector.shape_cast %broadcast_in_dim3A_522 : vector<16xf32> to vector<1x16xf32>
      tpu.vector_store %arg13[%swap3A, %swap3A_555], %swap3A_558 {strides = array<i32>} : memref<32x128xf32, #tpu.memory_space<vmem>>, vector<1x16xf32>,
      %scan3A_559 = arith.constant 0 : i32
      scf.yield %scan3A_559 : i32
    }
    %scan3A_6 = arith.constant 256 : i32
    %mul3A_7 = arith.constant 640 : i32
    %mul3A_8 = arith.muli %arg1, %mul3A_7 : i32
    %add3A_9 = arith.constant 0 : i32
    %add3A_10 = arith.addi %mul3A_8, %add3A_9 : i32
    %dma_start3A = arith.constant 0 : i32
    %dma_start3A_11 = tpu.memref_slice %arg7[%add3A_10, %dma_start3A] : memref<10240x128xf32, #tpu.memory_space<vmem_shared>> -> memref<32x128xf32, #tpu.memory_space<vmem_shared>>
    %dma_start3A_12 = arith.constant 0 : i32
    %dma_start3A_13 = tpu.memref_slice %arg7[%add3A_10, %dma_start3A_12] : memref<10240x128xf32, #tpu.memory_space<vmem_shared>> -> memref<32x128xf32, #tpu.memory_space<vmem_shared>>
    tpu.enqueue_dma source(%arg13 : memref<32x128xf32, #tpu.memory_space<vmem>>) target(%dma_start3A_13 : memref<32x128xf32, #tpu.memory_space<vmem_shared>>) target_semaphore(%arg19 : memref<!tpu.dma_semaphore, #tpu.memory_space<semaphore_mem>>)
    %mul3A_14 = arith.constant 640 : i32
    %mul3A_15 = arith.muli %arg1, %mul3A_14 : i32
    %add3A_16 = arith.constant 32 : i32
    %add3A_17 = arith.addi %mul3A_15, %add3A_16 : i32
    %dma_start3A_18 = arith.constant 0 : i32
    %dma_start3A_19 = tpu.memref_slice %arg7[%add3A_17, %dma_start3A_18] : memref<10240x128xf32, #tpu.memory_space<vmem_shared>> -> memref<32x128xf32, #tpu.memory_space<vmem_shared>>
    %dma_start3A_20 = arith.constant 0 : i32
    %dma_start3A_21 = tpu.memref_slice %arg7[%add3A_17, %dma_start3A_20] : memref<10240x128xf32, #tpu.memory_space<vmem_shared>> -> memref<32x128xf32, #tpu.memory_space<vmem_shared>>
    tpu.enqueue_dma source(%arg13 : memref<32x128xf32, #tpu.memory_space<vmem>>) target(%dma_start3A_21 : memref<32x128xf32, #tpu.memory_space<vmem_shared>>) target_semaphore(%arg20 : memref<!tpu.dma_semaphore, #tpu.memory_space<semaphore_mem>>)
    %mul3A_22 = arith.constant 640 : i32
    %mul3A_23 = arith.muli %arg1, %mul3A_22 : i32
    %add3A_24 = arith.constant 64 : i32
    %add3A_25 = arith.addi %mul3A_23, %add3A_24 : i32
    %dma_start3A_26 = arith.constant 0 : i32
    %dma_start3A_27 = tpu.memref_slice %arg7[%add3A_25, %dma_start3A_26] : memref<10240x128xf32, #tpu.memory_space<vmem_shared>> -> memref<32x128xf32, #tpu.memory_space<vmem_shared>>
    %dma_start3A_28 = arith.constant 0 : i32
    %dma_start3A_29 = tpu.memref_slice %arg7[%add3A_25, %dma_start3A_28] : memref<10240x128xf32, #tpu.memory_space<vmem_shared>> -> memref<32x128xf32, #tpu.memory_space<vmem_shared>>
    tpu.enqueue_dma source(%arg13 : memref<32x128xf32, #tpu.memory_space<vmem>>) target(%dma_start3A_29 : memref<32x128xf32, #tpu.memory_space<vmem_shared>>) target_semaphore(%arg19 : memref<!tpu.dma_semaphore, #tpu.memory_space<semaphore_mem>>)
    %mul3A_30 = arith.constant 640 : i32
    %mul3A_31 = arith.muli %arg1, %mul3A_30 : i32
    %add3A_32 = arith.constant 96 : i32
    %add3A_33 = arith.addi %mul3A_31, %add3A_32 : i32
    %dma_start3A_34 = arith.constant 0 : i32
    %dma_start3A_35 = tpu.memref_slice %arg7[%add3A_33, %dma_start3A_34] : memref<10240x128xf32, #tpu.memory_space<vmem_shared>> -> memref<32x128xf32, #tpu.memory_space<vmem_shared>>
    %dma_start3A_36 = arith.constant 0 : i32
    %dma_start3A_37 = tpu.memref_slice %arg7[%add3A_33, %dma_start3A_36] : memref<10240x128xf32, #tpu.memory_space<vmem_shared>> -> memref<32x128xf32, #tpu.memory_space<vmem_shared>>
    tpu.enqueue_dma source(%arg13 : memref<32x128xf32, #tpu.memory_space<vmem>>) target(%dma_start3A_37 : memref<32x128xf32, #tpu.memory_space<vmem_shared>>) target_semaphore(%arg20 : memref<!tpu.dma_semaphore, #tpu.memory_space<semaphore_mem>>)
    %mul3A_38 = arith.constant 640 : i32
    %mul3A_39 = arith.muli %arg1, %mul3A_38 : i32
    %add3A_40 = arith.constant 128 : i32
    %add3A_41 = arith.addi %mul3A_39, %add3A_40 : i32
    %dma_start3A_42 = arith.constant 0 : i32
    %dma_start3A_43 = tpu.memref_slice %arg7[%add3A_41, %dma_start3A_42] : memref<10240x128xf32, #tpu.memory_space<vmem_shared>> -> memref<32x128xf32, #tpu.memory_space<vmem_shared>>
    %dma_start3A_44 = arith.constant 0 : i32
    %dma_start3A_45 = tpu.memref_slice %arg7[%add3A_41, %dma_start3A_44] : memref<10240x128xf32, #tpu.memory_space<vmem_shared>> -> memref<32x128xf32, #tpu.memory_space<vmem_shared>>
    tpu.enqueue_dma source(%arg13 : memref<32x128xf32, #tpu.memory_space<vmem>>) target(%dma_start3A_45 : memref<32x128xf32, #tpu.memory_space<vmem_shared>>) target_semaphore(%arg19 : memref<!tpu.dma_semaphore, #tpu.memory_space<semaphore_mem>>)
    %mul3A_46 = arith.constant 640 : i32
    %mul3A_47 = arith.muli %arg1, %mul3A_46 : i32
    %add3A_48 = arith.constant 160 : i32
    %add3A_49 = arith.addi %mul3A_47, %add3A_48 : i32
    %dma_start3A_50 = arith.constant 0 : i32
    %dma_start3A_51 = tpu.memref_slice %arg7[%add3A_49, %dma_start3A_50] : memref<10240x128xf32, #tpu.memory_space<vmem_shared>> -> memref<32x128xf32, #tpu.memory_space<vmem_shared>>
    %dma_start3A_52 = arith.constant 0 : i32
    %dma_start3A_53 = tpu.memref_slice %arg7[%add3A_49, %dma_start3A_52] : memref<10240x128xf32, #tpu.memory_space<vmem_shared>> -> memref<32x128xf32, #tpu.memory_space<vmem_shared>>
    tpu.enqueue_dma source(%arg13 : memref<32x128xf32, #tpu.memory_space<vmem>>) target(%dma_start3A_53 : memref<32x128xf32, #tpu.memory_space<vmem_shared>>) target_semaphore(%arg20 : memref<!tpu.dma_semaphore, #tpu.memory_space<semaphore_mem>>)
    %mul3A_54 = arith.constant 640 : i32
    %mul3A_55 = arith.muli %arg1, %mul3A_54 : i32
    %add3A_56 = arith.constant 192 : i32
    %add3A_57 = arith.addi %mul3A_55, %add3A_56 : i32
    %dma_start3A_58 = arith.constant 0 : i32
    %dma_start3A_59 = tpu.memref_slice %arg7[%add3A_57, %dma_start3A_58] : memref<10240x128xf32, #tpu.memory_space<vmem_shared>> -> memref<32x128xf32, #tpu.memory_space<vmem_shared>>
    %dma_start3A_60 = arith.constant 0 : i32
    %dma_start3A_61 = tpu.memref_slice %arg7[%add3A_57, %dma_start3A_60] : memref<10240x128xf32, #tpu.memory_space<vmem_shared>> -> memref<32x128xf32, #tpu.memory_space<vmem_shared>>
    tpu.enqueue_dma source(%arg13 : memref<32x128xf32, #tpu.memory_space<vmem>>) target(%dma_start3A_61 : memref<32x128xf32, #tpu.memory_space<vmem_shared>>) target_semaphore(%arg19 : memref<!tpu.dma_semaphore, #tpu.memory_space<semaphore_mem>>)
    %mul3A_62 = arith.constant 640 : i32
    %mul3A_63 = arith.muli %arg1, %mul3A_62 : i32
    %add3A_64 = arith.constant 224 : i32
    %add3A_65 = arith.addi %mul3A_63, %add3A_64 : i32
    %dma_start3A_66 = arith.constant 0 : i32
    %dma_start3A_67 = tpu.memref_slice %arg7[%add3A_65, %dma_start3A_66] : memref<10240x128xf32, #tpu.memory_space<vmem_shared>> -> memref<32x128xf32, #tpu.memory_space<vmem_shared>>
    %dma_start3A_68 = arith.constant 0 : i32
    %dma_start3A_69 = tpu.memref_slice %arg7[%add3A_65, %dma_start3A_68] : memref<10240x128xf32, #tpu.memory_space<vmem_shared>> -> memref<32x128xf32, #tpu.memory_space<vmem_shared>>
    tpu.enqueue_dma source(%arg13 : memref<32x128xf32, #tpu.memory_space<vmem>>) target(%dma_start3A_69 : memref<32x128xf32, #tpu.memory_space<vmem_shared>>) target_semaphore(%arg20 : memref<!tpu.dma_semaphore, #tpu.memory_space<semaphore_mem>>)
    %mul3A_70 = arith.constant 640 : i32
    %mul3A_71 = arith.muli %arg1, %mul3A_70 : i32
    %add3A_72 = arith.constant 256 : i32
    %add3A_73 = arith.addi %mul3A_71, %add3A_72 : i32
    %dma_start3A_74 = arith.constant 0 : i32
    %dma_start3A_75 = tpu.memref_slice %arg7[%add3A_73, %dma_start3A_74] : memref<10240x128xf32, #tpu.memory_space<vmem_shared>> -> memref<32x128xf32, #tpu.memory_space<vmem_shared>>
    %dma_start3A_76 = arith.constant 0 : i32
    %dma_start3A_77 = tpu.memref_slice %arg7[%add3A_73, %dma_start3A_76] : memref<10240x128xf32, #tpu.memory_space<vmem_shared>> -> memref<32x128xf32, #tpu.memory_space<vmem_shared>>
    tpu.enqueue_dma source(%arg13 : memref<32x128xf32, #tpu.memory_space<vmem>>) target(%dma_start3A_77 : memref<32x128xf32, #tpu.memory_space<vmem_shared>>) target_semaphore(%arg19 : memref<!tpu.dma_semaphore, #tpu.memory_space<semaphore_mem>>)
    %mul3A_78 = arith.constant 640 : i32
    %mul3A_79 = arith.muli %arg1, %mul3A_78 : i32
    %add3A_80 = arith.constant 288 : i32
    %add3A_81 = arith.addi %mul3A_79, %add3A_80 : i32
    %dma_start3A_82 = arith.constant 0 : i32
    %dma_start3A_83 = tpu.memref_slice %arg7[%add3A_81, %dma_start3A_82] : memref<10240x128xf32, #tpu.memory_space<vmem_shared>> -> memref<32x128xf32, #tpu.memory_space<vmem_shared>>
    %dma_start3A_84 = arith.constant 0 : i32
    %dma_start3A_85 = tpu.memref_slice %arg7[%add3A_81, %dma_start3A_84] : memref<10240x128xf32, #tpu.memory_space<vmem_shared>> -> memref<32x128xf32, #tpu.memory_space<vmem_shared>>
    tpu.enqueue_dma source(%arg13 : memref<32x128xf32, #tpu.memory_space<vmem>>) target(%dma_start3A_85 : memref<32x128xf32, #tpu.memory_space<vmem_shared>>) target_semaphore(%arg20 : memref<!tpu.dma_semaphore, #tpu.memory_space<semaphore_mem>>)
    %mul3A_86 = arith.constant 640 : i32
    %mul3A_87 = arith.muli %arg1, %mul3A_86 : i32
    %add3A_88 = arith.constant 320 : i32
    %add3A_89 = arith.addi %mul3A_87, %add3A_88 : i32
    %dma_start3A_90 = arith.constant 0 : i32
    %dma_start3A_91 = tpu.memref_slice %arg7[%add3A_89, %dma_start3A_90] : memref<10240x128xf32, #tpu.memory_space<vmem_shared>> -> memref<32x128xf32, #tpu.memory_space<vmem_shared>>
    %dma_start3A_92 = arith.constant 0 : i32
    %dma_start3A_93 = tpu.memref_slice %arg7[%add3A_89, %dma_start3A_92] : memref<10240x128xf32, #tpu.memory_space<vmem_shared>> -> memref<32x128xf32, #tpu.memory_space<vmem_shared>>
    tpu.enqueue_dma source(%arg13 : memref<32x128xf32, #tpu.memory_space<vmem>>) target(%dma_start3A_93 : memref<32x128xf32, #tpu.memory_space<vmem_shared>>) target_semaphore(%arg19 : memref<!tpu.dma_semaphore, #tpu.memory_space<semaphore_mem>>)
    %mul3A_94 = arith.constant 640 : i32
    %mul3A_95 = arith.muli %arg1, %mul3A_94 : i32
    %add3A_96 = arith.constant 352 : i32
    %add3A_97 = arith.addi %mul3A_95, %add3A_96 : i32
    %dma_start3A_98 = arith.constant 0 : i32
    %dma_start3A_99 = tpu.memref_slice %arg7[%add3A_97, %dma_start3A_98] : memref<10240x128xf32, #tpu.memory_space<vmem_shared>> -> memref<32x128xf32, #tpu.memory_space<vmem_shared>>
    %dma_start3A_100 = arith.constant 0 : i32
    %dma_start3A_101 = tpu.memref_slice %arg7[%add3A_97, %dma_start3A_100] : memref<10240x128xf32, #tpu.memory_space<vmem_shared>> -> memref<32x128xf32, #tpu.memory_space<vmem_shared>>
    tpu.enqueue_dma source(%arg13 : memref<32x128xf32, #tpu.memory_space<vmem>>) target(%dma_start3A_101 : memref<32x128xf32, #tpu.memory_space<vmem_shared>>) target_semaphore(%arg20 : memref<!tpu.dma_semaphore, #tpu.memory_space<semaphore_mem>>)
    %mul3A_102 = arith.constant 640 : i32
    %mul3A_103 = arith.muli %arg1, %mul3A_102 : i32
    %add3A_104 = arith.constant 384 : i32
    %add3A_105 = arith.addi %mul3A_103, %add3A_104 : i32
    %dma_start3A_106 = arith.constant 0 : i32
    %dma_start3A_107 = tpu.memref_slice %arg7[%add3A_105, %dma_start3A_106] : memref<10240x128xf32, #tpu.memory_space<vmem_shared>> -> memref<32x128xf32, #tpu.memory_space<vmem_shared>>
    %dma_start3A_108 = arith.constant 0 : i32
    %dma_start3A_109 = tpu.memref_slice %arg7[%add3A_105, %dma_start3A_108] : memref<10240x128xf32, #tpu.memory_space<vmem_shared>> -> memref<32x128xf32, #tpu.memory_space<vmem_shared>>
    tpu.enqueue_dma source(%arg13 : memref<32x128xf32, #tpu.memory_space<vmem>>) target(%dma_start3A_109 : memref<32x128xf32, #tpu.memory_space<vmem_shared>>) target_semaphore(%arg19 : memref<!tpu.dma_semaphore, #tpu.memory_space<semaphore_mem>>)
    %mul3A_110 = arith.constant 640 : i32
    %mul3A_111 = arith.muli %arg1, %mul3A_110 : i32
    %add3A_112 = arith.constant 416 : i32
    %add3A_113 = arith.addi %mul3A_111, %add3A_112 : i32
    %dma_start3A_114 = arith.constant 0 : i32
    %dma_start3A_115 = tpu.memref_slice %arg7[%add3A_113, %dma_start3A_114] : memref<10240x128xf32, #tpu.memory_space<vmem_shared>> -> memref<32x128xf32, #tpu.memory_space<vmem_shared>>
    %dma_start3A_116 = arith.constant 0 : i32
    %dma_start3A_117 = tpu.memref_slice %arg7[%add3A_113, %dma_start3A_116] : memref<10240x128xf32, #tpu.memory_space<vmem_shared>> -> memref<32x128xf32, #tpu.memory_space<vmem_shared>>
    tpu.enqueue_dma source(%arg13 : memref<32x128xf32, #tpu.memory_space<vmem>>) target(%dma_start3A_117 : memref<32x128xf32, #tpu.memory_space<vmem_shared>>) target_semaphore(%arg20 : memref<!tpu.dma_semaphore, #tpu.memory_space<semaphore_mem>>)
    %mul3A_118 = arith.constant 640 : i32
    %mul3A_119 = arith.muli %arg1, %mul3A_118 : i32
    %add3A_120 = arith.constant 448 : i32
    %add3A_121 = arith.addi %mul3A_119, %add3A_120 : i32
    %dma_start3A_122 = arith.constant 0 : i32
    %dma_start3A_123 = tpu.memref_slice %arg7[%add3A_121, %dma_start3A_122] : memref<10240x128xf32, #tpu.memory_space<vmem_shared>> -> memref<32x128xf32, #tpu.memory_space<vmem_shared>>
    %dma_start3A_124 = arith.constant 0 : i32
    %dma_start3A_125 = tpu.memref_slice %arg7[%add3A_121, %dma_start3A_124] : memref<10240x128xf32, #tpu.memory_space<vmem_shared>> -> memref<32x128xf32, #tpu.memory_space<vmem_shared>>
    tpu.enqueue_dma source(%arg13 : memref<32x128xf32, #tpu.memory_space<vmem>>) target(%dma_start3A_125 : memref<32x128xf32, #tpu.memory_space<vmem_shared>>) target_semaphore(%arg19 : memref<!tpu.dma_semaphore, #tpu.memory_space<semaphore_mem>>)
    %mul3A_126 = arith.constant 640 : i32
    %mul3A_127 = arith.muli %arg1, %mul3A_126 : i32
    %add3A_128 = arith.constant 480 : i32
    %add3A_129 = arith.addi %mul3A_127, %add3A_128 : i32
    %dma_start3A_130 = arith.constant 0 : i32
    %dma_start3A_131 = tpu.memref_slice %arg7[%add3A_129, %dma_start3A_130] : memref<10240x128xf32, #tpu.memory_space<vmem_shared>> -> memref<32x128xf32, #tpu.memory_space<vmem_shared>>
    %dma_start3A_132 = arith.constant 0 : i32
    %dma_start3A_133 = tpu.memref_slice %arg7[%add3A_129, %dma_start3A_132] : memref<10240x128xf32, #tpu.memory_space<vmem_shared>> -> memref<32x128xf32, #tpu.memory_space<vmem_shared>>
    tpu.enqueue_dma source(%arg13 : memref<32x128xf32, #tpu.memory_space<vmem>>) target(%dma_start3A_133 : memref<32x128xf32, #tpu.memory_space<vmem_shared>>) target_semaphore(%arg20 : memref<!tpu.dma_semaphore, #tpu.memory_space<semaphore_mem>>)
    %mul3A_134 = arith.constant 640 : i32
    %mul3A_135 = arith.muli %arg1, %mul3A_134 : i32
    %add3A_136 = arith.constant 512 : i32
    %add3A_137 = arith.addi %mul3A_135, %add3A_136 : i32
    %dma_start3A_138 = arith.constant 0 : i32
    %dma_start3A_139 = tpu.memref_slice %arg7[%add3A_137, %dma_start3A_138] : memref<10240x128xf32, #tpu.memory_space<vmem_shared>> -> memref<32x128xf32, #tpu.memory_space<vmem_shared>>
    %dma_start3A_140 = arith.constant 0 : i32
    %dma_start3A_141 = tpu.memref_slice %arg7[%add3A_137, %dma_start3A_140] : memref<10240x128xf32, #tpu.memory_space<vmem_shared>> -> memref<32x128xf32, #tpu.memory_space<vmem_shared>>
    tpu.enqueue_dma source(%arg13 : memref<32x128xf32, #tpu.memory_space<vmem>>) target(%dma_start3A_141 : memref<32x128xf32, #tpu.memory_space<vmem_shared>>) target_semaphore(%arg19 : memref<!tpu.dma_semaphore, #tpu.memory_space<semaphore_mem>>)
    %mul3A_142 = arith.constant 640 : i32
    %mul3A_143 = arith.muli %arg1, %mul3A_142 : i32
    %add3A_144 = arith.constant 544 : i32
    %add3A_145 = arith.addi %mul3A_143, %add3A_144 : i32
    %dma_start3A_146 = arith.constant 0 : i32
    %dma_start3A_147 = tpu.memref_slice %arg7[%add3A_145, %dma_start3A_146] : memref<10240x128xf32, #tpu.memory_space<vmem_shared>> -> memref<32x128xf32, #tpu.memory_space<vmem_shared>>
    %dma_start3A_148 = arith.constant 0 : i32
    %dma_start3A_149 = tpu.memref_slice %arg7[%add3A_145, %dma_start3A_148] : memref<10240x128xf32, #tpu.memory_space<vmem_shared>> -> memref<32x128xf32, #tpu.memory_space<vmem_shared>>
    tpu.enqueue_dma source(%arg13 : memref<32x128xf32, #tpu.memory_space<vmem>>) target(%dma_start3A_149 : memref<32x128xf32, #tpu.memory_space<vmem_shared>>) target_semaphore(%arg20 : memref<!tpu.dma_semaphore, #tpu.memory_space<semaphore_mem>>)
    %mul3A_150 = arith.constant 640 : i32
    %mul3A_151 = arith.muli %arg1, %mul3A_150 : i32
    %add3A_152 = arith.constant 576 : i32
    %add3A_153 = arith.addi %mul3A_151, %add3A_152 : i32
    %dma_start3A_154 = arith.constant 0 : i32
    %dma_start3A_155 = tpu.memref_slice %arg7[%add3A_153, %dma_start3A_154] : memref<10240x128xf32, #tpu.memory_space<vmem_shared>> -> memref<32x128xf32, #tpu.memory_space<vmem_shared>>
    %dma_start3A_156 = arith.constant 0 : i32
    %dma_start3A_157 = tpu.memref_slice %arg7[%add3A_153, %dma_start3A_156] : memref<10240x128xf32, #tpu.memory_space<vmem_shared>> -> memref<32x128xf32, #tpu.memory_space<vmem_shared>>
    tpu.enqueue_dma source(%arg13 : memref<32x128xf32, #tpu.memory_space<vmem>>) target(%dma_start3A_157 : memref<32x128xf32, #tpu.memory_space<vmem_shared>>) target_semaphore(%arg19 : memref<!tpu.dma_semaphore, #tpu.memory_space<semaphore_mem>>)
    %mul3A_158 = arith.constant 640 : i32
    %mul3A_159 = arith.muli %arg1, %mul3A_158 : i32
    %add3A_160 = arith.constant 608 : i32
    %add3A_161 = arith.addi %mul3A_159, %add3A_160 : i32
    %dma_start3A_162 = arith.constant 0 : i32
    %dma_start3A_163 = tpu.memref_slice %arg7[%add3A_161, %dma_start3A_162] : memref<10240x128xf32, #tpu.memory_space<vmem_shared>> -> memref<32x128xf32, #tpu.memory_space<vmem_shared>>
    %dma_start3A_164 = arith.constant 0 : i32
    %dma_start3A_165 = tpu.memref_slice %arg7[%add3A_161, %dma_start3A_164] : memref<10240x128xf32, #tpu.memory_space<vmem_shared>> -> memref<32x128xf32, #tpu.memory_space<vmem_shared>>
    tpu.enqueue_dma source(%arg13 : memref<32x128xf32, #tpu.memory_space<vmem>>) target(%dma_start3A_165 : memref<32x128xf32, #tpu.memory_space<vmem_shared>>) target_semaphore(%arg20 : memref<!tpu.dma_semaphore, #tpu.memory_space<semaphore_mem>>)
    %mul3A_166 = arith.constant 80 : i32
    %mul3A_167 = arith.muli %add3A, %mul3A_166 : i32
    %run_scoped3A = arith.constant 0 : i32
    "tpu.region"() ({
      %run_scoped3A_520 = tpu.sem_alloc : memref<!tpu.dma_semaphore, #tpu.memory_space<semaphore_mem>>
      %dma_start3A_521 = arith.constant 0 : i32
      %dma_start3A_522 = arith.constant 0 : i32
      %dma_start3A_523 = tpu.memref_slice %arg9[%run_scoped3A, %dma_start3A_521, %dma_start3A_522] : memref<2x16x128xi32, #tpu.memory_space<vmem>> -> memref<1x16x128xi32, #tpu.memory_space<vmem>>
      %dma_start3A_524 = tpu.memref_squeeze %dma_start3A_523 : memref<1x16x128xi32, #tpu.memory_space<vmem>> -> memref<16x128xi32, #tpu.memory_space<vmem>>
      %dma_start3A_525 = arith.constant 0 : i32
      %dma_start3A_526 = tpu.memref_slice %arg3[%mul3A_167, %dma_start3A_525] : memref<2560x128xi32, #tpu.memory_space<hbm>> -> memref<16x128xi32, #tpu.memory_space<hbm>>
      %dma_start3A_527 = arith.constant 0 : i32
      %dma_start3A_528 = arith.constant 0 : i32
      %dma_start3A_529 = tpu.memref_slice %arg9[%run_scoped3A, %dma_start3A_527, %dma_start3A_528] : memref<2x16x128xi32, #tpu.memory_space<vmem>> -> memref<1x16x128xi32, #tpu.memory_space<vmem>>
      %dma_start3A_530 = tpu.memref_squeeze %dma_start3A_529 : memref<1x16x128xi32, #tpu.memory_space<vmem>> -> memref<16x128xi32, #tpu.memory_space<vmem>>
      %dma_start3A_531 = arith.constant 0 : i32
      %dma_start3A_532 = tpu.memref_slice %arg3[%mul3A_167, %dma_start3A_531] : memref<2560x128xi32, #tpu.memory_space<hbm>> -> memref<16x128xi32, #tpu.memory_space<hbm>>
      tpu.enqueue_dma source(%dma_start3A_532 : memref<16x128xi32, #tpu.memory_space<hbm>>) target(%dma_start3A_530 : memref<16x128xi32, #tpu.memory_space<vmem>>) target_semaphore(%run_scoped3A_520 : memref<!tpu.dma_semaphore, #tpu.memory_space<semaphore_mem>>)
      %dma_wait3A_533 = arith.constant 0 : i32
      %dma_wait3A_534 = arith.constant 0 : i32
      %dma_wait3A_535 = tpu.memref_slice %arg9[%run_scoped3A, %dma_wait3A_533, %dma_wait3A_534] : memref<2x16x128xi32, #tpu.memory_space<vmem>> -> memref<1x16x128xi32, #tpu.memory_space<vmem>>
      %dma_wait3A_536 = tpu.memref_squeeze %dma_wait3A_535 : memref<1x16x128xi32, #tpu.memory_space<vmem>> -> memref<16x128xi32, #tpu.memory_space<vmem>>
      %dma_wait3A_537 = arith.constant 0 : i32
      %dma_wait3A_538 = tpu.memref_slice %arg3[%mul3A_167, %dma_wait3A_537] : memref<2560x128xi32, #tpu.memory_space<hbm>> -> memref<16x128xi32, #tpu.memory_space<hbm>>
      %dma_wait3A_539 = arith.constant 0 : i32
      %dma_wait3A_540 = arith.constant 0 : i32
      %dma_wait3A_541 = tpu.memref_slice %arg9[%run_scoped3A, %dma_wait3A_539, %dma_wait3A_540] : memref<2x16x128xi32, #tpu.memory_space<vmem>> -> memref<1x16x128xi32, #tpu.memory_space<vmem>>
      %dma_wait3A_542 = tpu.memref_squeeze %dma_wait3A_541 : memref<1x16x128xi32, #tpu.memory_space<vmem>> -> memref<16x128xi32, #tpu.memory_space<vmem>>
      %dma_wait3A_543 = arith.constant 0 : i32
      %dma_wait3A_544 = tpu.memref_slice %arg3[%mul3A_167, %dma_wait3A_543] : memref<2560x128xi32, #tpu.memory_space<hbm>> -> memref<16x128xi32, #tpu.memory_space<hbm>>
      tpu.wait_dma2 semaphore(%run_scoped3A_520 : memref<!tpu.dma_semaphore, #tpu.memory_space<semaphore_mem>>) src(%dma_wait3A_544 : memref<16x128xi32, #tpu.memory_space<hbm>>) dst(%dma_wait3A_542 : memref<16x128xi32, #tpu.memory_space<vmem>>)
      tpu.yield
    }) : () -> ()
    %run_scoped3A_168 = arith.constant 0 : i32
    "tpu.region"() ({
      %run_scoped3A_520 = tpu.sem_alloc : memref<!tpu.dma_semaphore, #tpu.memory_space<semaphore_mem>>
      %dma_start3A_521 = arith.constant 0 : i32
      %dma_start3A_522 = arith.constant 0 : i32
      %dma_start3A_523 = tpu.memref_slice %arg10[%run_scoped3A_168, %dma_start3A_521, %dma_start3A_522] : memref<2x16x128xi32, #tpu.memory_space<vmem>> -> memref<1x16x128xi32, #tpu.memory_space<vmem>>
      %dma_start3A_524 = tpu.memref_squeeze %dma_start3A_523 : memref<1x16x128xi32, #tpu.memory_space<vmem>> -> memref<16x128xi32, #tpu.memory_space<vmem>>
      %dma_start3A_525 = arith.constant 0 : i32
      %dma_start3A_526 = tpu.memref_slice %arg4[%mul3A_167, %dma_start3A_525] : memref<2560x128xi32, #tpu.memory_space<hbm>> -> memref<16x128xi32, #tpu.memory_space<hbm>>
      %dma_start3A_527 = arith.constant 0 : i32
      %dma_start3A_528 = arith.constant 0 : i32
      %dma_start3A_529 = tpu.memref_slice %arg10[%run_scoped3A_168, %dma_start3A_527, %dma_start3A_528] : memref<2x16x128xi32, #tpu.memory_space<vmem>> -> memref<1x16x128xi32, #tpu.memory_space<vmem>>
      %dma_start3A_530 = tpu.memref_squeeze %dma_start3A_529 : memref<1x16x128xi32, #tpu.memory_space<vmem>> -> memref<16x128xi32, #tpu.memory_space<vmem>>
      %dma_start3A_531 = arith.constant 0 : i32
      %dma_start3A_532 = tpu.memref_slice %arg4[%mul3A_167, %dma_start3A_531] : memref<2560x128xi32, #tpu.memory_space<hbm>> -> memref<16x128xi32, #tpu.memory_space<hbm>>
      tpu.enqueue_dma source(%dma_start3A_532 : memref<16x128xi32, #tpu.memory_space<hbm>>) target(%dma_start3A_530 : memref<16x128xi32, #tpu.memory_space<vmem>>) target_semaphore(%run_scoped3A_520 : memref<!tpu.dma_semaphore, #tpu.memory_space<semaphore_mem>>)
      %dma_wait3A_533 = arith.constant 0 : i32
      %dma_wait3A_534 = arith.constant 0 : i32
      %dma_wait3A_535 = tpu.memref_slice %arg10[%run_scoped3A_168, %dma_wait3A_533, %dma_wait3A_534] : memref<2x16x128xi32, #tpu.memory_space<vmem>> -> memref<1x16x128xi32, #tpu.memory_space<vmem>>
      %dma_wait3A_536 = tpu.memref_squeeze %dma_wait3A_535 : memref<1x16x128xi32, #tpu.memory_space<vmem>> -> memref<16x128xi32, #tpu.memory_space<vmem>>
      %dma_wait3A_537 = arith.constant 0 : i32
      %dma_wait3A_538 = tpu.memref_slice %arg4[%mul3A_167, %dma_wait3A_537] : memref<2560x128xi32, #tpu.memory_space<hbm>> -> memref<16x128xi32, #tpu.memory_space<hbm>>
      %dma_wait3A_539 = arith.constant 0 : i32
      %dma_wait3A_540 = arith.constant 0 : i32
      %dma_wait3A_541 = tpu.memref_slice %arg10[%run_scoped3A_168, %dma_wait3A_539, %dma_wait3A_540] : memref<2x16x128xi32, #tpu.memory_space<vmem>> -> memref<1x16x128xi32, #tpu.memory_space<vmem>>
      %dma_wait3A_542 = tpu.memref_squeeze %dma_wait3A_541 : memref<1x16x128xi32, #tpu.memory_space<vmem>> -> memref<16x128xi32, #tpu.memory_space<vmem>>
      %dma_wait3A_543 = arith.constant 0 : i32
      %dma_wait3A_544 = tpu.memref_slice %arg4[%mul3A_167, %dma_wait3A_543] : memref<2560x128xi32, #tpu.memory_space<hbm>> -> memref<16x128xi32, #tpu.memory_space<hbm>>
      tpu.wait_dma2 semaphore(%run_scoped3A_520 : memref<!tpu.dma_semaphore, #tpu.memory_space<semaphore_mem>>) src(%dma_wait3A_544 : memref<16x128xi32, #tpu.memory_space<hbm>>) dst(%dma_wait3A_542 : memref<16x128xi32, #tpu.memory_space<vmem>>)
      tpu.yield
    }) : () -> ()
    %dma_start3A_169 = arith.constant 0 : i32
    %dma_start3A_170 = arith.constant 0 : i32
    %dma_start3A_171 = arith.constant 0 : i32
    %dma_start3A_172 = arith.constant 0 : i32
    %dma_start3A_173 = tpu.memref_slice %arg9[%dma_start3A_169, %dma_start3A_171, %dma_start3A_172] : memref<2x16x128xi32, #tpu.memory_space<vmem>> -> memref<1x16x128xi32, #tpu.memory_space<vmem>>
    %dma_start3A_174 = tpu.memref_squeeze %dma_start3A_173 : memref<1x16x128xi32, #tpu.memory_space<vmem>> -> memref<16x128xi32, #tpu.memory_space<vmem>>
    %dma_start3A_175 = arith.constant 0 : i32
    %dma_start3A_176 = tpu.memref_slice %dma_start3A_174[%dma_start3A_170, %dma_start3A_175] : memref<16x128xi32, #tpu.memory_space<vmem>> -> memref<1x128xi32, #tpu.memory_space<vmem>>
    %dma_start3A_177 = tpu.memref_squeeze %dma_start3A_176 : memref<1x128xi32, #tpu.memory_space<vmem>> -> memref<128xi32, #tpu.memory_space<vmem>>
    %dma_start3A_178 = arith.constant 0 : i32
    %dma_start3A_179 = arith.constant 0 : i32
    %dma_start3A_180 = tpu.memref_slice %arg2[%dma_start3A_178, %dma_start3A_179] : memref<10000x128xf32, #tpu.memory_space<hbm>> -> memref<10000x128xf32, #tpu.memory_space<hbm>>
    tpu.enqueue_indirect_dma source(%dma_start3A_180 : memref<10000x128xf32, #tpu.memory_space<hbm>>) target(%arg11 : memref<128x128xf32, #tpu.memory_space<vmem>>) offsets(%dma_start3A_177 : memref<128xi32, #tpu.memory_space<vmem>>) semaphore(%arg17 : memref<!tpu.dma_semaphore, #tpu.memory_space<semaphore_mem>>)
    %dma_start3A_181 = arith.constant 0 : i32
    %dma_start3A_182 = arith.constant 1 : i32
    %dma_start3A_183 = arith.constant 0 : i32
    %dma_start3A_184 = arith.constant 0 : i32
    %dma_start3A_185 = tpu.memref_slice %arg9[%dma_start3A_181, %dma_start3A_183, %dma_start3A_184] : memref<2x16x128xi32, #tpu.memory_space<vmem>> -> memref<1x16x128xi32, #tpu.memory_space<vmem>>
    %dma_start3A_186 = tpu.memref_squeeze %dma_start3A_185 : memref<1x16x128xi32, #tpu.memory_space<vmem>> -> memref<16x128xi32, #tpu.memory_space<vmem>>
    %dma_start3A_187 = arith.constant 0 : i32
    %dma_start3A_188 = tpu.memref_slice %dma_start3A_186[%dma_start3A_182, %dma_start3A_187] : memref<16x128xi32, #tpu.memory_space<vmem>> -> memref<1x128xi32, #tpu.memory_space<vmem>>
    %dma_start3A_189 = tpu.memref_squeeze %dma_start3A_188 : memref<1x128xi32, #tpu.memory_space<vmem>> -> memref<128xi32, #tpu.memory_space<vmem>>
    %dma_start3A_190 = arith.constant 0 : i32
    %dma_start3A_191 = arith.constant 0 : i32
    %dma_start3A_192 = tpu.memref_slice %arg2[%dma_start3A_190, %dma_start3A_191] : memref<10000x128xf32, #tpu.memory_space<hbm>> -> memref<10000x128xf32, #tpu.memory_space<hbm>>
    tpu.enqueue_indirect_dma source(%dma_start3A_192 : memref<10000x128xf32, #tpu.memory_space<hbm>>) target(%arg12 : memref<128x128xf32, #tpu.memory_space<vmem>>) offsets(%dma_start3A_189 : memref<128xi32, #tpu.memory_space<vmem>>) semaphore(%arg18 : memref<!tpu.dma_semaphore, #tpu.memory_space<semaphore_mem>>)
    %mul3A_193 = arith.constant 640 : i32
    %mul3A_194 = arith.muli %arg1, %mul3A_193 : i32
    %add3A_195 = arith.constant 0 : i32
    %add3A_196 = arith.addi %mul3A_194, %add3A_195 : i32
    %dma_wait3A = arith.constant 0 : i32
    %dma_wait3A_197 = tpu.memref_slice %arg7[%add3A_196, %dma_wait3A] : memref<10240x128xf32, #tpu.memory_space<vmem_shared>> -> memref<32x128xf32, #tpu.memory_space<vmem_shared>>
    %dma_wait3A_198 = arith.constant 0 : i32
    %dma_wait3A_199 = tpu.memref_slice %arg7[%add3A_196, %dma_wait3A_198] : memref<10240x128xf32, #tpu.memory_space<vmem_shared>> -> memref<32x128xf32, #tpu.memory_space<vmem_shared>>
    tpu.wait_dma2 semaphore(%arg19 : memref<!tpu.dma_semaphore, #tpu.memory_space<semaphore_mem>>) src(%arg13 : memref<32x128xf32, #tpu.memory_space<vmem>>) dst(%dma_wait3A_199 : memref<32x128xf32, #tpu.memory_space<vmem_shared>>)
    %mul3A_200 = arith.constant 640 : i32
    %mul3A_201 = arith.muli %arg1, %mul3A_200 : i32
    %add3A_202 = arith.constant 32 : i32
    %add3A_203 = arith.addi %mul3A_201, %add3A_202 : i32
    %dma_wait3A_204 = arith.constant 0 : i32
    %dma_wait3A_205 = tpu.memref_slice %arg7[%add3A_203, %dma_wait3A_204] : memref<10240x128xf32, #tpu.memory_space<vmem_shared>> -> memref<32x128xf32, #tpu.memory_space<vmem_shared>>
    %dma_wait3A_206 = arith.constant 0 : i32
    %dma_wait3A_207 = tpu.memref_slice %arg7[%add3A_203, %dma_wait3A_206] : memref<10240x128xf32, #tpu.memory_space<vmem_shared>> -> memref<32x128xf32, #tpu.memory_space<vmem_shared>>
    tpu.wait_dma2 semaphore(%arg20 : memref<!tpu.dma_semaphore, #tpu.memory_space<semaphore_mem>>) src(%arg13 : memref<32x128xf32, #tpu.memory_space<vmem>>) dst(%dma_wait3A_207 : memref<32x128xf32, #tpu.memory_space<vmem_shared>>)
    %mul3A_208 = arith.constant 640 : i32
    %mul3A_209 = arith.muli %arg1, %mul3A_208 : i32
    %add3A_210 = arith.constant 64 : i32
    %add3A_211 = arith.addi %mul3A_209, %add3A_210 : i32
    %dma_wait3A_212 = arith.constant 0 : i32
    %dma_wait3A_213 = tpu.memref_slice %arg7[%add3A_211, %dma_wait3A_212] : memref<10240x128xf32, #tpu.memory_space<vmem_shared>> -> memref<32x128xf32, #tpu.memory_space<vmem_shared>>
    %dma_wait3A_214 = arith.constant 0 : i32
    %dma_wait3A_215 = tpu.memref_slice %arg7[%add3A_211, %dma_wait3A_214] : memref<10240x128xf32, #tpu.memory_space<vmem_shared>> -> memref<32x128xf32, #tpu.memory_space<vmem_shared>>
    tpu.wait_dma2 semaphore(%arg19 : memref<!tpu.dma_semaphore, #tpu.memory_space<semaphore_mem>>) src(%arg13 : memref<32x128xf32, #tpu.memory_space<vmem>>) dst(%dma_wait3A_215 : memref<32x128xf32, #tpu.memory_space<vmem_shared>>)
    %mul3A_216 = arith.constant 640 : i32
    %mul3A_217 = arith.muli %arg1, %mul3A_216 : i32
    %add3A_218 = arith.constant 96 : i32
    %add3A_219 = arith.addi %mul3A_217, %add3A_218 : i32
    %dma_wait3A_220 = arith.constant 0 : i32
    %dma_wait3A_221 = tpu.memref_slice %arg7[%add3A_219, %dma_wait3A_220] : memref<10240x128xf32, #tpu.memory_space<vmem_shared>> -> memref<32x128xf32, #tpu.memory_space<vmem_shared>>
    %dma_wait3A_222 = arith.constant 0 : i32
    %dma_wait3A_223 = tpu.memref_slice %arg7[%add3A_219, %dma_wait3A_222] : memref<10240x128xf32, #tpu.memory_space<vmem_shared>> -> memref<32x128xf32, #tpu.memory_space<vmem_shared>>
    tpu.wait_dma2 semaphore(%arg20 : memref<!tpu.dma_semaphore, #tpu.memory_space<semaphore_mem>>) src(%arg13 : memref<32x128xf32, #tpu.memory_space<vmem>>) dst(%dma_wait3A_223 : memref<32x128xf32, #tpu.memory_space<vmem_shared>>)
    %mul3A_224 = arith.constant 640 : i32
    %mul3A_225 = arith.muli %arg1, %mul3A_224 : i32
    %add3A_226 = arith.constant 128 : i32
    %add3A_227 = arith.addi %mul3A_225, %add3A_226 : i32
    %dma_wait3A_228 = arith.constant 0 : i32
    %dma_wait3A_229 = tpu.memref_slice %arg7[%add3A_227, %dma_wait3A_228] : memref<10240x128xf32, #tpu.memory_space<vmem_shared>> -> memref<32x128xf32, #tpu.memory_space<vmem_shared>>
    %dma_wait3A_230 = arith.constant 0 : i32
    %dma_wait3A_231 = tpu.memref_slice %arg7[%add3A_227, %dma_wait3A_230] : memref<10240x128xf32, #tpu.memory_space<vmem_shared>> -> memref<32x128xf32, #tpu.memory_space<vmem_shared>>
    tpu.wait_dma2 semaphore(%arg19 : memref<!tpu.dma_semaphore, #tpu.memory_space<semaphore_mem>>) src(%arg13 : memref<32x128xf32, #tpu.memory_space<vmem>>) dst(%dma_wait3A_231 : memref<32x128xf32, #tpu.memory_space<vmem_shared>>)
    %mul3A_232 = arith.constant 640 : i32
    %mul3A_233 = arith.muli %arg1, %mul3A_232 : i32
    %add3A_234 = arith.constant 160 : i32
    %add3A_235 = arith.addi %mul3A_233, %add3A_234 : i32
    %dma_wait3A_236 = arith.constant 0 : i32
    %dma_wait3A_237 = tpu.memref_slice %arg7[%add3A_235, %dma_wait3A_236] : memref<10240x128xf32, #tpu.memory_space<vmem_shared>> -> memref<32x128xf32, #tpu.memory_space<vmem_shared>>
    %dma_wait3A_238 = arith.constant 0 : i32
    %dma_wait3A_239 = tpu.memref_slice %arg7[%add3A_235, %dma_wait3A_238] : memref<10240x128xf32, #tpu.memory_space<vmem_shared>> -> memref<32x128xf32, #tpu.memory_space<vmem_shared>>
    tpu.wait_dma2 semaphore(%arg20 : memref<!tpu.dma_semaphore, #tpu.memory_space<semaphore_mem>>) src(%arg13 : memref<32x128xf32, #tpu.memory_space<vmem>>) dst(%dma_wait3A_239 : memref<32x128xf32, #tpu.memory_space<vmem_shared>>)
    %mul3A_240 = arith.constant 640 : i32
    %mul3A_241 = arith.muli %arg1, %mul3A_240 : i32
    %add3A_242 = arith.constant 192 : i32
    %add3A_243 = arith.addi %mul3A_241, %add3A_242 : i32
    %dma_wait3A_244 = arith.constant 0 : i32
    %dma_wait3A_245 = tpu.memref_slice %arg7[%add3A_243, %dma_wait3A_244] : memref<10240x128xf32, #tpu.memory_space<vmem_shared>> -> memref<32x128xf32, #tpu.memory_space<vmem_shared>>
    %dma_wait3A_246 = arith.constant 0 : i32
    %dma_wait3A_247 = tpu.memref_slice %arg7[%add3A_243, %dma_wait3A_246] : memref<10240x128xf32, #tpu.memory_space<vmem_shared>> -> memref<32x128xf32, #tpu.memory_space<vmem_shared>>
    tpu.wait_dma2 semaphore(%arg19 : memref<!tpu.dma_semaphore, #tpu.memory_space<semaphore_mem>>) src(%arg13 : memref<32x128xf32, #tpu.memory_space<vmem>>) dst(%dma_wait3A_247 : memref<32x128xf32, #tpu.memory_space<vmem_shared>>)
    %mul3A_248 = arith.constant 640 : i32
    %mul3A_249 = arith.muli %arg1, %mul3A_248 : i32
    %add3A_250 = arith.constant 224 : i32
    %add3A_251 = arith.addi %mul3A_249, %add3A_250 : i32
    %dma_wait3A_252 = arith.constant 0 : i32
    %dma_wait3A_253 = tpu.memref_slice %arg7[%add3A_251, %dma_wait3A_252] : memref<10240x128xf32, #tpu.memory_space<vmem_shared>> -> memref<32x128xf32, #tpu.memory_space<vmem_shared>>
    %dma_wait3A_254 = arith.constant 0 : i32
    %dma_wait3A_255 = tpu.memref_slice %arg7[%add3A_251, %dma_wait3A_254] : memref<10240x128xf32, #tpu.memory_space<vmem_shared>> -> memref<32x128xf32, #tpu.memory_space<vmem_shared>>
    tpu.wait_dma2 semaphore(%arg20 : memref<!tpu.dma_semaphore, #tpu.memory_space<semaphore_mem>>) src(%arg13 : memref<32x128xf32, #tpu.memory_space<vmem>>) dst(%dma_wait3A_255 : memref<32x128xf32, #tpu.memory_space<vmem_shared>>)
    %mul3A_256 = arith.constant 640 : i32
    %mul3A_257 = arith.muli %arg1, %mul3A_256 : i32
    %add3A_258 = arith.constant 256 : i32
    %add3A_259 = arith.addi %mul3A_257, %add3A_258 : i32
    %dma_wait3A_260 = arith.constant 0 : i32
    %dma_wait3A_261 = tpu.memref_slice %arg7[%add3A_259, %dma_wait3A_260] : memref<10240x128xf32, #tpu.memory_space<vmem_shared>> -> memref<32x128xf32, #tpu.memory_space<vmem_shared>>
    %dma_wait3A_262 = arith.constant 0 : i32
    %dma_wait3A_263 = tpu.memref_slice %arg7[%add3A_259, %dma_wait3A_262] : memref<10240x128xf32, #tpu.memory_space<vmem_shared>> -> memref<32x128xf32, #tpu.memory_space<vmem_shared>>
    tpu.wait_dma2 semaphore(%arg19 : memref<!tpu.dma_semaphore, #tpu.memory_space<semaphore_mem>>) src(%arg13 : memref<32x128xf32, #tpu.memory_space<vmem>>) dst(%dma_wait3A_263 : memref<32x128xf32, #tpu.memory_space<vmem_shared>>)
    %mul3A_264 = arith.constant 640 : i32
    %mul3A_265 = arith.muli %arg1, %mul3A_264 : i32
    %add3A_266 = arith.constant 288 : i32
    %add3A_267 = arith.addi %mul3A_265, %add3A_266 : i32
    %dma_wait3A_268 = arith.constant 0 : i32
    %dma_wait3A_269 = tpu.memref_slice %arg7[%add3A_267, %dma_wait3A_268] : memref<10240x128xf32, #tpu.memory_space<vmem_shared>> -> memref<32x128xf32, #tpu.memory_space<vmem_shared>>
    %dma_wait3A_270 = arith.constant 0 : i32
    %dma_wait3A_271 = tpu.memref_slice %arg7[%add3A_267, %dma_wait3A_270] : memref<10240x128xf32, #tpu.memory_space<vmem_shared>> -> memref<32x128xf32, #tpu.memory_space<vmem_shared>>
    tpu.wait_dma2 semaphore(%arg20 : memref<!tpu.dma_semaphore, #tpu.memory_space<semaphore_mem>>) src(%arg13 : memref<32x128xf32, #tpu.memory_space<vmem>>) dst(%dma_wait3A_271 : memref<32x128xf32, #tpu.memory_space<vmem_shared>>)
    %mul3A_272 = arith.constant 640 : i32
    %mul3A_273 = arith.muli %arg1, %mul3A_272 : i32
    %add3A_274 = arith.constant 320 : i32
    %add3A_275 = arith.addi %mul3A_273, %add3A_274 : i32
    %dma_wait3A_276 = arith.constant 0 : i32
    %dma_wait3A_277 = tpu.memref_slice %arg7[%add3A_275, %dma_wait3A_276] : memref<10240x128xf32, #tpu.memory_space<vmem_shared>> -> memref<32x128xf32, #tpu.memory_space<vmem_shared>>
    %dma_wait3A_278 = arith.constant 0 : i32
    %dma_wait3A_279 = tpu.memref_slice %arg7[%add3A_275, %dma_wait3A_278] : memref<10240x128xf32, #tpu.memory_space<vmem_shared>> -> memref<32x128xf32, #tpu.memory_space<vmem_shared>>
    tpu.wait_dma2 semaphore(%arg19 : memref<!tpu.dma_semaphore, #tpu.memory_space<semaphore_mem>>) src(%arg13 : memref<32x128xf32, #tpu.memory_space<vmem>>) dst(%dma_wait3A_279 : memref<32x128xf32, #tpu.memory_space<vmem_shared>>)
    %mul3A_280 = arith.constant 640 : i32
    %mul3A_281 = arith.muli %arg1, %mul3A_280 : i32
    %add3A_282 = arith.constant 352 : i32
    %add3A_283 = arith.addi %mul3A_281, %add3A_282 : i32
    %dma_wait3A_284 = arith.constant 0 : i32
    %dma_wait3A_285 = tpu.memref_slice %arg7[%add3A_283, %dma_wait3A_284] : memref<10240x128xf32, #tpu.memory_space<vmem_shared>> -> memref<32x128xf32, #tpu.memory_space<vmem_shared>>
    %dma_wait3A_286 = arith.constant 0 : i32
    %dma_wait3A_287 = tpu.memref_slice %arg7[%add3A_283, %dma_wait3A_286] : memref<10240x128xf32, #tpu.memory_space<vmem_shared>> -> memref<32x128xf32, #tpu.memory_space<vmem_shared>>
    tpu.wait_dma2 semaphore(%arg20 : memref<!tpu.dma_semaphore, #tpu.memory_space<semaphore_mem>>) src(%arg13 : memref<32x128xf32, #tpu.memory_space<vmem>>) dst(%dma_wait3A_287 : memref<32x128xf32, #tpu.memory_space<vmem_shared>>)
    %mul3A_288 = arith.constant 640 : i32
    %mul3A_289 = arith.muli %arg1, %mul3A_288 : i32
    %add3A_290 = arith.constant 384 : i32
    %add3A_291 = arith.addi %mul3A_289, %add3A_290 : i32
    %dma_wait3A_292 = arith.constant 0 : i32
    %dma_wait3A_293 = tpu.memref_slice %arg7[%add3A_291, %dma_wait3A_292] : memref<10240x128xf32, #tpu.memory_space<vmem_shared>> -> memref<32x128xf32, #tpu.memory_space<vmem_shared>>
    %dma_wait3A_294 = arith.constant 0 : i32
    %dma_wait3A_295 = tpu.memref_slice %arg7[%add3A_291, %dma_wait3A_294] : memref<10240x128xf32, #tpu.memory_space<vmem_shared>> -> memref<32x128xf32, #tpu.memory_space<vmem_shared>>
    tpu.wait_dma2 semaphore(%arg19 : memref<!tpu.dma_semaphore, #tpu.memory_space<semaphore_mem>>) src(%arg13 : memref<32x128xf32, #tpu.memory_space<vmem>>) dst(%dma_wait3A_295 : memref<32x128xf32, #tpu.memory_space<vmem_shared>>)
    %mul3A_296 = arith.constant 640 : i32
    %mul3A_297 = arith.muli %arg1, %mul3A_296 : i32
    %add3A_298 = arith.constant 416 : i32
    %add3A_299 = arith.addi %mul3A_297, %add3A_298 : i32
    %dma_wait3A_300 = arith.constant 0 : i32
    %dma_wait3A_301 = tpu.memref_slice %arg7[%add3A_299, %dma_wait3A_300] : memref<10240x128xf32, #tpu.memory_space<vmem_shared>> -> memref<32x128xf32, #tpu.memory_space<vmem_shared>>
    %dma_wait3A_302 = arith.constant 0 : i32
    %dma_wait3A_303 = tpu.memref_slice %arg7[%add3A_299, %dma_wait3A_302] : memref<10240x128xf32, #tpu.memory_space<vmem_shared>> -> memref<32x128xf32, #tpu.memory_space<vmem_shared>>
    tpu.wait_dma2 semaphore(%arg20 : memref<!tpu.dma_semaphore, #tpu.memory_space<semaphore_mem>>) src(%arg13 : memref<32x128xf32, #tpu.memory_space<vmem>>) dst(%dma_wait3A_303 : memref<32x128xf32, #tpu.memory_space<vmem_shared>>)
    %mul3A_304 = arith.constant 640 : i32
    %mul3A_305 = arith.muli %arg1, %mul3A_304 : i32
    %add3A_306 = arith.constant 448 : i32
    %add3A_307 = arith.addi %mul3A_305, %add3A_306 : i32
    %dma_wait3A_308 = arith.constant 0 : i32
    %dma_wait3A_309 = tpu.memref_slice %arg7[%add3A_307, %dma_wait3A_308] : memref<10240x128xf32, #tpu.memory_space<vmem_shared>> -> memref<32x128xf32, #tpu.memory_space<vmem_shared>>
    %dma_wait3A_310 = arith.constant 0 : i32
    %dma_wait3A_311 = tpu.memref_slice %arg7[%add3A_307, %dma_wait3A_310] : memref<10240x128xf32, #tpu.memory_space<vmem_shared>> -> memref<32x128xf32, #tpu.memory_space<vmem_shared>>
    tpu.wait_dma2 semaphore(%arg19 : memref<!tpu.dma_semaphore, #tpu.memory_space<semaphore_mem>>) src(%arg13 : memref<32x128xf32, #tpu.memory_space<vmem>>) dst(%dma_wait3A_311 : memref<32x128xf32, #tpu.memory_space<vmem_shared>>)
    %mul3A_312 = arith.constant 640 : i32
    %mul3A_313 = arith.muli %arg1, %mul3A_312 : i32
    %add3A_314 = arith.constant 480 : i32
    %add3A_315 = arith.addi %mul3A_313, %add3A_314 : i32
    %dma_wait3A_316 = arith.constant 0 : i32
    %dma_wait3A_317 = tpu.memref_slice %arg7[%add3A_315, %dma_wait3A_316] : memref<10240x128xf32, #tpu.memory_space<vmem_shared>> -> memref<32x128xf32, #tpu.memory_space<vmem_shared>>
    %dma_wait3A_318 = arith.constant 0 : i32
    %dma_wait3A_319 = tpu.memref_slice %arg7[%add3A_315, %dma_wait3A_318] : memref<10240x128xf32, #tpu.memory_space<vmem_shared>> -> memref<32x128xf32, #tpu.memory_space<vmem_shared>>
    tpu.wait_dma2 semaphore(%arg20 : memref<!tpu.dma_semaphore, #tpu.memory_space<semaphore_mem>>) src(%arg13 : memref<32x128xf32, #tpu.memory_space<vmem>>) dst(%dma_wait3A_319 : memref<32x128xf32, #tpu.memory_space<vmem_shared>>)
    %mul3A_320 = arith.constant 640 : i32
    %mul3A_321 = arith.muli %arg1, %mul3A_320 : i32
    %add3A_322 = arith.constant 512 : i32
    %add3A_323 = arith.addi %mul3A_321, %add3A_322 : i32
    %dma_wait3A_324 = arith.constant 0 : i32
    %dma_wait3A_325 = tpu.memref_slice %arg7[%add3A_323, %dma_wait3A_324] : memref<10240x128xf32, #tpu.memory_space<vmem_shared>> -> memref<32x128xf32, #tpu.memory_space<vmem_shared>>
    %dma_wait3A_326 = arith.constant 0 : i32
    %dma_wait3A_327 = tpu.memref_slice %arg7[%add3A_323, %dma_wait3A_326] : memref<10240x128xf32, #tpu.memory_space<vmem_shared>> -> memref<32x128xf32, #tpu.memory_space<vmem_shared>>
    tpu.wait_dma2 semaphore(%arg19 : memref<!tpu.dma_semaphore, #tpu.memory_space<semaphore_mem>>) src(%arg13 : memref<32x128xf32, #tpu.memory_space<vmem>>) dst(%dma_wait3A_327 : memref<32x128xf32, #tpu.memory_space<vmem_shared>>)
    %mul3A_328 = arith.constant 640 : i32
    %mul3A_329 = arith.muli %arg1, %mul3A_328 : i32
    %add3A_330 = arith.constant 544 : i32
    %add3A_331 = arith.addi %mul3A_329, %add3A_330 : i32
    %dma_wait3A_332 = arith.constant 0 : i32
    %dma_wait3A_333 = tpu.memref_slice %arg7[%add3A_331, %dma_wait3A_332] : memref<10240x128xf32, #tpu.memory_space<vmem_shared>> -> memref<32x128xf32, #tpu.memory_space<vmem_shared>>
    %dma_wait3A_334 = arith.constant 0 : i32
    %dma_wait3A_335 = tpu.memref_slice %arg7[%add3A_331, %dma_wait3A_334] : memref<10240x128xf32, #tpu.memory_space<vmem_shared>> -> memref<32x128xf32, #tpu.memory_space<vmem_shared>>
    tpu.wait_dma2 semaphore(%arg20 : memref<!tpu.dma_semaphore, #tpu.memory_space<semaphore_mem>>) src(%arg13 : memref<32x128xf32, #tpu.memory_space<vmem>>) dst(%dma_wait3A_335 : memref<32x128xf32, #tpu.memory_space<vmem_shared>>)
    %mul3A_336 = arith.constant 640 : i32
    %mul3A_337 = arith.muli %arg1, %mul3A_336 : i32
    %add3A_338 = arith.constant 576 : i32
    %add3A_339 = arith.addi %mul3A_337, %add3A_338 : i32
    %dma_wait3A_340 = arith.constant 0 : i32
    %dma_wait3A_341 = tpu.memref_slice %arg7[%add3A_339, %dma_wait3A_340] : memref<10240x128xf32, #tpu.memory_space<vmem_shared>> -> memref<32x128xf32, #tpu.memory_space<vmem_shared>>
    %dma_wait3A_342 = arith.constant 0 : i32
    %dma_wait3A_343 = tpu.memref_slice %arg7[%add3A_339, %dma_wait3A_342] : memref<10240x128xf32, #tpu.memory_space<vmem_shared>> -> memref<32x128xf32, #tpu.memory_space<vmem_shared>>
    tpu.wait_dma2 semaphore(%arg19 : memref<!tpu.dma_semaphore, #tpu.memory_space<semaphore_mem>>) src(%arg13 : memref<32x128xf32, #tpu.memory_space<vmem>>) dst(%dma_wait3A_343 : memref<32x128xf32, #tpu.memory_space<vmem_shared>>)
    %mul3A_344 = arith.constant 640 : i32
    %mul3A_345 = arith.muli %arg1, %mul3A_344 : i32
    %add3A_346 = arith.constant 608 : i32
    %add3A_347 = arith.addi %mul3A_345, %add3A_346 : i32
    %dma_wait3A_348 = arith.constant 0 : i32
    %dma_wait3A_349 = tpu.memref_slice %arg7[%add3A_347, %dma_wait3A_348] : memref<10240x128xf32, #tpu.memory_space<vmem_shared>> -> memref<32x128xf32, #tpu.memory_space<vmem_shared>>
    %dma_wait3A_350 = arith.constant 0 : i32
    %dma_wait3A_351 = tpu.memref_slice %arg7[%add3A_347, %dma_wait3A_350] : memref<10240x128xf32, #tpu.memory_space<vmem_shared>> -> memref<32x128xf32, #tpu.memory_space<vmem_shared>>
    tpu.wait_dma2 semaphore(%arg20 : memref<!tpu.dma_semaphore, #tpu.memory_space<semaphore_mem>>) src(%arg13 : memref<32x128xf32, #tpu.memory_space<vmem>>) dst(%dma_wait3A_351 : memref<32x128xf32, #tpu.memory_space<vmem_shared>>)
    %barrier3A = arith.constant 0 : index
    tpu.barrier barrier_id(%barrier3A)
    %scan3A_352 = arith.constant 0 : i32
    %scan3A_353 = arith.constant 0 : i32
    %scan3A_354 = arith.constant 5 : i32
    %scan3A_355 = arith.addi %scan3A_353, %scan3A_354 : i32
    %scan3A_356 = arith.constant 1 : i32
    %scan3A_357 = scf.for %scan3A_520 = %scan3A_353 to %scan3A_355 step %scan3A_356 iter_args(%scan3A_521 = %scan3A_352) -> (i32)  : i32 {
      %rem3A = arith.constant 2 : i32
      %rem3A_522 = arith.remsi %scan3A_520, %rem3A : i32
      %sub3A = arith.constant 1 : i32
      %sub3A_523 = arith.subi %sub3A, %rem3A_522 : i32
      %lt3A = arith.constant 4 : i32
      %lt3A_524 = arith.cmpi slt, %scan3A_520, %lt3A : i32
      %convert_element_type3A = arith.extui %lt3A_524 : i1 to i32
      %cond3A = arith.constant 0 : i32
      %cond3A_525 = arith.cmpi ne, %convert_element_type3A, %cond3A : i32
      scf.if %cond3A_525 {
        %add3A_534 = arith.constant 1 : i32
        %add3A_535 = arith.addi %scan3A_520, %add3A_534 : i32
        %mul3A_536 = arith.constant 16 : i32
        %mul3A_537 = arith.muli %add3A_535, %mul3A_536 : i32
        %add3A_538 = arith.addi %mul3A_167, %mul3A_537 : i32
        %dma_start3A_539 = arith.constant 0 : i32
        %dma_start3A_540 = arith.constant 0 : i32
        %dma_start3A_541 = tpu.memref_slice %arg9[%sub3A_523, %dma_start3A_539, %dma_start3A_540] : memref<2x16x128xi32, #tpu.memory_space<vmem>> -> memref<1x16x128xi32, #tpu.memory_space<vmem>>
        %dma_start3A_542 = tpu.memref_squeeze %dma_start3A_541 : memref<1x16x128xi32, #tpu.memory_space<vmem>> -> memref<16x128xi32, #tpu.memory_space<vmem>>
        %dma_start3A_543 = arith.constant 0 : i32
        %dma_start3A_544 = tpu.memref_slice %arg3[%add3A_538, %dma_start3A_543] : memref<2560x128xi32, #tpu.memory_space<hbm>> -> memref<16x128xi32, #tpu.memory_space<hbm>>
        %dma_start3A_545 = arith.constant 0 : i32
        %dma_start3A_546 = arith.constant 0 : i32
        %dma_start3A_547 = tpu.memref_slice %arg9[%sub3A_523, %dma_start3A_545, %dma_start3A_546] : memref<2x16x128xi32, #tpu.memory_space<vmem>> -> memref<1x16x128xi32, #tpu.memory_space<vmem>>
        %dma_start3A_548 = tpu.memref_squeeze %dma_start3A_547 : memref<1x16x128xi32, #tpu.memory_space<vmem>> -> memref<16x128xi32, #tpu.memory_space<vmem>>
        %dma_start3A_549 = arith.constant 0 : i32
        %dma_start3A_550 = tpu.memref_slice %arg3[%add3A_538, %dma_start3A_549] : memref<2560x128xi32, #tpu.memory_space<hbm>> -> memref<16x128xi32, #tpu.memory_space<hbm>>
        tpu.enqueue_dma source(%dma_start3A_550 : memref<16x128xi32, #tpu.memory_space<hbm>>) target(%dma_start3A_548 : memref<16x128xi32, #tpu.memory_space<vmem>>) target_semaphore(%arg21 : memref<!tpu.dma_semaphore, #tpu.memory_space<semaphore_mem>>)
        %dma_start3A_551 = arith.constant 0 : i32
        %dma_start3A_552 = arith.constant 0 : i32
        %dma_start3A_553 = tpu.memref_slice %arg10[%sub3A_523, %dma_start3A_551, %dma_start3A_552] : memref<2x16x128xi32, #tpu.memory_space<vmem>> -> memref<1x16x128xi32, #tpu.memory_space<vmem>>
        %dma_start3A_554 = tpu.memref_squeeze %dma_start3A_553 : memref<1x16x128xi32, #tpu.memory_space<vmem>> -> memref<16x128xi32, #tpu.memory_space<vmem>>
        %dma_start3A_555 = arith.constant 0 : i32
        %dma_start3A_556 = tpu.memref_slice %arg4[%add3A_538, %dma_start3A_555] : memref<2560x128xi32, #tpu.memory_space<hbm>> -> memref<16x128xi32, #tpu.memory_space<hbm>>
        %dma_start3A_557 = arith.constant 0 : i32
        %dma_start3A_558 = arith.constant 0 : i32
        %dma_start3A_559 = tpu.memref_slice %arg10[%sub3A_523, %dma_start3A_557, %dma_start3A_558] : memref<2x16x128xi32, #tpu.memory_space<vmem>> -> memref<1x16x128xi32, #tpu.memory_space<vmem>>
        %dma_start3A_560 = tpu.memref_squeeze %dma_start3A_559 : memref<1x16x128xi32, #tpu.memory_space<vmem>> -> memref<16x128xi32, #tpu.memory_space<vmem>>
        %dma_start3A_561 = arith.constant 0 : i32
        %dma_start3A_562 = tpu.memref_slice %arg4[%add3A_538, %dma_start3A_561] : memref<2560x128xi32, #tpu.memory_space<hbm>> -> memref<16x128xi32, #tpu.memory_space<hbm>>
        tpu.enqueue_dma source(%dma_start3A_562 : memref<16x128xi32, #tpu.memory_space<hbm>>) target(%dma_start3A_560 : memref<16x128xi32, #tpu.memory_space<vmem>>) target_semaphore(%arg22 : memref<!tpu.dma_semaphore, #tpu.memory_space<semaphore_mem>>)
      } else {
      }
      %scan3A_526 = arith.constant 0 : i32
      %scan3A_527 = arith.constant 0 : i32
      %scan3A_528 = arith.constant 8 : i32
      %scan3A_529 = arith.addi %scan3A_527, %scan3A_528 : i32
      %scan3A_530 = arith.constant 1 : i32
      %scan3A_531 = scf.for %scan3A_534 = %scan3A_527 to %scan3A_529 step %scan3A_530 iter_args(%scan3A_535 = %scan3A_526) -> (i32)  : i32 {
        %mul3A_536 = arith.constant 2 : i32
        %mul3A_537 = arith.muli %scan3A_534, %mul3A_536 : i32
        %add3A_538 = arith.constant 0 : i32
        %add3A_539 = arith.addi %mul3A_537, %add3A_538 : i32
        %dma_wait3A_540 = arith.constant 0 : i32
        %dma_wait3A_541 = arith.constant 0 : i32
        %dma_wait3A_542 = tpu.memref_slice %arg9[%rem3A_522, %dma_wait3A_540, %dma_wait3A_541] : memref<2x16x128xi32, #tpu.memory_space<vmem>> -> memref<1x16x128xi32, #tpu.memory_space<vmem>>
        %dma_wait3A_543 = tpu.memref_squeeze %dma_wait3A_542 : memref<1x16x128xi32, #tpu.memory_space<vmem>> -> memref<16x128xi32, #tpu.memory_space<vmem>>
        %dma_wait3A_544 = arith.constant 0 : i32
        %dma_wait3A_545 = tpu.memref_slice %dma_wait3A_543[%add3A_539, %dma_wait3A_544] : memref<16x128xi32, #tpu.memory_space<vmem>> -> memref<1x128xi32, #tpu.memory_space<vmem>>
        %dma_wait3A_546 = tpu.memref_squeeze %dma_wait3A_545 : memref<1x128xi32, #tpu.memory_space<vmem>> -> memref<128xi32, #tpu.memory_space<vmem>>
        %dma_wait3A_547 = arith.constant 0 : i32
        %dma_wait3A_548 = arith.constant 0 : i32
        %dma_wait3A_549 = tpu.memref_slice %arg2[%dma_wait3A_547, %dma_wait3A_548] : memref<10000x128xf32, #tpu.memory_space<hbm>> -> memref<10000x128xf32, #tpu.memory_space<hbm>>
        tpu.wait_indirect_dma semaphore(%arg17 : memref<!tpu.dma_semaphore, #tpu.memory_space<semaphore_mem>>) src(%dma_wait3A_549 : memref<10000x128xf32, #tpu.memory_space<hbm>>) dst(%arg11 : memref<128x128xf32, #tpu.memory_space<vmem>>)
        %dma_start3A_550 = arith.constant 0 : i32
        %dma_start3A_551 = arith.constant 0 : i32
        %dma_start3A_552 = tpu.memref_slice %arg10[%rem3A_522, %dma_start3A_550, %dma_start3A_551] : memref<2x16x128xi32, #tpu.memory_space<vmem>> -> memref<1x16x128xi32, #tpu.memory_space<vmem>>
        %dma_start3A_553 = tpu.memref_squeeze %dma_start3A_552 : memref<1x16x128xi32, #tpu.memory_space<vmem>> -> memref<16x128xi32, #tpu.memory_space<vmem>>
        %dma_start3A_554 = arith.constant 0 : i32
        %dma_start3A_555 = tpu.memref_slice %dma_start3A_553[%add3A_539, %dma_start3A_554] : memref<16x128xi32, #tpu.memory_space<vmem>> -> memref<1x128xi32, #tpu.memory_space<vmem>>
        %dma_start3A_556 = tpu.memref_squeeze %dma_start3A_555 : memref<1x128xi32, #tpu.memory_space<vmem>> -> memref<128xi32, #tpu.memory_space<vmem>>
        %dma_start3A_557 = arith.constant 0 : i32
        %dma_start3A_558 = arith.constant 0 : i32
        %dma_start3A_559 = tpu.memref_slice %arg7[%dma_start3A_557, %dma_start3A_558] : memref<10240x128xf32, #tpu.memory_space<vmem_shared>> -> memref<10240x128xf32, #tpu.memory_space<vmem_shared>>
        tpu.enqueue_indirect_dma source(%arg11 : memref<128x128xf32, #tpu.memory_space<vmem>>) target(%dma_start3A_559 : memref<10240x128xf32, #tpu.memory_space<vmem_shared>>) offsets(%dma_start3A_556 : memref<128xi32, #tpu.memory_space<vmem>>) semaphore(%arg19 : memref<!tpu.dma_semaphore, #tpu.memory_space<semaphore_mem>>) {add = true}
        %mul3A_560 = arith.constant 2 : i32
        %mul3A_561 = arith.muli %scan3A_534, %mul3A_560 : i32
        %add3A_562 = arith.constant 1 : i32
        %add3A_563 = arith.addi %mul3A_561, %add3A_562 : i32
        %dma_wait3A_564 = arith.constant 0 : i32
        %dma_wait3A_565 = arith.constant 0 : i32
        %dma_wait3A_566 = tpu.memref_slice %arg9[%rem3A_522, %dma_wait3A_564, %dma_wait3A_565] : memref<2x16x128xi32, #tpu.memory_space<vmem>> -> memref<1x16x128xi32, #tpu.memory_space<vmem>>
        %dma_wait3A_567 = tpu.memref_squeeze %dma_wait3A_566 : memref<1x16x128xi32, #tpu.memory_space<vmem>> -> memref<16x128xi32, #tpu.memory_space<vmem>>
        %dma_wait3A_568 = arith.constant 0 : i32
        %dma_wait3A_569 = tpu.memref_slice %dma_wait3A_567[%add3A_563, %dma_wait3A_568] : memref<16x128xi32, #tpu.memory_space<vmem>> -> memref<1x128xi32, #tpu.memory_space<vmem>>
        %dma_wait3A_570 = tpu.memref_squeeze %dma_wait3A_569 : memref<1x128xi32, #tpu.memory_space<vmem>> -> memref<128xi32, #tpu.memory_space<vmem>>
        %dma_wait3A_571 = arith.constant 0 : i32
        %dma_wait3A_572 = arith.constant 0 : i32
        %dma_wait3A_573 = tpu.memref_slice %arg2[%dma_wait3A_571, %dma_wait3A_572] : memref<10000x128xf32, #tpu.memory_space<hbm>> -> memref<10000x128xf32, #tpu.memory_space<hbm>>
        tpu.wait_indirect_dma semaphore(%arg18 : memref<!tpu.dma_semaphore, #tpu.memory_space<semaphore_mem>>) src(%dma_wait3A_573 : memref<10000x128xf32, #tpu.memory_space<hbm>>) dst(%arg12 : memref<128x128xf32, #tpu.memory_space<vmem>>)
        %dma_start3A_574 = arith.constant 0 : i32
        %dma_start3A_575 = arith.constant 0 : i32
        %dma_start3A_576 = tpu.memref_slice %arg10[%rem3A_522, %dma_start3A_574, %dma_start3A_575] : memref<2x16x128xi32, #tpu.memory_space<vmem>> -> memref<1x16x128xi32, #tpu.memory_space<vmem>>
        %dma_start3A_577 = tpu.memref_squeeze %dma_start3A_576 : memref<1x16x128xi32, #tpu.memory_space<vmem>> -> memref<16x128xi32, #tpu.memory_space<vmem>>
        %dma_start3A_578 = arith.constant 0 : i32
        %dma_start3A_579 = tpu.memref_slice %dma_start3A_577[%add3A_563, %dma_start3A_578] : memref<16x128xi32, #tpu.memory_space<vmem>> -> memref<1x128xi32, #tpu.memory_space<vmem>>
        %dma_start3A_580 = tpu.memref_squeeze %dma_start3A_579 : memref<1x128xi32, #tpu.memory_space<vmem>> -> memref<128xi32, #tpu.memory_space<vmem>>
        %dma_start3A_581 = arith.constant 0 : i32
        %dma_start3A_582 = arith.constant 0 : i32
        %dma_start3A_583 = tpu.memref_slice %arg7[%dma_start3A_581, %dma_start3A_582] : memref<10240x128xf32, #tpu.memory_space<vmem_shared>> -> memref<10240x128xf32, #tpu.memory_space<vmem_shared>>
        tpu.enqueue_indirect_dma source(%arg12 : memref<128x128xf32, #tpu.memory_space<vmem>>) target(%dma_start3A_583 : memref<10240x128xf32, #tpu.memory_space<vmem_shared>>) offsets(%dma_start3A_580 : memref<128xi32, #tpu.memory_space<vmem>>) semaphore(%arg20 : memref<!tpu.dma_semaphore, #tpu.memory_space<semaphore_mem>>) {add = true}
        %mul3A_584 = arith.constant 2 : i32
        %mul3A_585 = arith.muli %scan3A_534, %mul3A_584 : i32
        %add3A_586 = arith.constant 0 : i32
        %add3A_587 = arith.addi %mul3A_585, %add3A_586 : i32
        %dma_wait3A_588 = arith.constant 0 : i32
        %dma_wait3A_589 = arith.constant 0 : i32
        %dma_wait3A_590 = tpu.memref_slice %arg10[%rem3A_522, %dma_wait3A_588, %dma_wait3A_589] : memref<2x16x128xi32, #tpu.memory_space<vmem>> -> memref<1x16x128xi32, #tpu.memory_space<vmem>>
        %dma_wait3A_591 = tpu.memref_squeeze %dma_wait3A_590 : memref<1x16x128xi32, #tpu.memory_space<vmem>> -> memref<16x128xi32, #tpu.memory_space<vmem>>
        %dma_wait3A_592 = arith.constant 0 : i32
        %dma_wait3A_593 = tpu.memref_slice %dma_wait3A_591[%add3A_587, %dma_wait3A_592] : memref<16x128xi32, #tpu.memory_space<vmem>> -> memref<1x128xi32, #tpu.memory_space<vmem>>
        %dma_wait3A_594 = tpu.memref_squeeze %dma_wait3A_593 : memref<1x128xi32, #tpu.memory_space<vmem>> -> memref<128xi32, #tpu.memory_space<vmem>>
        %dma_wait3A_595 = arith.constant 0 : i32
        %dma_wait3A_596 = arith.constant 0 : i32
        %dma_wait3A_597 = tpu.memref_slice %arg7[%dma_wait3A_595, %dma_wait3A_596] : memref<10240x128xf32, #tpu.memory_space<vmem_shared>> -> memref<10240x128xf32, #tpu.memory_space<vmem_shared>>
        tpu.wait_indirect_dma semaphore(%arg19 : memref<!tpu.dma_semaphore, #tpu.memory_space<semaphore_mem>>) src(%arg11 : memref<128x128xf32, #tpu.memory_space<vmem>>) dst(%dma_wait3A_597 : memref<10240x128xf32, #tpu.memory_space<vmem_shared>>)
        %mul3A_598 = arith.constant 2 : i32
        %mul3A_599 = arith.muli %scan3A_534, %mul3A_598 : i32
        %add3A_600 = arith.constant 1 : i32
        %add3A_601 = arith.addi %mul3A_599, %add3A_600 : i32
        %dma_wait3A_602 = arith.constant 0 : i32
        %dma_wait3A_603 = arith.constant 0 : i32
        %dma_wait3A_604 = tpu.memref_slice %arg10[%rem3A_522, %dma_wait3A_602, %dma_wait3A_603] : memref<2x16x128xi32, #tpu.memory_space<vmem>> -> memref<1x16x128xi32, #tpu.memory_space<vmem>>
        %dma_wait3A_605 = tpu.memref_squeeze %dma_wait3A_604 : memref<1x16x128xi32, #tpu.memory_space<vmem>> -> memref<16x128xi32, #tpu.memory_space<vmem>>
        %dma_wait3A_606 = arith.constant 0 : i32
        %dma_wait3A_607 = tpu.memref_slice %dma_wait3A_605[%add3A_601, %dma_wait3A_606] : memref<16x128xi32, #tpu.memory_space<vmem>> -> memref<1x128xi32, #tpu.memory_space<vmem>>
        %dma_wait3A_608 = tpu.memref_squeeze %dma_wait3A_607 : memref<1x128xi32, #tpu.memory_space<vmem>> -> memref<128xi32, #tpu.memory_space<vmem>>
        %dma_wait3A_609 = arith.constant 0 : i32
        %dma_wait3A_610 = arith.constant 0 : i32
        %dma_wait3A_611 = tpu.memref_slice %arg7[%dma_wait3A_609, %dma_wait3A_610] : memref<10240x128xf32, #tpu.memory_space<vmem_shared>> -> memref<10240x128xf32, #tpu.memory_space<vmem_shared>>
        tpu.wait_indirect_dma semaphore(%arg20 : memref<!tpu.dma_semaphore, #tpu.memory_space<semaphore_mem>>) src(%arg12 : memref<128x128xf32, #tpu.memory_space<vmem>>) dst(%dma_wait3A_611 : memref<10240x128xf32, #tpu.memory_space<vmem_shared>>)
        %lt3A_612 = arith.constant 7 : i32
        %lt3A_613 = arith.cmpi slt, %scan3A_534, %lt3A_612 : i32
        %convert_element_type3A_614 = arith.extui %lt3A_613 : i1 to i32
        %cond3A_615 = arith.constant 0 : i32
        %cond3A_616 = arith.cmpi ne, %convert_element_type3A_614, %cond3A_615 : i32
        scf.if %cond3A_616 {
          %add3A_624 = arith.constant 1 : i32
          %add3A_625 = arith.addi %scan3A_534, %add3A_624 : i32
          %mul3A_626 = arith.constant 2 : i32
          %mul3A_627 = arith.muli %add3A_625, %mul3A_626 : i32
          %add3A_628 = arith.constant 0 : i32
          %add3A_629 = arith.addi %mul3A_627, %add3A_628 : i32
          %dma_start3A_630 = arith.constant 0 : i32
          %dma_start3A_631 = arith.constant 0 : i32
          %dma_start3A_632 = tpu.memref_slice %arg9[%rem3A_522, %dma_start3A_630, %dma_start3A_631] : memref<2x16x128xi32, #tpu.memory_space<vmem>> -> memref<1x16x128xi32, #tpu.memory_space<vmem>>
          %dma_start3A_633 = tpu.memref_squeeze %dma_start3A_632 : memref<1x16x128xi32, #tpu.memory_space<vmem>> -> memref<16x128xi32, #tpu.memory_space<vmem>>
          %dma_start3A_634 = arith.constant 0 : i32
          %dma_start3A_635 = tpu.memref_slice %dma_start3A_633[%add3A_629, %dma_start3A_634] : memref<16x128xi32, #tpu.memory_space<vmem>> -> memref<1x128xi32, #tpu.memory_space<vmem>>
          %dma_start3A_636 = tpu.memref_squeeze %dma_start3A_635 : memref<1x128xi32, #tpu.memory_space<vmem>> -> memref<128xi32, #tpu.memory_space<vmem>>
          %dma_start3A_637 = arith.constant 0 : i32
          %dma_start3A_638 = arith.constant 0 : i32
          %dma_start3A_639 = tpu.memref_slice %arg2[%dma_start3A_637, %dma_start3A_638] : memref<10000x128xf32, #tpu.memory_space<hbm>> -> memref<10000x128xf32, #tpu.memory_space<hbm>>
          tpu.enqueue_indirect_dma source(%dma_start3A_639 : memref<10000x128xf32, #tpu.memory_space<hbm>>) target(%arg11 : memref<128x128xf32, #tpu.memory_space<vmem>>) offsets(%dma_start3A_636 : memref<128xi32, #tpu.memory_space<vmem>>) semaphore(%arg17 : memref<!tpu.dma_semaphore, #tpu.memory_space<semaphore_mem>>)
          %add3A_640 = arith.constant 1 : i32
          %add3A_641 = arith.addi %scan3A_534, %add3A_640 : i32
          %mul3A_642 = arith.constant 2 : i32
          %mul3A_643 = arith.muli %add3A_641, %mul3A_642 : i32
          %add3A_644 = arith.constant 1 : i32
          %add3A_645 = arith.addi %mul3A_643, %add3A_644 : i32
          %dma_start3A_646 = arith.constant 0 : i32
          %dma_start3A_647 = arith.constant 0 : i32
          %dma_start3A_648 = tpu.memref_slice %arg9[%rem3A_522, %dma_start3A_646, %dma_start3A_647] : memref<2x16x128xi32, #tpu.memory_space<vmem>> -> memref<1x16x128xi32, #tpu.memory_space<vmem>>
          %dma_start3A_649 = tpu.memref_squeeze %dma_start3A_648 : memref<1x16x128xi32, #tpu.memory_space<vmem>> -> memref<16x128xi32, #tpu.memory_space<vmem>>
          %dma_start3A_650 = arith.constant 0 : i32
          %dma_start3A_651 = tpu.memref_slice %dma_start3A_649[%add3A_645, %dma_start3A_650] : memref<16x128xi32, #tpu.memory_space<vmem>> -> memref<1x128xi32, #tpu.memory_space<vmem>>
          %dma_start3A_652 = tpu.memref_squeeze %dma_start3A_651 : memref<1x128xi32, #tpu.memory_space<vmem>> -> memref<128xi32, #tpu.memory_space<vmem>>
          %dma_start3A_653 = arith.constant 0 : i32
          %dma_start3A_654 = arith.constant 0 : i32
          %dma_start3A_655 = tpu.memref_slice %arg2[%dma_start3A_653, %dma_start3A_654] : memref<10000x128xf32, #tpu.memory_space<hbm>> -> memref<10000x128xf32, #tpu.memory_space<hbm>>
          tpu.enqueue_indirect_dma source(%dma_start3A_655 : memref<10000x128xf32, #tpu.memory_space<hbm>>) target(%arg12 : memref<128x128xf32, #tpu.memory_space<vmem>>) offsets(%dma_start3A_652 : memref<128xi32, #tpu.memory_space<vmem>>) semaphore(%arg18 : memref<!tpu.dma_semaphore, #tpu.memory_space<semaphore_mem>>)
        } else {
        }
        %eq3A = arith.constant 7 : i32
        %eq3A_617 = arith.cmpi eq, %scan3A_534, %eq3A : i32
        %lt3A_618 = arith.constant 4 : i32
        %lt3A_619 = arith.cmpi slt, %scan3A_520, %lt3A_618 : i32
        %and3A = arith.andi %eq3A_617, %lt3A_619 : i1
        %convert_element_type3A_620 = arith.extui %and3A : i1 to i32
        %cond3A_621 = arith.constant 0 : i32
        %cond3A_622 = arith.cmpi ne, %convert_element_type3A_620, %cond3A_621 : i32
        scf.if %cond3A_622 {
          %add3A_624 = arith.constant 1 : i32
          %add3A_625 = arith.addi %scan3A_520, %add3A_624 : i32
          %mul3A_626 = arith.constant 16 : i32
          %mul3A_627 = arith.muli %add3A_625, %mul3A_626 : i32
          %add3A_628 = arith.addi %mul3A_167, %mul3A_627 : i32
          %dma_wait3A_629 = arith.constant 0 : i32
          %dma_wait3A_630 = arith.constant 0 : i32
          %dma_wait3A_631 = tpu.memref_slice %arg9[%sub3A_523, %dma_wait3A_629, %dma_wait3A_630] : memref<2x16x128xi32, #tpu.memory_space<vmem>> -> memref<1x16x128xi32, #tpu.memory_space<vmem>>
          %dma_wait3A_632 = tpu.memref_squeeze %dma_wait3A_631 : memref<1x16x128xi32, #tpu.memory_space<vmem>> -> memref<16x128xi32, #tpu.memory_space<vmem>>
          %dma_wait3A_633 = arith.constant 0 : i32
          %dma_wait3A_634 = tpu.memref_slice %arg3[%add3A_628, %dma_wait3A_633] : memref<2560x128xi32, #tpu.memory_space<hbm>> -> memref<16x128xi32, #tpu.memory_space<hbm>>
          %dma_wait3A_635 = arith.constant 0 : i32
          %dma_wait3A_636 = arith.constant 0 : i32
          %dma_wait3A_637 = tpu.memref_slice %arg9[%sub3A_523, %dma_wait3A_635, %dma_wait3A_636] : memref<2x16x128xi32, #tpu.memory_space<vmem>> -> memref<1x16x128xi32, #tpu.memory_space<vmem>>
          %dma_wait3A_638 = tpu.memref_squeeze %dma_wait3A_637 : memref<1x16x128xi32, #tpu.memory_space<vmem>> -> memref<16x128xi32, #tpu.memory_space<vmem>>
          %dma_wait3A_639 = arith.constant 0 : i32
          %dma_wait3A_640 = tpu.memref_slice %arg3[%add3A_628, %dma_wait3A_639] : memref<2560x128xi32, #tpu.memory_space<hbm>> -> memref<16x128xi32, #tpu.memory_space<hbm>>
          tpu.wait_dma2 semaphore(%arg21 : memref<!tpu.dma_semaphore, #tpu.memory_space<semaphore_mem>>) src(%dma_wait3A_640 : memref<16x128xi32, #tpu.memory_space<hbm>>) dst(%dma_wait3A_638 : memref<16x128xi32, #tpu.memory_space<vmem>>)
          %dma_wait3A_641 = arith.constant 0 : i32
          %dma_wait3A_642 = arith.constant 0 : i32
          %dma_wait3A_643 = tpu.memref_slice %arg10[%sub3A_523, %dma_wait3A_641, %dma_wait3A_642] : memref<2x16x128xi32, #tpu.memory_space<vmem>> -> memref<1x16x128xi32, #tpu.memory_space<vmem>>
          %dma_wait3A_644 = tpu.memref_squeeze %dma_wait3A_643 : memref<1x16x128xi32, #tpu.memory_space<vmem>> -> memref<16x128xi32, #tpu.memory_space<vmem>>
          %dma_wait3A_645 = arith.constant 0 : i32
          %dma_wait3A_646 = tpu.memref_slice %arg4[%add3A_628, %dma_wait3A_645] : memref<2560x128xi32, #tpu.memory_space<hbm>> -> memref<16x128xi32, #tpu.memory_space<hbm>>
          %dma_wait3A_647 = arith.constant 0 : i32
          %dma_wait3A_648 = arith.constant 0 : i32
          %dma_wait3A_649 = tpu.memref_slice %arg10[%sub3A_523, %dma_wait3A_647, %dma_wait3A_648] : memref<2x16x128xi32, #tpu.memory_space<vmem>> -> memref<1x16x128xi32, #tpu.memory_space<vmem>>
          %dma_wait3A_650 = tpu.memref_squeeze %dma_wait3A_649 : memref<1x16x128xi32, #tpu.memory_space<vmem>> -> memref<16x128xi32, #tpu.memory_space<vmem>>
          %dma_wait3A_651 = arith.constant 0 : i32
          %dma_wait3A_652 = tpu.memref_slice %arg4[%add3A_628, %dma_wait3A_651] : memref<2560x128xi32, #tpu.memory_space<hbm>> -> memref<16x128xi32, #tpu.memory_space<hbm>>
          tpu.wait_dma2 semaphore(%arg22 : memref<!tpu.dma_semaphore, #tpu.memory_space<semaphore_mem>>) src(%dma_wait3A_652 : memref<16x128xi32, #tpu.memory_space<hbm>>) dst(%dma_wait3A_650 : memref<16x128xi32, #tpu.memory_space<vmem>>)
          %dma_start3A_653 = arith.constant 0 : i32
          %dma_start3A_654 = arith.constant 0 : i32
          %dma_start3A_655 = arith.constant 0 : i32
          %dma_start3A_656 = tpu.memref_slice %arg9[%sub3A_523, %dma_start3A_654, %dma_start3A_655] : memref<2x16x128xi32, #tpu.memory_space<vmem>> -> memref<1x16x128xi32, #tpu.memory_space<vmem>>
          %dma_start3A_657 = tpu.memref_squeeze %dma_start3A_656 : memref<1x16x128xi32, #tpu.memory_space<vmem>> -> memref<16x128xi32, #tpu.memory_space<vmem>>
          %dma_start3A_658 = arith.constant 0 : i32
          %dma_start3A_659 = tpu.memref_slice %dma_start3A_657[%dma_start3A_653, %dma_start3A_658] : memref<16x128xi32, #tpu.memory_space<vmem>> -> memref<1x128xi32, #tpu.memory_space<vmem>>
          %dma_start3A_660 = tpu.memref_squeeze %dma_start3A_659 : memref<1x128xi32, #tpu.memory_space<vmem>> -> memref<128xi32, #tpu.memory_space<vmem>>
          %dma_start3A_661 = arith.constant 0 : i32
          %dma_start3A_662 = arith.constant 0 : i32
          %dma_start3A_663 = tpu.memref_slice %arg2[%dma_start3A_661, %dma_start3A_662] : memref<10000x128xf32, #tpu.memory_space<hbm>> -> memref<10000x128xf32, #tpu.memory_space<hbm>>
          tpu.enqueue_indirect_dma source(%dma_start3A_663 : memref<10000x128xf32, #tpu.memory_space<hbm>>) target(%arg11 : memref<128x128xf32, #tpu.memory_space<vmem>>) offsets(%dma_start3A_660 : memref<128xi32, #tpu.memory_space<vmem>>) semaphore(%arg17 : memref<!tpu.dma_semaphore, #tpu.memory_space<semaphore_mem>>)
          %dma_start3A_664 = arith.constant 1 : i32
          %dma_start3A_665 = arith.constant 0 : i32
          %dma_start3A_666 = arith.constant 0 : i32
          %dma_start3A_667 = tpu.memref_slice %arg9[%sub3A_523, %dma_start3A_665, %dma_start3A_666] : memref<2x16x128xi32, #tpu.memory_space<vmem>> -> memref<1x16x128xi32, #tpu.memory_space<vmem>>
          %dma_start3A_668 = tpu.memref_squeeze %dma_start3A_667 : memref<1x16x128xi32, #tpu.memory_space<vmem>> -> memref<16x128xi32, #tpu.memory_space<vmem>>
          %dma_start3A_669 = arith.constant 0 : i32
          %dma_start3A_670 = tpu.memref_slice %dma_start3A_668[%dma_start3A_664, %dma_start3A_669] : memref<16x128xi32, #tpu.memory_space<vmem>> -> memref<1x128xi32, #tpu.memory_space<vmem>>
          %dma_start3A_671 = tpu.memref_squeeze %dma_start3A_670 : memref<1x128xi32, #tpu.memory_space<vmem>> -> memref<128xi32, #tpu.memory_space<vmem>>
          %dma_start3A_672 = arith.constant 0 : i32
          %dma_start3A_673 = arith.constant 0 : i32
          %dma_start3A_674 = tpu.memref_slice %arg2[%dma_start3A_672, %dma_start3A_673] : memref<10000x128xf32, #tpu.memory_space<hbm>> -> memref<10000x128xf32, #tpu.memory_space<hbm>>
          tpu.enqueue_indirect_dma source(%dma_start3A_674 : memref<10000x128xf32, #tpu.memory_space<hbm>>) target(%arg12 : memref<128x128xf32, #tpu.memory_space<vmem>>) offsets(%dma_start3A_671 : memref<128xi32, #tpu.memory_space<vmem>>) semaphore(%arg18 : memref<!tpu.dma_semaphore, #tpu.memory_space<semaphore_mem>>)
        } else {
        }
        %scan3A_623 = arith.constant 0 : i32
        scf.yield %scan3A_623 : i32
      }
      %scan3A_532 = arith.constant 8 : i32
      %scan3A_533 = arith.constant 0 : i32
      scf.yield %scan3A_533 : i32
    }
    %scan3A_358 = arith.constant 5 : i32
    %barrier3A_359 = arith.constant 0 : index
    tpu.barrier barrier_id(%barrier3A_359)
    %mul3A_360 = arith.constant 640 : i32
    %mul3A_361 = arith.muli %arg1, %mul3A_360 : i32
    %add3A_362 = arith.constant 0 : i32
    %add3A_363 = arith.addi %mul3A_361, %add3A_362 : i32
    "tpu.region"() ({
      %run_scoped3A_520 = tpu.sem_alloc : memref<!tpu.dma_semaphore, #tpu.memory_space<semaphore_mem>>
      %dma_start3A_521 = arith.constant 0 : i32
      %dma_start3A_522 = tpu.memref_slice %arg7[%add3A_363, %dma_start3A_521] : memref<10240x128xf32, #tpu.memory_space<vmem_shared>> -> memref<128x128xf32, #tpu.memory_space<vmem_shared>>
      %dma_start3A_523 = arith.constant 0 : i32
      %dma_start3A_524 = tpu.memref_slice %arg7[%add3A_363, %dma_start3A_523] : memref<10240x128xf32, #tpu.memory_space<vmem_shared>> -> memref<128x128xf32, #tpu.memory_space<vmem_shared>>
      tpu.enqueue_dma source(%dma_start3A_524 : memref<128x128xf32, #tpu.memory_space<vmem_shared>>) target(%arg11 : memref<128x128xf32, #tpu.memory_space<vmem>>) target_semaphore(%run_scoped3A_520 : memref<!tpu.dma_semaphore, #tpu.memory_space<semaphore_mem>>)
      %dma_wait3A_525 = arith.constant 0 : i32
      %dma_wait3A_526 = tpu.memref_slice %arg7[%add3A_363, %dma_wait3A_525] : memref<10240x128xf32, #tpu.memory_space<vmem_shared>> -> memref<128x128xf32, #tpu.memory_space<vmem_shared>>
      %dma_wait3A_527 = arith.constant 0 : i32
      %dma_wait3A_528 = tpu.memref_slice %arg7[%add3A_363, %dma_wait3A_527] : memref<10240x128xf32, #tpu.memory_space<vmem_shared>> -> memref<128x128xf32, #tpu.memory_space<vmem_shared>>
      tpu.wait_dma2 semaphore(%run_scoped3A_520 : memref<!tpu.dma_semaphore, #tpu.memory_space<semaphore_mem>>) src(%dma_wait3A_528 : memref<128x128xf32, #tpu.memory_space<vmem_shared>>) dst(%arg11 : memref<128x128xf32, #tpu.memory_space<vmem>>)
      tpu.yield
    }) : () -> ()
    %dma_start3A_364 = arith.constant 0 : i32
    %dma_start3A_365 = arith.constant 0 : i32
    %dma_start3A_366 = tpu.memref_slice %arg5[%arg0, %dma_start3A_364, %dma_start3A_365] : memref<2x10240x128xf32, #tpu.memory_space<hbm>> -> memref<1x10240x128xf32, #tpu.memory_space<hbm>>
    %dma_start3A_367 = tpu.memref_squeeze %dma_start3A_366 : memref<1x10240x128xf32, #tpu.memory_space<hbm>> -> memref<10240x128xf32, #tpu.memory_space<hbm>>
    %dma_start3A_368 = arith.constant 0 : i32
    %dma_start3A_369 = tpu.memref_slice %dma_start3A_367[%add3A_363, %dma_start3A_368] : memref<10240x128xf32, #tpu.memory_space<hbm>> -> memref<128x128xf32, #tpu.memory_space<hbm>>
    %dma_start3A_370 = arith.constant 0 : i32
    %dma_start3A_371 = arith.constant 0 : i32
    %dma_start3A_372 = tpu.memref_slice %arg5[%arg0, %dma_start3A_370, %dma_start3A_371] : memref<2x10240x128xf32, #tpu.memory_space<hbm>> -> memref<1x10240x128xf32, #tpu.memory_space<hbm>>
    %dma_start3A_373 = tpu.memref_squeeze %dma_start3A_372 : memref<1x10240x128xf32, #tpu.memory_space<hbm>> -> memref<10240x128xf32, #tpu.memory_space<hbm>>
    %dma_start3A_374 = arith.constant 0 : i32
    %dma_start3A_375 = tpu.memref_slice %dma_start3A_373[%add3A_363, %dma_start3A_374] : memref<10240x128xf32, #tpu.memory_space<hbm>> -> memref<128x128xf32, #tpu.memory_space<hbm>>
    tpu.enqueue_dma source(%arg11 : memref<128x128xf32, #tpu.memory_space<vmem>>) target(%dma_start3A_375 : memref<128x128xf32, #tpu.memory_space<hbm>>) target_semaphore(%arg17 : memref<!tpu.dma_semaphore, #tpu.memory_space<semaphore_mem>>)
    %mul3A_376 = arith.constant 640 : i32
    %mul3A_377 = arith.muli %arg1, %mul3A_376 : i32
    %add3A_378 = arith.constant 128 : i32
    %add3A_379 = arith.addi %mul3A_377, %add3A_378 : i32
    "tpu.region"() ({
      %run_scoped3A_520 = tpu.sem_alloc : memref<!tpu.dma_semaphore, #tpu.memory_space<semaphore_mem>>
      %dma_start3A_521 = arith.constant 0 : i32
      %dma_start3A_522 = tpu.memref_slice %arg7[%add3A_379, %dma_start3A_521] : memref<10240x128xf32, #tpu.memory_space<vmem_shared>> -> memref<128x128xf32, #tpu.memory_space<vmem_shared>>
      %dma_start3A_523 = arith.constant 0 : i32
      %dma_start3A_524 = tpu.memref_slice %arg7[%add3A_379, %dma_start3A_523] : memref<10240x128xf32, #tpu.memory_space<vmem_shared>> -> memref<128x128xf32, #tpu.memory_space<vmem_shared>>
      tpu.enqueue_dma source(%dma_start3A_524 : memref<128x128xf32, #tpu.memory_space<vmem_shared>>) target(%arg12 : memref<128x128xf32, #tpu.memory_space<vmem>>) target_semaphore(%run_scoped3A_520 : memref<!tpu.dma_semaphore, #tpu.memory_space<semaphore_mem>>)
      %dma_wait3A_525 = arith.constant 0 : i32
      %dma_wait3A_526 = tpu.memref_slice %arg7[%add3A_379, %dma_wait3A_525] : memref<10240x128xf32, #tpu.memory_space<vmem_shared>> -> memref<128x128xf32, #tpu.memory_space<vmem_shared>>
      %dma_wait3A_527 = arith.constant 0 : i32
      %dma_wait3A_528 = tpu.memref_slice %arg7[%add3A_379, %dma_wait3A_527] : memref<10240x128xf32, #tpu.memory_space<vmem_shared>> -> memref<128x128xf32, #tpu.memory_space<vmem_shared>>
      tpu.wait_dma2 semaphore(%run_scoped3A_520 : memref<!tpu.dma_semaphore, #tpu.memory_space<semaphore_mem>>) src(%dma_wait3A_528 : memref<128x128xf32, #tpu.memory_space<vmem_shared>>) dst(%arg12 : memref<128x128xf32, #tpu.memory_space<vmem>>)
      tpu.yield
    }) : () -> ()
    %dma_start3A_380 = arith.constant 0 : i32
    %dma_start3A_381 = arith.constant 0 : i32
    %dma_start3A_382 = tpu.memref_slice %arg5[%arg0, %dma_start3A_380, %dma_start3A_381] : memref<2x10240x128xf32, #tpu.memory_space<hbm>> -> memref<1x10240x128xf32, #tpu.memory_space<hbm>>
    %dma_start3A_383 = tpu.memref_squeeze %dma_start3A_382 : memref<1x10240x128xf32, #tpu.memory_space<hbm>> -> memref<10240x128xf32, #tpu.memory_space<hbm>>
    %dma_start3A_384 = arith.constant 0 : i32
    %dma_start3A_385 = tpu.memref_slice %dma_start3A_383[%add3A_379, %dma_start3A_384] : memref<10240x128xf32, #tpu.memory_space<hbm>> -> memref<128x128xf32, #tpu.memory_space<hbm>>
    %dma_start3A_386 = arith.constant 0 : i32
    %dma_start3A_387 = arith.constant 0 : i32
    %dma_start3A_388 = tpu.memref_slice %arg5[%arg0, %dma_start3A_386, %dma_start3A_387] : memref<2x10240x128xf32, #tpu.memory_space<hbm>> -> memref<1x10240x128xf32, #tpu.memory_space<hbm>>
    %dma_start3A_389 = tpu.memref_squeeze %dma_start3A_388 : memref<1x10240x128xf32, #tpu.memory_space<hbm>> -> memref<10240x128xf32, #tpu.memory_space<hbm>>
    %dma_start3A_390 = arith.constant 0 : i32
    %dma_start3A_391 = tpu.memref_slice %dma_start3A_389[%add3A_379, %dma_start3A_390] : memref<10240x128xf32, #tpu.memory_space<hbm>> -> memref<128x128xf32, #tpu.memory_space<hbm>>
    tpu.enqueue_dma source(%arg12 : memref<128x128xf32, #tpu.memory_space<vmem>>) target(%dma_start3A_391 : memref<128x128xf32, #tpu.memory_space<hbm>>) target_semaphore(%arg18 : memref<!tpu.dma_semaphore, #tpu.memory_space<semaphore_mem>>)
    %mul3A_392 = arith.constant 640 : i32
    %mul3A_393 = arith.muli %arg1, %mul3A_392 : i32
    %add3A_394 = arith.constant 256 : i32
    %add3A_395 = arith.addi %mul3A_393, %add3A_394 : i32
    %mul3A_396 = arith.constant 640 : i32
    %mul3A_397 = arith.muli %arg1, %mul3A_396 : i32
    %add3A_398 = arith.constant 0 : i32
    %add3A_399 = arith.addi %mul3A_397, %add3A_398 : i32
    %dma_wait3A_400 = arith.constant 0 : i32
    %dma_wait3A_401 = arith.constant 0 : i32
    %dma_wait3A_402 = tpu.memref_slice %arg5[%arg0, %dma_wait3A_400, %dma_wait3A_401] : memref<2x10240x128xf32, #tpu.memory_space<hbm>> -> memref<1x10240x128xf32, #tpu.memory_space<hbm>>
    %dma_wait3A_403 = tpu.memref_squeeze %dma_wait3A_402 : memref<1x10240x128xf32, #tpu.memory_space<hbm>> -> memref<10240x128xf32, #tpu.memory_space<hbm>>
    %dma_wait3A_404 = arith.constant 0 : i32
    %dma_wait3A_405 = tpu.memref_slice %dma_wait3A_403[%add3A_399, %dma_wait3A_404] : memref<10240x128xf32, #tpu.memory_space<hbm>> -> memref<128x128xf32, #tpu.memory_space<hbm>>
    %dma_wait3A_406 = arith.constant 0 : i32
    %dma_wait3A_407 = arith.constant 0 : i32
    %dma_wait3A_408 = tpu.memref_slice %arg5[%arg0, %dma_wait3A_406, %dma_wait3A_407] : memref<2x10240x128xf32, #tpu.memory_space<hbm>> -> memref<1x10240x128xf32, #tpu.memory_space<hbm>>
    %dma_wait3A_409 = tpu.memref_squeeze %dma_wait3A_408 : memref<1x10240x128xf32, #tpu.memory_space<hbm>> -> memref<10240x128xf32, #tpu.memory_space<hbm>>
    %dma_wait3A_410 = arith.constant 0 : i32
    %dma_wait3A_411 = tpu.memref_slice %dma_wait3A_409[%add3A_399, %dma_wait3A_410] : memref<10240x128xf32, #tpu.memory_space<hbm>> -> memref<128x128xf32, #tpu.memory_space<hbm>>
    tpu.wait_dma2 semaphore(%arg17 : memref<!tpu.dma_semaphore, #tpu.memory_space<semaphore_mem>>) src(%arg11 : memref<128x128xf32, #tpu.memory_space<vmem>>) dst(%dma_wait3A_411 : memref<128x128xf32, #tpu.memory_space<hbm>>)
    "tpu.region"() ({
      %run_scoped3A_520 = tpu.sem_alloc : memref<!tpu.dma_semaphore, #tpu.memory_space<semaphore_mem>>
      %dma_start3A_521 = arith.constant 0 : i32
      %dma_start3A_522 = tpu.memref_slice %arg7[%add3A_395, %dma_start3A_521] : memref<10240x128xf32, #tpu.memory_space<vmem_shared>> -> memref<128x128xf32, #tpu.memory_space<vmem_shared>>
      %dma_start3A_523 = arith.constant 0 : i32
      %dma_start3A_524 = tpu.memref_slice %arg7[%add3A_395, %dma_start3A_523] : memref<10240x128xf32, #tpu.memory_space<vmem_shared>> -> memref<128x128xf32, #tpu.memory_space<vmem_shared>>
      tpu.enqueue_dma source(%dma_start3A_524 : memref<128x128xf32, #tpu.memory_space<vmem_shared>>) target(%arg11 : memref<128x128xf32, #tpu.memory_space<vmem>>) target_semaphore(%run_scoped3A_520 : memref<!tpu.dma_semaphore, #tpu.memory_space<semaphore_mem>>)
      %dma_wait3A_525 = arith.constant 0 : i32
      %dma_wait3A_526 = tpu.memref_slice %arg7[%add3A_395, %dma_wait3A_525] : memref<10240x128xf32, #tpu.memory_space<vmem_shared>> -> memref<128x128xf32, #tpu.memory_space<vmem_shared>>
      %dma_wait3A_527 = arith.constant 0 : i32
      %dma_wait3A_528 = tpu.memref_slice %arg7[%add3A_395, %dma_wait3A_527] : memref<10240x128xf32, #tpu.memory_space<vmem_shared>> -> memref<128x128xf32, #tpu.memory_space<vmem_shared>>
      tpu.wait_dma2 semaphore(%run_scoped3A_520 : memref<!tpu.dma_semaphore, #tpu.memory_space<semaphore_mem>>) src(%dma_wait3A_528 : memref<128x128xf32, #tpu.memory_space<vmem_shared>>) dst(%arg11 : memref<128x128xf32, #tpu.memory_space<vmem>>)
      tpu.yield
    }) : () -> ()
    %dma_start3A_412 = arith.constant 0 : i32
    %dma_start3A_413 = arith.constant 0 : i32
    %dma_start3A_414 = tpu.memref_slice %arg5[%arg0, %dma_start3A_412, %dma_start3A_413] : memref<2x10240x128xf32, #tpu.memory_space<hbm>> -> memref<1x10240x128xf32, #tpu.memory_space<hbm>>
    %dma_start3A_415 = tpu.memref_squeeze %dma_start3A_414 : memref<1x10240x128xf32, #tpu.memory_space<hbm>> -> memref<10240x128xf32, #tpu.memory_space<hbm>>
    %dma_start3A_416 = arith.constant 0 : i32
    %dma_start3A_417 = tpu.memref_slice %dma_start3A_415[%add3A_395, %dma_start3A_416] : memref<10240x128xf32, #tpu.memory_space<hbm>> -> memref<128x128xf32, #tpu.memory_space<hbm>>
    %dma_start3A_418 = arith.constant 0 : i32
    %dma_start3A_419 = arith.constant 0 : i32
    %dma_start3A_420 = tpu.memref_slice %arg5[%arg0, %dma_start3A_418, %dma_start3A_419] : memref<2x10240x128xf32, #tpu.memory_space<hbm>> -> memref<1x10240x128xf32, #tpu.memory_space<hbm>>
    %dma_start3A_421 = tpu.memref_squeeze %dma_start3A_420 : memref<1x10240x128xf32, #tpu.memory_space<hbm>> -> memref<10240x128xf32, #tpu.memory_space<hbm>>
    %dma_start3A_422 = arith.constant 0 : i32
    %dma_start3A_423 = tpu.memref_slice %dma_start3A_421[%add3A_395, %dma_start3A_422] : memref<10240x128xf32, #tpu.memory_space<hbm>> -> memref<128x128xf32, #tpu.memory_space<hbm>>
    tpu.enqueue_dma source(%arg11 : memref<128x128xf32, #tpu.memory_space<vmem>>) target(%dma_start3A_423 : memref<128x128xf32, #tpu.memory_space<hbm>>) target_semaphore(%arg17 : memref<!tpu.dma_semaphore, #tpu.memory_space<semaphore_mem>>)
    %mul3A_424 = arith.constant 640 : i32
    %mul3A_425 = arith.muli %arg1, %mul3A_424 : i32
    %add3A_426 = arith.constant 384 : i32
    %add3A_427 = arith.addi %mul3A_425, %add3A_426 : i32
    %mul3A_428 = arith.constant 640 : i32
    %mul3A_429 = arith.muli %arg1, %mul3A_428 : i32
    %add3A_430 = arith.constant 128 : i32
    %add3A_431 = arith.addi %mul3A_429, %add3A_430 : i32
    %dma_wait3A_432 = arith.constant 0 : i32
    %dma_wait3A_433 = arith.constant 0 : i32
    %dma_wait3A_434 = tpu.memref_slice %arg5[%arg0, %dma_wait3A_432, %dma_wait3A_433] : memref<2x10240x128xf32, #tpu.memory_space<hbm>> -> memref<1x10240x128xf32, #tpu.memory_space<hbm>>
    %dma_wait3A_435 = tpu.memref_squeeze %dma_wait3A_434 : memref<1x10240x128xf32, #tpu.memory_space<hbm>> -> memref<10240x128xf32, #tpu.memory_space<hbm>>
    %dma_wait3A_436 = arith.constant 0 : i32
    %dma_wait3A_437 = tpu.memref_slice %dma_wait3A_435[%add3A_431, %dma_wait3A_436] : memref<10240x128xf32, #tpu.memory_space<hbm>> -> memref<128x128xf32, #tpu.memory_space<hbm>>
    %dma_wait3A_438 = arith.constant 0 : i32
    %dma_wait3A_439 = arith.constant 0 : i32
    %dma_wait3A_440 = tpu.memref_slice %arg5[%arg0, %dma_wait3A_438, %dma_wait3A_439] : memref<2x10240x128xf32, #tpu.memory_space<hbm>> -> memref<1x10240x128xf32, #tpu.memory_space<hbm>>
    %dma_wait3A_441 = tpu.memref_squeeze %dma_wait3A_440 : memref<1x10240x128xf32, #tpu.memory_space<hbm>> -> memref<10240x128xf32, #tpu.memory_space<hbm>>
    %dma_wait3A_442 = arith.constant 0 : i32
    %dma_wait3A_443 = tpu.memref_slice %dma_wait3A_441[%add3A_431, %dma_wait3A_442] : memref<10240x128xf32, #tpu.memory_space<hbm>> -> memref<128x128xf32, #tpu.memory_space<hbm>>
    tpu.wait_dma2 semaphore(%arg18 : memref<!tpu.dma_semaphore, #tpu.memory_space<semaphore_mem>>) src(%arg12 : memref<128x128xf32, #tpu.memory_space<vmem>>) dst(%dma_wait3A_443 : memref<128x128xf32, #tpu.memory_space<hbm>>)
    "tpu.region"() ({
      %run_scoped3A_520 = tpu.sem_alloc : memref<!tpu.dma_semaphore, #tpu.memory_space<semaphore_mem>>
      %dma_start3A_521 = arith.constant 0 : i32
      %dma_start3A_522 = tpu.memref_slice %arg7[%add3A_427, %dma_start3A_521] : memref<10240x128xf32, #tpu.memory_space<vmem_shared>> -> memref<128x128xf32, #tpu.memory_space<vmem_shared>>
      %dma_start3A_523 = arith.constant 0 : i32
      %dma_start3A_524 = tpu.memref_slice %arg7[%add3A_427, %dma_start3A_523] : memref<10240x128xf32, #tpu.memory_space<vmem_shared>> -> memref<128x128xf32, #tpu.memory_space<vmem_shared>>
      tpu.enqueue_dma source(%dma_start3A_524 : memref<128x128xf32, #tpu.memory_space<vmem_shared>>) target(%arg12 : memref<128x128xf32, #tpu.memory_space<vmem>>) target_semaphore(%run_scoped3A_520 : memref<!tpu.dma_semaphore, #tpu.memory_space<semaphore_mem>>)
      %dma_wait3A_525 = arith.constant 0 : i32
      %dma_wait3A_526 = tpu.memref_slice %arg7[%add3A_427, %dma_wait3A_525] : memref<10240x128xf32, #tpu.memory_space<vmem_shared>> -> memref<128x128xf32, #tpu.memory_space<vmem_shared>>
      %dma_wait3A_527 = arith.constant 0 : i32
      %dma_wait3A_528 = tpu.memref_slice %arg7[%add3A_427, %dma_wait3A_527] : memref<10240x128xf32, #tpu.memory_space<vmem_shared>> -> memref<128x128xf32, #tpu.memory_space<vmem_shared>>
      tpu.wait_dma2 semaphore(%run_scoped3A_520 : memref<!tpu.dma_semaphore, #tpu.memory_space<semaphore_mem>>) src(%dma_wait3A_528 : memref<128x128xf32, #tpu.memory_space<vmem_shared>>) dst(%arg12 : memref<128x128xf32, #tpu.memory_space<vmem>>)
      tpu.yield
    }) : () -> ()
    %dma_start3A_444 = arith.constant 0 : i32
    %dma_start3A_445 = arith.constant 0 : i32
    %dma_start3A_446 = tpu.memref_slice %arg5[%arg0, %dma_start3A_444, %dma_start3A_445] : memref<2x10240x128xf32, #tpu.memory_space<hbm>> -> memref<1x10240x128xf32, #tpu.memory_space<hbm>>
    %dma_start3A_447 = tpu.memref_squeeze %dma_start3A_446 : memref<1x10240x128xf32, #tpu.memory_space<hbm>> -> memref<10240x128xf32, #tpu.memory_space<hbm>>
    %dma_start3A_448 = arith.constant 0 : i32
    %dma_start3A_449 = tpu.memref_slice %dma_start3A_447[%add3A_427, %dma_start3A_448] : memref<10240x128xf32, #tpu.memory_space<hbm>> -> memref<128x128xf32, #tpu.memory_space<hbm>>
    %dma_start3A_450 = arith.constant 0 : i32
    %dma_start3A_451 = arith.constant 0 : i32
    %dma_start3A_452 = tpu.memref_slice %arg5[%arg0, %dma_start3A_450, %dma_start3A_451] : memref<2x10240x128xf32, #tpu.memory_space<hbm>> -> memref<1x10240x128xf32, #tpu.memory_space<hbm>>
    %dma_start3A_453 = tpu.memref_squeeze %dma_start3A_452 : memref<1x10240x128xf32, #tpu.memory_space<hbm>> -> memref<10240x128xf32, #tpu.memory_space<hbm>>
    %dma_start3A_454 = arith.constant 0 : i32
    %dma_start3A_455 = tpu.memref_slice %dma_start3A_453[%add3A_427, %dma_start3A_454] : memref<10240x128xf32, #tpu.memory_space<hbm>> -> memref<128x128xf32, #tpu.memory_space<hbm>>
    tpu.enqueue_dma source(%arg12 : memref<128x128xf32, #tpu.memory_space<vmem>>) target(%dma_start3A_455 : memref<128x128xf32, #tpu.memory_space<hbm>>) target_semaphore(%arg18 : memref<!tpu.dma_semaphore, #tpu.memory_space<semaphore_mem>>)
    %mul3A_456 = arith.constant 640 : i32
    %mul3A_457 = arith.muli %arg1, %mul3A_456 : i32
    %add3A_458 = arith.constant 512 : i32
    %add3A_459 = arith.addi %mul3A_457, %add3A_458 : i32
    %mul3A_460 = arith.constant 640 : i32
    %mul3A_461 = arith.muli %arg1, %mul3A_460 : i32
    %add3A_462 = arith.constant 256 : i32
    %add3A_463 = arith.addi %mul3A_461, %add3A_462 : i32
    %dma_wait3A_464 = arith.constant 0 : i32
    %dma_wait3A_465 = arith.constant 0 : i32
    %dma_wait3A_466 = tpu.memref_slice %arg5[%arg0, %dma_wait3A_464, %dma_wait3A_465] : memref<2x10240x128xf32, #tpu.memory_space<hbm>> -> memref<1x10240x128xf32, #tpu.memory_space<hbm>>
    %dma_wait3A_467 = tpu.memref_squeeze %dma_wait3A_466 : memref<1x10240x128xf32, #tpu.memory_space<hbm>> -> memref<10240x128xf32, #tpu.memory_space<hbm>>
    %dma_wait3A_468 = arith.constant 0 : i32
    %dma_wait3A_469 = tpu.memref_slice %dma_wait3A_467[%add3A_463, %dma_wait3A_468] : memref<10240x128xf32, #tpu.memory_space<hbm>> -> memref<128x128xf32, #tpu.memory_space<hbm>>
    %dma_wait3A_470 = arith.constant 0 : i32
    %dma_wait3A_471 = arith.constant 0 : i32
    %dma_wait3A_472 = tpu.memref_slice %arg5[%arg0, %dma_wait3A_470, %dma_wait3A_471] : memref<2x10240x128xf32, #tpu.memory_space<hbm>> -> memref<1x10240x128xf32, #tpu.memory_space<hbm>>
    %dma_wait3A_473 = tpu.memref_squeeze %dma_wait3A_472 : memref<1x10240x128xf32, #tpu.memory_space<hbm>> -> memref<10240x128xf32, #tpu.memory_space<hbm>>
    %dma_wait3A_474 = arith.constant 0 : i32
    %dma_wait3A_475 = tpu.memref_slice %dma_wait3A_473[%add3A_463, %dma_wait3A_474] : memref<10240x128xf32, #tpu.memory_space<hbm>> -> memref<128x128xf32, #tpu.memory_space<hbm>>
    tpu.wait_dma2 semaphore(%arg17 : memref<!tpu.dma_semaphore, #tpu.memory_space<semaphore_mem>>) src(%arg11 : memref<128x128xf32, #tpu.memory_space<vmem>>) dst(%dma_wait3A_475 : memref<128x128xf32, #tpu.memory_space<hbm>>)
    "tpu.region"() ({
      %run_scoped3A_520 = tpu.sem_alloc : memref<!tpu.dma_semaphore, #tpu.memory_space<semaphore_mem>>
      %dma_start3A_521 = arith.constant 0 : i32
      %dma_start3A_522 = tpu.memref_slice %arg7[%add3A_459, %dma_start3A_521] : memref<10240x128xf32, #tpu.memory_space<vmem_shared>> -> memref<128x128xf32, #tpu.memory_space<vmem_shared>>
      %dma_start3A_523 = arith.constant 0 : i32
      %dma_start3A_524 = tpu.memref_slice %arg7[%add3A_459, %dma_start3A_523] : memref<10240x128xf32, #tpu.memory_space<vmem_shared>> -> memref<128x128xf32, #tpu.memory_space<vmem_shared>>
      tpu.enqueue_dma source(%dma_start3A_524 : memref<128x128xf32, #tpu.memory_space<vmem_shared>>) target(%arg11 : memref<128x128xf32, #tpu.memory_space<vmem>>) target_semaphore(%run_scoped3A_520 : memref<!tpu.dma_semaphore, #tpu.memory_space<semaphore_mem>>)
      %dma_wait3A_525 = arith.constant 0 : i32
      %dma_wait3A_526 = tpu.memref_slice %arg7[%add3A_459, %dma_wait3A_525] : memref<10240x128xf32, #tpu.memory_space<vmem_shared>> -> memref<128x128xf32, #tpu.memory_space<vmem_shared>>
      %dma_wait3A_527 = arith.constant 0 : i32
      %dma_wait3A_528 = tpu.memref_slice %arg7[%add3A_459, %dma_wait3A_527] : memref<10240x128xf32, #tpu.memory_space<vmem_shared>> -> memref<128x128xf32, #tpu.memory_space<vmem_shared>>
      tpu.wait_dma2 semaphore(%run_scoped3A_520 : memref<!tpu.dma_semaphore, #tpu.memory_space<semaphore_mem>>) src(%dma_wait3A_528 : memref<128x128xf32, #tpu.memory_space<vmem_shared>>) dst(%arg11 : memref<128x128xf32, #tpu.memory_space<vmem>>)
      tpu.yield
    }) : () -> ()
    %dma_start3A_476 = arith.constant 0 : i32
    %dma_start3A_477 = arith.constant 0 : i32
    %dma_start3A_478 = tpu.memref_slice %arg5[%arg0, %dma_start3A_476, %dma_start3A_477] : memref<2x10240x128xf32, #tpu.memory_space<hbm>> -> memref<1x10240x128xf32, #tpu.memory_space<hbm>>
    %dma_start3A_479 = tpu.memref_squeeze %dma_start3A_478 : memref<1x10240x128xf32, #tpu.memory_space<hbm>> -> memref<10240x128xf32, #tpu.memory_space<hbm>>
    %dma_start3A_480 = arith.constant 0 : i32
    %dma_start3A_481 = tpu.memref_slice %dma_start3A_479[%add3A_459, %dma_start3A_480] : memref<10240x128xf32, #tpu.memory_space<hbm>> -> memref<128x128xf32, #tpu.memory_space<hbm>>
    %dma_start3A_482 = arith.constant 0 : i32
    %dma_start3A_483 = arith.constant 0 : i32
    %dma_start3A_484 = tpu.memref_slice %arg5[%arg0, %dma_start3A_482, %dma_start3A_483] : memref<2x10240x128xf32, #tpu.memory_space<hbm>> -> memref<1x10240x128xf32, #tpu.memory_space<hbm>>
    %dma_start3A_485 = tpu.memref_squeeze %dma_start3A_484 : memref<1x10240x128xf32, #tpu.memory_space<hbm>> -> memref<10240x128xf32, #tpu.memory_space<hbm>>
    %dma_start3A_486 = arith.constant 0 : i32
    %dma_start3A_487 = tpu.memref_slice %dma_start3A_485[%add3A_459, %dma_start3A_486] : memref<10240x128xf32, #tpu.memory_space<hbm>> -> memref<128x128xf32, #tpu.memory_space<hbm>>
    tpu.enqueue_dma source(%arg11 : memref<128x128xf32, #tpu.memory_space<vmem>>) target(%dma_start3A_487 : memref<128x128xf32, #tpu.memory_space<hbm>>) target_semaphore(%arg17 : memref<!tpu.dma_semaphore, #tpu.memory_space<semaphore_mem>>)
    %mul3A_488 = arith.constant 640 : i32
    %mul3A_489 = arith.muli %arg1, %mul3A_488 : i32
    %add3A_490 = arith.constant 384 : i32
    %add3A_491 = arith.addi %mul3A_489, %add3A_490 : i32
    %dma_wait3A_492 = arith.constant 0 : i32
    %dma_wait3A_493 = arith.constant 0 : i32
    %dma_wait3A_494 = tpu.memref_slice %arg5[%arg0, %dma_wait3A_492, %dma_wait3A_493] : memref<2x10240x128xf32, #tpu.memory_space<hbm>> -> memref<1x10240x128xf32, #tpu.memory_space<hbm>>
    %dma_wait3A_495 = tpu.memref_squeeze %dma_wait3A_494 : memref<1x10240x128xf32, #tpu.memory_space<hbm>> -> memref<10240x128xf32, #tpu.memory_space<hbm>>
    %dma_wait3A_496 = arith.constant 0 : i32
    %dma_wait3A_497 = tpu.memref_slice %dma_wait3A_495[%add3A_491, %dma_wait3A_496] : memref<10240x128xf32, #tpu.memory_space<hbm>> -> memref<128x128xf32, #tpu.memory_space<hbm>>
    %dma_wait3A_498 = arith.constant 0 : i32
    %dma_wait3A_499 = arith.constant 0 : i32
    %dma_wait3A_500 = tpu.memref_slice %arg5[%arg0, %dma_wait3A_498, %dma_wait3A_499] : memref<2x10240x128xf32, #tpu.memory_space<hbm>> -> memref<1x10240x128xf32, #tpu.memory_space<hbm>>
    %dma_wait3A_501 = tpu.memref_squeeze %dma_wait3A_500 : memref<1x10240x128xf32, #tpu.memory_space<hbm>> -> memref<10240x128xf32, #tpu.memory_space<hbm>>
    %dma_wait3A_502 = arith.constant 0 : i32
    %dma_wait3A_503 = tpu.memref_slice %dma_wait3A_501[%add3A_491, %dma_wait3A_502] : memref<10240x128xf32, #tpu.memory_space<hbm>> -> memref<128x128xf32, #tpu.memory_space<hbm>>
    tpu.wait_dma2 semaphore(%arg18 : memref<!tpu.dma_semaphore, #tpu.memory_space<semaphore_mem>>) src(%arg12 : memref<128x128xf32, #tpu.memory_space<vmem>>) dst(%dma_wait3A_503 : memref<128x128xf32, #tpu.memory_space<hbm>>)
    %mul3A_504 = arith.constant 640 : i32
    %mul3A_505 = arith.muli %arg1, %mul3A_504 : i32
    %add3A_506 = arith.constant 512 : i32
    %add3A_507 = arith.addi %mul3A_505, %add3A_506 : i32
    %dma_wait3A_508 = arith.constant 0 : i32
    %dma_wait3A_509 = arith.constant 0 : i32
    %dma_wait3A_510 = tpu.memref_slice %arg5[%arg0, %dma_wait3A_508, %dma_wait3A_509] : memref<2x10240x128xf32, #tpu.memory_space<hbm>> -> memref<1x10240x128xf32, #tpu.memory_space<hbm>>
    %dma_wait3A_511 = tpu.memref_squeeze %dma_wait3A_510 : memref<1x10240x128xf32, #tpu.memory_space<hbm>> -> memref<10240x128xf32, #tpu.memory_space<hbm>>
    %dma_wait3A_512 = arith.constant 0 : i32
    %dma_wait3A_513 = tpu.memref_slice %dma_wait3A_511[%add3A_507, %dma_wait3A_512] : memref<10240x128xf32, #tpu.memory_space<hbm>> -> memref<128x128xf32, #tpu.memory_space<hbm>>
    %dma_wait3A_514 = arith.constant 0 : i32
    %dma_wait3A_515 = arith.constant 0 : i32
    %dma_wait3A_516 = tpu.memref_slice %arg5[%arg0, %dma_wait3A_514, %dma_wait3A_515] : memref<2x10240x128xf32, #tpu.memory_space<hbm>> -> memref<1x10240x128xf32, #tpu.memory_space<hbm>>
    %dma_wait3A_517 = tpu.memref_squeeze %dma_wait3A_516 : memref<1x10240x128xf32, #tpu.memory_space<hbm>> -> memref<10240x128xf32, #tpu.memory_space<hbm>>
    %dma_wait3A_518 = arith.constant 0 : i32
    %dma_wait3A_519 = tpu.memref_slice %dma_wait3A_517[%add3A_507, %dma_wait3A_518] : memref<10240x128xf32, #tpu.memory_space<hbm>> -> memref<128x128xf32, #tpu.memory_space<hbm>>
    tpu.wait_dma2 semaphore(%arg17 : memref<!tpu.dma_semaphore, #tpu.memory_space<semaphore_mem>>) src(%arg11 : memref<128x128xf32, #tpu.memory_space<vmem>>) dst(%dma_wait3A_519 : memref<128x128xf32, #tpu.memory_space<hbm>>)
    return
  }
}

module attributes {stable_mosaic.version = 14 : i64} {
  func.func @_in_layer_body(%arg0: i32, %arg1: memref<2000x128xf32, #tpu.memory_space<vmem>>, %arg2: memref<128x128xf32, #tpu.memory_space<vmem>>, %arg3: memref<1x128xf32, #tpu.memory_space<vmem>>, %arg4: memref<2000x128xf32, #tpu.memory_space<vmem>>) attributes {dimension_semantics = [#tpu.dimension_semantics<arbitrary>], iteration_bounds = array<i64: 5>, scalar_prefetch = 0 : i64, scratch_operands = 0 : i64, tpu.core_type = #tpu.core_type<tc>, window_params = [{transform_indices = @transform_0, window_bounds = array<i64: 2000, 128>}, {pipeline_mode = #tpu.pipeline_mode<synchronous>, transform_indices = @transform_1, window_bounds = array<i64: 128, 128>}, {pipeline_mode = #tpu.pipeline_mode<synchronous>, transform_indices = @transform_2, window_bounds = array<i64: 1, 128>}, {transform_indices = @transform_3, window_bounds = array<i64: 2000, 128>}]} {
    %get3A = arith.constant 0 : index
    %get3A_0 = arith.constant 0 : index
    %get3A_1 = vector.load %arg1[%get3A, %get3A_0] : memref<2000x128xf32, #tpu.memory_space<vmem>>, vector<2000x128xf32>
    %get3A_2 = arith.constant 0 : index
    %get3A_3 = arith.constant 0 : index
    %get3A_4 = vector.load %arg2[%get3A_2, %get3A_3] : memref<128x128xf32, #tpu.memory_space<vmem>>, vector<128x128xf32>
    %dot_general3A = arith.constant dense<0.000000e+00> : vector<2000x128xf32>
    %dot_general3A_5 = tpu.matmul %get3A_1, %get3A_4, %dot_general3A {dimension_numbers = #tpu.dot_dimension_numbers<[1], [0], [0], [1], [0, 0, 1, 1], [], []>, transpose_lhs_hint = false} : vector<2000x128xf32>, vector<128x128xf32>, vector<2000x128xf32> -> vector<2000x128xf32>
    %get3A_6 = arith.constant 0 : index
    %get3A_7 = arith.constant 0 : index
    %get3A_8 = vector.load %arg3[%get3A_6, %get3A_7] : memref<1x128xf32, #tpu.memory_space<vmem>>, vector<1x128xf32>
    %add3A = vector.broadcast %get3A_8 : vector<1x128xf32> to vector<2000x128xf32>
    %add3A_9 = arith.addf %dot_general3A_5, %add3A : vector<2000x128xf32>
    %max3A = arith.constant 0.000000e+00 : f32
    %max3A_10 = vector.broadcast %max3A : f32 to vector<2000x128xf32>
    %max3A_11 = arith.maximumf %add3A_9, %max3A_10 : vector<2000x128xf32>
    %swap3A = arith.constant 0 : index
    %swap3A_12 = arith.constant 0 : index
    %swap3A_13 = vector.load %arg4[%swap3A, %swap3A_12] : memref<2000x128xf32, #tpu.memory_space<vmem>>, vector<2000x128xf32>
    tpu.vector_store %arg4[%swap3A, %swap3A_12], %max3A_11 {strides = array<i32>} : memref<2000x128xf32, #tpu.memory_space<vmem>>, vector<2000x128xf32>,
    return
  }
  func.func @transform_0(%arg0: i32) -> (i32, i32) {
    %c0_i32 = arith.constant 0 : i32
    %c0_i32_0 = arith.constant 0 : i32
    return %arg0, %c0_i32 : i32, i32
  }
  func.func @transform_1(%arg0: i32) -> (i32, i32) {
    %c0_i32 = arith.constant 0 : i32
    %c0_i32_0 = arith.constant 0 : i32
    %c0_i32_1 = arith.constant 0 : i32
    return %c0_i32, %c0_i32_0 : i32, i32
  }
  func.func @transform_2(%arg0: i32) -> (i32, i32) {
    %c0_i32 = arith.constant 0 : i32
    %c0_i32_0 = arith.constant 0 : i32
    %c0_i32_1 = arith.constant 0 : i32
    return %c0_i32, %c0_i32_0 : i32, i32
  }
  func.func @transform_3(%arg0: i32) -> (i32, i32) {
    %c0_i32 = arith.constant 0 : i32
    %c0_i32_0 = arith.constant 0 : i32
    return %arg0, %c0_i32 : i32, i32
  }
}

module attributes {stable_mosaic.version = 14 : i64} {
  func.func @_finalize_body(%arg0: i32, %arg1: memref<2000x128xf32, #tpu.memory_space<vmem>>, %arg2: memref<1x2000x128xf32, #tpu.memory_space<vmem>>, %arg3: memref<1x2000x128xf32, #tpu.memory_space<vmem>>, %arg4: memref<1x2000x1xf32, #tpu.memory_space<vmem>>, %arg5: memref<1x2000x1xf32, #tpu.memory_space<vmem>>, %arg6: memref<1x128xf32, #tpu.memory_space<vmem>>, %arg7: memref<1x1xf32, #tpu.memory_space<vmem>>, %arg8: memref<1x1xf32, #tpu.memory_space<vmem>>, %arg9: memref<1x128xf32, #tpu.memory_space<vmem>>) attributes {dimension_semantics = [#tpu.dimension_semantics<arbitrary>], iteration_bounds = array<i64: 5>, scalar_prefetch = 0 : i64, scratch_operands = 1 : i64, tpu.core_type = #tpu.core_type<tc>, window_params = [{transform_indices = @transform_0, window_bounds = array<i64: 2000, 128>}, {transform_indices = @transform_1, window_bounds = array<i64: 1, 2000, 128>}, {transform_indices = @transform_2, window_bounds = array<i64: 1, 2000, 128>}, {transform_indices = @transform_3, window_bounds = array<i64: 1, 2000, 1>}, {transform_indices = @transform_4, window_bounds = array<i64: 1, 2000, 1>}, {pipeline_mode = #tpu.pipeline_mode<synchronous>, transform_indices = @transform_5, window_bounds = array<i64: 1, 128>}, {pipeline_mode = #tpu.pipeline_mode<synchronous>, transform_indices = @transform_6, window_bounds = array<i64: 1, 1>}, {pipeline_mode = #tpu.pipeline_mode<synchronous>, transform_indices = @transform_7, window_bounds = array<i64: 1, 1>}]} {
    %eq3A = arith.constant 0 : i32
    %eq3A_0 = arith.cmpi eq, %arg0, %eq3A : i32
    %convert_element_type3A = arith.extui %eq3A_0 : i1 to i32
    %cond3A = arith.constant 0 : i32
    %cond3A_1 = arith.cmpi ne, %convert_element_type3A, %cond3A : i32
    scf.if %cond3A_1 {
      %broadcast_in_dim3A_46 = arith.constant 0.000000e+00 : f32
      %broadcast_in_dim3A_47 = vector.broadcast %broadcast_in_dim3A_46 : f32 to vector<1x128xf32>
      %swap3A_48 = arith.constant 0 : index
      %swap3A_49 = arith.constant 0 : index
      %swap3A_50 = vector.load %arg9[%swap3A_48, %swap3A_49] : memref<1x128xf32, #tpu.memory_space<vmem>>, vector<1x128xf32>
      tpu.vector_store %arg9[%swap3A_48, %swap3A_49], %broadcast_in_dim3A_47 {strides = array<i32>} : memref<1x128xf32, #tpu.memory_space<vmem>>, vector<1x128xf32>,
    } else {
    }
    %get3A = arith.constant 0 : index
    %get3A_2 = arith.constant 0 : index
    %get3A_3 = arith.constant 0 : index
    %get3A_4 = vector.load %arg4[%get3A, %get3A_2, %get3A_3] : memref<1x2000x1xf32, #tpu.memory_space<vmem>>, vector<1x2000x1xf32>
    %get3A_5 = vector.shape_cast %get3A_4 : vector<1x2000x1xf32> to vector<2000x1xf32>
    %get3A_6 = arith.constant 0 : index
    %get3A_7 = arith.constant 0 : index
    %get3A_8 = arith.constant 0 : index
    %get3A_9 = vector.load %arg5[%get3A_6, %get3A_7, %get3A_8] : memref<1x2000x1xf32, #tpu.memory_space<vmem>>, vector<1x2000x1xf32>
    %get3A_10 = vector.shape_cast %get3A_9 : vector<1x2000x1xf32> to vector<2000x1xf32>
    %add3A = arith.addf %get3A_5, %get3A_10 : vector<2000x1xf32>
    %max3A = arith.constant 1.000000e+00 : f32
    %max3A_11 = vector.broadcast %max3A : f32 to vector<2000x1xf32>
    %max3A_12 = arith.maximumf %add3A, %max3A_11 : vector<2000x1xf32>
    %div3A = arith.constant 5.000000e-01 : f32
    %div3A_13 = vector.broadcast %div3A : f32 to vector<2000x1xf32>
    %div3A_14 = arith.divf %div3A_13, %max3A_12 : vector<2000x1xf32>
    %get3A_15 = arith.constant 0 : index
    %get3A_16 = arith.constant 0 : index
    %get3A_17 = vector.load %arg1[%get3A_15, %get3A_16] : memref<2000x128xf32, #tpu.memory_space<vmem>>, vector<2000x128xf32>
    %mul3A = arith.constant 5.000000e-01 : f32
    %mul3A_18 = vector.broadcast %mul3A : f32 to vector<2000x128xf32>
    %mul3A_19 = arith.mulf %mul3A_18, %get3A_17 : vector<2000x128xf32>
    %get3A_20 = arith.constant 0 : index
    %get3A_21 = arith.constant 0 : index
    %get3A_22 = arith.constant 0 : index
    %get3A_23 = vector.load %arg2[%get3A_20, %get3A_21, %get3A_22] : memref<1x2000x128xf32, #tpu.memory_space<vmem>>, vector<1x2000x128xf32>
    %get3A_24 = vector.shape_cast %get3A_23 : vector<1x2000x128xf32> to vector<2000x128xf32>
    %get3A_25 = arith.constant 0 : index
    %get3A_26 = arith.constant 0 : index
    %get3A_27 = arith.constant 0 : index
    %get3A_28 = vector.load %arg3[%get3A_25, %get3A_26, %get3A_27] : memref<1x2000x128xf32, #tpu.memory_space<vmem>>, vector<1x2000x128xf32>
    %get3A_29 = vector.shape_cast %get3A_28 : vector<1x2000x128xf32> to vector<2000x128xf32>
    %add3A_30 = arith.addf %get3A_24, %get3A_29 : vector<2000x128xf32>
    %mul3A_31 = vector.broadcast %div3A_14 : vector<2000x1xf32> to vector<2000x128xf32>
    %mul3A_32 = arith.mulf %mul3A_31, %add3A_30 : vector<2000x128xf32>
    %add3A_33 = arith.addf %mul3A_19, %mul3A_32 : vector<2000x128xf32>
    %get3A_34 = arith.constant 0 : index
    %get3A_35 = arith.constant 0 : index
    %get3A_36 = vector.load %arg9[%get3A_34, %get3A_35] : memref<1x128xf32, #tpu.memory_space<vmem>>, vector<1x128xf32>
    %reduce_sum3A = arith.constant dense<0.000000e+00> : vector<128xf32>
    %reduce_sum3A_37 = vector.multi_reduction <add>, %add3A_33, %reduce_sum3A [0] : vector<2000x128xf32> to vector<128xf32>
    %broadcast_in_dim3A = vector.shape_cast %reduce_sum3A_37 : vector<128xf32> to vector<1x128xf32>
    %add3A_38 = arith.addf %get3A_36, %broadcast_in_dim3A : vector<1x128xf32>
    %swap3A = arith.constant 0 : index
    %swap3A_39 = arith.constant 0 : index
    %swap3A_40 = vector.load %arg9[%swap3A, %swap3A_39] : memref<1x128xf32, #tpu.memory_space<vmem>>, vector<1x128xf32>
    tpu.vector_store %arg9[%swap3A, %swap3A_39], %add3A_38 {strides = array<i32>} : memref<1x128xf32, #tpu.memory_space<vmem>>, vector<1x128xf32>,
    %eq3A_41 = arith.constant 4 : i32
    %eq3A_42 = arith.cmpi eq, %arg0, %eq3A_41 : i32
    %convert_element_type3A_43 = arith.extui %eq3A_42 : i1 to i32
    %cond3A_44 = arith.constant 0 : i32
    %cond3A_45 = arith.cmpi ne, %convert_element_type3A_43, %cond3A_44 : i32
    scf.if %cond3A_45 {
      %get3A_46 = arith.constant 0 : index
      %get3A_47 = arith.constant 0 : index
      %get3A_48 = vector.load %arg9[%get3A_46, %get3A_47] : memref<1x128xf32, #tpu.memory_space<vmem>>, vector<1x128xf32>
      %get3A_49 = arith.constant 0 : index
      %get3A_50 = arith.constant 0 : index
      %get3A_51 = vector.load %arg6[%get3A_49, %get3A_50] : memref<1x128xf32, #tpu.memory_space<vmem>>, vector<1x128xf32>
      %mul3A_52 = arith.mulf %get3A_48, %get3A_51 : vector<1x128xf32>
      %reduce_sum3A_53 = arith.constant dense<0.000000e+00> : vector<1xf32>
      %reduce_sum3A_54 = vector.multi_reduction <add>, %mul3A_52, %reduce_sum3A_53 [1] : vector<1x128xf32> to vector<1xf32>
      %broadcast_in_dim3A_55 = vector.shape_cast %reduce_sum3A_54 : vector<1xf32> to vector<1x1xf32>
      %div3A_56 = arith.constant 1.000000e+04 : f32
      %div3A_57 = vector.broadcast %div3A_56 : f32 to vector<1x1xf32>
      %div3A_58 = arith.divf %broadcast_in_dim3A_55, %div3A_57 : vector<1x1xf32>
      %get3A_59 = arith.constant 0 : index
      %get3A_60 = arith.constant 0 : index
      %get3A_61 = vector.load %arg7[%get3A_59, %get3A_60] : memref<1x1xf32, #tpu.memory_space<vmem>>, vector<1x1xf32>
      %add3A_62 = arith.addf %div3A_58, %get3A_61 : vector<1x1xf32>
      %swap3A_63 = arith.constant 0 : index
      %swap3A_64 = arith.constant 0 : index
      %swap3A_65 = vector.load %arg8[%swap3A_63, %swap3A_64] : memref<1x1xf32, #tpu.memory_space<vmem>>, vector<1x1xf32>
      tpu.vector_store %arg8[%swap3A_63, %swap3A_64], %add3A_62 {strides = array<i32>} : memref<1x1xf32, #tpu.memory_space<vmem>>, vector<1x1xf32>,
    } else {
    }
    return
  }
  func.func @transform_0(%arg0: i32) -> (i32, i32) {
    %c0_i32 = arith.constant 0 : i32
    %c0_i32_0 = arith.constant 0 : i32
    return %arg0, %c0_i32 : i32, i32
  }
  func.func @transform_1(%arg0: i32) -> (i32, i32, i32) {
    %c0_i32 = arith.constant 0 : i32
    %c0_i32_0 = arith.constant 0 : i32
    %c0_i32_1 = arith.constant 0 : i32
    return %c0_i32, %arg0, %c0_i32_0 : i32, i32, i32
  }
  func.func @transform_2(%arg0: i32) -> (i32, i32, i32) {
    %c1_i32 = arith.constant 1 : i32
    %c0_i32 = arith.constant 0 : i32
    %c0_i32_0 = arith.constant 0 : i32
    return %c1_i32, %arg0, %c0_i32 : i32, i32, i32
  }
  func.func @transform_3(%arg0: i32) -> (i32, i32, i32) {
    %c0_i32 = arith.constant 0 : i32
    %c0_i32_0 = arith.constant 0 : i32
    %c0_i32_1 = arith.constant 0 : i32
    return %c0_i32, %arg0, %c0_i32_0 : i32, i32, i32
  }
  func.func @transform_4(%arg0: i32) -> (i32, i32, i32) {
    %c1_i32 = arith.constant 1 : i32
    %c0_i32 = arith.constant 0 : i32
    %c0_i32_0 = arith.constant 0 : i32
    return %c1_i32, %arg0, %c0_i32 : i32, i32, i32
  }
  func.func @transform_5(%arg0: i32) -> (i32, i32) {
    %c0_i32 = arith.constant 0 : i32
    %c0_i32_0 = arith.constant 0 : i32
    %c0_i32_1 = arith.constant 0 : i32
    return %c0_i32, %c0_i32_0 : i32, i32
  }
  func.func @transform_6(%arg0: i32) -> (i32, i32) {
    %c0_i32 = arith.constant 0 : i32
    %c0_i32_0 = arith.constant 0 : i32
    %c0_i32_1 = arith.constant 0 : i32
    return %c0_i32, %c0_i32_0 : i32, i32
  }
  func.func @transform_7(%arg0: i32) -> (i32, i32) {
    %c0_i32 = arith.constant 0 : i32
    %c0_i32_0 = arith.constant 0 : i32
    %c0_i32_1 = arith.constant 0 : i32
    return %c0_i32, %c0_i32_0 : i32, i32
  }
}

module attributes {stable_mosaic.version = 14 : i64} {
  func.func @_combine_body(%arg0: i32, %arg1: memref<2000x128xf32, #tpu.memory_space<vmem>>, %arg2: memref<1x2000x128xf32, #tpu.memory_space<vmem>>, %arg3: memref<1x2000x128xf32, #tpu.memory_space<vmem>>, %arg4: memref<1x2000x1xf32, #tpu.memory_space<vmem>>, %arg5: memref<1x2000x1xf32, #tpu.memory_space<vmem>>, %arg6: memref<2000x128xf32, #tpu.memory_space<vmem>>) attributes {dimension_semantics = [#tpu.dimension_semantics<arbitrary>], iteration_bounds = array<i64: 5>, scalar_prefetch = 0 : i64, scratch_operands = 0 : i64, tpu.core_type = #tpu.core_type<tc>, window_params = [{transform_indices = @transform_0, window_bounds = array<i64: 2000, 128>}, {transform_indices = @transform_1, window_bounds = array<i64: 1, 2000, 128>}, {transform_indices = @transform_2, window_bounds = array<i64: 1, 2000, 128>}, {transform_indices = @transform_3, window_bounds = array<i64: 1, 2000, 1>}, {transform_indices = @transform_4, window_bounds = array<i64: 1, 2000, 1>}, {transform_indices = @transform_5, window_bounds = array<i64: 2000, 128>}]} {
    %get3A = arith.constant 0 : index
    %get3A_0 = arith.constant 0 : index
    %get3A_1 = arith.constant 0 : index
    %get3A_2 = vector.load %arg4[%get3A, %get3A_0, %get3A_1] : memref<1x2000x1xf32, #tpu.memory_space<vmem>>, vector<1x2000x1xf32>
    %get3A_3 = vector.shape_cast %get3A_2 : vector<1x2000x1xf32> to vector<2000x1xf32>
    %get3A_4 = arith.constant 0 : index
    %get3A_5 = arith.constant 0 : index
    %get3A_6 = arith.constant 0 : index
    %get3A_7 = vector.load %arg5[%get3A_4, %get3A_5, %get3A_6] : memref<1x2000x1xf32, #tpu.memory_space<vmem>>, vector<1x2000x1xf32>
    %get3A_8 = vector.shape_cast %get3A_7 : vector<1x2000x1xf32> to vector<2000x1xf32>
    %add3A = arith.addf %get3A_3, %get3A_8 : vector<2000x1xf32>
    %max3A = arith.constant 1.000000e+00 : f32
    %max3A_9 = vector.broadcast %max3A : f32 to vector<2000x1xf32>
    %max3A_10 = arith.maximumf %add3A, %max3A_9 : vector<2000x1xf32>
    %div3A = arith.constant 5.000000e-01 : f32
    %div3A_11 = vector.broadcast %div3A : f32 to vector<2000x1xf32>
    %div3A_12 = arith.divf %div3A_11, %max3A_10 : vector<2000x1xf32>
    %get3A_13 = arith.constant 0 : index
    %get3A_14 = arith.constant 0 : index
    %get3A_15 = vector.load %arg1[%get3A_13, %get3A_14] : memref<2000x128xf32, #tpu.memory_space<vmem>>, vector<2000x128xf32>
    %mul3A = arith.constant 5.000000e-01 : f32
    %mul3A_16 = vector.broadcast %mul3A : f32 to vector<2000x128xf32>
    %mul3A_17 = arith.mulf %mul3A_16, %get3A_15 : vector<2000x128xf32>
    %get3A_18 = arith.constant 0 : index
    %get3A_19 = arith.constant 0 : index
    %get3A_20 = arith.constant 0 : index
    %get3A_21 = vector.load %arg2[%get3A_18, %get3A_19, %get3A_20] : memref<1x2000x128xf32, #tpu.memory_space<vmem>>, vector<1x2000x128xf32>
    %get3A_22 = vector.shape_cast %get3A_21 : vector<1x2000x128xf32> to vector<2000x128xf32>
    %get3A_23 = arith.constant 0 : index
    %get3A_24 = arith.constant 0 : index
    %get3A_25 = arith.constant 0 : index
    %get3A_26 = vector.load %arg3[%get3A_23, %get3A_24, %get3A_25] : memref<1x2000x128xf32, #tpu.memory_space<vmem>>, vector<1x2000x128xf32>
    %get3A_27 = vector.shape_cast %get3A_26 : vector<1x2000x128xf32> to vector<2000x128xf32>
    %add3A_28 = arith.addf %get3A_22, %get3A_27 : vector<2000x128xf32>
    %mul3A_29 = vector.broadcast %div3A_12 : vector<2000x1xf32> to vector<2000x128xf32>
    %mul3A_30 = arith.mulf %mul3A_29, %add3A_28 : vector<2000x128xf32>
    %add3A_31 = arith.addf %mul3A_17, %mul3A_30 : vector<2000x128xf32>
    %swap3A = arith.constant 0 : index
    %swap3A_32 = arith.constant 0 : index
    %swap3A_33 = vector.load %arg6[%swap3A, %swap3A_32] : memref<2000x128xf32, #tpu.memory_space<vmem>>, vector<2000x128xf32>
    tpu.vector_store %arg6[%swap3A, %swap3A_32], %add3A_31 {strides = array<i32>} : memref<2000x128xf32, #tpu.memory_space<vmem>>, vector<2000x128xf32>,
    return
  }
  func.func @transform_0(%arg0: i32) -> (i32, i32) {
    %c0_i32 = arith.constant 0 : i32
    %c0_i32_0 = arith.constant 0 : i32
    return %arg0, %c0_i32 : i32, i32
  }
  func.func @transform_1(%arg0: i32) -> (i32, i32, i32) {
    %c0_i32 = arith.constant 0 : i32
    %c0_i32_0 = arith.constant 0 : i32
    %c0_i32_1 = arith.constant 0 : i32
    return %c0_i32, %arg0, %c0_i32_0 : i32, i32, i32
  }
  func.func @transform_2(%arg0: i32) -> (i32, i32, i32) {
    %c1_i32 = arith.constant 1 : i32
    %c0_i32 = arith.constant 0 : i32
    %c0_i32_0 = arith.constant 0 : i32
    return %c1_i32, %arg0, %c0_i32 : i32, i32, i32
  }
  func.func @transform_3(%arg0: i32) -> (i32, i32, i32) {
    %c0_i32 = arith.constant 0 : i32
    %c0_i32_0 = arith.constant 0 : i32
    %c0_i32_1 = arith.constant 0 : i32
    return %c0_i32, %arg0, %c0_i32_0 : i32, i32, i32
  }
  func.func @transform_4(%arg0: i32) -> (i32, i32, i32) {
    %c1_i32 = arith.constant 1 : i32
    %c0_i32 = arith.constant 0 : i32
    %c0_i32_0 = arith.constant 0 : i32
    return %c1_i32, %arg0, %c0_i32 : i32, i32, i32
  }
  func.func @transform_5(%arg0: i32) -> (i32, i32) {
    %c0_i32 = arith.constant 0 : i32
    %c0_i32_0 = arith.constant 0 : i32
    return %arg0, %c0_i32 : i32, i32
  }
}

</mosaic_0001>

<sc_bundles>
// kernel: kernel.10.cloned.1.call-start
scs
__scs_entry_jumppad:
0x0: {  	(pc) =	sbr.rel $0x88, $3  }
0x1: {  	(tag) =	ssettag $0x0;
	lr =	simm.s32 $0x1  }
0x2: {  	[smem:$0x3F9B] =	sst lr;
	_ =	strace $0xD0000000  }
0x3: {  	_ = 	snop  }
0x4: {  	_ = 	snop  }
0x5: {  	_ = 	snop  }
0x6: {  	_ = 	snop  }
0x7: {  	_ = 	snop  }
__scs_overlays_trampoline_lowered:
0x8: {  	[smem:$0x3FAA] =	sst s0  }
0x9: {  	[smem:$0x3FAB] =	sst s1  }
0xa: {  	[smem:$0x3FAC] =	sst s2  }
0xb: {  	[smem:$0x3FAD] =	sst s3  }
0xc: {  	[smem:$0x3FAE] =	sst s4  }
0xd: {  	[smem:$0x3FAF] =	sst s5  }
0xe: {  	[smem:$0x3FB0] =	sst s6  }
0xf: {  	[smem:$0x3FB1] =	sst s7  }
0x10: {  	[smem:$0x3FB2] =	sst s8  }
0x11: {  	[smem:$0x3FB3] =	sst s9;
	s0 =	simm.s32 @!p0 $0x0  }
0x12: {  	s1 =	sld [smem:$0x3F99];
	s0 =	simm.s32 @p0 $0x1  }
0x13: {  	[smem:$0x3FB4] =	sst s0;
	s0 =	simm.s32 @!p1 $0x0  }
0x14: {  	s2 =	sld [smem:$0x3F98];
	s0 =	simm.s32 @p1 $0x1  }
0x15: {  	[smem:$0x3FB5] =	sst s0;
	s0 =	simm.s32 @!p2 $0x0  }
0x16: {  	s3 =	sld [smem:$0x3FDB];
	s0 =	simm.s32 @p2 $0x1  }
0x17: {  	s4 =	simm.s32 $0x1BF5;
	[smem:$0x3FB7] =	sst s0  }
0x18: {  	s0 =	sld [smem:$0x3F9A];
	_ =	swait.ge [sflag:s4], $0x0  }
0x19: {  	s7 =	sld [smem:$0x3F9B]  }
0x1a: {  	s8 =	sadd.s32 $0xFFFFE003, lr  }
0x1b: {  	s9 =	sadd.s32 $0xFFFFFEF7, lr;
	s5 =	simm.s32 $0xFFFFFFFF;
	p2 =	slt.u32 s8, $0xFFFFF086  }
0x1c: {  	p1 =	slt.u32 s9, $0xF7A;
	s5 =	simm.s32 @!p2 $0x0  }
0x1d: {  	s5 =	simm.s32 @p1 $0x1;
	p0 =	seq.s32 s7, s2  }
0x1e: {  	s7 =	smul.u32 @!p0 $0xF7A, s2;
	p2 =	seq.s32 @!p0 s5, $0x0  }
0x1f: {  	s9 =	smul.u32 $0xF7A, s1;
	s8 =	simm.s32 @!p0 $0x1BF5;
	p2 =	por !p2, p0  }
0x20: {  	[sflag:s8] =	ssyncset.s32 @!p0 $0xFFFFF086;
	s6 =	sadd.s32 @!p0 s3, s7;
	s7 =	simm.s32 @!p0 $0x108  }
0x21: {  	s3 =	sadd.s32 s3, s9;
	s6 =	sadd.s32 @!p0 $0x88, s6;
	s7 =	simm.s32 @p2 $0x1082  }
0x22: {  	[simem:s7], [sflag:s8] =	dma.local @!p0 [hbm:s6], $0xF7A  }
0x23: {  	s9 =	sor.u32 $0xD0000000, s2;
	s6 =	simm.s32 $0x108;
	_ =	swait.ge @!p0 [sflag:s8], $0x0  }
0x24: {  	s3 =	sadd.s32 $0x88, s3;
	s6 =	simm.s32 @!p1 $0x1082;
	[sflag:s4] =	ssyncset.s32 $0xFFFFF086  }
0x25: {  	[simem:s6], [sflag:s4] =	dma.local [hbm:s3], $0xF7A  }
0x26: {  	[smem:$0x3F9B] =	sst s1;
	(tag) =	ssettag s2;
	_ =	strace s9  }
0x27: {  	s1 =	sld [smem:$0x3FAB]  }
0x28: {  	s2 =	sld [smem:$0x3FAC]  }
0x29: {  	s4 =	sld [smem:$0x3FAE]  }
0x2a: {  	p0 =	seq.s32 s5, $0x0;
	s5 =	sld [smem:$0x3FAF]  }
0x2b: {  	s6 =	sld [smem:$0x3FB0]  }
0x2c: {  	s7 =	sld [smem:$0x3FB1]  }
0x2d: {  	s3 =	simm.s32 $0x108;
	s8 =	sld [smem:$0x3FB2]  }
0x2e: {  	s3 =	simm.s32 @!p0 $0x1082;
	s9 =	sld [smem:$0x3FB3]  }
0x2f: {  	lr =	sadd.s32 s0, s3;
	s0 =	sld [smem:$0x3FAA]  }
0x30: {  	s3 =	sld [smem:$0x3FAD]  }
0x31: {  	[smem:$0x3FB6] =	sst s10  }
0x32: {  	s10 =	sld [smem:$0x3FB4];
	_ =	sdelay $0x3  }
0x33: {  	p0 =	seq.s32 s10, $0x1;
	s10 =	sld [smem:$0x3FB6];
	_ =	sdelay $0x3  }
0x34: {  	[smem:$0x3FB6] =	sst s10  }
0x35: {  	s10 =	sld [smem:$0x3FB5];
	_ =	sdelay $0x3  }
0x36: {  	p1 =	seq.s32 s10, $0x1;
	s10 =	sld [smem:$0x3FB6];
	_ =	sdelay $0x3  }
0x37: {  	[smem:$0x3FB6] =	sst s10  }
0x38: {  	s10 =	sld [smem:$0x3FB7]  }
0x39: {  	_ = 	snop;
	(pc) =	sbr.ind lr, $3  }
0x3a: {  	_ = 	snop  }
0x3b: {  	_ = 	snop  }
0x3c: {  	p2 =	seq.s32 s10, $0x1;
	s10 =	sld [smem:$0x3FB6]  }
0x3d: {  	_ =	shalt  }
0x3e: {  	_ =	shalt  }
0x3f: {  	_ =	shalt  }
0x40: {  	_ =	shalt  }
0x41: {  	_ =	shalt  }
0x42: {  	_ =	shalt  }
0x43: {  	_ =	shalt  }
0x44: {  	_ =	shalt  }
0x45: {  	_ =	shalt  }
0x46: {  	_ =	shalt  }
0x47: {  	_ =	shalt  }
0x48: {  	_ =	shalt  }
0x49: {  	_ =	shalt  }
0x4a: {  	_ =	shalt  }
0x4b: {  	_ =	shalt  }
0x4c: {  	_ =	shalt  }
0x4d: {  	_ =	shalt  }
0x4e: {  	_ =	shalt  }
0x4f: {  	_ =	shalt  }
0x50: {  	_ =	shalt  }
0x51: {  	_ =	shalt  }
0x52: {  	_ =	shalt  }
0x53: {  	_ =	shalt  }
0x54: {  	_ =	shalt  }
0x55: {  	_ =	shalt  }
0x56: {  	_ =	shalt  }
0x57: {  	_ =	shalt  }
0x58: {  	_ =	shalt  }
0x59: {  	_ =	shalt  }
0x5a: {  	_ =	shalt  }
0x5b: {  	_ =	shalt  }
0x5c: {  	_ =	shalt  }
0x5d: {  	_ =	shalt  }
0x5e: {  	_ =	shalt  }
0x5f: {  	_ =	shalt  }
0x60: {  	_ =	shalt  }
0x61: {  	_ =	shalt  }
0x62: {  	_ =	shalt  }
0x63: {  	_ =	shalt  }
0x64: {  	_ =	shalt  }
0x65: {  	_ =	shalt  }
0x66: {  	_ =	shalt  }
0x67: {  	_ =	shalt  }
0x68: {  	_ =	shalt  }
0x69: {  	_ =	shalt  }
0x6a: {  	_ =	shalt  }
0x6b: {  	_ =	shalt  }
0x6c: {  	_ =	shalt  }
0x6d: {  	_ =	shalt  }
0x6e: {  	_ =	shalt  }
0x6f: {  	_ =	shalt  }
0x70: {  	_ =	shalt  }
0x71: {  	_ =	shalt  }
0x72: {  	_ =	shalt  }
0x73: {  	_ =	shalt  }
0x74: {  	_ =	shalt  }
0x75: {  	_ =	shalt  }
0x76: {  	_ =	shalt  }
0x77: {  	_ =	shalt  }
0x78: {  	_ =	shalt  }
0x79: {  	_ =	shalt  }
0x7a: {  	_ =	shalt  }
0x7b: {  	_ =	shalt  }
0x7c: {  	_ =	shalt  }
0x7d: {  	_ =	shalt  }
0x7e: {  	_ =	shalt  }
0x7f: {  	_ =	shalt  }
0x80: {  	_ =	shalt  }
0x81: {  	_ =	shalt  }
0x82: {  	_ =	shalt  }
0x83: {  	_ =	shalt  }
0x84: {  	_ =	shalt  }
0x85: {  	_ =	shalt  }
0x86: {  	_ =	shalt  }
0x87: {  	_ =	shalt  }
.Lfunc_end0:
.L_simem_size_0:
called_computation.1_lowered:
.L_overlay_start_0:
0x88: {  	s2 =	sld [smem:$0x3FD9]  }
0x89: {  	s3 =	sld [smem:$0x3FFE];
	_ =	sdelay $0x1  }
0x8a: {  	s1 =	srdreg.scid  }
0x8b: {  	s0 =	sand.u32 $0x1, s1  }
0x8c: {  	s16 =	sshll.u32 s0, $0xA;
	s2 =	sadd.s32 s3, s2  }
0x8d: {  	s2 =	sadd.s32 s2, s16  }
0x8e: {  	[smem:$0x3FC2] =	sst s2  }
0x8f: {  	_ = 	snop  }
0x90: {  	(tm) =	ssettm $0x1  }
0x91: {  	s17 =	sld [smem:$0x3FFB];
	_ =	sdelay $0x3  }
0x92: {  	_ =	strace s17  }
0x93: {  	s2 =	sld [smem:$0x3FFC];
	_ =	sdelay $0x3  }
0x94: {  	_ =	strace s2  }
0x95: {  	s2 =	sld [smem:$0x3FFD];
	_ =	sdelay $0x3  }
0x96: {  	_ =	strace s2  }
0x97: {  	_ =	strace $0x8FFFFFFF  }
0x98: {  	s18 =	sld [smem:$0x3FDB];
	_ =	sdelay $0x1  }
0x99: {  	s19 =	simm.s32 $_scs_section_size  }
0x9a: {  	s4 =	simm.s32 $_size__tile_overlayer_lowered;
	s5 =	simm.s32 $_tile_overlayer_lowered  }
0x9b: {  	s22 =	simm.s32 $0x1BFF;
	s21 =	sshll.u32 s5, $0x1;
	s2 =	sadd.s32 s19, s18  }
0x9c: {  	s6 =	simm.s32 $0x0;
	s20 =	sshll.u32 s4, $0x1;
	s4 =	sadd.s32 s21, s2  }
0x9d: {  	[timem:s6], [sflag:s22] =	dma.local [hbm:s4], s20  }
0x9e: {  	_ =	swait.ge [sflag:s22], s20  }
0x9f: {  	s3 =	ssub.s32 $0x0, s20;
	[sflag:s22] =	ssyncset.done $0x0  }
0xa0: {  	[sflag:s22] =	ssyncadd.s32 s3;
	_ =	sdelay $0x1  }
0xa1: {  	s23 =	simm.s32 $0x1B8B  }
0xa2: {  	_ =	swait.ge [sflag:s23], $0x1  }
0xa3: {  	[sflag:s23] =	ssyncset.done $0x0  }
0xa4: {  	s25 =	simm.s32 $0x1B8E;
	s24 =	sld [smem:$0x3FFE];
	[sflag:s23] =	ssyncadd.s32 $0xFFFFFFFF  }
0xa5: {  	s26 =	simm.s32 $execute0_lowered;
	[smem:$0x3FD2] =	sst s25  }
0xa6: {  	s4 =	sshll.u32 s26, $0x1;
	_ =	strace $0x80000049;
	[dreg:$0x1] =	wrdreg $0xFFFFFFFF  }
0xa7: {  	s28 =	simm.s32 $_size_execute0_lowered;
	s2 =	sadd.s32 s2, s4;
	[dreg:$0x0] =	wrdreg $0x0  }
0xa8: {  	s4 =	sshll.u32 s28, $0x1;
	[dreg:$0x2] =	wrdreg s2  }
0xa9: {  	[dreg:$0x3] =	wrdreg s4  }
0xaa: {  	[dreg:$0x4] =	wrdreg $0xC0  }
0xab: {  	_ =	task [dreg:s6], $0x5FFFF  }
0xac: {  	[dreg:$0x1] =	wrdreg $0xFFFFFFFF  }
0xad: {  	[dreg:$0x0] =	wrdreg $0x60  }
0xae: {  	[dreg:$0x2] =	wrdreg s24  }
0xaf: {  	[dreg:$0x3] =	wrdreg $0x0  }
0xb0: {  	[dreg:$0x4] =	wrdreg $0x9  }
0xb1: {  	_ =	task.clear_ibuf [dreg:s6], $0x5FFFF;
	_ =	strace $0x90000049  }
0xb2: {  	s29 =	simm.s32 $0x9;
	_ =	strace $0x8000004B  }
0xb3: {  	_ =	swait.ge [sflag:s29], $0x1  }
0xb4: {  	[sflag:s29] =	ssyncadd.s32 $0xFFFFFFFF  }
0xb5: {  	_ =	strace $0x9000004B  }
0xb6: {  	_ =	sfence  }
0xb7: {  	s30 =	sld [smem:$0x0];
	_ =	sdelay $0x2  }
0xb8: {  	s31 =	sshll.u32 s1, $0xD;
	s1 =	sshrl.u32 s1, $0x2  }
0xb9: {  	s3 =	sand.u32 $0x4000, s31;
	s1 =	sadd.s32 s1, s30  }
0xba: {  	s0 =	sor.u32 s3, s0;
	s1 =	sshll.u32 s1, $0x11  }
0xbb: {  	s0 =	sor.u32 s1, s0  }
0xbc: {  	s0 =	sadd.s32 $0x8F2B, s0  }
0xbd: {  	[sflag:s0] =	ssyncadd.remote.s32 $0x1  }
0xbe: {  	_ =	sfence.sel $0xFFFF  }
0xbf: {  	[dreg:$0x0] =	wrdreg $0xFFFFFFFF;
	(pc) =	sbr.abs _section_cstart, $3  }
0xc0: {  	[dreg:$0x1] =	wrdreg $0xFFFFFFFF  }
0xc1: {  	_ =	task.clear_ibuf [dreg:s6], $0x2FFFF;
	_ =	strace $0x9FFFFFFF  }
0xc2: {  	(tm) =	ssettm $0x7FFFFFFF  }
0xc3: {  	_ =	shalt  }
tec
execute0_lowered:
.L_overlay_start_1:
0x0: {  	(tag) =	ssettag $0x1  }
0x1: {  	s0 =	rddreg [dreg:$0x0]  }
0x2: {  	s1 =	rddreg [dreg:$0x1]  }
0x3: {  	s2 =	simm.s32 $0x0;
	s3 =	srdreg.scid;
	s16 =	stileid.u32  }
0x4: {  	[smem:$0x7FF] =	sst s2;
	s3 =	sand.u32 $0x1, s3;
	s7 =	smul.u32 $0x50000, s16  }
0x5: {  	s4 =	sadd.s32 $0x1E00, s0;
	s6 =	sadd.s32 $0x29000, s0;
	s10 =	smul.u32 $0x280, s16  }
0x6: {  	s8 =	sadd.s32 $0x33000, s0;
	s26 =	smul.u32 $0x2800, s16;
	_ =	strace $0x8000004A  }
0x7: {  	s5 =	smul.u32 $0x28000, s3;
	s17 =	ssub.s32 $0x2, s3;
	s18 =	sshll.u32 s3, $0x4  }
0x8: {  	s3 =	smul.u32 $0x5000, s3;
	s9 =	sshrl.u32 s17, $0x1;
	s7 =	sshrl.u32 s7, $0x2  }
0x9: {  	s19 =	sor.u32 s16, s18;
	s12 =	sadd.s32 $0x80, s10;
	s25 =	sadd.s32 $0x100, s10  }
0xa: {  	s14 =	sadd.s32 $0x180, s10;
	s10 =	sadd.s32 $0x200, s10;
	s16 =	smul.u32 $0x500, s16  }
0xb: {  	s0 =	sadd.s32 s5, s0;
	s11 =	ssub.s32 s17, s9;
	s5 =	sadd.s32 s7, s1  }
0xc: {  	s23 =	sshll.u32 s12, $0x7;
	s7 =	smul.u32 $0x500, s19;
	s28 =	sshll.u32 s12, $0x4  }
0xd: {  	s29 =	sshll.u32 s25, $0x4;
	s30 =	sshll.u32 s14, $0x4;
	s31 =	sshll.u32 s10, $0x4  }
0xe: {  	s17 =	sshll.u32 s14, $0x7;
	s18 =	sshll.u32 s10, $0x7;
	s20 =	sadd.s32 $0x1000, s5  }
0xf: {  	s14 =	simm.s32 $0x1A000;
	s21 =	sadd.s32 $0x2000, s5;
	[dreg:$0x3] =	wrdreg s20  }
0x10: {  	s22 =	sadd.s32 $0x3000, s5;
	s9 =	sadd.s32 s23, s1;
	[dreg:$0x4] =	wrdreg s21  }
0x11: {  	s13 =	sadd.s32 $0x5000, s5;
	s24 =	sadd.s32 $0x6000, s5;
	[dreg:$0x5] =	wrdreg s22  }
0x12: {  	s0 =	sadd.s32 $0x3DA00, s0;
	s19 =	smax.u32 s11, $0x1;
	[dreg:$0x6] =	wrdreg s13  }
0x13: {  	s11 =	simm.s32 $0x7;
	[dreg:$0x7] =	wrdreg s24;
	s15 =	sadd.s32 s6, s7  }
0x14: {  	s7 =	sadd.s32 s8, s7;
	s8 =	sadd.s32 s3, s8;
	s3 =	sadd.s32 s3, s6  }
0x15: {  	s12 =	sadd.s32 s29, s0;
	s6 =	sadd.s32 s30, s0;
	[dreg:$0x10] =	wrdreg s19  }
0x16: {  	s21 =	sadd.s32 s17, s1;
	s22 =	sadd.s32 s18, s1;
	[dreg:$0x8] =	wrdreg s15  }
0x17: {  	s29 =	sadd.s32 $0xD000, s5;
	s30 =	sadd.s32 $0xE000, s5;
	[dreg:$0x9] =	wrdreg s7  }
0x18: {  	s13 =	simm.s32 $0x16000;
	s17 =	simm.s32 $0x1;
	[dreg:$0xc] =	wrdreg s12  }
0x19: {  	s18 =	simm.s32 $0x2;
	s19 =	simm.s32 $0x5;
	[dreg:$0xd] =	wrdreg s6  }
0x1a: {  	s8 =	sadd.s32 s16, s8;
	s3 =	sadd.s32 s16, s3;
	[dreg:$0x16] =	wrdreg s29  }
0x1b: {  	s15 =	sadd.s32 s26, s0;
	s7 =	sadd.s32 s28, s0;
	[dreg:$0x17] =	wrdreg s30  }
0x1c: {  	s0 =	sadd.s32 s31, s0;
	s16 =	sshll.u32 s25, $0x7;
	[dreg:$0xa] =	wrdreg s15  }
0x1d: {  	s25 =	sadd.s32 $0x9000, s5;
	s26 =	sadd.s32 $0xA000, s5;
	[dreg:$0xb] =	wrdreg s7  }
0x1e: {  	s28 =	sadd.s32 $0xB000, s5;
	s31 =	sadd.s32 $0xF000, s5;
	[dreg:$0xe] =	wrdreg s0  }
0x1f: {  	s6 =	sadd.s32 $0x12000, s5;
	s12 =	simm.s32 $0x80;
	[dreg:$0x13] =	wrdreg s25  }
0x20: {  	s15 =	sadd.s32 $0x7000, s5;
	s20 =	sadd.s32 s16, s1;
	[dreg:$0x14] =	wrdreg s26  }
.Ltmp0:
0x21: {  	s23 =	sadd.s32 $0x100, s8;
	[dreg:$0x15] =	wrdreg s28;
	(pc) =	sbr.rel .LBB2_1-.Ltmp0, $4  }
0x22: {  	s24 =	sadd.s32 $0x100, s3;
	[dreg:$0x18] =	wrdreg s31;
	s3 =	sadd.s32 $0x11000, s5  }
0x23: {  	s7 =	sadd.s32 $0x13000, s5;
	s8 =	simm.s32 $0x1E000;
	[dreg:$0xf] =	wrdreg s15  }
0x24: {  	s16 =	simm.s32 $0x4;
	s26 =	simm.s32 $0x0;
	[dreg:$0x11] =	wrdreg s23  }
0x25: {  	v0 =	vimm.f32 $0.0e+00;
	[dreg:$0x12] =	wrdreg s24;
	s15 =	simm.s32 $0x3;
	s23 =	simm.s32 $0x6  }
.LBB2_6:
0x26: {  	[bflag:$0x0] =	sbarrier.arrive $0xFFFF  }
0x27: {  	[tilespmem:s13], [sflag:$0x7] =	stream.linear.gather [spmem:s5], $0x4000, $0x38;
	[tilespmem:$0x1F000] =	vst v63  }
0x28: {  	_ =	swait.ge [sflag:s11], $0x4000  }
0x29: {  	[sflag:s11] =	ssyncset.done $0x0  }
0x2a: {  	s0 =	rddreg [dreg:$0xa];
	[sflag:s11] =	ssyncadd.s32 $0xFFFFC000  }
0x2b: {  	[hbm4b:s0+s2] =	stream.linear.scatter [tilespmem:s13], [sflag:$0x1], $0x4000, $0x38;
	[tilespmem:$0x1F000] =	vst v63  }
0x2c: {  	_ = 	snop  }
0x2d: {  	[tilespmem:s14], [sflag:$0x7] =	stream.linear.gather [spmem:s9], $0x4000, $0x38;
	[tilespmem:$0x1F000] =	vst v63  }
0x2e: {  	_ =	swait.ge [sflag:s11], $0x4000  }
0x2f: {  	[sflag:s11] =	ssyncset.done $0x0  }
0x30: {  	s25 =	rddreg [dreg:$0xb];
	[sflag:s11] =	ssyncadd.s32 $0xFFFFC000  }
0x31: {  	[hbm4b:s25+s2] =	stream.linear.scatter [tilespmem:s14], [sflag:$0x2], $0x4000, $0x38;
	[tilespmem:$0x1F000] =	vst v63  }
0x32: {  	_ =	swait.ge [sflag:s17], $0x4000  }
0x33: {  	[sflag:s17] =	ssyncset.done $0x0  }
0x34: {  	[sflag:s17] =	ssyncadd.s32 $0xFFFFC000  }
0x35: {  	[tilespmem:s13], [sflag:$0x7] =	stream.linear.gather [spmem:s20], $0x4000, $0x38;
	[tilespmem:$0x1F000] =	vst v63  }
0x36: {  	_ =	swait.ge [sflag:s11], $0x4000  }
0x37: {  	[sflag:s11] =	ssyncset.done $0x0  }
0x38: {  	s28 =	rddreg [dreg:$0xc];
	[sflag:s11] =	ssyncadd.s32 $0xFFFFC000  }
0x39: {  	[hbm4b:s28+s2] =	stream.linear.scatter [tilespmem:s13], [sflag:$0x1], $0x4000, $0x38;
	[tilespmem:$0x1F000] =	vst v63  }
0x3a: {  	_ =	swait.ge [sflag:s18], $0x4000  }
0x3b: {  	[sflag:s18] =	ssyncset.done $0x0  }
0x3c: {  	[sflag:s18] =	ssyncadd.s32 $0xFFFFC000  }
0x3d: {  	[tilespmem:s14], [sflag:$0x7] =	stream.linear.gather [spmem:s21], $0x4000, $0x38;
	[tilespmem:$0x1F000] =	vst v63  }
0x3e: {  	_ =	swait.ge [sflag:s11], $0x4000  }
0x3f: {  	[sflag:s11] =	ssyncset.done $0x0  }
0x40: {  	s29 =	rddreg [dreg:$0xd];
	[sflag:s11] =	ssyncadd.s32 $0xFFFFC000  }
0x41: {  	[hbm4b:s29+s2] =	stream.linear.scatter [tilespmem:s14], [sflag:$0x2], $0x4000, $0x38;
	[tilespmem:$0x1F000] =	vst v63  }
0x42: {  	_ =	swait.ge [sflag:s17], $0x4000  }
0x43: {  	[sflag:s17] =	ssyncset.done $0x0  }
0x44: {  	[sflag:s17] =	ssyncadd.s32 $0xFFFFC000  }
0x45: {  	[tilespmem:s13], [sflag:$0x7] =	stream.linear.gather [spmem:s22], $0x4000, $0x38;
	[tilespmem:$0x1F000] =	vst v63  }
0x46: {  	_ =	swait.ge [sflag:s11], $0x4000  }
0x47: {  	[sflag:s11] =	ssyncset.done $0x0  }
0x48: {  	s30 =	rddreg [dreg:$0xe];
	[sflag:s11] =	ssyncadd.s32 $0xFFFFC000  }
0x49: {  	[hbm4b:s30+s2] =	stream.linear.scatter [tilespmem:s13], [sflag:$0x1], $0x4000, $0x38;
	[tilespmem:$0x1F000] =	vst v63  }
0x4a: {  	_ =	swait.ge [sflag:s18], $0x4000  }
0x4b: {  	[sflag:s18] =	ssyncset.done $0x0  }
0x4c: {  	[sflag:s18] =	ssyncadd.s32 $0xFFFFC000  }
0x4d: {  	_ =	swait.ge [sflag:s17], $0x4000  }
0x4e: {  	s26 =	sadd.s32 $0x1, s26;
	s31 =	rddreg [dreg:$0x10]  }
0x4f: {  	p0 =	sne.s32 s26, s31  }
.Ltmp1:
0x50: {  	_ = 	snop;
	(pc) =	sbr.rel @!p0 .LBB2_7-.Ltmp1, $3  }
0x51: {  	_ =	sdelay $0x1  }
0x52: {  	[sflag:s17] =	ssyncset.done $0x0  }
0x53: {  	[sflag:s17] =	ssyncadd.s32 $0xFFFFC000  }
.LBB2_1:
0x54: {  	s24 =	sand.u32 $0x3E00, s2  }
0x55: {  	s25 =	sand.u32 $0x70, s2;
	s28 =	sshrl.u32 s24, $0x2  }
0x56: {  	s24 =	simm.s32 $0x40;
	s28 =	sor.u32 s25, s28;
	s25 =	simm.s32 $0x0  }
.LBB2_2:
0x57: {  	p0 =	sne.s32 s24, $0x3FC0  }
0x58: {  	[tilespmem:s28+$0x1E000] =	vst v0;
	s25 =	sadd.s32 $0x10, s25;
	s28 =	smov.u32 s24;
	s24 =	sadd.s32 $0x40, s24  }
.Ltmp2:
0x59: {  	(pc) =	sbr.rel @p0 .LBB2_2-.Ltmp2, $4  }
0x5a: {  	_ = 	snop  }
0x5b: {  	s28 =	sand.u32 $0x3E00, s28  }
0x5c: {  	s29 =	sand.u32 $0x70, s25;
	s28 =	sshrl.u32 s28, $0x2  }
0x5d: {  	s28 =	sor.u32 s29, s28  }
0x5e: {  	[tilespmem:s28+$0x1E000] =	vst v0  }
0x5f: {  	[spmem:s5] =	stream.linear.scatter [tilespmem:s8], [sflag:$0x3], $0x1000, $0x38;
	[tilespmem:$0x1F000] =	vst v63  }
0x60: {  	s0 =	rddreg [dreg:$0x3]  }
0x61: {  	[spmem:s0] =	stream.linear.scatter [tilespmem:s8], [sflag:$0x4], $0x1000, $0x38;
	[tilespmem:$0x1F000] =	vst v63  }
0x62: {  	s24 =	rddreg [dreg:$0x4]  }
0x63: {  	[spmem:s24] =	stream.linear.scatter [tilespmem:s8], [sflag:$0x3], $0x1000, $0x38;
	[tilespmem:$0x1F000] =	vst v63  }
0x64: {  	s25 =	rddreg [dreg:$0x5]  }
0x65: {  	[spmem:s25] =	stream.linear.scatter [tilespmem:s8], [sflag:$0x4], $0x1000, $0x38;
	[tilespmem:$0x1F000] =	vst v63  }
0x66: {  	_ = 	snop  }
0x67: {  	[spmem:s9] =	stream.linear.scatter [tilespmem:s8], [sflag:$0x3], $0x1000, $0x38;
	[tilespmem:$0x1F000] =	vst v63  }
0x68: {  	s30 =	rddreg [dreg:$0x6]  }
0x69: {  	[spmem:s30] =	stream.linear.scatter [tilespmem:s8], [sflag:$0x4], $0x1000, $0x38;
	[tilespmem:$0x1F000] =	vst v63  }
0x6a: {  	s31 =	rddreg [dreg:$0x7]  }
0x6b: {  	[spmem:s31] =	stream.linear.scatter [tilespmem:s8], [sflag:$0x3], $0x1000, $0x38;
	[tilespmem:$0x1F000] =	vst v63  }
0x6c: {  	s10 =	rddreg [dreg:$0xf]  }
0x6d: {  	[spmem:s10] =	stream.linear.scatter [tilespmem:s8], [sflag:$0x4], $0x1000, $0x38;
	[tilespmem:$0x1F000] =	vst v63  }
0x6e: {  	_ = 	snop  }
0x6f: {  	[spmem:s20] =	stream.linear.scatter [tilespmem:s8], [sflag:$0x3], $0x1000, $0x38;
	[tilespmem:$0x1F000] =	vst v63  }
0x70: {  	s24 =	rddreg [dreg:$0x13]  }
0x71: {  	[spmem:s24] =	stream.linear.scatter [tilespmem:s8], [sflag:$0x4], $0x1000, $0x38;
	[tilespmem:$0x1F000] =	vst v63  }
0x72: {  	s25 =	rddreg [dreg:$0x14]  }
0x73: {  	[spmem:s25] =	stream.linear.scatter [tilespmem:s8], [sflag:$0x3], $0x1000, $0x38;
	[tilespmem:$0x1F000] =	vst v63  }
0x74: {  	s30 =	rddreg [dreg:$0x15]  }
0x75: {  	[spmem:s30] =	stream.linear.scatter [tilespmem:s8], [sflag:$0x4], $0x1000, $0x38;
	[tilespmem:$0x1F000] =	vst v63  }
0x76: {  	_ = 	snop  }
0x77: {  	[spmem:s21] =	stream.linear.scatter [tilespmem:s8], [sflag:$0x3], $0x1000, $0x38;
	[tilespmem:$0x1F000] =	vst v63  }
0x78: {  	s31 =	rddreg [dreg:$0x16]  }
0x79: {  	[spmem:s31] =	stream.linear.scatter [tilespmem:s8], [sflag:$0x4], $0x1000, $0x38;
	[tilespmem:$0x1F000] =	vst v63  }
0x7a: {  	s10 =	rddreg [dreg:$0x17]  }
0x7b: {  	[spmem:s10] =	stream.linear.scatter [tilespmem:s8], [sflag:$0x3], $0x1000, $0x38;
	[tilespmem:$0x1F000] =	vst v63  }
0x7c: {  	s24 =	rddreg [dreg:$0x18]  }
0x7d: {  	[spmem:s24] =	stream.linear.scatter [tilespmem:s8], [sflag:$0x4], $0x1000, $0x38;
	[tilespmem:$0x1F000] =	vst v63  }
0x7e: {  	_ = 	snop  }
0x7f: {  	[spmem:s22] =	stream.linear.scatter [tilespmem:s8], [sflag:$0x3], $0x1000, $0x38;
	[tilespmem:$0x1F000] =	vst v63  }
0x80: {  	_ = 	snop  }
0x81: {  	[spmem:s3] =	stream.linear.scatter [tilespmem:s8], [sflag:$0x4], $0x1000, $0x38;
	[tilespmem:$0x1F000] =	vst v63  }
0x82: {  	_ = 	snop  }
0x83: {  	[spmem:s6] =	stream.linear.scatter [tilespmem:s8], [sflag:$0x3], $0x1000, $0x38;
	[tilespmem:$0x1F000] =	vst v63  }
0x84: {  	_ = 	snop  }
0x85: {  	[spmem:s7] =	stream.linear.scatter [tilespmem:s8], [sflag:$0x4], $0x1000, $0x38;
	[tilespmem:$0x1F000] =	vst v63  }
0x86: {  	s28 =	simm.s32 $0x0;
	s25 =	rddreg [dreg:$0x8];
	s10 =	simm.s32 $0x14000  }
0x87: {  	[tilespmem:s10], [sflag:$0x7] =	stream.linear.gather [hbm4b:s25+s28], $0x800, $0x38;
	[tilespmem:$0x1F000] =	vst v63  }
0x88: {  	_ =	swait.ge [sflag:s11], $0x800  }
0x89: {  	[sflag:s11] =	ssyncset.done $0x0  }
0x8a: {  	s24 =	simm.s32 $0x15000;
	s30 =	rddreg [dreg:$0x9];
	[sflag:s11] =	ssyncadd.s32 $0xFFFFF800  }
0x8b: {  	[tilespmem:s24], [sflag:$0x7] =	stream.linear.gather [hbm4b:s30+s28], $0x800, $0x38;
	[tilespmem:$0x1F000] =	vst v63  }
0x8c: {  	_ =	swait.ge [sflag:s11], $0x800  }
0x8d: {  	[sflag:s11] =	ssyncset.done $0x0  }
0x8e: {  	[sflag:s11] =	ssyncadd.s32 $0xFFFFF800  }
0x8f: {  	[tilespmem:s13], [sflag:$0x1] =	stream.indirect.gather [hbm4b:s4+s12], $0x80, s10, s12, $0xb8;
	[tilespmem:$0x1F000] =	vst v63  }
0x90: {  	s31 =	simm.s32 $0x14080  }
0x91: {  	[tilespmem:s14], [sflag:$0x2] =	stream.indirect.gather [hbm4b:s4+s12], $0x80, s31, s12, $0xb8;
	[tilespmem:$0x1F000] =	vst v63  }
0x92: {  	_ =	swait.ge [sflag:s15], $0x1000  }
0x93: {  	[sflag:s15] =	ssyncset.done $0x0  }
0x94: {  	[sflag:s15] =	ssyncadd.s32 $0xFFFFF000  }
0x95: {  	_ =	swait.ge [sflag:s16], $0x1000  }
0x96: {  	[sflag:s16] =	ssyncset.done $0x0  }
0x97: {  	[sflag:s16] =	ssyncadd.s32 $0xFFFFF000  }
0x98: {  	_ =	swait.ge [sflag:s15], $0x1000  }
0x99: {  	[sflag:s15] =	ssyncset.done $0x0  }
0x9a: {  	[sflag:s15] =	ssyncadd.s32 $0xFFFFF000  }
0x9b: {  	_ =	swait.ge [sflag:s16], $0x1000  }
0x9c: {  	[sflag:s16] =	ssyncset.done $0x0  }
0x9d: {  	[sflag:s16] =	ssyncadd.s32 $0xFFFFF000  }
0x9e: {  	_ =	swait.ge [sflag:s15], $0x1000  }
0x9f: {  	[sflag:s15] =	ssyncset.done $0x0  }
0xa0: {  	[sflag:s15] =	ssyncadd.s32 $0xFFFFF000  }
0xa1: {  	_ =	swait.ge [sflag:s16], $0x1000  }
0xa2: {  	[sflag:s16] =	ssyncset.done $0x0  }
0xa3: {  	[sflag:s16] =	ssyncadd.s32 $0xFFFFF000  }
0xa4: {  	_ =	swait.ge [sflag:s15], $0x1000  }
0xa5: {  	[sflag:s15] =	ssyncset.done $0x0  }
0xa6: {  	[sflag:s15] =	ssyncadd.s32 $0xFFFFF000  }
0xa7: {  	_ =	swait.ge [sflag:s16], $0x1000  }
0xa8: {  	[sflag:s16] =	ssyncset.done $0x0  }
0xa9: {  	[sflag:s16] =	ssyncadd.s32 $0xFFFFF000  }
0xaa: {  	_ =	swait.ge [sflag:s15], $0x1000  }
0xab: {  	[sflag:s15] =	ssyncset.done $0x0  }
0xac: {  	[sflag:s15] =	ssyncadd.s32 $0xFFFFF000  }
0xad: {  	_ =	swait.ge [sflag:s16], $0x1000  }
0xae: {  	[sflag:s16] =	ssyncset.done $0x0  }
0xaf: {  	[sflag:s16] =	ssyncadd.s32 $0xFFFFF000  }
0xb0: {  	_ =	swait.ge [sflag:s15], $0x1000  }
0xb1: {  	[sflag:s15] =	ssyncset.done $0x0  }
0xb2: {  	[sflag:s15] =	ssyncadd.s32 $0xFFFFF000  }
0xb3: {  	_ =	swait.ge [sflag:s16], $0x1000  }
0xb4: {  	[sflag:s16] =	ssyncset.done $0x0  }
0xb5: {  	[sflag:s16] =	ssyncadd.s32 $0xFFFFF000  }
0xb6: {  	_ =	swait.ge [sflag:s15], $0x1000  }
0xb7: {  	[sflag:s15] =	ssyncset.done $0x0  }
0xb8: {  	[sflag:s15] =	ssyncadd.s32 $0xFFFFF000  }
0xb9: {  	_ =	swait.ge [sflag:s16], $0x1000  }
0xba: {  	[sflag:s16] =	ssyncset.done $0x0  }
0xbb: {  	[sflag:s16] =	ssyncadd.s32 $0xFFFFF000  }
0xbc: {  	_ =	swait.ge [sflag:s15], $0x1000  }
0xbd: {  	[sflag:s15] =	ssyncset.done $0x0  }
0xbe: {  	[sflag:s15] =	ssyncadd.s32 $0xFFFFF000  }
0xbf: {  	_ =	swait.ge [sflag:s16], $0x1000  }
0xc0: {  	[sflag:s16] =	ssyncset.done $0x0  }
0xc1: {  	[sflag:s16] =	ssyncadd.s32 $0xFFFFF000  }
0xc2: {  	_ =	swait.ge [sflag:s15], $0x1000  }
0xc3: {  	[sflag:s15] =	ssyncset.done $0x0  }
0xc4: {  	[sflag:s15] =	ssyncadd.s32 $0xFFFFF000  }
0xc5: {  	_ =	swait.ge [sflag:s16], $0x1000  }
0xc6: {  	[sflag:s16] =	ssyncset.done $0x0  }
0xc7: {  	[sflag:s16] =	ssyncadd.s32 $0xFFFFF000  }
0xc8: {  	_ =	swait.ge [sflag:s15], $0x1000  }
0xc9: {  	[sflag:s15] =	ssyncset.done $0x0  }
0xca: {  	[sflag:s15] =	ssyncadd.s32 $0xFFFFF000  }
0xcb: {  	_ =	swait.ge [sflag:s16], $0x1000  }
0xcc: {  	[sflag:s16] =	ssyncset.done $0x0  }
0xcd: {  	[sflag:s16] =	ssyncadd.s32 $0xFFFFF000  }
0xce: {  	[bflag:$0x0] =	sbarrier.arrive $0xFFFF  }
0xcf: {  	s25 =	rddreg [dreg:$0x12]  }
0xd0: {  	s29 =	rddreg [dreg:$0x11]  }
.LBB2_4:
0xd1: {  	s30 =	sand.u32 $0x1, s28  }
0xd2: {  	p0 =	seq.s32 s28, $0x4;
	s24 =	sxor.u32 $0x1, s30  }
0xd3: {  	s10 =	sshll.u32 @!p0 s24, $0xB  }
0xd4: {  	s0 =	simm.s32 @!p0 $0x0;
	s31 =	sor.u32 @!p0 $0x14000, s10  }
0xd5: {  	[tilespmem:s31], [sflag:$0x5] =	stream.linear.gather @!p0 [hbm4b:s25+s0], $0x800, $0x38;
	[tilespmem:$0x1F000] =	vst v63  }
0xd6: {  	s10 =	sor.u32 @!p0 $0x15000, s10  }
0xd7: {  	[tilespmem:s10], [sflag:$0x6] =	stream.linear.gather @!p0 [hbm4b:s29+s0], $0x800, $0x38;
	[tilespmem:$0x1F000] =	vst v63  }
0xd8: {  	_ =	swait.ge [sflag:s17], $0x4000  }
0xd9: {  	s30 =	sshll.u32 s30, $0xB;
	[sflag:s17] =	ssyncset.done $0x0  }
0xda: {  	s10 =	sor.u32 $0x15000, s30;
	[sflag:s17] =	ssyncadd.s32 $0xFFFFC000  }
0xdb: {  	[spmem:s1] =	stream.indirect.scatter.add.f32 [tilespmem:s13], [sflag:$0x3], $0x80, s10, s12, $0xb8;
	[tilespmem:$0x1F000] =	vst v63  }
0xdc: {  	_ =	swait.ge [sflag:s18], $0x4000  }
0xdd: {  	[sflag:s18] =	ssyncset.done $0x0  }
0xde: {  	s31 =	sor.u32 $0x15080, s30;
	[sflag:s18] =	ssyncadd.s32 $0xFFFFC000  }
0xdf: {  	[spmem:s1] =	stream.indirect.scatter.add.f32 [tilespmem:s14], [sflag:$0x4], $0x80, s31, s12, $0xb8;
	[tilespmem:$0x1F000] =	vst v63  }
0xe0: {  	_ =	swait.ge [sflag:s15], $0x4000  }
0xe1: {  	[sflag:s15] =	ssyncset.done $0x0  }
0xe2: {  	[sflag:s15] =	ssyncadd.s32 $0xFFFFC000  }
0xe3: {  	_ =	swait.ge [sflag:s16], $0x4000  }
0xe4: {  	[sflag:s16] =	ssyncset.done $0x0  }
0xe5: {  	s10 =	sor.u32 $0x14100, s30;
	[sflag:s16] =	ssyncadd.s32 $0xFFFFC000  }
0xe6: {  	[tilespmem:s13], [sflag:$0x1] =	stream.indirect.gather [hbm4b:s4+s12], $0x80, s10, s12, $0xb8;
	[tilespmem:$0x1F000] =	vst v63  }
0xe7: {  	s31 =	sor.u32 $0x14180, s30  }
0xe8: {  	[tilespmem:s14], [sflag:$0x2] =	stream.indirect.gather [hbm4b:s4+s12], $0x80, s31, s12, $0xb8;
	[tilespmem:$0x1F000] =	vst v63  }
0xe9: {  	_ =	swait.ge [sflag:s17], $0x4000  }
0xea: {  	[sflag:s17] =	ssyncset.done $0x0  }
0xeb: {  	s10 =	sor.u32 $0x15100, s30;
	[sflag:s17] =	ssyncadd.s32 $0xFFFFC000  }
0xec: {  	[spmem:s1] =	stream.indirect.scatter.add.f32 [tilespmem:s13], [sflag:$0x3], $0x80, s10, s12, $0xb8;
	[tilespmem:$0x1F000] =	vst v63  }
0xed: {  	_ =	swait.ge [sflag:s18], $0x4000  }
0xee: {  	[sflag:s18] =	ssyncset.done $0x0  }
0xef: {  	s31 =	sor.u32 $0x15180, s30;
	[sflag:s18] =	ssyncadd.s32 $0xFFFFC000  }
0xf0: {  	[spmem:s1] =	stream.indirect.scatter.add.f32 [tilespmem:s14], [sflag:$0x4], $0x80, s31, s12, $0xb8;
	[tilespmem:$0x1F000] =	vst v63  }
0xf1: {  	_ =	swait.ge [sflag:s15], $0x4000  }
0xf2: {  	[sflag:s15] =	ssyncset.done $0x0  }
0xf3: {  	[sflag:s15] =	ssyncadd.s32 $0xFFFFC000  }
0xf4: {  	_ =	swait.ge [sflag:s16], $0x4000  }
0xf5: {  	[sflag:s16] =	ssyncset.done $0x0  }
0xf6: {  	s10 =	sor.u32 $0x14200, s30;
	[sflag:s16] =	ssyncadd.s32 $0xFFFFC000  }
0xf7: {  	[tilespmem:s13], [sflag:$0x1] =	stream.indirect.gather [hbm4b:s4+s12], $0x80, s10, s12, $0xb8;
	[tilespmem:$0x1F000] =	vst v63  }
0xf8: {  	s31 =	sor.u32 $0x14280, s30  }
0xf9: {  	[tilespmem:s14], [sflag:$0x2] =	stream.indirect.gather [hbm4b:s4+s12], $0x80, s31, s12, $0xb8;
	[tilespmem:$0x1F000] =	vst v63  }
0xfa: {  	_ =	swait.ge [sflag:s17], $0x4000  }
0xfb: {  	[sflag:s17] =	ssyncset.done $0x0  }
0xfc: {  	s10 =	sor.u32 $0x15200, s30;
	[sflag:s17] =	ssyncadd.s32 $0xFFFFC000  }
0xfd: {  	[spmem:s1] =	stream.indirect.scatter.add.f32 [tilespmem:s13], [sflag:$0x3], $0x80, s10, s12, $0xb8;
	[tilespmem:$0x1F000] =	vst v63  }
0xfe: {  	_ =	swait.ge [sflag:s18], $0x4000  }
0xff: {  	[sflag:s18] =	ssyncset.done $0x0  }
0x100: {  	s31 =	sor.u32 $0x15280, s30;
	[sflag:s18] =	ssyncadd.s32 $0xFFFFC000  }
0x101: {  	[spmem:s1] =	stream.indirect.scatter.add.f32 [tilespmem:s14], [sflag:$0x4], $0x80, s31, s12, $0xb8;
	[tilespmem:$0x1F000] =	vst v63  }
0x102: {  	_ =	swait.ge [sflag:s15], $0x4000  }
0x103: {  	[sflag:s15] =	ssyncset.done $0x0  }
0x104: {  	[sflag:s15] =	ssyncadd.s32 $0xFFFFC000  }
0x105: {  	_ =	swait.ge [sflag:s16], $0x4000  }
0x106: {  	[sflag:s16] =	ssyncset.done $0x0  }
0x107: {  	s10 =	sor.u32 $0x14300, s30;
	[sflag:s16] =	ssyncadd.s32 $0xFFFFC000  }
0x108: {  	[tilespmem:s13], [sflag:$0x1] =	stream.indirect.gather [hbm4b:s4+s12], $0x80, s10, s12, $0xb8;
	[tilespmem:$0x1F000] =	vst v63  }
0x109: {  	s31 =	sor.u32 $0x14380, s30  }
0x10a: {  	[tilespmem:s14], [sflag:$0x2] =	stream.indirect.gather [hbm4b:s4+s12], $0x80, s31, s12, $0xb8;
	[tilespmem:$0x1F000] =	vst v63  }
0x10b: {  	_ =	swait.ge [sflag:s17], $0x4000  }
0x10c: {  	[sflag:s17] =	ssyncset.done $0x0  }
0x10d: {  	s10 =	sor.u32 $0x15300, s30;
	[sflag:s17] =	ssyncadd.s32 $0xFFFFC000  }
0x10e: {  	[spmem:s1] =	stream.indirect.scatter.add.f32 [tilespmem:s13], [sflag:$0x3], $0x80, s10, s12, $0xb8;
	[tilespmem:$0x1F000] =	vst v63  }
0x10f: {  	_ =	swait.ge [sflag:s18], $0x4000  }
0x110: {  	[sflag:s18] =	ssyncset.done $0x0  }
0x111: {  	s31 =	sor.u32 $0x15380, s30;
	[sflag:s18] =	ssyncadd.s32 $0xFFFFC000  }
0x112: {  	[spmem:s1] =	stream.indirect.scatter.add.f32 [tilespmem:s14], [sflag:$0x4], $0x80, s31, s12, $0xb8;
	[tilespmem:$0x1F000] =	vst v63  }
0x113: {  	_ =	swait.ge [sflag:s15], $0x4000  }
0x114: {  	[sflag:s15] =	ssyncset.done $0x0  }
0x115: {  	[sflag:s15] =	ssyncadd.s32 $0xFFFFC000  }
0x116: {  	_ =	swait.ge [sflag:s16], $0x4000  }
0x117: {  	[sflag:s16] =	ssyncset.done $0x0  }
0x118: {  	s10 =	sor.u32 $0x14400, s30;
	[sflag:s16] =	ssyncadd.s32 $0xFFFFC000  }
0x119: {  	[tilespmem:s13], [sflag:$0x1] =	stream.indirect.gather [hbm4b:s4+s12], $0x80, s10, s12, $0xb8;
	[tilespmem:$0x1F000] =	vst v63  }
0x11a: {  	s31 =	sor.u32 $0x14480, s30  }
0x11b: {  	[tilespmem:s14], [sflag:$0x2] =	stream.indirect.gather [hbm4b:s4+s12], $0x80, s31, s12, $0xb8;
	[tilespmem:$0x1F000] =	vst v63  }
0x11c: {  	_ =	swait.ge [sflag:s17], $0x4000  }
0x11d: {  	[sflag:s17] =	ssyncset.done $0x0  }
0x11e: {  	s10 =	sor.u32 $0x15400, s30;
	[sflag:s17] =	ssyncadd.s32 $0xFFFFC000  }
0x11f: {  	[spmem:s1] =	stream.indirect.scatter.add.f32 [tilespmem:s13], [sflag:$0x3], $0x80, s10, s12, $0xb8;
	[tilespmem:$0x1F000] =	vst v63  }
0x120: {  	_ =	swait.ge [sflag:s18], $0x4000  }
0x121: {  	[sflag:s18] =	ssyncset.done $0x0  }
0x122: {  	s31 =	sor.u32 $0x15480, s30;
	[sflag:s18] =	ssyncadd.s32 $0xFFFFC000  }
0x123: {  	[spmem:s1] =	stream.indirect.scatter.add.f32 [tilespmem:s14], [sflag:$0x4], $0x80, s31, s12, $0xb8;
	[tilespmem:$0x1F000] =	vst v63  }
0x124: {  	_ =	swait.ge [sflag:s15], $0x4000  }
0x125: {  	[sflag:s15] =	ssyncset.done $0x0  }
0x126: {  	[sflag:s15] =	ssyncadd.s32 $0xFFFFC000  }
0x127: {  	_ =	swait.ge [sflag:s16], $0x4000  }
0x128: {  	[sflag:s16] =	ssyncset.done $0x0  }
0x129: {  	s10 =	sor.u32 $0x14500, s30;
	[sflag:s16] =	ssyncadd.s32 $0xFFFFC000  }
0x12a: {  	[tilespmem:s13], [sflag:$0x1] =	stream.indirect.gather [hbm4b:s4+s12], $0x80, s10, s12, $0xb8;
	[tilespmem:$0x1F000] =	vst v63  }
0x12b: {  	s31 =	sor.u32 $0x14580, s30  }
0x12c: {  	[tilespmem:s14], [sflag:$0x2] =	stream.indirect.gather [hbm4b:s4+s12], $0x80, s31, s12, $0xb8;
	[tilespmem:$0x1F000] =	vst v63  }
0x12d: {  	_ =	swait.ge [sflag:s17], $0x4000  }
0x12e: {  	[sflag:s17] =	ssyncset.done $0x0  }
0x12f: {  	s10 =	sor.u32 $0x15500, s30;
	[sflag:s17] =	ssyncadd.s32 $0xFFFFC000  }
0x130: {  	[spmem:s1] =	stream.indirect.scatter.add.f32 [tilespmem:s13], [sflag:$0x3], $0x80, s10, s12, $0xb8;
	[tilespmem:$0x1F000] =	vst v63  }
0x131: {  	_ =	swait.ge [sflag:s18], $0x4000  }
0x132: {  	[sflag:s18] =	ssyncset.done $0x0  }
0x133: {  	s31 =	sor.u32 $0x15580, s30;
	[sflag:s18] =	ssyncadd.s32 $0xFFFFC000  }
0x134: {  	[spmem:s1] =	stream.indirect.scatter.add.f32 [tilespmem:s14], [sflag:$0x4], $0x80, s31, s12, $0xb8;
	[tilespmem:$0x1F000] =	vst v63  }
0x135: {  	_ =	swait.ge [sflag:s15], $0x4000  }
0x136: {  	[sflag:s15] =	ssyncset.done $0x0  }
0x137: {  	[sflag:s15] =	ssyncadd.s32 $0xFFFFC000  }
0x138: {  	_ =	swait.ge [sflag:s16], $0x4000  }
0x139: {  	[sflag:s16] =	ssyncset.done $0x0  }
0x13a: {  	s10 =	sor.u32 $0x14600, s30;
	[sflag:s16] =	ssyncadd.s32 $0xFFFFC000  }
0x13b: {  	[tilespmem:s13], [sflag:$0x1] =	stream.indirect.gather [hbm4b:s4+s12], $0x80, s10, s12, $0xb8;
	[tilespmem:$0x1F000] =	vst v63  }
0x13c: {  	s31 =	sor.u32 $0x14680, s30  }
0x13d: {  	[tilespmem:s14], [sflag:$0x2] =	stream.indirect.gather [hbm4b:s4+s12], $0x80, s31, s12, $0xb8;
	[tilespmem:$0x1F000] =	vst v63  }
0x13e: {  	_ =	swait.ge [sflag:s17], $0x4000  }
0x13f: {  	[sflag:s17] =	ssyncset.done $0x0  }
0x140: {  	s10 =	sor.u32 $0x15600, s30;
	[sflag:s17] =	ssyncadd.s32 $0xFFFFC000  }
0x141: {  	[spmem:s1] =	stream.indirect.scatter.add.f32 [tilespmem:s13], [sflag:$0x3], $0x80, s10, s12, $0xb8;
	[tilespmem:$0x1F000] =	vst v63  }
0x142: {  	_ =	swait.ge [sflag:s18], $0x4000  }
0x143: {  	[sflag:s18] =	ssyncset.done $0x0  }
0x144: {  	s31 =	sor.u32 $0x15680, s30;
	[sflag:s18] =	ssyncadd.s32 $0xFFFFC000  }
0x145: {  	[spmem:s1] =	stream.indirect.scatter.add.f32 [tilespmem:s14], [sflag:$0x4], $0x80, s31, s12, $0xb8;
	[tilespmem:$0x1F000] =	vst v63  }
0x146: {  	_ =	swait.ge [sflag:s15], $0x4000  }
0x147: {  	[sflag:s15] =	ssyncset.done $0x0  }
0x148: {  	[sflag:s15] =	ssyncadd.s32 $0xFFFFC000  }
0x149: {  	_ =	swait.ge [sflag:s16], $0x4000  }
0x14a: {  	[sflag:s16] =	ssyncset.done $0x0  }
0x14b: {  	s10 =	sor.u32 $0x14700, s30;
	[sflag:s16] =	ssyncadd.s32 $0xFFFFC000  }
0x14c: {  	[tilespmem:s13], [sflag:$0x1] =	stream.indirect.gather [hbm4b:s4+s12], $0x80, s10, s12, $0xb8;
	[tilespmem:$0x1F000] =	vst v63  }
0x14d: {  	s31 =	sor.u32 $0x14780, s30  }
0x14e: {  	[tilespmem:s14], [sflag:$0x2] =	stream.indirect.gather [hbm4b:s4+s12], $0x80, s31, s12, $0xb8;
	[tilespmem:$0x1F000] =	vst v63  }
0x14f: {  	_ =	swait.ge [sflag:s17], $0x4000  }
0x150: {  	[sflag:s17] =	ssyncset.done $0x0  }
0x151: {  	s10 =	sor.u32 $0x15700, s30;
	[sflag:s17] =	ssyncadd.s32 $0xFFFFC000  }
0x152: {  	[spmem:s1] =	stream.indirect.scatter.add.f32 [tilespmem:s13], [sflag:$0x3], $0x80, s10, s12, $0xb8;
	[tilespmem:$0x1F000] =	vst v63  }
0x153: {  	_ =	swait.ge [sflag:s18], $0x4000  }
0x154: {  	[sflag:s18] =	ssyncset.done $0x0  }
0x155: {  	s31 =	sor.u32 $0x15780, s30;
	[sflag:s18] =	ssyncadd.s32 $0xFFFFC000  }
0x156: {  	[spmem:s1] =	stream.indirect.scatter.add.f32 [tilespmem:s14], [sflag:$0x4], $0x80, s31, s12, $0xb8;
	[tilespmem:$0x1F000] =	vst v63  }
0x157: {  	_ =	swait.ge [sflag:s15], $0x4000  }
.Ltmp3:
0x158: {  	[sflag:s15] =	ssyncset.done $0x0;
	(pc) =	sbr.rel @p0 .LBB2_6-.Ltmp3, $4  }
0x159: {  	[sflag:s15] =	ssyncadd.s32 $0xFFFFC000  }
0x15a: {  	_ =	swait.ge [sflag:s16], $0x4000  }
0x15b: {  	[sflag:s16] =	ssyncset.done $0x0  }
0x15c: {  	[sflag:s16] =	ssyncadd.s32 $0xFFFFC000  }
0x15d: {  	_ =	swait.ge [sflag:s19], $0x800  }
0x15e: {  	[sflag:s19] =	ssyncset.done $0x0  }
0x15f: {  	[sflag:s19] =	ssyncadd.s32 $0xFFFFF800  }
0x160: {  	_ =	swait.ge [sflag:s23], $0x800  }
.Ltmp4:
0x161: {  	s0 =	sshll.u32 s24, $0xB;
	[sflag:s23] =	ssyncset.done $0x0;
	(pc) =	sbr.rel .LBB2_4-.Ltmp4, $4  }
0x162: {  	s28 =	sadd.s32 $0x1, s28;
	s10 =	sor.u32 $0x14000, s0;
	[sflag:s23] =	ssyncadd.s32 $0xFFFFF800  }
0x163: {  	[tilespmem:s13], [sflag:$0x1] =	stream.indirect.gather [hbm4b:s4+s12], $0x80, s10, s12, $0xb8;
	[tilespmem:$0x1F000] =	vst v63  }
0x164: {  	s29 =	sadd.s32 $0x100, s29;
	s25 =	sadd.s32 $0x100, s25;
	s0 =	sor.u32 $0x14080, s0  }
0x165: {  	[tilespmem:s14], [sflag:$0x2] =	stream.indirect.gather [hbm4b:s4+s12], $0x80, s0, s12, $0xb8;
	[tilespmem:$0x1F000] =	vst v63  }
.LBB2_7:
0x166: {  	_ =	sfence.sel $0x180000  }
0x167: {  	[bflag:$0x0] =	sbarrier.arrive $0xFFFF  }
0x168: {  	_ =	strace $0x9000004A  }
0x169: {  	s0 =	stileid.u32;
	[bflag:$0x2] =	sbarrier.arrive $0xFFFF  }
0x16a: {  	p0 =	sne.s32 s0, $0x0;
	s0 =	rddreg [dreg:$0x2]  }
0x16b: {  	s0 =	sadd.s32 @!p0 $0x100000, s0  }
0x16c: {  	[sflag:s0] =	ssyncadd.tile.s32 @!p0 $0x1;
	_ =	shalt  }
.Lfunc_end2:
_tile_overlayer_lowered:
.L_overlay_start_2:
0x16d: {  	(tag) =	ssettag $0x2  }
0x16e: {  	s0 =	rddreg [dreg:$0x0];
	s2 =	stileid.u32  }
0x16f: {  	s1 =	rddreg [dreg:$0x1];
	p0 =	sne.s32 s2, $0x0  }
0x170: {  	s3 =	rddreg [dreg:$0x2];
	[bflag:$0x3] =	sbarrier.arrive $0xFFFF;
	s2 =	simm.s32 @!p0 $0x1C07  }
0x171: {  	[timem:s3], [sflag:s2] =	dma.local @!p0 [hbm:s0], s1  }
0x172: {  	s0 =	simm.s32 @!p0 $0x7  }
0x173: {  	_ =	swait.ge @!p0 [sflag:s0], s1  }
0x174: {  	s1 =	ssub.s32 @!p0 $0x0, s1;
	[sflag:s0] =	ssyncset.done @!p0 $0x0  }
0x175: {  	[sflag:s0] =	ssyncadd.s32 @!p0 s1  }
0x176: {  	[bflag:$0x3] =	sbarrier.arrive $0xFFFF  }
0x177: {  	_ =	shalt  }

// kernel: kernel.7.cloned.1.call-start
scs
__scs_entry_jumppad:
0x0: {  	(pc) =	sbr.rel $0x88, $3  }
0x1: {  	(tag) =	ssettag $0x0;
	lr =	simm.s32 $0x1  }
0x2: {  	[smem:$0x3F9B] =	sst lr;
	_ =	strace $0xD0000000  }
0x3: {  	_ = 	snop  }
0x4: {  	_ = 	snop  }
0x5: {  	_ = 	snop  }
0x6: {  	_ = 	snop  }
0x7: {  	_ = 	snop  }
__scs_overlays_trampoline_lowered:
0x8: {  	[smem:$0x3FAA] =	sst s0  }
0x9: {  	[smem:$0x3FAB] =	sst s1  }
0xa: {  	[smem:$0x3FAC] =	sst s2  }
0xb: {  	[smem:$0x3FAD] =	sst s3  }
0xc: {  	[smem:$0x3FAE] =	sst s4  }
0xd: {  	[smem:$0x3FAF] =	sst s5  }
0xe: {  	[smem:$0x3FB0] =	sst s6  }
0xf: {  	[smem:$0x3FB1] =	sst s7  }
0x10: {  	[smem:$0x3FB2] =	sst s8  }
0x11: {  	[smem:$0x3FB3] =	sst s9;
	s0 =	simm.s32 @!p0 $0x0  }
0x12: {  	s1 =	sld [smem:$0x3F99];
	s0 =	simm.s32 @p0 $0x1  }
0x13: {  	[smem:$0x3FB4] =	sst s0;
	s0 =	simm.s32 @!p1 $0x0  }
0x14: {  	s2 =	sld [smem:$0x3F98];
	s0 =	simm.s32 @p1 $0x1  }
0x15: {  	[smem:$0x3FB5] =	sst s0;
	s0 =	simm.s32 @!p2 $0x0  }
0x16: {  	s3 =	sld [smem:$0x3FDB];
	s0 =	simm.s32 @p2 $0x1  }
0x17: {  	s4 =	simm.s32 $0x1BF5;
	[smem:$0x3FB7] =	sst s0  }
0x18: {  	s0 =	sld [smem:$0x3F9A];
	_ =	swait.ge [sflag:s4], $0x0  }
0x19: {  	s7 =	sld [smem:$0x3F9B]  }
0x1a: {  	s8 =	sadd.s32 $0xFFFFE003, lr  }
0x1b: {  	s9 =	sadd.s32 $0xFFFFFEF7, lr;
	s5 =	simm.s32 $0xFFFFFFFF;
	p2 =	slt.u32 s8, $0xFFFFF086  }
0x1c: {  	p1 =	slt.u32 s9, $0xF7A;
	s5 =	simm.s32 @!p2 $0x0  }
0x1d: {  	s5 =	simm.s32 @p1 $0x1;
	p0 =	seq.s32 s7, s2  }
0x1e: {  	s7 =	smul.u32 @!p0 $0xF7A, s2;
	p2 =	seq.s32 @!p0 s5, $0x0  }
0x1f: {  	s9 =	smul.u32 $0xF7A, s1;
	s8 =	simm.s32 @!p0 $0x1BF5;
	p2 =	por !p2, p0  }
0x20: {  	[sflag:s8] =	ssyncset.s32 @!p0 $0xFFFFF086;
	s6 =	sadd.s32 @!p0 s3, s7;
	s7 =	simm.s32 @!p0 $0x108  }
0x21: {  	s3 =	sadd.s32 s3, s9;
	s6 =	sadd.s32 @!p0 $0x88, s6;
	s7 =	simm.s32 @p2 $0x1082  }
0x22: {  	[simem:s7], [sflag:s8] =	dma.local @!p0 [hbm:s6], $0xF7A  }
0x23: {  	s9 =	sor.u32 $0xD0000000, s2;
	s6 =	simm.s32 $0x108;
	_ =	swait.ge @!p0 [sflag:s8], $0x0  }
0x24: {  	s3 =	sadd.s32 $0x88, s3;
	s6 =	simm.s32 @!p1 $0x1082;
	[sflag:s4] =	ssyncset.s32 $0xFFFFF086  }
0x25: {  	[simem:s6], [sflag:s4] =	dma.local [hbm:s3], $0xF7A  }
0x26: {  	[smem:$0x3F9B] =	sst s1;
	(tag) =	ssettag s2;
	_ =	strace s9  }
0x27: {  	s1 =	sld [smem:$0x3FAB]  }
0x28: {  	s2 =	sld [smem:$0x3FAC]  }
0x29: {  	s4 =	sld [smem:$0x3FAE]  }
0x2a: {  	p0 =	seq.s32 s5, $0x0;
	s5 =	sld [smem:$0x3FAF]  }
0x2b: {  	s6 =	sld [smem:$0x3FB0]  }
0x2c: {  	s7 =	sld [smem:$0x3FB1]  }
0x2d: {  	s3 =	simm.s32 $0x108;
	s8 =	sld [smem:$0x3FB2]  }
0x2e: {  	s3 =	simm.s32 @!p0 $0x1082;
	s9 =	sld [smem:$0x3FB3]  }
0x2f: {  	lr =	sadd.s32 s0, s3;
	s0 =	sld [smem:$0x3FAA]  }
0x30: {  	s3 =	sld [smem:$0x3FAD]  }
0x31: {  	[smem:$0x3FB6] =	sst s10  }
0x32: {  	s10 =	sld [smem:$0x3FB4];
	_ =	sdelay $0x3  }
0x33: {  	p0 =	seq.s32 s10, $0x1;
	s10 =	sld [smem:$0x3FB6];
	_ =	sdelay $0x3  }
0x34: {  	[smem:$0x3FB6] =	sst s10  }
0x35: {  	s10 =	sld [smem:$0x3FB5];
	_ =	sdelay $0x3  }
0x36: {  	p1 =	seq.s32 s10, $0x1;
	s10 =	sld [smem:$0x3FB6];
	_ =	sdelay $0x3  }
0x37: {  	[smem:$0x3FB6] =	sst s10  }
0x38: {  	s10 =	sld [smem:$0x3FB7]  }
0x39: {  	_ = 	snop;
	(pc) =	sbr.ind lr, $3  }
0x3a: {  	_ = 	snop  }
0x3b: {  	_ = 	snop  }
0x3c: {  	p2 =	seq.s32 s10, $0x1;
	s10 =	sld [smem:$0x3FB6]  }
0x3d: {  	_ =	shalt  }
0x3e: {  	_ =	shalt  }
0x3f: {  	_ =	shalt  }
0x40: {  	_ =	shalt  }
0x41: {  	_ =	shalt  }
0x42: {  	_ =	shalt  }
0x43: {  	_ =	shalt  }
0x44: {  	_ =	shalt  }
0x45: {  	_ =	shalt  }
0x46: {  	_ =	shalt  }
0x47: {  	_ =	shalt  }
0x48: {  	_ =	shalt  }
0x49: {  	_ =	shalt  }
0x4a: {  	_ =	shalt  }
0x4b: {  	_ =	shalt  }
0x4c: {  	_ =	shalt  }
0x4d: {  	_ =	shalt  }
0x4e: {  	_ =	shalt  }
0x4f: {  	_ =	shalt  }
0x50: {  	_ =	shalt  }
0x51: {  	_ =	shalt  }
0x52: {  	_ =	shalt  }
0x53: {  	_ =	shalt  }
0x54: {  	_ =	shalt  }
0x55: {  	_ =	shalt  }
0x56: {  	_ =	shalt  }
0x57: {  	_ =	shalt  }
0x58: {  	_ =	shalt  }
0x59: {  	_ =	shalt  }
0x5a: {  	_ =	shalt  }
0x5b: {  	_ =	shalt  }
0x5c: {  	_ =	shalt  }
0x5d: {  	_ =	shalt  }
0x5e: {  	_ =	shalt  }
0x5f: {  	_ =	shalt  }
0x60: {  	_ =	shalt  }
0x61: {  	_ =	shalt  }
0x62: {  	_ =	shalt  }
0x63: {  	_ =	shalt  }
0x64: {  	_ =	shalt  }
0x65: {  	_ =	shalt  }
0x66: {  	_ =	shalt  }
0x67: {  	_ =	shalt  }
0x68: {  	_ =	shalt  }
0x69: {  	_ =	shalt  }
0x6a: {  	_ =	shalt  }
0x6b: {  	_ =	shalt  }
0x6c: {  	_ =	shalt  }
0x6d: {  	_ =	shalt  }
0x6e: {  	_ =	shalt  }
0x6f: {  	_ =	shalt  }
0x70: {  	_ =	shalt  }
0x71: {  	_ =	shalt  }
0x72: {  	_ =	shalt  }
0x73: {  	_ =	shalt  }
0x74: {  	_ =	shalt  }
0x75: {  	_ =	shalt  }
0x76: {  	_ =	shalt  }
0x77: {  	_ =	shalt  }
0x78: {  	_ =	shalt  }
0x79: {  	_ =	shalt  }
0x7a: {  	_ =	shalt  }
0x7b: {  	_ =	shalt  }
0x7c: {  	_ =	shalt  }
0x7d: {  	_ =	shalt  }
0x7e: {  	_ =	shalt  }
0x7f: {  	_ =	shalt  }
0x80: {  	_ =	shalt  }
0x81: {  	_ =	shalt  }
0x82: {  	_ =	shalt  }
0x83: {  	_ =	shalt  }
0x84: {  	_ =	shalt  }
0x85: {  	_ =	shalt  }
0x86: {  	_ =	shalt  }
0x87: {  	_ =	shalt  }
.Lfunc_end0:
.L_simem_size_0:
called_computation_lowered:
.L_overlay_start_0:
0x88: {  	s2 =	sld [smem:$0x3FD9]  }
0x89: {  	s3 =	sld [smem:$0x3FFE];
	_ =	sdelay $0x1  }
0x8a: {  	s1 =	srdreg.scid  }
0x8b: {  	s0 =	sand.u32 $0x1, s1  }
0x8c: {  	s16 =	sshll.u32 s0, $0xA;
	s2 =	sadd.s32 s3, s2  }
0x8d: {  	s2 =	sadd.s32 s2, s16  }
0x8e: {  	[smem:$0x3FC2] =	sst s2  }
0x8f: {  	_ = 	snop  }
0x90: {  	(tm) =	ssettm $0x1  }
0x91: {  	s17 =	sld [smem:$0x3FFB];
	_ =	sdelay $0x3  }
0x92: {  	_ =	strace s17  }
0x93: {  	s2 =	sld [smem:$0x3FFC];
	_ =	sdelay $0x3  }
0x94: {  	_ =	strace s2  }
0x95: {  	s2 =	sld [smem:$0x3FFD];
	_ =	sdelay $0x3  }
0x96: {  	_ =	strace s2  }
0x97: {  	_ =	strace $0x8FFFFFFF  }
0x98: {  	s18 =	sld [smem:$0x3FDB];
	_ =	sdelay $0x1  }
0x99: {  	s19 =	simm.s32 $_scs_section_size  }
0x9a: {  	s4 =	simm.s32 $_size__tile_overlayer_lowered;
	s5 =	simm.s32 $_tile_overlayer_lowered  }
0x9b: {  	s22 =	simm.s32 $0x1BFF;
	s21 =	sshll.u32 s5, $0x1;
	s2 =	sadd.s32 s19, s18  }
0x9c: {  	s6 =	simm.s32 $0x0;
	s20 =	sshll.u32 s4, $0x1;
	s4 =	sadd.s32 s21, s2  }
0x9d: {  	[timem:s6], [sflag:s22] =	dma.local [hbm:s4], s20  }
0x9e: {  	_ =	swait.ge [sflag:s22], s20  }
0x9f: {  	s3 =	ssub.s32 $0x0, s20;
	[sflag:s22] =	ssyncset.done $0x0  }
0xa0: {  	[sflag:s22] =	ssyncadd.s32 s3;
	_ =	sdelay $0x1  }
0xa1: {  	s23 =	simm.s32 $0x1B8B  }
0xa2: {  	_ =	swait.ge [sflag:s23], $0x1  }
0xa3: {  	[sflag:s23] =	ssyncset.done $0x0  }
0xa4: {  	s25 =	simm.s32 $0x1B8E;
	s24 =	sld [smem:$0x3FFE];
	[sflag:s23] =	ssyncadd.s32 $0xFFFFFFFF  }
0xa5: {  	s26 =	simm.s32 $execute0_lowered;
	[smem:$0x3FD2] =	sst s25  }
0xa6: {  	s4 =	sshll.u32 s26, $0x1;
	_ =	strace $0x80000046;
	[dreg:$0x1] =	wrdreg $0xFFFFFFFF  }
0xa7: {  	s28 =	simm.s32 $_size_execute0_lowered;
	s2 =	sadd.s32 s2, s4;
	[dreg:$0x0] =	wrdreg $0x0  }
0xa8: {  	s4 =	sshll.u32 s28, $0x1;
	[dreg:$0x2] =	wrdreg s2  }
0xa9: {  	[dreg:$0x3] =	wrdreg s4  }
0xaa: {  	[dreg:$0x4] =	wrdreg $0xC0  }
0xab: {  	_ =	task [dreg:s6], $0x5FFFF  }
0xac: {  	[dreg:$0x1] =	wrdreg $0xFFFFFFFF  }
0xad: {  	[dreg:$0x0] =	wrdreg $0x60  }
0xae: {  	[dreg:$0x2] =	wrdreg s24  }
0xaf: {  	[dreg:$0x3] =	wrdreg $0x0  }
0xb0: {  	[dreg:$0x4] =	wrdreg $0x140000  }
0xb1: {  	[dreg:$0x5] =	wrdreg $0x9  }
0xb2: {  	_ =	task.clear_ibuf [dreg:s6], $0x6FFFF;
	_ =	strace $0x90000046  }
0xb3: {  	s29 =	simm.s32 $0x9;
	_ =	strace $0x80000048  }
0xb4: {  	_ =	swait.ge [sflag:s29], $0x1  }
0xb5: {  	[sflag:s29] =	ssyncadd.s32 $0xFFFFFFFF  }
0xb6: {  	_ =	strace $0x90000048  }
0xb7: {  	_ =	sfence  }
0xb8: {  	s30 =	sld [smem:$0x0];
	_ =	sdelay $0x2  }
0xb9: {  	s31 =	sshll.u32 s1, $0xD;
	s1 =	sshrl.u32 s1, $0x2  }
0xba: {  	s3 =	sand.u32 $0x4000, s31;
	s1 =	sadd.s32 s1, s30  }
0xbb: {  	s0 =	sor.u32 s3, s0;
	s1 =	sshll.u32 s1, $0x11  }
0xbc: {  	s0 =	sor.u32 s1, s0  }
0xbd: {  	s0 =	sadd.s32 $0x8F2B, s0  }
0xbe: {  	[sflag:s0] =	ssyncadd.remote.s32 $0x1  }
0xbf: {  	_ =	sfence.sel $0xFFFF  }
0xc0: {  	[dreg:$0x0] =	wrdreg $0xFFFFFFFF;
	(pc) =	sbr.abs _section_cstart, $3  }
0xc1: {  	[dreg:$0x1] =	wrdreg $0xFFFFFFFF  }
0xc2: {  	_ =	task.clear_ibuf [dreg:s6], $0x2FFFF;
	_ =	strace $0x9FFFFFFF  }
0xc3: {  	(tm) =	ssettm $0x7FFFFFFF  }
tec
execute0_lowered:
.L_overlay_start_1:
0x0: {  	(tag) =	ssettag $0x1  }
0x1: {  	s0 =	rddreg [dreg:$0x0]  }
0x2: {  	s1 =	rddreg [dreg:$0x1]  }
0x3: {  	s2 =	rddreg [dreg:$0x2];
	s21 =	stileid.u32  }
0x4: {  	s3 =	simm.s32 $0x0;
	s4 =	srdreg.scid;
	s8 =	smul.u32 $0x50000, s21  }
0x5: {  	s28 =	simm.s32 $0x1;
	s29 =	simm.s32 $0x1F500;
	s13 =	smul.u32 $0x280, s21  }
0x6: {  	s30 =	simm.s32 $0x2;
	s31 =	simm.s32 $0x5;
	s17 =	smul.u32 $0x2800, s21  }
0x7: {  	[smem:$0x7FF] =	sst s3;
	s4 =	sand.u32 $0x1, s4;
	s24 =	smul.u32 $0x500, s21  }
0x8: {  	s5 =	sadd.s32 $0x1E00, s0;
	s7 =	sadd.s32 $0x29000, s0;
	s26 =	smul.u32 $0xA0, s21  }
0x9: {  	s9 =	sadd.s32 $0x33000, s0;
	_ =	strace $0x80000047;
	s6 =	smul.u32 $0x28000, s4  }
0xa: {  	s11 =	sshll.u32 s4, $0x4;
	s12 =	ssub.s32 $0x2, s4;
	s4 =	smul.u32 $0x5000, s4  }
0xb: {  	s19 =	sshrl.u32 s8, $0x2;
	s20 =	sshrl.u32 s12, $0x1;
	s14 =	sadd.s32 $0x100, s13  }
0xc: {  	s15 =	sadd.s32 $0x180, s13;
	s16 =	sadd.s32 $0x200, s13;
	s10 =	sadd.s32 s6, s0  }
0xd: {  	s0 =	sadd.s32 s11, s0;
	s6 =	sadd.s32 s19, s1;
	s8 =	ssub.s32 s12, s20  }
0xe: {  	s11 =	sor.u32 s21, s11;
	s12 =	sadd.s32 $0x80, s13;
	s19 =	sshll.u32 s14, $0x4  }
0xf: {  	s20 =	sshll.u32 s15, $0x4;
	s25 =	sshll.u32 s16, $0x4;
	s22 =	sadd.s32 $0x1000, s6  }
0x10: {  	s10 =	sadd.s32 $0x3DA00, s10;
	s21 =	sadd.s32 $0x2000, s6;
	[dreg:$0x4] =	wrdreg s22  }
0x11: {  	s11 =	smul.u32 $0x500, s11;
	s17 =	sadd.s32 s17, s10;
	[dreg:$0xc] =	wrdreg s21  }
0x12: {  	s23 =	sshll.u32 s12, $0x4;
	s19 =	sadd.s32 s19, s10;
	[dreg:$0x7] =	wrdreg s17  }
0x13: {  	s0 =	sadd.s32 $0x3D000, s0;
	s20 =	sadd.s32 s20, s10;
	[dreg:$0x9] =	wrdreg s19  }
0x14: {  	s0 =	sadd.s32 s26, s0;
	s22 =	sadd.s32 $0x3000, s6;
	[dreg:$0xa] =	wrdreg s20  }
0x15: {  	s26 =	sshll.u32 s16, $0x7;
	s16 =	sadd.s32 $0xD000, s6;
	[dreg:$0xd] =	wrdreg s0  }
0x16: {  	s18 =	sadd.s32 s7, s11;
	s11 =	sadd.s32 s9, s11;
	[dreg:$0xe] =	wrdreg s22  }
0x17: {  	s9 =	sadd.s32 s4, s9;
	s4 =	sadd.s32 s4, s7;
	[dreg:$0x18] =	wrdreg s16  }
0x18: {  	s7 =	sadd.s32 s25, s10;
	s25 =	sshll.u32 s15, $0x7;
	[dreg:$0x5] =	wrdreg s18  }
0x19: {  	s21 =	sadd.s32 s26, s1;
	s22 =	sadd.s32 s13, s2;
	[dreg:$0x6] =	wrdreg s11  }
0x1a: {  	s13 =	sadd.s32 $0x9000, s6;
	s15 =	sadd.s32 $0xB000, s6;
	[dreg:$0xb] =	wrdreg s7  }
0x1b: {  	s17 =	sadd.s32 $0xE000, s6;
	s26 =	sadd.s32 $0x13000, s6;
	[dreg:$0x15] =	wrdreg s13  }
0x1c: {  	s16 =	simm.s32 $0x16280;
	s0 =	simm.s32 $0x0;
	[dreg:$0x17] =	wrdreg s15  }
0x1d: {  	s9 =	sadd.s32 s24, s9;
	s4 =	sadd.s32 s24, s4;
	[dreg:$0x19] =	wrdreg s17  }
0x1e: {  	s11 =	sadd.s32 s23, s10;
	s23 =	sshll.u32 s12, $0x7;
	[dreg:$0x1d] =	wrdreg s26  }
0x1f: {  	s24 =	sshll.u32 s14, $0x7;
	s7 =	smax.u32 s8, $0x1;
	[dreg:$0x8] =	wrdreg s11  }
0x20: {  	s20 =	sadd.s32 s25, s1;
	s10 =	sadd.s32 $0x5000, s6;
	[dreg:$0xf] =	wrdreg s7  }
0x21: {  	s12 =	sadd.s32 $0x7000, s6;
	s14 =	sadd.s32 $0xA000, s6;
	[dreg:$0x12] =	wrdreg s10  }
0x22: {  	s25 =	sadd.s32 $0x12000, s6;
	s13 =	simm.s32 $0x7;
	[dreg:$0x14] =	wrdreg s12  }
0x23: {  	s15 =	simm.s32 $0x80;
	s17 =	simm.s32 $0x1A280;
	[dreg:$0x16] =	wrdreg s14  }
0x24: {  	s26 =	simm.s32 $0x4;
	s8 =	sadd.s32 $0x100, s9;
	[dreg:$0x1c] =	wrdreg s25  }
.Ltmp0:
0x25: {  	s9 =	sadd.s32 $0x100, s4;
	[dreg:$0x10] =	wrdreg s8;
	(pc) =	sbr.rel .LBB2_1-.Ltmp0, $4  }
0x26: {  	s18 =	sadd.s32 s23, s1;
	s11 =	sadd.s32 $0x6000, s6;
	[dreg:$0x11] =	wrdreg s9  }
0x27: {  	s19 =	sadd.s32 s24, s1;
	s23 =	sadd.s32 $0xF000, s6;
	[dreg:$0x13] =	wrdreg s11  }
0x28: {  	s24 =	sadd.s32 $0x11000, s6;
	s12 =	simm.s32 $0x1E280;
	[dreg:$0x1a] =	wrdreg s23  }
0x29: {  	v0 =	vimm.f32 $0.0e+00;
	v1 =	vimm.f32 $1.000000000e+00;
	s25 =	simm.s32 $0x6;
	[dreg:$0x1b] =	wrdreg s24;
	s23 =	simm.s32 $0x3  }
.LBB2_6:
0x2a: {  	[bflag:$0x0] =	sbarrier.arrive $0xFFFF  }
0x2b: {  	[tilespmem:s16], [sflag:$0x7] =	stream.linear.gather [spmem:s6], $0x4000, $0x38;
	[tilespmem:$0x1F800] =	vst v63  }
0x2c: {  	_ =	swait.ge [sflag:s13], $0x4000  }
0x2d: {  	[sflag:s13] =	ssyncset.done $0x0  }
0x2e: {  	s4 =	rddreg [dreg:$0x7];
	[sflag:s13] =	ssyncadd.s32 $0xFFFFC000  }
0x2f: {  	[hbm4b:s4+s3] =	stream.linear.scatter [tilespmem:s16], [sflag:$0x1], $0x4000, $0x38;
	[tilespmem:$0x1F800] =	vst v63  }
0x30: {  	_ = 	snop  }
0x31: {  	[tilespmem:s17], [sflag:$0x7] =	stream.linear.gather [spmem:s18], $0x4000, $0x38;
	[tilespmem:$0x1F800] =	vst v63  }
0x32: {  	_ =	swait.ge [sflag:s13], $0x4000  }
0x33: {  	[sflag:s13] =	ssyncset.done $0x0  }
0x34: {  	s8 =	rddreg [dreg:$0x8];
	[sflag:s13] =	ssyncadd.s32 $0xFFFFC000  }
0x35: {  	[hbm4b:s8+s3] =	stream.linear.scatter [tilespmem:s17], [sflag:$0x2], $0x4000, $0x38;
	[tilespmem:$0x1F800] =	vst v63  }
0x36: {  	_ =	swait.ge [sflag:s28], $0x4000  }
0x37: {  	[sflag:s28] =	ssyncset.done $0x0  }
0x38: {  	[sflag:s28] =	ssyncadd.s32 $0xFFFFC000  }
0x39: {  	[tilespmem:s16], [sflag:$0x7] =	stream.linear.gather [spmem:s19], $0x4000, $0x38;
	[tilespmem:$0x1F800] =	vst v63  }
0x3a: {  	_ =	swait.ge [sflag:s13], $0x4000  }
0x3b: {  	[sflag:s13] =	ssyncset.done $0x0  }
0x3c: {  	s9 =	rddreg [dreg:$0x9];
	[sflag:s13] =	ssyncadd.s32 $0xFFFFC000  }
0x3d: {  	[hbm4b:s9+s3] =	stream.linear.scatter [tilespmem:s16], [sflag:$0x1], $0x4000, $0x38;
	[tilespmem:$0x1F800] =	vst v63  }
0x3e: {  	_ =	swait.ge [sflag:s30], $0x4000  }
0x3f: {  	[sflag:s30] =	ssyncset.done $0x0  }
0x40: {  	[sflag:s30] =	ssyncadd.s32 $0xFFFFC000  }
0x41: {  	[tilespmem:s17], [sflag:$0x7] =	stream.linear.gather [spmem:s20], $0x4000, $0x38;
	[tilespmem:$0x1F800] =	vst v63  }
0x42: {  	_ =	swait.ge [sflag:s13], $0x4000  }
0x43: {  	[sflag:s13] =	ssyncset.done $0x0  }
0x44: {  	s10 =	rddreg [dreg:$0xa];
	[sflag:s13] =	ssyncadd.s32 $0xFFFFC000  }
0x45: {  	[hbm4b:s10+s3] =	stream.linear.scatter [tilespmem:s17], [sflag:$0x2], $0x4000, $0x38;
	[tilespmem:$0x1F800] =	vst v63  }
0x46: {  	_ =	swait.ge [sflag:s28], $0x4000  }
0x47: {  	[sflag:s28] =	ssyncset.done $0x0  }
0x48: {  	[sflag:s28] =	ssyncadd.s32 $0xFFFFC000  }
0x49: {  	[tilespmem:s16], [sflag:$0x7] =	stream.linear.gather [spmem:s21], $0x4000, $0x38;
	[tilespmem:$0x1F800] =	vst v63  }
0x4a: {  	_ =	swait.ge [sflag:s13], $0x4000  }
0x4b: {  	[sflag:s13] =	ssyncset.done $0x0  }
0x4c: {  	s11 =	rddreg [dreg:$0xb];
	[sflag:s13] =	ssyncadd.s32 $0xFFFFC000  }
0x4d: {  	[hbm4b:s11+s3] =	stream.linear.scatter [tilespmem:s16], [sflag:$0x1], $0x4000, $0x38;
	[tilespmem:$0x1F800] =	vst v63  }
0x4e: {  	_ =	swait.ge [sflag:s30], $0x4000  }
0x4f: {  	[sflag:s30] =	ssyncset.done $0x0  }
0x50: {  	[sflag:s30] =	ssyncadd.s32 $0xFFFFC000  }
0x51: {  	_ =	swait.ge [sflag:s28], $0x4000  }
0x52: {  	[sflag:s28] =	ssyncset.done $0x0  }
0x53: {  	s7 =	simm.s32 $0x1F580;
	[sflag:s28] =	ssyncadd.s32 $0xFFFFC000  }
0x54: {  	[tilespmem:s7], [sflag:$0x7] =	stream.linear.gather [spmem:s22], $0x280, $0x38;
	[tilespmem:$0x1F800] =	vst v63  }
0x55: {  	_ =	swait.ge [sflag:s13], $0x280  }
0x56: {  	[sflag:s13] =	ssyncset.done $0x0  }
0x57: {  	s8 =	simm.s32 $0x100;
	s14 =	rddreg [dreg:$0xd];
	[sflag:s13] =	ssyncadd.s32 $0xFFFFFD80  }
0x58: {  	[hbm4b:s14+s15] =	stream.strided.scatter [tilespmem:s7], [sflag:$0x7], $0x280, s8, s15, $0x38;
	[tilespmem:$0x1F800] =	vst v63  }
0x59: {  	_ =	swait.ge [sflag:s13], $0x280  }
0x5a: {  	s0 =	sadd.s32 $0x1, s0;
	s24 =	rddreg [dreg:$0xf]  }
0x5b: {  	p0 =	sne.s32 s0, s24  }
.Ltmp1:
0x5c: {  	_ = 	snop;
	(pc) =	sbr.rel @!p0 .LBB2_7-.Ltmp1, $3  }
0x5d: {  	_ =	sdelay $0x1  }
0x5e: {  	[sflag:s13] =	ssyncset.done $0x0  }
0x5f: {  	[sflag:s13] =	ssyncadd.s32 $0xFFFFFD80  }
.LBB2_1:
0x60: {  	s4 =	sand.u32 $0x3E00, s3  }
0x61: {  	s7 =	sand.u32 $0x70, s3;
	s8 =	sshrl.u32 s4, $0x2  }
0x62: {  	s4 =	simm.s32 $0x40;
	s8 =	sor.u32 s7, s8;
	s7 =	simm.s32 $0x0  }
.LBB2_2:
0x63: {  	p0 =	sne.s32 s4, $0x3FC0  }
0x64: {  	[tilespmem:s8+$0x1E280] =	vst v0;
	s7 =	sadd.s32 $0x10, s7;
	s8 =	smov.u32 s4;
	s4 =	sadd.s32 $0x40, s4  }
.Ltmp2:
0x65: {  	(pc) =	sbr.rel @p0 .LBB2_2-.Ltmp2, $4  }
0x66: {  	_ = 	snop  }
0x67: {  	s8 =	sand.u32 $0x3E00, s8  }
0x68: {  	s9 =	sand.u32 $0x70, s7;
	s8 =	sshrl.u32 s8, $0x2  }
0x69: {  	s8 =	sor.u32 s9, s8  }
0x6a: {  	[tilespmem:s8+$0x1E280] =	vst v0  }
0x6b: {  	[tilespmem:$0x1F280] =	vst v0  }
0x6c: {  	[tilespmem:$0x1F290] =	vst v0  }
0x6d: {  	[tilespmem:$0x1F2A0] =	vst v0  }
0x6e: {  	[tilespmem:$0x1F2B0] =	vst v0  }
0x6f: {  	[tilespmem:$0x1F2C0] =	vst v0  }
0x70: {  	[tilespmem:$0x1F2D0] =	vst v0  }
0x71: {  	[tilespmem:$0x1F2E0] =	vst v0  }
0x72: {  	[tilespmem:$0x1F2F0] =	vst v0  }
0x73: {  	[tilespmem:$0x1F300] =	vst v0  }
0x74: {  	[tilespmem:$0x1F310] =	vst v0  }
0x75: {  	[tilespmem:$0x1F320] =	vst v0  }
0x76: {  	[tilespmem:$0x1F330] =	vst v0  }
0x77: {  	[tilespmem:$0x1F340] =	vst v0  }
0x78: {  	[tilespmem:$0x1F350] =	vst v0  }
0x79: {  	[tilespmem:$0x1F360] =	vst v0  }
0x7a: {  	[tilespmem:$0x1F370] =	vst v0  }
0x7b: {  	[tilespmem:$0x1F380] =	vst v0  }
0x7c: {  	[tilespmem:$0x1F390] =	vst v0  }
0x7d: {  	[tilespmem:$0x1F3A0] =	vst v0  }
0x7e: {  	[tilespmem:$0x1F3B0] =	vst v0  }
0x7f: {  	[tilespmem:$0x1F3C0] =	vst v0  }
0x80: {  	[tilespmem:$0x1F3D0] =	vst v0  }
0x81: {  	[tilespmem:$0x1F3E0] =	vst v0  }
0x82: {  	[tilespmem:$0x1F3F0] =	vst v0  }
0x83: {  	[tilespmem:$0x1F400] =	vst v0  }
0x84: {  	[tilespmem:$0x1F410] =	vst v0  }
0x85: {  	[tilespmem:$0x1F420] =	vst v0  }
0x86: {  	[tilespmem:$0x1F430] =	vst v0  }
0x87: {  	[tilespmem:$0x1F440] =	vst v0  }
0x88: {  	[tilespmem:$0x1F450] =	vst v0  }
0x89: {  	[tilespmem:$0x1F460] =	vst v0  }
0x8a: {  	[tilespmem:$0x1F470] =	vst v0  }
0x8b: {  	[tilespmem:$0x1F480] =	vst v0  }
0x8c: {  	[tilespmem:$0x1F490] =	vst v0  }
0x8d: {  	[tilespmem:$0x1F4A0] =	vst v0  }
0x8e: {  	[tilespmem:$0x1F4B0] =	vst v0  }
0x8f: {  	[tilespmem:$0x1F4C0] =	vst v0  }
0x90: {  	[tilespmem:$0x1F4D0] =	vst v0  }
0x91: {  	[tilespmem:$0x1F4E0] =	vst v0  }
0x92: {  	[tilespmem:$0x1F4F0] =	vst v0  }
0x93: {  	[tilespmem:$0x1F500] =	vst v1  }
0x94: {  	[tilespmem:$0x1F510] =	vst v1  }
0x95: {  	[tilespmem:$0x1F520] =	vst v1  }
0x96: {  	[tilespmem:$0x1F530] =	vst v1  }
0x97: {  	[tilespmem:$0x1F540] =	vst v1  }
0x98: {  	[tilespmem:$0x1F550] =	vst v1  }
0x99: {  	[tilespmem:$0x1F560] =	vst v1  }
0x9a: {  	[tilespmem:$0x1F570] =	vst v1  }
0x9b: {  	[spmem:s6] =	stream.linear.scatter [tilespmem:s12], [sflag:$0x3], $0x1000, $0x38;
	[tilespmem:$0x1F800] =	vst v63  }
0x9c: {  	s4 =	rddreg [dreg:$0x4]  }
0x9d: {  	[spmem:s4] =	stream.linear.scatter [tilespmem:s12], [sflag:$0x4], $0x1000, $0x38;
	[tilespmem:$0x1F800] =	vst v63  }
0x9e: {  	s10 =	rddreg [dreg:$0xc]  }
0x9f: {  	[spmem:s10] =	stream.linear.scatter [tilespmem:s12], [sflag:$0x3], $0x1000, $0x38;
	[tilespmem:$0x1F800] =	vst v63  }
0xa0: {  	s11 =	rddreg [dreg:$0xe]  }
0xa1: {  	[spmem:s11] =	stream.linear.scatter [tilespmem:s12], [sflag:$0x4], $0x1000, $0x38;
	[tilespmem:$0x1F800] =	vst v63  }
0xa2: {  	_ = 	snop  }
0xa3: {  	[spmem:s18] =	stream.linear.scatter [tilespmem:s12], [sflag:$0x3], $0x1000, $0x38;
	[tilespmem:$0x1F800] =	vst v63  }
0xa4: {  	s14 =	rddreg [dreg:$0x12]  }
0xa5: {  	[spmem:s14] =	stream.linear.scatter [tilespmem:s12], [sflag:$0x4], $0x1000, $0x38;
	[tilespmem:$0x1F800] =	vst v63  }
0xa6: {  	s24 =	rddreg [dreg:$0x13]  }
0xa7: {  	[spmem:s24] =	stream.linear.scatter [tilespmem:s12], [sflag:$0x3], $0x1000, $0x38;
	[tilespmem:$0x1F800] =	vst v63  }
0xa8: {  	s7 =	rddreg [dreg:$0x14]  }
0xa9: {  	[spmem:s7] =	stream.linear.scatter [tilespmem:s12], [sflag:$0x4], $0x1000, $0x38;
	[tilespmem:$0x1F800] =	vst v63  }
0xaa: {  	_ = 	snop  }
0xab: {  	[spmem:s19] =	stream.linear.scatter [tilespmem:s12], [sflag:$0x3], $0x1000, $0x38;
	[tilespmem:$0x1F800] =	vst v63  }
0xac: {  	s8 =	rddreg [dreg:$0x15]  }
0xad: {  	[spmem:s8] =	stream.linear.scatter [tilespmem:s12], [sflag:$0x4], $0x1000, $0x38;
	[tilespmem:$0x1F800] =	vst v63  }
0xae: {  	s9 =	rddreg [dreg:$0x16]  }
0xaf: {  	[spmem:s9] =	stream.linear.scatter [tilespmem:s12], [sflag:$0x3], $0x1000, $0x38;
	[tilespmem:$0x1F800] =	vst v63  }
0xb0: {  	s10 =	rddreg [dreg:$0x17]  }
0xb1: {  	[spmem:s10] =	stream.linear.scatter [tilespmem:s12], [sflag:$0x4], $0x1000, $0x38;
	[tilespmem:$0x1F800] =	vst v63  }
0xb2: {  	_ = 	snop  }
0xb3: {  	[spmem:s20] =	stream.linear.scatter [tilespmem:s12], [sflag:$0x3], $0x1000, $0x38;
	[tilespmem:$0x1F800] =	vst v63  }
0xb4: {  	s11 =	rddreg [dreg:$0x18]  }
0xb5: {  	[spmem:s11] =	stream.linear.scatter [tilespmem:s12], [sflag:$0x4], $0x1000, $0x38;
	[tilespmem:$0x1F800] =	vst v63  }
0xb6: {  	s14 =	rddreg [dreg:$0x19]  }
0xb7: {  	[spmem:s14] =	stream.linear.scatter [tilespmem:s12], [sflag:$0x3], $0x1000, $0x38;
	[tilespmem:$0x1F800] =	vst v63  }
0xb8: {  	s24 =	rddreg [dreg:$0x1a]  }
0xb9: {  	[spmem:s24] =	stream.linear.scatter [tilespmem:s12], [sflag:$0x4], $0x1000, $0x38;
	[tilespmem:$0x1F800] =	vst v63  }
0xba: {  	_ = 	snop  }
0xbb: {  	[spmem:s21] =	stream.linear.scatter [tilespmem:s12], [sflag:$0x3], $0x1000, $0x38;
	[tilespmem:$0x1F800] =	vst v63  }
0xbc: {  	s7 =	rddreg [dreg:$0x1b]  }
0xbd: {  	[spmem:s7] =	stream.linear.scatter [tilespmem:s12], [sflag:$0x4], $0x1000, $0x38;
	[tilespmem:$0x1F800] =	vst v63  }
0xbe: {  	s8 =	rddreg [dreg:$0x1c]  }
0xbf: {  	[spmem:s8] =	stream.linear.scatter [tilespmem:s12], [sflag:$0x3], $0x1000, $0x38;
	[tilespmem:$0x1F800] =	vst v63  }
0xc0: {  	s9 =	rddreg [dreg:$0x1d]  }
0xc1: {  	[spmem:s9] =	stream.linear.scatter [tilespmem:s12], [sflag:$0x4], $0x1000, $0x38;
	[tilespmem:$0x1F800] =	vst v63  }
0xc2: {  	s10 =	simm.s32 $0x1F280  }
0xc3: {  	[spmem:s22] =	stream.linear.scatter [tilespmem:s10], [sflag:$0x7], $0x280, $0x38;
	[tilespmem:$0x1F800] =	vst v63  }
0xc4: {  	_ =	swait.ge [sflag:s13], $0x280  }
0xc5: {  	s4 =	simm.s32 $0x0;
	[sflag:s13] =	ssyncset.done $0x0  }
0xc6: {  	s11 =	simm.s32 $0x14280;
	s7 =	rddreg [dreg:$0x5];
	[sflag:s13] =	ssyncadd.s32 $0xFFFFFD80  }
0xc7: {  	[tilespmem:s11], [sflag:$0x7] =	stream.linear.gather [hbm4b:s7+s4], $0x800, $0x38;
	[tilespmem:$0x1F800] =	vst v63  }
0xc8: {  	_ =	swait.ge [sflag:s13], $0x800  }
0xc9: {  	[sflag:s13] =	ssyncset.done $0x0  }
0xca: {  	s9 =	simm.s32 $0x15280;
	s14 =	rddreg [dreg:$0x6];
	[sflag:s13] =	ssyncadd.s32 $0xFFFFF800  }
0xcb: {  	[tilespmem:s9], [sflag:$0x7] =	stream.linear.gather [hbm4b:s14+s4], $0x800, $0x38;
	[tilespmem:$0x1F800] =	vst v63  }
0xcc: {  	_ =	swait.ge [sflag:s13], $0x800  }
0xcd: {  	[sflag:s13] =	ssyncset.done $0x0  }
0xce: {  	[sflag:s13] =	ssyncadd.s32 $0xFFFFF800  }
0xcf: {  	[tilespmem:s16], [sflag:$0x1] =	stream.indirect.gather [hbm4b:s5+s15], $0x80, s11, s15, $0xb8;
	[tilespmem:$0x1F800] =	vst v63  }
0xd0: {  	s24 =	simm.s32 $0x14300  }
0xd1: {  	[tilespmem:s17], [sflag:$0x2] =	stream.indirect.gather [hbm4b:s5+s15], $0x80, s24, s15, $0xb8;
	[tilespmem:$0x1F800] =	vst v63  }
0xd2: {  	_ =	swait.ge [sflag:s23], $0x1000  }
0xd3: {  	[sflag:s23] =	ssyncset.done $0x0  }
0xd4: {  	[sflag:s23] =	ssyncadd.s32 $0xFFFFF000  }
0xd5: {  	_ =	swait.ge [sflag:s26], $0x1000  }
0xd6: {  	[sflag:s26] =	ssyncset.done $0x0  }
0xd7: {  	[sflag:s26] =	ssyncadd.s32 $0xFFFFF000  }
0xd8: {  	_ =	swait.ge [sflag:s23], $0x1000  }
0xd9: {  	[sflag:s23] =	ssyncset.done $0x0  }
0xda: {  	[sflag:s23] =	ssyncadd.s32 $0xFFFFF000  }
0xdb: {  	_ =	swait.ge [sflag:s26], $0x1000  }
0xdc: {  	[sflag:s26] =	ssyncset.done $0x0  }
0xdd: {  	[sflag:s26] =	ssyncadd.s32 $0xFFFFF000  }
0xde: {  	_ =	swait.ge [sflag:s23], $0x1000  }
0xdf: {  	[sflag:s23] =	ssyncset.done $0x0  }
0xe0: {  	[sflag:s23] =	ssyncadd.s32 $0xFFFFF000  }
0xe1: {  	_ =	swait.ge [sflag:s26], $0x1000  }
0xe2: {  	[sflag:s26] =	ssyncset.done $0x0  }
0xe3: {  	[sflag:s26] =	ssyncadd.s32 $0xFFFFF000  }
0xe4: {  	_ =	swait.ge [sflag:s23], $0x1000  }
0xe5: {  	[sflag:s23] =	ssyncset.done $0x0  }
0xe6: {  	[sflag:s23] =	ssyncadd.s32 $0xFFFFF000  }
0xe7: {  	_ =	swait.ge [sflag:s26], $0x1000  }
0xe8: {  	[sflag:s26] =	ssyncset.done $0x0  }
0xe9: {  	[sflag:s26] =	ssyncadd.s32 $0xFFFFF000  }
0xea: {  	_ =	swait.ge [sflag:s23], $0x1000  }
0xeb: {  	[sflag:s23] =	ssyncset.done $0x0  }
0xec: {  	[sflag:s23] =	ssyncadd.s32 $0xFFFFF000  }
0xed: {  	_ =	swait.ge [sflag:s26], $0x1000  }
0xee: {  	[sflag:s26] =	ssyncset.done $0x0  }
0xef: {  	[sflag:s26] =	ssyncadd.s32 $0xFFFFF000  }
0xf0: {  	_ =	swait.ge [sflag:s23], $0x1000  }
0xf1: {  	[sflag:s23] =	ssyncset.done $0x0  }
0xf2: {  	[sflag:s23] =	ssyncadd.s32 $0xFFFFF000  }
0xf3: {  	_ =	swait.ge [sflag:s26], $0x1000  }
0xf4: {  	[sflag:s26] =	ssyncset.done $0x0  }
0xf5: {  	[sflag:s26] =	ssyncadd.s32 $0xFFFFF000  }
0xf6: {  	_ =	swait.ge [sflag:s23], $0x1000  }
0xf7: {  	[sflag:s23] =	ssyncset.done $0x0  }
0xf8: {  	[sflag:s23] =	ssyncadd.s32 $0xFFFFF000  }
0xf9: {  	_ =	swait.ge [sflag:s26], $0x1000  }
0xfa: {  	[sflag:s26] =	ssyncset.done $0x0  }
0xfb: {  	[sflag:s26] =	ssyncadd.s32 $0xFFFFF000  }
0xfc: {  	_ =	swait.ge [sflag:s23], $0x1000  }
0xfd: {  	[sflag:s23] =	ssyncset.done $0x0  }
0xfe: {  	[sflag:s23] =	ssyncadd.s32 $0xFFFFF000  }
0xff: {  	_ =	swait.ge [sflag:s26], $0x1000  }
0x100: {  	[sflag:s26] =	ssyncset.done $0x0  }
0x101: {  	[sflag:s26] =	ssyncadd.s32 $0xFFFFF000  }
0x102: {  	_ =	swait.ge [sflag:s23], $0x1000  }
0x103: {  	[sflag:s23] =	ssyncset.done $0x0  }
0x104: {  	[sflag:s23] =	ssyncadd.s32 $0xFFFFF000  }
0x105: {  	_ =	swait.ge [sflag:s26], $0x1000  }
0x106: {  	[sflag:s26] =	ssyncset.done $0x0  }
0x107: {  	[sflag:s26] =	ssyncadd.s32 $0xFFFFF000  }
0x108: {  	_ =	swait.ge [sflag:s23], $0x1000  }
0x109: {  	[sflag:s23] =	ssyncset.done $0x0  }
0x10a: {  	[sflag:s23] =	ssyncadd.s32 $0xFFFFF000  }
0x10b: {  	_ =	swait.ge [sflag:s26], $0x1000  }
0x10c: {  	[sflag:s26] =	ssyncset.done $0x0  }
0x10d: {  	[sflag:s26] =	ssyncadd.s32 $0xFFFFF000  }
0x10e: {  	[bflag:$0x0] =	sbarrier.arrive $0xFFFF  }
0x10f: {  	s7 =	rddreg [dreg:$0x11]  }
0x110: {  	s14 =	rddreg [dreg:$0x10]  }
.LBB2_4:
0x111: {  	s9 =	sand.u32 $0x1, s4  }
0x112: {  	p0 =	seq.s32 s4, $0x4;
	s8 =	sxor.u32 $0x1, s9  }
0x113: {  	s10 =	sshll.u32 @!p0 s8, $0xB  }
0x114: {  	s24 =	simm.s32 @!p0 $0x0;
	s11 =	sor.u32 @!p0 $0x14280, s10  }
0x115: {  	[tilespmem:s11], [sflag:$0x5] =	stream.linear.gather @!p0 [hbm4b:s7+s24], $0x800, $0x38;
	[tilespmem:$0x1F800] =	vst v63  }
0x116: {  	s10 =	sor.u32 @!p0 $0x15280, s10  }
0x117: {  	[tilespmem:s10], [sflag:$0x6] =	stream.linear.gather @!p0 [hbm4b:s14+s24], $0x800, $0x38;
	[tilespmem:$0x1F800] =	vst v63  }
0x118: {  	_ =	swait.ge [sflag:s28], $0x4000  }
0x119: {  	s9 =	sshll.u32 s9, $0xB;
	[sflag:s28] =	ssyncset.done $0x0  }
0x11a: {  	s24 =	sor.u32 $0x15280, s9;
	[sflag:s28] =	ssyncadd.s32 $0xFFFFC000  }
0x11b: {  	[spmem:s1] =	stream.indirect.scatter.add.f32 [tilespmem:s16], [sflag:$0x3], $0x80, s24, s15, $0xb8;
	[tilespmem:$0x1F800] =	vst v63  }
0x11c: {  	_ = 	snop  }
0x11d: {  	[spmem:s2] =	stream.indirect.scatter.add.f32 [tilespmem:s29], [sflag:$0x3], $0x1, s24, s15, $0xb8;
	[tilespmem:$0x1F800] =	vst v63  }
0x11e: {  	_ =	swait.ge [sflag:s30], $0x4000  }
0x11f: {  	[sflag:s30] =	ssyncset.done $0x0  }
0x120: {  	s11 =	sor.u32 $0x15300, s9;
	[sflag:s30] =	ssyncadd.s32 $0xFFFFC000  }
0x121: {  	[spmem:s1] =	stream.indirect.scatter.add.f32 [tilespmem:s17], [sflag:$0x4], $0x80, s11, s15, $0xb8;
	[tilespmem:$0x1F800] =	vst v63  }
0x122: {  	_ = 	snop  }
0x123: {  	[spmem:s2] =	stream.indirect.scatter.add.f32 [tilespmem:s29], [sflag:$0x4], $0x1, s11, s15, $0xb8;
	[tilespmem:$0x1F800] =	vst v63  }
0x124: {  	_ =	swait.ge [sflag:s23], $0x4000  }
0x125: {  	[sflag:s23] =	ssyncset.done $0x0  }
0x126: {  	[sflag:s23] =	ssyncadd.s32 $0xFFFFC000  }
0x127: {  	_ =	swait.ge [sflag:s23], $0x80  }
0x128: {  	[sflag:s23] =	ssyncset.done $0x0  }
0x129: {  	[sflag:s23] =	ssyncadd.s32 $0xFFFFFF80  }
0x12a: {  	_ =	swait.ge [sflag:s26], $0x4000  }
0x12b: {  	[sflag:s26] =	ssyncset.done $0x0  }
0x12c: {  	[sflag:s26] =	ssyncadd.s32 $0xFFFFC000  }
0x12d: {  	_ =	swait.ge [sflag:s26], $0x80  }
0x12e: {  	[sflag:s26] =	ssyncset.done $0x0  }
0x12f: {  	s24 =	sor.u32 $0x14380, s9;
	[sflag:s26] =	ssyncadd.s32 $0xFFFFFF80  }
0x130: {  	[tilespmem:s16], [sflag:$0x1] =	stream.indirect.gather [hbm4b:s5+s15], $0x80, s24, s15, $0xb8;
	[tilespmem:$0x1F800] =	vst v63  }
0x131: {  	s11 =	sor.u32 $0x14400, s9  }
0x132: {  	[tilespmem:s17], [sflag:$0x2] =	stream.indirect.gather [hbm4b:s5+s15], $0x80, s11, s15, $0xb8;
	[tilespmem:$0x1F800] =	vst v63  }
0x133: {  	_ =	swait.ge [sflag:s28], $0x4000  }
0x134: {  	[sflag:s28] =	ssyncset.done $0x0  }
0x135: {  	s24 =	sor.u32 $0x15380, s9;
	[sflag:s28] =	ssyncadd.s32 $0xFFFFC000  }
0x136: {  	[spmem:s1] =	stream.indirect.scatter.add.f32 [tilespmem:s16], [sflag:$0x3], $0x80, s24, s15, $0xb8;
	[tilespmem:$0x1F800] =	vst v63  }
0x137: {  	_ = 	snop  }
0x138: {  	[spmem:s2] =	stream.indirect.scatter.add.f32 [tilespmem:s29], [sflag:$0x3], $0x1, s24, s15, $0xb8;
	[tilespmem:$0x1F800] =	vst v63  }
0x139: {  	_ =	swait.ge [sflag:s30], $0x4000  }
0x13a: {  	[sflag:s30] =	ssyncset.done $0x0  }
0x13b: {  	s11 =	sor.u32 $0x15400, s9;
	[sflag:s30] =	ssyncadd.s32 $0xFFFFC000  }
0x13c: {  	[spmem:s1] =	stream.indirect.scatter.add.f32 [tilespmem:s17], [sflag:$0x4], $0x80, s11, s15, $0xb8;
	[tilespmem:$0x1F800] =	vst v63  }
0x13d: {  	_ = 	snop  }
0x13e: {  	[spmem:s2] =	stream.indirect.scatter.add.f32 [tilespmem:s29], [sflag:$0x4], $0x1, s11, s15, $0xb8;
	[tilespmem:$0x1F800] =	vst v63  }
0x13f: {  	_ =	swait.ge [sflag:s23], $0x4000  }
0x140: {  	[sflag:s23] =	ssyncset.done $0x0  }
0x141: {  	[sflag:s23] =	ssyncadd.s32 $0xFFFFC000  }
0x142: {  	_ =	swait.ge [sflag:s23], $0x80  }
0x143: {  	[sflag:s23] =	ssyncset.done $0x0  }
0x144: {  	[sflag:s23] =	ssyncadd.s32 $0xFFFFFF80  }
0x145: {  	_ =	swait.ge [sflag:s26], $0x4000  }
0x146: {  	[sflag:s26] =	ssyncset.done $0x0  }
0x147: {  	[sflag:s26] =	ssyncadd.s32 $0xFFFFC000  }
0x148: {  	_ =	swait.ge [sflag:s26], $0x80  }
0x149: {  	[sflag:s26] =	ssyncset.done $0x0  }
0x14a: {  	s24 =	sor.u32 $0x14480, s9;
	[sflag:s26] =	ssyncadd.s32 $0xFFFFFF80  }
0x14b: {  	[tilespmem:s16], [sflag:$0x1] =	stream.indirect.gather [hbm4b:s5+s15], $0x80, s24, s15, $0xb8;
	[tilespmem:$0x1F800] =	vst v63  }
0x14c: {  	s11 =	sor.u32 $0x14500, s9  }
0x14d: {  	[tilespmem:s17], [sflag:$0x2] =	stream.indirect.gather [hbm4b:s5+s15], $0x80, s11, s15, $0xb8;
	[tilespmem:$0x1F800] =	vst v63  }
0x14e: {  	_ =	swait.ge [sflag:s28], $0x4000  }
0x14f: {  	[sflag:s28] =	ssyncset.done $0x0  }
0x150: {  	s24 =	sor.u32 $0x15480, s9;
	[sflag:s28] =	ssyncadd.s32 $0xFFFFC000  }
0x151: {  	[spmem:s1] =	stream.indirect.scatter.add.f32 [tilespmem:s16], [sflag:$0x3], $0x80, s24, s15, $0xb8;
	[tilespmem:$0x1F800] =	vst v63  }
0x152: {  	_ = 	snop  }
0x153: {  	[spmem:s2] =	stream.indirect.scatter.add.f32 [tilespmem:s29], [sflag:$0x3], $0x1, s24, s15, $0xb8;
	[tilespmem:$0x1F800] =	vst v63  }
0x154: {  	_ =	swait.ge [sflag:s30], $0x4000  }
0x155: {  	[sflag:s30] =	ssyncset.done $0x0  }
0x156: {  	s11 =	sor.u32 $0x15500, s9;
	[sflag:s30] =	ssyncadd.s32 $0xFFFFC000  }
0x157: {  	[spmem:s1] =	stream.indirect.scatter.add.f32 [tilespmem:s17], [sflag:$0x4], $0x80, s11, s15, $0xb8;
	[tilespmem:$0x1F800] =	vst v63  }
0x158: {  	_ = 	snop  }
0x159: {  	[spmem:s2] =	stream.indirect.scatter.add.f32 [tilespmem:s29], [sflag:$0x4], $0x1, s11, s15, $0xb8;
	[tilespmem:$0x1F800] =	vst v63  }
0x15a: {  	_ =	swait.ge [sflag:s23], $0x4000  }
0x15b: {  	[sflag:s23] =	ssyncset.done $0x0  }
0x15c: {  	[sflag:s23] =	ssyncadd.s32 $0xFFFFC000  }
0x15d: {  	_ =	swait.ge [sflag:s23], $0x80  }
0x15e: {  	[sflag:s23] =	ssyncset.done $0x0  }
0x15f: {  	[sflag:s23] =	ssyncadd.s32 $0xFFFFFF80  }
0x160: {  	_ =	swait.ge [sflag:s26], $0x4000  }
0x161: {  	[sflag:s26] =	ssyncset.done $0x0  }
0x162: {  	[sflag:s26] =	ssyncadd.s32 $0xFFFFC000  }
0x163: {  	_ =	swait.ge [sflag:s26], $0x80  }
0x164: {  	[sflag:s26] =	ssyncset.done $0x0  }
0x165: {  	s24 =	sor.u32 $0x14580, s9;
	[sflag:s26] =	ssyncadd.s32 $0xFFFFFF80  }
0x166: {  	[tilespmem:s16], [sflag:$0x1] =	stream.indirect.gather [hbm4b:s5+s15], $0x80, s24, s15, $0xb8;
	[tilespmem:$0x1F800] =	vst v63  }
0x167: {  	s11 =	sor.u32 $0x14600, s9  }
0x168: {  	[tilespmem:s17], [sflag:$0x2] =	stream.indirect.gather [hbm4b:s5+s15], $0x80, s11, s15, $0xb8;
	[tilespmem:$0x1F800] =	vst v63  }
0x169: {  	_ =	swait.ge [sflag:s28], $0x4000  }
0x16a: {  	[sflag:s28] =	ssyncset.done $0x0  }
0x16b: {  	s24 =	sor.u32 $0x15580, s9;
	[sflag:s28] =	ssyncadd.s32 $0xFFFFC000  }
0x16c: {  	[spmem:s1] =	stream.indirect.scatter.add.f32 [tilespmem:s16], [sflag:$0x3], $0x80, s24, s15, $0xb8;
	[tilespmem:$0x1F800] =	vst v63  }
0x16d: {  	_ = 	snop  }
0x16e: {  	[spmem:s2] =	stream.indirect.scatter.add.f32 [tilespmem:s29], [sflag:$0x3], $0x1, s24, s15, $0xb8;
	[tilespmem:$0x1F800] =	vst v63  }
0x16f: {  	_ =	swait.ge [sflag:s30], $0x4000  }
0x170: {  	[sflag:s30] =	ssyncset.done $0x0  }
0x171: {  	s11 =	sor.u32 $0x15600, s9;
	[sflag:s30] =	ssyncadd.s32 $0xFFFFC000  }
0x172: {  	[spmem:s1] =	stream.indirect.scatter.add.f32 [tilespmem:s17], [sflag:$0x4], $0x80, s11, s15, $0xb8;
	[tilespmem:$0x1F800] =	vst v63  }
0x173: {  	_ = 	snop  }
0x174: {  	[spmem:s2] =	stream.indirect.scatter.add.f32 [tilespmem:s29], [sflag:$0x4], $0x1, s11, s15, $0xb8;
	[tilespmem:$0x1F800] =	vst v63  }
0x175: {  	_ =	swait.ge [sflag:s23], $0x4000  }
0x176: {  	[sflag:s23] =	ssyncset.done $0x0  }
0x177: {  	[sflag:s23] =	ssyncadd.s32 $0xFFFFC000  }
0x178: {  	_ =	swait.ge [sflag:s23], $0x80  }
0x179: {  	[sflag:s23] =	ssyncset.done $0x0  }
0x17a: {  	[sflag:s23] =	ssyncadd.s32 $0xFFFFFF80  }
0x17b: {  	_ =	swait.ge [sflag:s26], $0x4000  }
0x17c: {  	[sflag:s26] =	ssyncset.done $0x0  }
0x17d: {  	[sflag:s26] =	ssyncadd.s32 $0xFFFFC000  }
0x17e: {  	_ =	swait.ge [sflag:s26], $0x80  }
0x17f: {  	[sflag:s26] =	ssyncset.done $0x0  }
0x180: {  	s24 =	sor.u32 $0x14680, s9;
	[sflag:s26] =	ssyncadd.s32 $0xFFFFFF80  }
0x181: {  	[tilespmem:s16], [sflag:$0x1] =	stream.indirect.gather [hbm4b:s5+s15], $0x80, s24, s15, $0xb8;
	[tilespmem:$0x1F800] =	vst v63  }
0x182: {  	s11 =	sor.u32 $0x14700, s9  }
0x183: {  	[tilespmem:s17], [sflag:$0x2] =	stream.indirect.gather [hbm4b:s5+s15], $0x80, s11, s15, $0xb8;
	[tilespmem:$0x1F800] =	vst v63  }
0x184: {  	_ =	swait.ge [sflag:s28], $0x4000  }
0x185: {  	[sflag:s28] =	ssyncset.done $0x0  }
0x186: {  	s24 =	sor.u32 $0x15680, s9;
	[sflag:s28] =	ssyncadd.s32 $0xFFFFC000  }
0x187: {  	[spmem:s1] =	stream.indirect.scatter.add.f32 [tilespmem:s16], [sflag:$0x3], $0x80, s24, s15, $0xb8;
	[tilespmem:$0x1F800] =	vst v63  }
0x188: {  	_ = 	snop  }
0x189: {  	[spmem:s2] =	stream.indirect.scatter.add.f32 [tilespmem:s29], [sflag:$0x3], $0x1, s24, s15, $0xb8;
	[tilespmem:$0x1F800] =	vst v63  }
0x18a: {  	_ =	swait.ge [sflag:s30], $0x4000  }
0x18b: {  	[sflag:s30] =	ssyncset.done $0x0  }
0x18c: {  	s11 =	sor.u32 $0x15700, s9;
	[sflag:s30] =	ssyncadd.s32 $0xFFFFC000  }
0x18d: {  	[spmem:s1] =	stream.indirect.scatter.add.f32 [tilespmem:s17], [sflag:$0x4], $0x80, s11, s15, $0xb8;
	[tilespmem:$0x1F800] =	vst v63  }
0x18e: {  	_ = 	snop  }
0x18f: {  	[spmem:s2] =	stream.indirect.scatter.add.f32 [tilespmem:s29], [sflag:$0x4], $0x1, s11, s15, $0xb8;
	[tilespmem:$0x1F800] =	vst v63  }
0x190: {  	_ =	swait.ge [sflag:s23], $0x4000  }
0x191: {  	[sflag:s23] =	ssyncset.done $0x0  }
0x192: {  	[sflag:s23] =	ssyncadd.s32 $0xFFFFC000  }
0x193: {  	_ =	swait.ge [sflag:s23], $0x80  }
0x194: {  	[sflag:s23] =	ssyncset.done $0x0  }
0x195: {  	[sflag:s23] =	ssyncadd.s32 $0xFFFFFF80  }
0x196: {  	_ =	swait.ge [sflag:s26], $0x4000  }
0x197: {  	[sflag:s26] =	ssyncset.done $0x0  }
0x198: {  	[sflag:s26] =	ssyncadd.s32 $0xFFFFC000  }
0x199: {  	_ =	swait.ge [sflag:s26], $0x80  }
0x19a: {  	[sflag:s26] =	ssyncset.done $0x0  }
0x19b: {  	s24 =	sor.u32 $0x14780, s9;
	[sflag:s26] =	ssyncadd.s32 $0xFFFFFF80  }
0x19c: {  	[tilespmem:s16], [sflag:$0x1] =	stream.indirect.gather [hbm4b:s5+s15], $0x80, s24, s15, $0xb8;
	[tilespmem:$0x1F800] =	vst v63  }
0x19d: {  	s11 =	sadd.s32 $0x14800, s9  }
0x19e: {  	[tilespmem:s17], [sflag:$0x2] =	stream.indirect.gather [hbm4b:s5+s15], $0x80, s11, s15, $0xb8;
	[tilespmem:$0x1F800] =	vst v63  }
0x19f: {  	_ =	swait.ge [sflag:s28], $0x4000  }
0x1a0: {  	[sflag:s28] =	ssyncset.done $0x0  }
0x1a1: {  	s24 =	sor.u32 $0x15780, s9;
	[sflag:s28] =	ssyncadd.s32 $0xFFFFC000  }
0x1a2: {  	[spmem:s1] =	stream.indirect.scatter.add.f32 [tilespmem:s16], [sflag:$0x3], $0x80, s24, s15, $0xb8;
	[tilespmem:$0x1F800] =	vst v63  }
0x1a3: {  	_ = 	snop  }
0x1a4: {  	[spmem:s2] =	stream.indirect.scatter.add.f32 [tilespmem:s29], [sflag:$0x3], $0x1, s24, s15, $0xb8;
	[tilespmem:$0x1F800] =	vst v63  }
0x1a5: {  	_ =	swait.ge [sflag:s30], $0x4000  }
0x1a6: {  	[sflag:s30] =	ssyncset.done $0x0  }
0x1a7: {  	s11 =	sadd.s32 $0x15800, s9;
	[sflag:s30] =	ssyncadd.s32 $0xFFFFC000  }
0x1a8: {  	[spmem:s1] =	stream.indirect.scatter.add.f32 [tilespmem:s17], [sflag:$0x4], $0x80, s11, s15, $0xb8;
	[tilespmem:$0x1F800] =	vst v63  }
0x1a9: {  	_ = 	snop  }
0x1aa: {  	[spmem:s2] =	stream.indirect.scatter.add.f32 [tilespmem:s29], [sflag:$0x4], $0x1, s11, s15, $0xb8;
	[tilespmem:$0x1F800] =	vst v63  }
0x1ab: {  	_ =	swait.ge [sflag:s23], $0x4000  }
0x1ac: {  	[sflag:s23] =	ssyncset.done $0x0  }
0x1ad: {  	[sflag:s23] =	ssyncadd.s32 $0xFFFFC000  }
0x1ae: {  	_ =	swait.ge [sflag:s23], $0x80  }
0x1af: {  	[sflag:s23] =	ssyncset.done $0x0  }
0x1b0: {  	[sflag:s23] =	ssyncadd.s32 $0xFFFFFF80  }
0x1b1: {  	_ =	swait.ge [sflag:s26], $0x4000  }
0x1b2: {  	[sflag:s26] =	ssyncset.done $0x0  }
0x1b3: {  	[sflag:s26] =	ssyncadd.s32 $0xFFFFC000  }
0x1b4: {  	_ =	swait.ge [sflag:s26], $0x80  }
0x1b5: {  	[sflag:s26] =	ssyncset.done $0x0  }
0x1b6: {  	s24 =	sadd.s32 $0x14880, s9;
	[sflag:s26] =	ssyncadd.s32 $0xFFFFFF80  }
0x1b7: {  	[tilespmem:s16], [sflag:$0x1] =	stream.indirect.gather [hbm4b:s5+s15], $0x80, s24, s15, $0xb8;
	[tilespmem:$0x1F800] =	vst v63  }
0x1b8: {  	s11 =	sadd.s32 $0x14900, s9  }
0x1b9: {  	[tilespmem:s17], [sflag:$0x2] =	stream.indirect.gather [hbm4b:s5+s15], $0x80, s11, s15, $0xb8;
	[tilespmem:$0x1F800] =	vst v63  }
0x1ba: {  	_ =	swait.ge [sflag:s28], $0x4000  }
0x1bb: {  	[sflag:s28] =	ssyncset.done $0x0  }
0x1bc: {  	s24 =	sadd.s32 $0x15880, s9;
	[sflag:s28] =	ssyncadd.s32 $0xFFFFC000  }
0x1bd: {  	[spmem:s1] =	stream.indirect.scatter.add.f32 [tilespmem:s16], [sflag:$0x3], $0x80, s24, s15, $0xb8;
	[tilespmem:$0x1F800] =	vst v63  }
0x1be: {  	_ = 	snop  }
0x1bf: {  	[spmem:s2] =	stream.indirect.scatter.add.f32 [tilespmem:s29], [sflag:$0x3], $0x1, s24, s15, $0xb8;
	[tilespmem:$0x1F800] =	vst v63  }
0x1c0: {  	_ =	swait.ge [sflag:s30], $0x4000  }
0x1c1: {  	[sflag:s30] =	ssyncset.done $0x0  }
0x1c2: {  	s11 =	sadd.s32 $0x15900, s9;
	[sflag:s30] =	ssyncadd.s32 $0xFFFFC000  }
0x1c3: {  	[spmem:s1] =	stream.indirect.scatter.add.f32 [tilespmem:s17], [sflag:$0x4], $0x80, s11, s15, $0xb8;
	[tilespmem:$0x1F800] =	vst v63  }
0x1c4: {  	_ = 	snop  }
0x1c5: {  	[spmem:s2] =	stream.indirect.scatter.add.f32 [tilespmem:s29], [sflag:$0x4], $0x1, s11, s15, $0xb8;
	[tilespmem:$0x1F800] =	vst v63  }
0x1c6: {  	_ =	swait.ge [sflag:s23], $0x4000  }
0x1c7: {  	[sflag:s23] =	ssyncset.done $0x0  }
0x1c8: {  	[sflag:s23] =	ssyncadd.s32 $0xFFFFC000  }
0x1c9: {  	_ =	swait.ge [sflag:s23], $0x80  }
0x1ca: {  	[sflag:s23] =	ssyncset.done $0x0  }
0x1cb: {  	[sflag:s23] =	ssyncadd.s32 $0xFFFFFF80  }
0x1cc: {  	_ =	swait.ge [sflag:s26], $0x4000  }
0x1cd: {  	[sflag:s26] =	ssyncset.done $0x0  }
0x1ce: {  	[sflag:s26] =	ssyncadd.s32 $0xFFFFC000  }
0x1cf: {  	_ =	swait.ge [sflag:s26], $0x80  }
0x1d0: {  	[sflag:s26] =	ssyncset.done $0x0  }
0x1d1: {  	s24 =	sadd.s32 $0x14980, s9;
	[sflag:s26] =	ssyncadd.s32 $0xFFFFFF80  }
0x1d2: {  	[tilespmem:s16], [sflag:$0x1] =	stream.indirect.gather [hbm4b:s5+s15], $0x80, s24, s15, $0xb8;
	[tilespmem:$0x1F800] =	vst v63  }
0x1d3: {  	s11 =	sadd.s32 $0x14A00, s9  }
0x1d4: {  	[tilespmem:s17], [sflag:$0x2] =	stream.indirect.gather [hbm4b:s5+s15], $0x80, s11, s15, $0xb8;
	[tilespmem:$0x1F800] =	vst v63  }
0x1d5: {  	_ =	swait.ge [sflag:s28], $0x4000  }
0x1d6: {  	[sflag:s28] =	ssyncset.done $0x0  }
0x1d7: {  	s24 =	sadd.s32 $0x15980, s9;
	[sflag:s28] =	ssyncadd.s32 $0xFFFFC000  }
0x1d8: {  	[spmem:s1] =	stream.indirect.scatter.add.f32 [tilespmem:s16], [sflag:$0x3], $0x80, s24, s15, $0xb8;
	[tilespmem:$0x1F800] =	vst v63  }
0x1d9: {  	_ = 	snop  }
0x1da: {  	[spmem:s2] =	stream.indirect.scatter.add.f32 [tilespmem:s29], [sflag:$0x3], $0x1, s24, s15, $0xb8;
	[tilespmem:$0x1F800] =	vst v63  }
0x1db: {  	_ =	swait.ge [sflag:s30], $0x4000  }
0x1dc: {  	[sflag:s30] =	ssyncset.done $0x0  }
0x1dd: {  	s9 =	sadd.s32 $0x15A00, s9;
	[sflag:s30] =	ssyncadd.s32 $0xFFFFC000  }
0x1de: {  	[spmem:s1] =	stream.indirect.scatter.add.f32 [tilespmem:s17], [sflag:$0x4], $0x80, s9, s15, $0xb8;
	[tilespmem:$0x1F800] =	vst v63  }
0x1df: {  	_ = 	snop  }
0x1e0: {  	[spmem:s2] =	stream.indirect.scatter.add.f32 [tilespmem:s29], [sflag:$0x4], $0x1, s9, s15, $0xb8;
	[tilespmem:$0x1F800] =	vst v63  }
0x1e1: {  	_ =	swait.ge [sflag:s23], $0x4000  }
0x1e2: {  	[sflag:s23] =	ssyncset.done $0x0  }
0x1e3: {  	[sflag:s23] =	ssyncadd.s32 $0xFFFFC000  }
0x1e4: {  	_ =	swait.ge [sflag:s23], $0x80  }
0x1e5: {  	[sflag:s23] =	ssyncset.done $0x0  }
0x1e6: {  	[sflag:s23] =	ssyncadd.s32 $0xFFFFFF80  }
0x1e7: {  	_ =	swait.ge [sflag:s26], $0x4000  }
.Ltmp3:
0x1e8: {  	[sflag:s26] =	ssyncset.done $0x0;
	(pc) =	sbr.rel @p0 .LBB2_6-.Ltmp3, $4  }
0x1e9: {  	[sflag:s26] =	ssyncadd.s32 $0xFFFFC000  }
0x1ea: {  	_ =	swait.ge [sflag:s26], $0x80  }
0x1eb: {  	[sflag:s26] =	ssyncset.done $0x0  }
0x1ec: {  	[sflag:s26] =	ssyncadd.s32 $0xFFFFFF80  }
0x1ed: {  	_ =	swait.ge [sflag:s31], $0x800  }
0x1ee: {  	[sflag:s31] =	ssyncset.done $0x0  }
0x1ef: {  	[sflag:s31] =	ssyncadd.s32 $0xFFFFF800  }
0x1f0: {  	_ =	swait.ge [sflag:s25], $0x800  }
.Ltmp4:
0x1f1: {  	s8 =	sshll.u32 s8, $0xB;
	[sflag:s25] =	ssyncset.done $0x0;
	(pc) =	sbr.rel .LBB2_4-.Ltmp4, $4  }
0x1f2: {  	s4 =	sadd.s32 $0x1, s4;
	s9 =	sor.u32 $0x14280, s8;
	[sflag:s25] =	ssyncadd.s32 $0xFFFFF800  }
0x1f3: {  	[tilespmem:s16], [sflag:$0x1] =	stream.indirect.gather [hbm4b:s5+s15], $0x80, s9, s15, $0xb8;
	[tilespmem:$0x1F800] =	vst v63  }
0x1f4: {  	s14 =	sadd.s32 $0x100, s14;
	s7 =	sadd.s32 $0x100, s7;
	s8 =	sor.u32 $0x14300, s8  }
0x1f5: {  	[tilespmem:s17], [sflag:$0x2] =	stream.indirect.gather [hbm4b:s5+s15], $0x80, s8, s15, $0xb8;
	[tilespmem:$0x1F800] =	vst v63  }
.LBB2_7:
0x1f6: {  	_ =	sfence.sel $0x180000  }
0x1f7: {  	[bflag:$0x0] =	sbarrier.arrive $0xFFFF  }
0x1f8: {  	_ =	strace $0x90000047  }
0x1f9: {  	s0 =	stileid.u32;
	[bflag:$0x2] =	sbarrier.arrive $0xFFFF  }
0x1fa: {  	p0 =	sne.s32 s0, $0x0;
	s0 =	rddreg [dreg:$0x3]  }
0x1fb: {  	s0 =	sadd.s32 @!p0 $0x100000, s0  }
0x1fc: {  	[sflag:s0] =	ssyncadd.tile.s32 @!p0 $0x1;
	_ =	shalt  }
.Lfunc_end2:
_tile_overlayer_lowered:
.L_overlay_start_2:
0x1fd: {  	(tag) =	ssettag $0x2  }
0x1fe: {  	s0 =	rddreg [dreg:$0x0];
	s2 =	stileid.u32  }
0x1ff: {  	s1 =	rddreg [dreg:$0x1];
	p0 =	sne.s32 s2, $0x0  }
0x200: {  	s3 =	rddreg [dreg:$0x2];
	[bflag:$0x3] =	sbarrier.arrive $0xFFFF;
	s2 =	simm.s32 @!p0 $0x1C07  }
0x201: {  	[timem:s3], [sflag:s2] =	dma.local @!p0 [hbm:s0], s1  }
0x202: {  	s0 =	simm.s32 @!p0 $0x7  }
0x203: {  	_ =	swait.ge @!p0 [sflag:s0], s1  }
0x204: {  	s1 =	ssub.s32 @!p0 $0x0, s1;
	[sflag:s0] =	ssyncset.done @!p0 $0x0  }
0x205: {  	[sflag:s0] =	ssyncadd.s32 @!p0 s1  }
0x206: {  	[bflag:$0x3] =	sbarrier.arrive $0xFFFF  }
0x207: {  	_ =	shalt  }

</sc_bundles>
